<compile_context>
chip_gen: v7x
topology: tpu7x:2x2x1
jax: 0.10.2.dev20260603
libtpu: 0.0.44.dev20260713+nightly
codegen_flags: <defaults>
</compile_context>

<pallas_src>
import functools

import jax
import jax.numpy as jnp
from jax import lax
from jax.experimental import pallas as pl
from jax.experimental.pallas import tpu as pltpu
from jax.experimental.pallas import tpu_sc as plsc

_B, _N, _DIM, _L, _M, _NT, _K = 4, 1024, 128, 4, 16, 32, 8
_R1 = 256
_R2 = 256
_NC, _NS = 2, 16
_NW = _NC * _NS
_CH = 128


def _silu(x):
    return x * jax.nn.sigmoid(x)


def _embed_body(h_ref, emb_ref, out_ref):
    hcol = h_ref[0]
    tok = lax.broadcasted_iota(jnp.int32, (_N, _NT), 1)
    onehot = (hcol == tok).astype(jnp.float32)
    out_ref[0] = jnp.dot(onehot, emb_ref[...],
                         preferred_element_type=jnp.float32,
                         precision=lax.Precision.HIGHEST)


def _embed(h, token_emb):
    h3 = h.reshape(_B, _N, 1).astype(jnp.int32)
    return pl.pallas_call(
        _embed_body,
        grid=(_B,),
        in_specs=[
            pl.BlockSpec((1, _N, 1), lambda b: (b, 0, 0)),
            pl.BlockSpec((_NT, _DIM), lambda b: (0, 0)),
        ],
        out_specs=pl.BlockSpec((1, _N, _DIM), lambda b: (b, 0, 0)),
        out_shape=jax.ShapeDtypeStruct((_B, _N, _DIM), jnp.float32),
    )(h3, token_emb)


def _topk_body(cf_ref, ct_ref, cb_ref, idx_ref, dist_ref, rx_ref, ry_ref,
               rz_ref):
    b = pl.program_id(0)
    Xf = cf_ref[0]
    XT = ct_ref[0]
    Xb = cb_ref[0]
    d0 = Xb[:, 0:1] - XT[0:1, :]
    d1 = Xb[:, 1:2] - XT[1:2, :]
    d2 = Xb[:, 2:3] - XT[2:3, :]
    D = (d0 * d0 + d1 * d1) + d2 * d2
    lane = lax.broadcasted_iota(jnp.int32, (_R1, _N), 1)
    for k in range(_K):
        m = jnp.min(D, axis=1, keepdims=True)
        a = jnp.min(jnp.where(D == m, lane, _N), axis=1, keepdims=True)
        onehot = (lane == a).astype(jnp.float32)
        xj = jnp.dot(onehot, Xf, preferred_element_type=jnp.float32,
                     precision=lax.Precision.HIGHEST)
        rel = Xb - xj
        idx_ref[0, :, k:k + 1] = a + b * _N
        dist_ref[0, :, k:k + 1] = m
        rx_ref[0, :, k:k + 1] = rel[:, 0:1]
        ry_ref[0, :, k:k + 1] = rel[:, 1:2]
        rz_ref[0, :, k:k + 1] = rel[:, 2:3]
        D = jnp.where(lane == a, jnp.float32(3e38), D)


def _topk(coors, coorsT):
    nb = _N // _R1
    outs = (
        jax.ShapeDtypeStruct((_B, _N, _K), jnp.int32),
        jax.ShapeDtypeStruct((_B, _N, _K), jnp.float32),
        jax.ShapeDtypeStruct((_B, _N, _K), jnp.float32),
        jax.ShapeDtypeStruct((_B, _N, _K), jnp.float32),
        jax.ShapeDtypeStruct((_B, _N, _K), jnp.float32),
    )
    ospec = pl.BlockSpec((1, _R1, _K), lambda b, i: (b, i, 0))
    return pl.pallas_call(
        _topk_body,
        grid=(_B, nb),
        in_specs=[
            pl.BlockSpec((1, _N, 3), lambda b, i: (b, 0, 0)),
            pl.BlockSpec((1, 3, _N), lambda b, i: (b, 0, 0)),
            pl.BlockSpec((1, _R1, 3), lambda b, i: (b, i, 0)),
        ],
        out_specs=(ospec,) * 5,
        out_shape=outs,
    )(coors, coorsT, coors)


def _gather_rows(feats_flat, idx_flat):
    nrows = _B * _N * _K
    per_w = nrows // _NW
    mesh = plsc.VectorSubcoreMesh(core_axis_name="c", subcore_axis_name="s")

    @functools.partial(
        pl.kernel, mesh=mesh,
        out_type=jax.ShapeDtypeStruct((nrows, _DIM), jnp.float32),
        scratch_types=[
            pltpu.VMEM((_CH,), jnp.int32),
            pltpu.VMEM((_CH, _DIM), jnp.float32),
            pltpu.SemaphoreType.DMA,
        ],
    )
    def gk(feats_hbm, idx_hbm, out_hbm, idx_v, rows_v, sem):
        wid = lax.axis_index("s") * _NC + lax.axis_index("c")
        base = wid * per_w
        for c in range(per_w // _CH):
            off = base + c * _CH
            pltpu.sync_copy(idx_hbm.at[pl.ds(off, _CH)], idx_v)
            pltpu.async_copy(feats_hbm.at[idx_v], rows_v, sem).wait()
            pltpu.sync_copy(rows_v, out_hbm.at[pl.ds(off, _CH)])

    return gk(feats_flat, idx_flat)


def _mlp_body(f_ref, c_ref, g_ref, d_ref, rx_ref, ry_ref, rz_ref,
              we1_ref, be1_ref, we2_ref, be2_ref, gn_ref, bn_ref,
              wn1_ref, bn1_ref, wn2_ref, bn2_ref,
              wc1_ref, bc1_ref, wc2_ref, bc2_ref,
              fo_ref, co_ref):
    feats = f_ref[0]
    we1 = we1_ref[...]
    be1 = be1_ref[...]
    msum = jnp.zeros((_R2, _M), jnp.float32)
    cx = jnp.zeros((_R2, 1), jnp.float32)
    cy = jnp.zeros((_R2, 1), jnp.float32)
    cz = jnp.zeros((_R2, 1), jnp.float32)
    for k in range(_K):
        Gk = g_ref[0, :, k * _DIM:(k + 1) * _DIM]
        dk = d_ref[0, :, k:k + 1]
        ein = jnp.concatenate([feats, Gk, dk], axis=1)
        Hk = jnp.dot(ein, we1, preferred_element_type=jnp.float32) + be1
        Sk = _silu(Hk)
        Ak = jnp.dot(Sk, we2_ref[...],
                     preferred_element_type=jnp.float32) + be2_ref[...]
        mk = _silu(Ak)
        msum = msum + mk
        c1 = _silu(jnp.dot(mk, wc1_ref[...],
                           preferred_element_type=jnp.float32) + bc1_ref[...])
        cwk = jnp.dot(c1, wc2_ref[...],
                      preferred_element_type=jnp.float32) + bc2_ref[...]
        cwk = jnp.clip(cwk, -2.0, 2.0)
        cwb = cwk.astype(jnp.bfloat16).astype(jnp.float32)
        cx = cx + cwb * rx_ref[0, :, k:k + 1].astype(jnp.bfloat16).astype(jnp.float32)
        cy = cy + cwb * ry_ref[0, :, k:k + 1].astype(jnp.bfloat16).astype(jnp.float32)
        cz = cz + cwb * rz_ref[0, :, k:k + 1].astype(jnp.bfloat16).astype(jnp.float32)
    mu = jnp.mean(feats, axis=1, keepdims=True)
    var = jnp.mean((feats - mu) ** 2, axis=1, keepdims=True)
    ln = (feats - mu) / jnp.sqrt(var + 1e-5) * gn_ref[...] + bn_ref[...]
    node_in = jnp.concatenate([ln, msum], axis=1)
    n1 = _silu(jnp.dot(node_in, wn1_ref[...],
                       preferred_element_type=jnp.float32) + bn1_ref[...])
    fo_ref[0] = jnp.dot(n1, wn2_ref[...],
                        preferred_element_type=jnp.float32) + bn2_ref[...] \
        + feats
    cb = c_ref[0]
    co_ref[0] = jnp.concatenate(
        [cb[:, 0:1] + cx, cb[:, 1:2] + cy, cb[:, 2:3] + cz], axis=1)


def _mlp(feats, coors, G, dist, rx, ry, rz, w):
    nb = _N // _R2
    full = lambda s: pl.BlockSpec(s, lambda b, i: tuple(0 for _ in s))
    return pl.pallas_call(
        _mlp_body,
        grid=(_B, nb),
        in_specs=[
            pl.BlockSpec((1, _R2, _DIM), lambda b, i: (b, i, 0)),
            pl.BlockSpec((1, _R2, 3), lambda b, i: (b, i, 0)),
            pl.BlockSpec((1, _R2, _K * _DIM), lambda b, i: (b, i, 0)),
            pl.BlockSpec((1, _R2, _K), lambda b, i: (b, i, 0)),
            pl.BlockSpec((1, _R2, _K), lambda b, i: (b, i, 0)),
            pl.BlockSpec((1, _R2, _K), lambda b, i: (b, i, 0)),
            pl.BlockSpec((1, _R2, _K), lambda b, i: (b, i, 0)),
            full((2 * _DIM + 1, 2 * _DIM + 1 + 257)),
            full((1, 514)),
            full((514, _M)),
            full((1, _M)),
            full((1, _DIM)),
            full((1, _DIM)),
            full((_DIM + _M, 2 * _DIM)),
            full((1, 2 * _DIM)),
            full((2 * _DIM, _DIM)),
            full((1, _DIM)),
            full((_M, 4 * _M)),
            full((1, 4 * _M)),
            full((4 * _M, 1)),
            full((1, 1)),
        ],
        out_specs=(
            pl.BlockSpec((1, _R2, _DIM), lambda b, i: (b, i, 0)),
            pl.BlockSpec((1, _R2, 3), lambda b, i: (b, i, 0)),
        ),
        out_shape=(
            jax.ShapeDtypeStruct((_B, _N, _DIM), jnp.float32),
            jax.ShapeDtypeStruct((_B, _N, 3), jnp.float32),
        ),
    )(feats, coors, G, dist, rx, ry, rz, *w)


def kernel(h, noise_x, mask, token_emb, edge_w1, edge_b1, edge_w2, edge_b2,
           norm_g, norm_b, node_w1, node_b1, node_w2, node_b2,
           coors_w1, coors_b1, coors_w2, coors_b2):
    del mask
    feats = _embed(h, token_emb)
    coors = noise_x
    for l in range(_L):
        w = (
            edge_w1[l], edge_b1[l].reshape(1, -1),
            edge_w2[l], edge_b2[l].reshape(1, -1),
            norm_g[l].reshape(1, -1), norm_b[l].reshape(1, -1),
            node_w1[l], node_b1[l].reshape(1, -1),
            node_w2[l], node_b2[l].reshape(1, -1),
            coors_w1[l], coors_b1[l].reshape(1, -1),
            coors_w2[l], coors_b2[l].reshape(1, -1),
        )
        idxb, dist, rx, ry, rz = _topk(coors, jnp.swapaxes(coors, 1, 2))
        G = _gather_rows(feats.reshape(_B * _N, _DIM), idxb.reshape(-1))
        feats, coors = _mlp(feats, coors, G.reshape(_B, _N, _K * _DIM),
                            dist, rx, ry, rz, w)
    return feats, coors

# --- scband reference (transcript-rebuilt; emitter-appended) ---
"""Pipeline reference for scband-diffusion-egnn-19061064859961 (READ-ONLY COPY).

The authoritative reference and input builder live on the scoring server;
editing this copy changes nothing except your own understanding.
"""

import jax, jax.numpy as jnp
import numpy as np

B, N, DIM, L, M, NT, K = 4, 1024, 128, 4, 16, 32, 8
EIN = DIM * 2 + 1

def _silu(x):
    return x * jax.nn.sigmoid(x)

def _ln(x, g, b, eps=1e-5):
    mu = jnp.mean(x, axis=-1, keepdims=True)
    var = jnp.mean((x - mu) ** 2, axis=-1, keepdims=True)
    return (x - mu) / jnp.sqrt(var + eps) * g + b

def _egnn_layer(feats, coors, mask, p):
    we1, be1, we2, be2, g, bt, wn1, bn1, wn2, bn2, wc1, bc1, wc2, bc2 = p
    rel_coors = coors[:, :, None, :] - coors[:, None, :, :]
    rel_dist = jnp.sum(rel_coors ** 2, axis=-1, keepdims=True)
    ranking = rel_dist[..., 0]
    rank_mask = mask[:, :, None] & mask[:, None, :]
    ranking = jnp.where(rank_mask, ranking, 1e5)
    neg_vals, nbhd_idx = jax.lax.top_k(-ranking, K)
    nbhd_ranking = -neg_vals
    nbhd_mask = nbhd_ranking <= jnp.inf
    rel_coors = jnp.take_along_axis(rel_coors, nbhd_idx[..., None], axis=2)
    rel_dist = jnp.take_along_axis(rel_dist, nbhd_idx[..., None], axis=2)
    feats_j = jax.vmap(lambda f, i: f[i])(feats, nbhd_idx)
    feats_i = jnp.broadcast_to(feats[:, :, None, :], feats_j.shape)
    edge_in = jnp.concatenate([feats_i, feats_j, rel_dist], axis=-1)
    m_ij = _silu(_silu(edge_in @ we1 + be1) @ we2 + be2)
    mask_j = jax.vmap(lambda m, i: m[i])(mask, nbhd_idx)
    pair_mask = (mask[:, :, None] & mask_j) & nbhd_mask
    cw = (_silu(m_ij @ wc1 + bc1) @ wc2 + bc2)[..., 0]
    cw = jnp.where(pair_mask, cw, 0.0)
    cw = jnp.clip(cw, -2.0, 2.0)
    coors_out = jnp.einsum('bij,bijc->bic', cw, rel_coors) + coors
    m_ij = jnp.where(pair_mask[..., None], m_ij, 0.0)
    m_i = jnp.sum(m_ij, axis=-2)
    node_in = jnp.concatenate([_ln(feats, g, bt), m_i], axis=-1)
    feats_out = _silu(node_in @ wn1 + bn1) @ wn2 + bn2 + feats
    return feats_out, coors_out

def setup_inputs(seed: int = 0):
    key = jax.random.key(seed)
    ks = jax.random.split(key, 12)
    s = 0.1
    return {
        'h': jax.random.randint(ks[0], (B, N), 0, NT),
        'noise_x': jax.random.normal(ks[1], (B, N, 3), dtype=jnp.float32),
        'mask': jnp.ones((B, N), dtype=bool),
        'token_emb': jax.random.normal(ks[2], (NT, DIM), dtype=jnp.float32) * s,
        'edge_w1': jax.random.normal(ks[3], (L, EIN, EIN * 2), dtype=jnp.float32) * s,
        'edge_b1': jnp.zeros((L, EIN * 2), dtype=jnp.float32),
        'edge_w2': jax.random.normal(ks[4], (L, EIN * 2, M), dtype=jnp.float32) * s,
        'edge_b2': jnp.zeros((L, M), dtype=jnp.float32),
        'norm_g': jnp.ones((L, DIM), dtype=jnp.float32),
        'norm_b': jnp.zeros((L, DIM), dtype=jnp.float32),
        'node_w1': jax.random.normal(ks[5], (L, DIM + M, DIM * 2), dtype=jnp.float32) * s,
        'node_b1': jnp.zeros((L, DIM * 2), dtype=jnp.float32),
        'node_w2': jax.random.normal(ks[6], (L, DIM * 2, DIM), dtype=jnp.float32) * s,
        'node_b2': jnp.zeros((L, DIM), dtype=jnp.float32),
        'coors_w1': jax.random.normal(ks[7], (L, M, M * 4), dtype=jnp.float32) * s,
        'coors_b1': jnp.zeros((L, M * 4), dtype=jnp.float32),
        'coors_w2': jax.random.normal(ks[8], (L, M * 4, 1), dtype=jnp.float32) * s,
        'coors_b2': jnp.zeros((L, 1), dtype=jnp.float32),
    }

def reference(h, noise_x, mask, token_emb, edge_w1, edge_b1, edge_w2, edge_b2, norm_g, norm_b, node_w1, node_b1, node_w2, node_b2, coors_w1, coors_b1, coors_w2, coors_b2):
    feats = token_emb[h]
    coors = noise_x
    for l in range(L):
        p = (edge_w1[l], edge_b1[l], edge_w2[l], edge_b2[l], norm_g[l], norm_b[l], node_w1[l], node_b1[l], node_w2[l], node_b2[l], coors_w1[l], coors_b1[l], coors_w2[l], coors_b2[l])
        feats, coors = _egnn_layer(feats, coors, mask, p)
    return feats, coors

if __name__ == "__main__":
    import jax
    _d = setup_inputs()
    print(jax.jit(kernel)(*tuple(_d.values())))

</pallas_src>

<mosaic_0001>
#map = affine_map<(d0, d1) -> (0, 0)>
#map1 = affine_map<(d0, d1) -> (0)>
module attributes {stable_mosaic.version = 14 : i64} {
  func.func @gk(%arg0: i32, %arg1: i32, %arg2: memref<4096x128xf32, #tpu.memory_space<hbm>>, %arg3: memref<32768xi32, #tpu.memory_space<hbm>>, %arg4: memref<32768x128xf32, #tpu.memory_space<hbm>>, %arg5: memref<128xi32, #tpu.memory_space<vmem>>, %arg6: memref<128x128xf32, #tpu.memory_space<vmem>>, %arg7: memref<!tpu.dma_semaphore, #tpu.memory_space<semaphore_mem>>) attributes {dimension_semantics = [#tpu.dimension_semantics<core_parallel>, #tpu.dimension_semantics<subcore_parallel>], iteration_bounds = array<i64: 2, 16>, scalar_prefetch = 0 : i64, scratch_operands = 3 : i64, tpu.core_type = #tpu.core_type<sc_vector_subcore>, window_params = [{transform_indices = #map}, {transform_indices = #map1}, {transform_indices = #map}]} {
    %mul3A = arith.constant 2 : i32
    %mul3A_0 = arith.muli %arg1, %mul3A : i32
    %add3A = arith.addi %mul3A_0, %arg0 : i32
    %mul3A_1 = arith.constant 1024 : i32
    %mul3A_2 = arith.muli %add3A, %mul3A_1 : i32
    %add3A_3 = arith.constant 0 : i32
    %add3A_4 = arith.addi %mul3A_2, %add3A_3 : i32
    "tpu.region"() ({
      %run_scoped3A = tpu.sem_alloc : memref<!tpu.dma_semaphore, #tpu.memory_space<semaphore_mem>>
      %dma_start3A_65 = tpu.memref_slice %arg3[%add3A_4] : memref<32768xi32, #tpu.memory_space<hbm>> -> memref<128xi32, #tpu.memory_space<hbm>>
      %dma_start3A_66 = tpu.memref_slice %arg3[%add3A_4] : memref<32768xi32, #tpu.memory_space<hbm>> -> memref<128xi32, #tpu.memory_space<hbm>>
      tpu.enqueue_dma source(%dma_start3A_66 : memref<128xi32, #tpu.memory_space<hbm>>) target(%arg5 : memref<128xi32, #tpu.memory_space<vmem>>) target_semaphore(%run_scoped3A : memref<!tpu.dma_semaphore, #tpu.memory_space<semaphore_mem>>)
      %dma_wait3A_67 = tpu.memref_slice %arg3[%add3A_4] : memref<32768xi32, #tpu.memory_space<hbm>> -> memref<128xi32, #tpu.memory_space<hbm>>
      %dma_wait3A_68 = tpu.memref_slice %arg3[%add3A_4] : memref<32768xi32, #tpu.memory_space<hbm>> -> memref<128xi32, #tpu.memory_space<hbm>>
      tpu.wait_dma2 semaphore(%run_scoped3A : memref<!tpu.dma_semaphore, #tpu.memory_space<semaphore_mem>>) src(%dma_wait3A_68 : memref<128xi32, #tpu.memory_space<hbm>>) dst(%arg5 : memref<128xi32, #tpu.memory_space<vmem>>)
      tpu.yield
    }) : () -> ()
    %dma_start3A = arith.constant 0 : i32
    %dma_start3A_5 = arith.constant 0 : i32
    %dma_start3A_6 = tpu.memref_slice %arg2[%dma_start3A, %dma_start3A_5] : memref<4096x128xf32, #tpu.memory_space<hbm>> -> memref<4096x128xf32, #tpu.memory_space<hbm>>
    tpu.enqueue_indirect_dma source(%dma_start3A_6 : memref<4096x128xf32, #tpu.memory_space<hbm>>) target(%arg6 : memref<128x128xf32, #tpu.memory_space<vmem>>) offsets(%arg5 : memref<128xi32, #tpu.memory_space<vmem>>) semaphore(%arg7 : memref<!tpu.dma_semaphore, #tpu.memory_space<semaphore_mem>>)
    %dma_wait3A = arith.constant 0 : i32
    %dma_wait3A_7 = arith.constant 0 : i32
    %dma_wait3A_8 = tpu.memref_slice %arg2[%dma_wait3A, %dma_wait3A_7] : memref<4096x128xf32, #tpu.memory_space<hbm>> -> memref<4096x128xf32, #tpu.memory_space<hbm>>
    tpu.wait_indirect_dma semaphore(%arg7 : memref<!tpu.dma_semaphore, #tpu.memory_space<semaphore_mem>>) src(%dma_wait3A_8 : memref<4096x128xf32, #tpu.memory_space<hbm>>) dst(%arg6 : memref<128x128xf32, #tpu.memory_space<vmem>>)
    "tpu.region"() ({
      %run_scoped3A = tpu.sem_alloc : memref<!tpu.dma_semaphore, #tpu.memory_space<semaphore_mem>>
      %dma_start3A_65 = arith.constant 0 : i32
      %dma_start3A_66 = tpu.memref_slice %arg4[%add3A_4, %dma_start3A_65] : memref<32768x128xf32, #tpu.memory_space<hbm>> -> memref<128x128xf32, #tpu.memory_space<hbm>>
      %dma_start3A_67 = arith.constant 0 : i32
      %dma_start3A_68 = tpu.memref_slice %arg4[%add3A_4, %dma_start3A_67] : memref<32768x128xf32, #tpu.memory_space<hbm>> -> memref<128x128xf32, #tpu.memory_space<hbm>>
      tpu.enqueue_dma source(%arg6 : memref<128x128xf32, #tpu.memory_space<vmem>>) target(%dma_start3A_68 : memref<128x128xf32, #tpu.memory_space<hbm>>) target_semaphore(%run_scoped3A : memref<!tpu.dma_semaphore, #tpu.memory_space<semaphore_mem>>)
      %dma_wait3A_69 = arith.constant 0 : i32
      %dma_wait3A_70 = tpu.memref_slice %arg4[%add3A_4, %dma_wait3A_69] : memref<32768x128xf32, #tpu.memory_space<hbm>> -> memref<128x128xf32, #tpu.memory_space<hbm>>
      %dma_wait3A_71 = arith.constant 0 : i32
      %dma_wait3A_72 = tpu.memref_slice %arg4[%add3A_4, %dma_wait3A_71] : memref<32768x128xf32, #tpu.memory_space<hbm>> -> memref<128x128xf32, #tpu.memory_space<hbm>>
      tpu.wait_dma2 semaphore(%run_scoped3A : memref<!tpu.dma_semaphore, #tpu.memory_space<semaphore_mem>>) src(%arg6 : memref<128x128xf32, #tpu.memory_space<vmem>>) dst(%dma_wait3A_72 : memref<128x128xf32, #tpu.memory_space<hbm>>)
      tpu.yield
    }) : () -> ()
    %add3A_9 = arith.constant 128 : i32
    %add3A_10 = arith.addi %mul3A_2, %add3A_9 : i32
    "tpu.region"() ({
      %run_scoped3A = tpu.sem_alloc : memref<!tpu.dma_semaphore, #tpu.memory_space<semaphore_mem>>
      %dma_start3A_65 = tpu.memref_slice %arg3[%add3A_10] : memref<32768xi32, #tpu.memory_space<hbm>> -> memref<128xi32, #tpu.memory_space<hbm>>
      %dma_start3A_66 = tpu.memref_slice %arg3[%add3A_10] : memref<32768xi32, #tpu.memory_space<hbm>> -> memref<128xi32, #tpu.memory_space<hbm>>
      tpu.enqueue_dma source(%dma_start3A_66 : memref<128xi32, #tpu.memory_space<hbm>>) target(%arg5 : memref<128xi32, #tpu.memory_space<vmem>>) target_semaphore(%run_scoped3A : memref<!tpu.dma_semaphore, #tpu.memory_space<semaphore_mem>>)
      %dma_wait3A_67 = tpu.memref_slice %arg3[%add3A_10] : memref<32768xi32, #tpu.memory_space<hbm>> -> memref<128xi32, #tpu.memory_space<hbm>>
      %dma_wait3A_68 = tpu.memref_slice %arg3[%add3A_10] : memref<32768xi32, #tpu.memory_space<hbm>> -> memref<128xi32, #tpu.memory_space<hbm>>
      tpu.wait_dma2 semaphore(%run_scoped3A : memref<!tpu.dma_semaphore, #tpu.memory_space<semaphore_mem>>) src(%dma_wait3A_68 : memref<128xi32, #tpu.memory_space<hbm>>) dst(%arg5 : memref<128xi32, #tpu.memory_space<vmem>>)
      tpu.yield
    }) : () -> ()
    %dma_start3A_11 = arith.constant 0 : i32
    %dma_start3A_12 = arith.constant 0 : i32
    %dma_start3A_13 = tpu.memref_slice %arg2[%dma_start3A_11, %dma_start3A_12] : memref<4096x128xf32, #tpu.memory_space<hbm>> -> memref<4096x128xf32, #tpu.memory_space<hbm>>
    tpu.enqueue_indirect_dma source(%dma_start3A_13 : memref<4096x128xf32, #tpu.memory_space<hbm>>) target(%arg6 : memref<128x128xf32, #tpu.memory_space<vmem>>) offsets(%arg5 : memref<128xi32, #tpu.memory_space<vmem>>) semaphore(%arg7 : memref<!tpu.dma_semaphore, #tpu.memory_space<semaphore_mem>>)
    %dma_wait3A_14 = arith.constant 0 : i32
    %dma_wait3A_15 = arith.constant 0 : i32
    %dma_wait3A_16 = tpu.memref_slice %arg2[%dma_wait3A_14, %dma_wait3A_15] : memref<4096x128xf32, #tpu.memory_space<hbm>> -> memref<4096x128xf32, #tpu.memory_space<hbm>>
    tpu.wait_indirect_dma semaphore(%arg7 : memref<!tpu.dma_semaphore, #tpu.memory_space<semaphore_mem>>) src(%dma_wait3A_16 : memref<4096x128xf32, #tpu.memory_space<hbm>>) dst(%arg6 : memref<128x128xf32, #tpu.memory_space<vmem>>)
    "tpu.region"() ({
      %run_scoped3A = tpu.sem_alloc : memref<!tpu.dma_semaphore, #tpu.memory_space<semaphore_mem>>
      %dma_start3A_65 = arith.constant 0 : i32
      %dma_start3A_66 = tpu.memref_slice %arg4[%add3A_10, %dma_start3A_65] : memref<32768x128xf32, #tpu.memory_space<hbm>> -> memref<128x128xf32, #tpu.memory_space<hbm>>
      %dma_start3A_67 = arith.constant 0 : i32
      %dma_start3A_68 = tpu.memref_slice %arg4[%add3A_10, %dma_start3A_67] : memref<32768x128xf32, #tpu.memory_space<hbm>> -> memref<128x128xf32, #tpu.memory_space<hbm>>
      tpu.enqueue_dma source(%arg6 : memref<128x128xf32, #tpu.memory_space<vmem>>) target(%dma_start3A_68 : memref<128x128xf32, #tpu.memory_space<hbm>>) target_semaphore(%run_scoped3A : memref<!tpu.dma_semaphore, #tpu.memory_space<semaphore_mem>>)
      %dma_wait3A_69 = arith.constant 0 : i32
      %dma_wait3A_70 = tpu.memref_slice %arg4[%add3A_10, %dma_wait3A_69] : memref<32768x128xf32, #tpu.memory_space<hbm>> -> memref<128x128xf32, #tpu.memory_space<hbm>>
      %dma_wait3A_71 = arith.constant 0 : i32
      %dma_wait3A_72 = tpu.memref_slice %arg4[%add3A_10, %dma_wait3A_71] : memref<32768x128xf32, #tpu.memory_space<hbm>> -> memref<128x128xf32, #tpu.memory_space<hbm>>
      tpu.wait_dma2 semaphore(%run_scoped3A : memref<!tpu.dma_semaphore, #tpu.memory_space<semaphore_mem>>) src(%arg6 : memref<128x128xf32, #tpu.memory_space<vmem>>) dst(%dma_wait3A_72 : memref<128x128xf32, #tpu.memory_space<hbm>>)
      tpu.yield
    }) : () -> ()
    %add3A_17 = arith.constant 256 : i32
    %add3A_18 = arith.addi %mul3A_2, %add3A_17 : i32
    "tpu.region"() ({
      %run_scoped3A = tpu.sem_alloc : memref<!tpu.dma_semaphore, #tpu.memory_space<semaphore_mem>>
      %dma_start3A_65 = tpu.memref_slice %arg3[%add3A_18] : memref<32768xi32, #tpu.memory_space<hbm>> -> memref<128xi32, #tpu.memory_space<hbm>>
      %dma_start3A_66 = tpu.memref_slice %arg3[%add3A_18] : memref<32768xi32, #tpu.memory_space<hbm>> -> memref<128xi32, #tpu.memory_space<hbm>>
      tpu.enqueue_dma source(%dma_start3A_66 : memref<128xi32, #tpu.memory_space<hbm>>) target(%arg5 : memref<128xi32, #tpu.memory_space<vmem>>) target_semaphore(%run_scoped3A : memref<!tpu.dma_semaphore, #tpu.memory_space<semaphore_mem>>)
      %dma_wait3A_67 = tpu.memref_slice %arg3[%add3A_18] : memref<32768xi32, #tpu.memory_space<hbm>> -> memref<128xi32, #tpu.memory_space<hbm>>
      %dma_wait3A_68 = tpu.memref_slice %arg3[%add3A_18] : memref<32768xi32, #tpu.memory_space<hbm>> -> memref<128xi32, #tpu.memory_space<hbm>>
      tpu.wait_dma2 semaphore(%run_scoped3A : memref<!tpu.dma_semaphore, #tpu.memory_space<semaphore_mem>>) src(%dma_wait3A_68 : memref<128xi32, #tpu.memory_space<hbm>>) dst(%arg5 : memref<128xi32, #tpu.memory_space<vmem>>)
      tpu.yield
    }) : () -> ()
    %dma_start3A_19 = arith.constant 0 : i32
    %dma_start3A_20 = arith.constant 0 : i32
    %dma_start3A_21 = tpu.memref_slice %arg2[%dma_start3A_19, %dma_start3A_20] : memref<4096x128xf32, #tpu.memory_space<hbm>> -> memref<4096x128xf32, #tpu.memory_space<hbm>>
    tpu.enqueue_indirect_dma source(%dma_start3A_21 : memref<4096x128xf32, #tpu.memory_space<hbm>>) target(%arg6 : memref<128x128xf32, #tpu.memory_space<vmem>>) offsets(%arg5 : memref<128xi32, #tpu.memory_space<vmem>>) semaphore(%arg7 : memref<!tpu.dma_semaphore, #tpu.memory_space<semaphore_mem>>)
    %dma_wait3A_22 = arith.constant 0 : i32
    %dma_wait3A_23 = arith.constant 0 : i32
    %dma_wait3A_24 = tpu.memref_slice %arg2[%dma_wait3A_22, %dma_wait3A_23] : memref<4096x128xf32, #tpu.memory_space<hbm>> -> memref<4096x128xf32, #tpu.memory_space<hbm>>
    tpu.wait_indirect_dma semaphore(%arg7 : memref<!tpu.dma_semaphore, #tpu.memory_space<semaphore_mem>>) src(%dma_wait3A_24 : memref<4096x128xf32, #tpu.memory_space<hbm>>) dst(%arg6 : memref<128x128xf32, #tpu.memory_space<vmem>>)
    "tpu.region"() ({
      %run_scoped3A = tpu.sem_alloc : memref<!tpu.dma_semaphore, #tpu.memory_space<semaphore_mem>>
      %dma_start3A_65 = arith.constant 0 : i32
      %dma_start3A_66 = tpu.memref_slice %arg4[%add3A_18, %dma_start3A_65] : memref<32768x128xf32, #tpu.memory_space<hbm>> -> memref<128x128xf32, #tpu.memory_space<hbm>>
      %dma_start3A_67 = arith.constant 0 : i32
      %dma_start3A_68 = tpu.memref_slice %arg4[%add3A_18, %dma_start3A_67] : memref<32768x128xf32, #tpu.memory_space<hbm>> -> memref<128x128xf32, #tpu.memory_space<hbm>>
      tpu.enqueue_dma source(%arg6 : memref<128x128xf32, #tpu.memory_space<vmem>>) target(%dma_start3A_68 : memref<128x128xf32, #tpu.memory_space<hbm>>) target_semaphore(%run_scoped3A : memref<!tpu.dma_semaphore, #tpu.memory_space<semaphore_mem>>)
      %dma_wait3A_69 = arith.constant 0 : i32
      %dma_wait3A_70 = tpu.memref_slice %arg4[%add3A_18, %dma_wait3A_69] : memref<32768x128xf32, #tpu.memory_space<hbm>> -> memref<128x128xf32, #tpu.memory_space<hbm>>
      %dma_wait3A_71 = arith.constant 0 : i32
      %dma_wait3A_72 = tpu.memref_slice %arg4[%add3A_18, %dma_wait3A_71] : memref<32768x128xf32, #tpu.memory_space<hbm>> -> memref<128x128xf32, #tpu.memory_space<hbm>>
      tpu.wait_dma2 semaphore(%run_scoped3A : memref<!tpu.dma_semaphore, #tpu.memory_space<semaphore_mem>>) src(%arg6 : memref<128x128xf32, #tpu.memory_space<vmem>>) dst(%dma_wait3A_72 : memref<128x128xf32, #tpu.memory_space<hbm>>)
      tpu.yield
    }) : () -> ()
    %add3A_25 = arith.constant 384 : i32
    %add3A_26 = arith.addi %mul3A_2, %add3A_25 : i32
    "tpu.region"() ({
      %run_scoped3A = tpu.sem_alloc : memref<!tpu.dma_semaphore, #tpu.memory_space<semaphore_mem>>
      %dma_start3A_65 = tpu.memref_slice %arg3[%add3A_26] : memref<32768xi32, #tpu.memory_space<hbm>> -> memref<128xi32, #tpu.memory_space<hbm>>
      %dma_start3A_66 = tpu.memref_slice %arg3[%add3A_26] : memref<32768xi32, #tpu.memory_space<hbm>> -> memref<128xi32, #tpu.memory_space<hbm>>
      tpu.enqueue_dma source(%dma_start3A_66 : memref<128xi32, #tpu.memory_space<hbm>>) target(%arg5 : memref<128xi32, #tpu.memory_space<vmem>>) target_semaphore(%run_scoped3A : memref<!tpu.dma_semaphore, #tpu.memory_space<semaphore_mem>>)
      %dma_wait3A_67 = tpu.memref_slice %arg3[%add3A_26] : memref<32768xi32, #tpu.memory_space<hbm>> -> memref<128xi32, #tpu.memory_space<hbm>>
      %dma_wait3A_68 = tpu.memref_slice %arg3[%add3A_26] : memref<32768xi32, #tpu.memory_space<hbm>> -> memref<128xi32, #tpu.memory_space<hbm>>
      tpu.wait_dma2 semaphore(%run_scoped3A : memref<!tpu.dma_semaphore, #tpu.memory_space<semaphore_mem>>) src(%dma_wait3A_68 : memref<128xi32, #tpu.memory_space<hbm>>) dst(%arg5 : memref<128xi32, #tpu.memory_space<vmem>>)
      tpu.yield
    }) : () -> ()
    %dma_start3A_27 = arith.constant 0 : i32
    %dma_start3A_28 = arith.constant 0 : i32
    %dma_start3A_29 = tpu.memref_slice %arg2[%dma_start3A_27, %dma_start3A_28] : memref<4096x128xf32, #tpu.memory_space<hbm>> -> memref<4096x128xf32, #tpu.memory_space<hbm>>
    tpu.enqueue_indirect_dma source(%dma_start3A_29 : memref<4096x128xf32, #tpu.memory_space<hbm>>) target(%arg6 : memref<128x128xf32, #tpu.memory_space<vmem>>) offsets(%arg5 : memref<128xi32, #tpu.memory_space<vmem>>) semaphore(%arg7 : memref<!tpu.dma_semaphore, #tpu.memory_space<semaphore_mem>>)
    %dma_wait3A_30 = arith.constant 0 : i32
    %dma_wait3A_31 = arith.constant 0 : i32
    %dma_wait3A_32 = tpu.memref_slice %arg2[%dma_wait3A_30, %dma_wait3A_31] : memref<4096x128xf32, #tpu.memory_space<hbm>> -> memref<4096x128xf32, #tpu.memory_space<hbm>>
    tpu.wait_indirect_dma semaphore(%arg7 : memref<!tpu.dma_semaphore, #tpu.memory_space<semaphore_mem>>) src(%dma_wait3A_32 : memref<4096x128xf32, #tpu.memory_space<hbm>>) dst(%arg6 : memref<128x128xf32, #tpu.memory_space<vmem>>)
    "tpu.region"() ({
      %run_scoped3A = tpu.sem_alloc : memref<!tpu.dma_semaphore, #tpu.memory_space<semaphore_mem>>
      %dma_start3A_65 = arith.constant 0 : i32
      %dma_start3A_66 = tpu.memref_slice %arg4[%add3A_26, %dma_start3A_65] : memref<32768x128xf32, #tpu.memory_space<hbm>> -> memref<128x128xf32, #tpu.memory_space<hbm>>
      %dma_start3A_67 = arith.constant 0 : i32
      %dma_start3A_68 = tpu.memref_slice %arg4[%add3A_26, %dma_start3A_67] : memref<32768x128xf32, #tpu.memory_space<hbm>> -> memref<128x128xf32, #tpu.memory_space<hbm>>
      tpu.enqueue_dma source(%arg6 : memref<128x128xf32, #tpu.memory_space<vmem>>) target(%dma_start3A_68 : memref<128x128xf32, #tpu.memory_space<hbm>>) target_semaphore(%run_scoped3A : memref<!tpu.dma_semaphore, #tpu.memory_space<semaphore_mem>>)
      %dma_wait3A_69 = arith.constant 0 : i32
      %dma_wait3A_70 = tpu.memref_slice %arg4[%add3A_26, %dma_wait3A_69] : memref<32768x128xf32, #tpu.memory_space<hbm>> -> memref<128x128xf32, #tpu.memory_space<hbm>>
      %dma_wait3A_71 = arith.constant 0 : i32
      %dma_wait3A_72 = tpu.memref_slice %arg4[%add3A_26, %dma_wait3A_71] : memref<32768x128xf32, #tpu.memory_space<hbm>> -> memref<128x128xf32, #tpu.memory_space<hbm>>
      tpu.wait_dma2 semaphore(%run_scoped3A : memref<!tpu.dma_semaphore, #tpu.memory_space<semaphore_mem>>) src(%arg6 : memref<128x128xf32, #tpu.memory_space<vmem>>) dst(%dma_wait3A_72 : memref<128x128xf32, #tpu.memory_space<hbm>>)
      tpu.yield
    }) : () -> ()
    %add3A_33 = arith.constant 512 : i32
    %add3A_34 = arith.addi %mul3A_2, %add3A_33 : i32
    "tpu.region"() ({
      %run_scoped3A = tpu.sem_alloc : memref<!tpu.dma_semaphore, #tpu.memory_space<semaphore_mem>>
      %dma_start3A_65 = tpu.memref_slice %arg3[%add3A_34] : memref<32768xi32, #tpu.memory_space<hbm>> -> memref<128xi32, #tpu.memory_space<hbm>>
      %dma_start3A_66 = tpu.memref_slice %arg3[%add3A_34] : memref<32768xi32, #tpu.memory_space<hbm>> -> memref<128xi32, #tpu.memory_space<hbm>>
      tpu.enqueue_dma source(%dma_start3A_66 : memref<128xi32, #tpu.memory_space<hbm>>) target(%arg5 : memref<128xi32, #tpu.memory_space<vmem>>) target_semaphore(%run_scoped3A : memref<!tpu.dma_semaphore, #tpu.memory_space<semaphore_mem>>)
      %dma_wait3A_67 = tpu.memref_slice %arg3[%add3A_34] : memref<32768xi32, #tpu.memory_space<hbm>> -> memref<128xi32, #tpu.memory_space<hbm>>
      %dma_wait3A_68 = tpu.memref_slice %arg3[%add3A_34] : memref<32768xi32, #tpu.memory_space<hbm>> -> memref<128xi32, #tpu.memory_space<hbm>>
      tpu.wait_dma2 semaphore(%run_scoped3A : memref<!tpu.dma_semaphore, #tpu.memory_space<semaphore_mem>>) src(%dma_wait3A_68 : memref<128xi32, #tpu.memory_space<hbm>>) dst(%arg5 : memref<128xi32, #tpu.memory_space<vmem>>)
      tpu.yield
    }) : () -> ()
    %dma_start3A_35 = arith.constant 0 : i32
    %dma_start3A_36 = arith.constant 0 : i32
    %dma_start3A_37 = tpu.memref_slice %arg2[%dma_start3A_35, %dma_start3A_36] : memref<4096x128xf32, #tpu.memory_space<hbm>> -> memref<4096x128xf32, #tpu.memory_space<hbm>>
    tpu.enqueue_indirect_dma source(%dma_start3A_37 : memref<4096x128xf32, #tpu.memory_space<hbm>>) target(%arg6 : memref<128x128xf32, #tpu.memory_space<vmem>>) offsets(%arg5 : memref<128xi32, #tpu.memory_space<vmem>>) semaphore(%arg7 : memref<!tpu.dma_semaphore, #tpu.memory_space<semaphore_mem>>)
    %dma_wait3A_38 = arith.constant 0 : i32
    %dma_wait3A_39 = arith.constant 0 : i32
    %dma_wait3A_40 = tpu.memref_slice %arg2[%dma_wait3A_38, %dma_wait3A_39] : memref<4096x128xf32, #tpu.memory_space<hbm>> -> memref<4096x128xf32, #tpu.memory_space<hbm>>
    tpu.wait_indirect_dma semaphore(%arg7 : memref<!tpu.dma_semaphore, #tpu.memory_space<semaphore_mem>>) src(%dma_wait3A_40 : memref<4096x128xf32, #tpu.memory_space<hbm>>) dst(%arg6 : memref<128x128xf32, #tpu.memory_space<vmem>>)
    "tpu.region"() ({
      %run_scoped3A = tpu.sem_alloc : memref<!tpu.dma_semaphore, #tpu.memory_space<semaphore_mem>>
      %dma_start3A_65 = arith.constant 0 : i32
      %dma_start3A_66 = tpu.memref_slice %arg4[%add3A_34, %dma_start3A_65] : memref<32768x128xf32, #tpu.memory_space<hbm>> -> memref<128x128xf32, #tpu.memory_space<hbm>>
      %dma_start3A_67 = arith.constant 0 : i32
      %dma_start3A_68 = tpu.memref_slice %arg4[%add3A_34, %dma_start3A_67] : memref<32768x128xf32, #tpu.memory_space<hbm>> -> memref<128x128xf32, #tpu.memory_space<hbm>>
      tpu.enqueue_dma source(%arg6 : memref<128x128xf32, #tpu.memory_space<vmem>>) target(%dma_start3A_68 : memref<128x128xf32, #tpu.memory_space<hbm>>) target_semaphore(%run_scoped3A : memref<!tpu.dma_semaphore, #tpu.memory_space<semaphore_mem>>)
      %dma_wait3A_69 = arith.constant 0 : i32
      %dma_wait3A_70 = tpu.memref_slice %arg4[%add3A_34, %dma_wait3A_69] : memref<32768x128xf32, #tpu.memory_space<hbm>> -> memref<128x128xf32, #tpu.memory_space<hbm>>
      %dma_wait3A_71 = arith.constant 0 : i32
      %dma_wait3A_72 = tpu.memref_slice %arg4[%add3A_34, %dma_wait3A_71] : memref<32768x128xf32, #tpu.memory_space<hbm>> -> memref<128x128xf32, #tpu.memory_space<hbm>>
      tpu.wait_dma2 semaphore(%run_scoped3A : memref<!tpu.dma_semaphore, #tpu.memory_space<semaphore_mem>>) src(%arg6 : memref<128x128xf32, #tpu.memory_space<vmem>>) dst(%dma_wait3A_72 : memref<128x128xf32, #tpu.memory_space<hbm>>)
      tpu.yield
    }) : () -> ()
    %add3A_41 = arith.constant 640 : i32
    %add3A_42 = arith.addi %mul3A_2, %add3A_41 : i32
    "tpu.region"() ({
      %run_scoped3A = tpu.sem_alloc : memref<!tpu.dma_semaphore, #tpu.memory_space<semaphore_mem>>
      %dma_start3A_65 = tpu.memref_slice %arg3[%add3A_42] : memref<32768xi32, #tpu.memory_space<hbm>> -> memref<128xi32, #tpu.memory_space<hbm>>
      %dma_start3A_66 = tpu.memref_slice %arg3[%add3A_42] : memref<32768xi32, #tpu.memory_space<hbm>> -> memref<128xi32, #tpu.memory_space<hbm>>
      tpu.enqueue_dma source(%dma_start3A_66 : memref<128xi32, #tpu.memory_space<hbm>>) target(%arg5 : memref<128xi32, #tpu.memory_space<vmem>>) target_semaphore(%run_scoped3A : memref<!tpu.dma_semaphore, #tpu.memory_space<semaphore_mem>>)
      %dma_wait3A_67 = tpu.memref_slice %arg3[%add3A_42] : memref<32768xi32, #tpu.memory_space<hbm>> -> memref<128xi32, #tpu.memory_space<hbm>>
      %dma_wait3A_68 = tpu.memref_slice %arg3[%add3A_42] : memref<32768xi32, #tpu.memory_space<hbm>> -> memref<128xi32, #tpu.memory_space<hbm>>
      tpu.wait_dma2 semaphore(%run_scoped3A : memref<!tpu.dma_semaphore, #tpu.memory_space<semaphore_mem>>) src(%dma_wait3A_68 : memref<128xi32, #tpu.memory_space<hbm>>) dst(%arg5 : memref<128xi32, #tpu.memory_space<vmem>>)
      tpu.yield
    }) : () -> ()
    %dma_start3A_43 = arith.constant 0 : i32
    %dma_start3A_44 = arith.constant 0 : i32
    %dma_start3A_45 = tpu.memref_slice %arg2[%dma_start3A_43, %dma_start3A_44] : memref<4096x128xf32, #tpu.memory_space<hbm>> -> memref<4096x128xf32, #tpu.memory_space<hbm>>
    tpu.enqueue_indirect_dma source(%dma_start3A_45 : memref<4096x128xf32, #tpu.memory_space<hbm>>) target(%arg6 : memref<128x128xf32, #tpu.memory_space<vmem>>) offsets(%arg5 : memref<128xi32, #tpu.memory_space<vmem>>) semaphore(%arg7 : memref<!tpu.dma_semaphore, #tpu.memory_space<semaphore_mem>>)
    %dma_wait3A_46 = arith.constant 0 : i32
    %dma_wait3A_47 = arith.constant 0 : i32
    %dma_wait3A_48 = tpu.memref_slice %arg2[%dma_wait3A_46, %dma_wait3A_47] : memref<4096x128xf32, #tpu.memory_space<hbm>> -> memref<4096x128xf32, #tpu.memory_space<hbm>>
    tpu.wait_indirect_dma semaphore(%arg7 : memref<!tpu.dma_semaphore, #tpu.memory_space<semaphore_mem>>) src(%dma_wait3A_48 : memref<4096x128xf32, #tpu.memory_space<hbm>>) dst(%arg6 : memref<128x128xf32, #tpu.memory_space<vmem>>)
    "tpu.region"() ({
      %run_scoped3A = tpu.sem_alloc : memref<!tpu.dma_semaphore, #tpu.memory_space<semaphore_mem>>
      %dma_start3A_65 = arith.constant 0 : i32
      %dma_start3A_66 = tpu.memref_slice %arg4[%add3A_42, %dma_start3A_65] : memref<32768x128xf32, #tpu.memory_space<hbm>> -> memref<128x128xf32, #tpu.memory_space<hbm>>
      %dma_start3A_67 = arith.constant 0 : i32
      %dma_start3A_68 = tpu.memref_slice %arg4[%add3A_42, %dma_start3A_67] : memref<32768x128xf32, #tpu.memory_space<hbm>> -> memref<128x128xf32, #tpu.memory_space<hbm>>
      tpu.enqueue_dma source(%arg6 : memref<128x128xf32, #tpu.memory_space<vmem>>) target(%dma_start3A_68 : memref<128x128xf32, #tpu.memory_space<hbm>>) target_semaphore(%run_scoped3A : memref<!tpu.dma_semaphore, #tpu.memory_space<semaphore_mem>>)
      %dma_wait3A_69 = arith.constant 0 : i32
      %dma_wait3A_70 = tpu.memref_slice %arg4[%add3A_42, %dma_wait3A_69] : memref<32768x128xf32, #tpu.memory_space<hbm>> -> memref<128x128xf32, #tpu.memory_space<hbm>>
      %dma_wait3A_71 = arith.constant 0 : i32
      %dma_wait3A_72 = tpu.memref_slice %arg4[%add3A_42, %dma_wait3A_71] : memref<32768x128xf32, #tpu.memory_space<hbm>> -> memref<128x128xf32, #tpu.memory_space<hbm>>
      tpu.wait_dma2 semaphore(%run_scoped3A : memref<!tpu.dma_semaphore, #tpu.memory_space<semaphore_mem>>) src(%arg6 : memref<128x128xf32, #tpu.memory_space<vmem>>) dst(%dma_wait3A_72 : memref<128x128xf32, #tpu.memory_space<hbm>>)
      tpu.yield
    }) : () -> ()
    %add3A_49 = arith.constant 768 : i32
    %add3A_50 = arith.addi %mul3A_2, %add3A_49 : i32
    "tpu.region"() ({
      %run_scoped3A = tpu.sem_alloc : memref<!tpu.dma_semaphore, #tpu.memory_space<semaphore_mem>>
      %dma_start3A_65 = tpu.memref_slice %arg3[%add3A_50] : memref<32768xi32, #tpu.memory_space<hbm>> -> memref<128xi32, #tpu.memory_space<hbm>>
      %dma_start3A_66 = tpu.memref_slice %arg3[%add3A_50] : memref<32768xi32, #tpu.memory_space<hbm>> -> memref<128xi32, #tpu.memory_space<hbm>>
      tpu.enqueue_dma source(%dma_start3A_66 : memref<128xi32, #tpu.memory_space<hbm>>) target(%arg5 : memref<128xi32, #tpu.memory_space<vmem>>) target_semaphore(%run_scoped3A : memref<!tpu.dma_semaphore, #tpu.memory_space<semaphore_mem>>)
      %dma_wait3A_67 = tpu.memref_slice %arg3[%add3A_50] : memref<32768xi32, #tpu.memory_space<hbm>> -> memref<128xi32, #tpu.memory_space<hbm>>
      %dma_wait3A_68 = tpu.memref_slice %arg3[%add3A_50] : memref<32768xi32, #tpu.memory_space<hbm>> -> memref<128xi32, #tpu.memory_space<hbm>>
      tpu.wait_dma2 semaphore(%run_scoped3A : memref<!tpu.dma_semaphore, #tpu.memory_space<semaphore_mem>>) src(%dma_wait3A_68 : memref<128xi32, #tpu.memory_space<hbm>>) dst(%arg5 : memref<128xi32, #tpu.memory_space<vmem>>)
      tpu.yield
    }) : () -> ()
    %dma_start3A_51 = arith.constant 0 : i32
    %dma_start3A_52 = arith.constant 0 : i32
    %dma_start3A_53 = tpu.memref_slice %arg2[%dma_start3A_51, %dma_start3A_52] : memref<4096x128xf32, #tpu.memory_space<hbm>> -> memref<4096x128xf32, #tpu.memory_space<hbm>>
    tpu.enqueue_indirect_dma source(%dma_start3A_53 : memref<4096x128xf32, #tpu.memory_space<hbm>>) target(%arg6 : memref<128x128xf32, #tpu.memory_space<vmem>>) offsets(%arg5 : memref<128xi32, #tpu.memory_space<vmem>>) semaphore(%arg7 : memref<!tpu.dma_semaphore, #tpu.memory_space<semaphore_mem>>)
    %dma_wait3A_54 = arith.constant 0 : i32
    %dma_wait3A_55 = arith.constant 0 : i32
    %dma_wait3A_56 = tpu.memref_slice %arg2[%dma_wait3A_54, %dma_wait3A_55] : memref<4096x128xf32, #tpu.memory_space<hbm>> -> memref<4096x128xf32, #tpu.memory_space<hbm>>
    tpu.wait_indirect_dma semaphore(%arg7 : memref<!tpu.dma_semaphore, #tpu.memory_space<semaphore_mem>>) src(%dma_wait3A_56 : memref<4096x128xf32, #tpu.memory_space<hbm>>) dst(%arg6 : memref<128x128xf32, #tpu.memory_space<vmem>>)
    "tpu.region"() ({
      %run_scoped3A = tpu.sem_alloc : memref<!tpu.dma_semaphore, #tpu.memory_space<semaphore_mem>>
      %dma_start3A_65 = arith.constant 0 : i32
      %dma_start3A_66 = tpu.memref_slice %arg4[%add3A_50, %dma_start3A_65] : memref<32768x128xf32, #tpu.memory_space<hbm>> -> memref<128x128xf32, #tpu.memory_space<hbm>>
      %dma_start3A_67 = arith.constant 0 : i32
      %dma_start3A_68 = tpu.memref_slice %arg4[%add3A_50, %dma_start3A_67] : memref<32768x128xf32, #tpu.memory_space<hbm>> -> memref<128x128xf32, #tpu.memory_space<hbm>>
      tpu.enqueue_dma source(%arg6 : memref<128x128xf32, #tpu.memory_space<vmem>>) target(%dma_start3A_68 : memref<128x128xf32, #tpu.memory_space<hbm>>) target_semaphore(%run_scoped3A : memref<!tpu.dma_semaphore, #tpu.memory_space<semaphore_mem>>)
      %dma_wait3A_69 = arith.constant 0 : i32
      %dma_wait3A_70 = tpu.memref_slice %arg4[%add3A_50, %dma_wait3A_69] : memref<32768x128xf32, #tpu.memory_space<hbm>> -> memref<128x128xf32, #tpu.memory_space<hbm>>
      %dma_wait3A_71 = arith.constant 0 : i32
      %dma_wait3A_72 = tpu.memref_slice %arg4[%add3A_50, %dma_wait3A_71] : memref<32768x128xf32, #tpu.memory_space<hbm>> -> memref<128x128xf32, #tpu.memory_space<hbm>>
      tpu.wait_dma2 semaphore(%run_scoped3A : memref<!tpu.dma_semaphore, #tpu.memory_space<semaphore_mem>>) src(%arg6 : memref<128x128xf32, #tpu.memory_space<vmem>>) dst(%dma_wait3A_72 : memref<128x128xf32, #tpu.memory_space<hbm>>)
      tpu.yield
    }) : () -> ()
    %add3A_57 = arith.constant 896 : i32
    %add3A_58 = arith.addi %mul3A_2, %add3A_57 : i32
    "tpu.region"() ({
      %run_scoped3A = tpu.sem_alloc : memref<!tpu.dma_semaphore, #tpu.memory_space<semaphore_mem>>
      %dma_start3A_65 = tpu.memref_slice %arg3[%add3A_58] : memref<32768xi32, #tpu.memory_space<hbm>> -> memref<128xi32, #tpu.memory_space<hbm>>
      %dma_start3A_66 = tpu.memref_slice %arg3[%add3A_58] : memref<32768xi32, #tpu.memory_space<hbm>> -> memref<128xi32, #tpu.memory_space<hbm>>
      tpu.enqueue_dma source(%dma_start3A_66 : memref<128xi32, #tpu.memory_space<hbm>>) target(%arg5 : memref<128xi32, #tpu.memory_space<vmem>>) target_semaphore(%run_scoped3A : memref<!tpu.dma_semaphore, #tpu.memory_space<semaphore_mem>>)
      %dma_wait3A_67 = tpu.memref_slice %arg3[%add3A_58] : memref<32768xi32, #tpu.memory_space<hbm>> -> memref<128xi32, #tpu.memory_space<hbm>>
      %dma_wait3A_68 = tpu.memref_slice %arg3[%add3A_58] : memref<32768xi32, #tpu.memory_space<hbm>> -> memref<128xi32, #tpu.memory_space<hbm>>
      tpu.wait_dma2 semaphore(%run_scoped3A : memref<!tpu.dma_semaphore, #tpu.memory_space<semaphore_mem>>) src(%dma_wait3A_68 : memref<128xi32, #tpu.memory_space<hbm>>) dst(%arg5 : memref<128xi32, #tpu.memory_space<vmem>>)
      tpu.yield
    }) : () -> ()
    %dma_start3A_59 = arith.constant 0 : i32
    %dma_start3A_60 = arith.constant 0 : i32
    %dma_start3A_61 = tpu.memref_slice %arg2[%dma_start3A_59, %dma_start3A_60] : memref<4096x128xf32, #tpu.memory_space<hbm>> -> memref<4096x128xf32, #tpu.memory_space<hbm>>
    tpu.enqueue_indirect_dma source(%dma_start3A_61 : memref<4096x128xf32, #tpu.memory_space<hbm>>) target(%arg6 : memref<128x128xf32, #tpu.memory_space<vmem>>) offsets(%arg5 : memref<128xi32, #tpu.memory_space<vmem>>) semaphore(%arg7 : memref<!tpu.dma_semaphore, #tpu.memory_space<semaphore_mem>>)
    %dma_wait3A_62 = arith.constant 0 : i32
    %dma_wait3A_63 = arith.constant 0 : i32
    %dma_wait3A_64 = tpu.memref_slice %arg2[%dma_wait3A_62, %dma_wait3A_63] : memref<4096x128xf32, #tpu.memory_space<hbm>> -> memref<4096x128xf32, #tpu.memory_space<hbm>>
    tpu.wait_indirect_dma semaphore(%arg7 : memref<!tpu.dma_semaphore, #tpu.memory_space<semaphore_mem>>) src(%dma_wait3A_64 : memref<4096x128xf32, #tpu.memory_space<hbm>>) dst(%arg6 : memref<128x128xf32, #tpu.memory_space<vmem>>)
    "tpu.region"() ({
      %run_scoped3A = tpu.sem_alloc : memref<!tpu.dma_semaphore, #tpu.memory_space<semaphore_mem>>
      %dma_start3A_65 = arith.constant 0 : i32
      %dma_start3A_66 = tpu.memref_slice %arg4[%add3A_58, %dma_start3A_65] : memref<32768x128xf32, #tpu.memory_space<hbm>> -> memref<128x128xf32, #tpu.memory_space<hbm>>
      %dma_start3A_67 = arith.constant 0 : i32
      %dma_start3A_68 = tpu.memref_slice %arg4[%add3A_58, %dma_start3A_67] : memref<32768x128xf32, #tpu.memory_space<hbm>> -> memref<128x128xf32, #tpu.memory_space<hbm>>
      tpu.enqueue_dma source(%arg6 : memref<128x128xf32, #tpu.memory_space<vmem>>) target(%dma_start3A_68 : memref<128x128xf32, #tpu.memory_space<hbm>>) target_semaphore(%run_scoped3A : memref<!tpu.dma_semaphore, #tpu.memory_space<semaphore_mem>>)
      %dma_wait3A_69 = arith.constant 0 : i32
      %dma_wait3A_70 = tpu.memref_slice %arg4[%add3A_58, %dma_wait3A_69] : memref<32768x128xf32, #tpu.memory_space<hbm>> -> memref<128x128xf32, #tpu.memory_space<hbm>>
      %dma_wait3A_71 = arith.constant 0 : i32
      %dma_wait3A_72 = tpu.memref_slice %arg4[%add3A_58, %dma_wait3A_71] : memref<32768x128xf32, #tpu.memory_space<hbm>> -> memref<128x128xf32, #tpu.memory_space<hbm>>
      tpu.wait_dma2 semaphore(%run_scoped3A : memref<!tpu.dma_semaphore, #tpu.memory_space<semaphore_mem>>) src(%arg6 : memref<128x128xf32, #tpu.memory_space<vmem>>) dst(%dma_wait3A_72 : memref<128x128xf32, #tpu.memory_space<hbm>>)
      tpu.yield
    }) : () -> ()
    return
  }
}

#map = affine_map<(d0, d1) -> (0, 0)>
#map1 = affine_map<(d0, d1) -> (0)>
module attributes {stable_mosaic.version = 14 : i64} {
  func.func @gk(%arg0: i32, %arg1: i32, %arg2: memref<4096x128xf32, #tpu.memory_space<hbm>>, %arg3: memref<32768xi32, #tpu.memory_space<hbm>>, %arg4: memref<32768x128xf32, #tpu.memory_space<hbm>>, %arg5: memref<128xi32, #tpu.memory_space<vmem>>, %arg6: memref<128x128xf32, #tpu.memory_space<vmem>>, %arg7: memref<!tpu.dma_semaphore, #tpu.memory_space<semaphore_mem>>) attributes {dimension_semantics = [#tpu.dimension_semantics<core_parallel>, #tpu.dimension_semantics<subcore_parallel>], iteration_bounds = array<i64: 2, 16>, scalar_prefetch = 0 : i64, scratch_operands = 3 : i64, tpu.core_type = #tpu.core_type<sc_vector_subcore>, window_params = [{transform_indices = #map}, {transform_indices = #map1}, {transform_indices = #map}]} {
    %mul3A = arith.constant 2 : i32
    %mul3A_0 = arith.muli %arg1, %mul3A : i32
    %add3A = arith.addi %mul3A_0, %arg0 : i32
    %mul3A_1 = arith.constant 1024 : i32
    %mul3A_2 = arith.muli %add3A, %mul3A_1 : i32
    %add3A_3 = arith.constant 0 : i32
    %add3A_4 = arith.addi %mul3A_2, %add3A_3 : i32
    "tpu.region"() ({
      %run_scoped3A = tpu.sem_alloc : memref<!tpu.dma_semaphore, #tpu.memory_space<semaphore_mem>>
      %dma_start3A_65 = tpu.memref_slice %arg3[%add3A_4] : memref<32768xi32, #tpu.memory_space<hbm>> -> memref<128xi32, #tpu.memory_space<hbm>>
      %dma_start3A_66 = tpu.memref_slice %arg3[%add3A_4] : memref<32768xi32, #tpu.memory_space<hbm>> -> memref<128xi32, #tpu.memory_space<hbm>>
      tpu.enqueue_dma source(%dma_start3A_66 : memref<128xi32, #tpu.memory_space<hbm>>) target(%arg5 : memref<128xi32, #tpu.memory_space<vmem>>) target_semaphore(%run_scoped3A : memref<!tpu.dma_semaphore, #tpu.memory_space<semaphore_mem>>)
      %dma_wait3A_67 = tpu.memref_slice %arg3[%add3A_4] : memref<32768xi32, #tpu.memory_space<hbm>> -> memref<128xi32, #tpu.memory_space<hbm>>
      %dma_wait3A_68 = tpu.memref_slice %arg3[%add3A_4] : memref<32768xi32, #tpu.memory_space<hbm>> -> memref<128xi32, #tpu.memory_space<hbm>>
      tpu.wait_dma2 semaphore(%run_scoped3A : memref<!tpu.dma_semaphore, #tpu.memory_space<semaphore_mem>>) src(%dma_wait3A_68 : memref<128xi32, #tpu.memory_space<hbm>>) dst(%arg5 : memref<128xi32, #tpu.memory_space<vmem>>)
      tpu.yield
    }) : () -> ()
    %dma_start3A = arith.constant 0 : i32
    %dma_start3A_5 = arith.constant 0 : i32
    %dma_start3A_6 = tpu.memref_slice %arg2[%dma_start3A, %dma_start3A_5] : memref<4096x128xf32, #tpu.memory_space<hbm>> -> memref<4096x128xf32, #tpu.memory_space<hbm>>
    tpu.enqueue_indirect_dma source(%dma_start3A_6 : memref<4096x128xf32, #tpu.memory_space<hbm>>) target(%arg6 : memref<128x128xf32, #tpu.memory_space<vmem>>) offsets(%arg5 : memref<128xi32, #tpu.memory_space<vmem>>) semaphore(%arg7 : memref<!tpu.dma_semaphore, #tpu.memory_space<semaphore_mem>>)
    %dma_wait3A = arith.constant 0 : i32
    %dma_wait3A_7 = arith.constant 0 : i32
    %dma_wait3A_8 = tpu.memref_slice %arg2[%dma_wait3A, %dma_wait3A_7] : memref<4096x128xf32, #tpu.memory_space<hbm>> -> memref<4096x128xf32, #tpu.memory_space<hbm>>
    tpu.wait_indirect_dma semaphore(%arg7 : memref<!tpu.dma_semaphore, #tpu.memory_space<semaphore_mem>>) src(%dma_wait3A_8 : memref<4096x128xf32, #tpu.memory_space<hbm>>) dst(%arg6 : memref<128x128xf32, #tpu.memory_space<vmem>>)
    "tpu.region"() ({
      %run_scoped3A = tpu.sem_alloc : memref<!tpu.dma_semaphore, #tpu.memory_space<semaphore_mem>>
      %dma_start3A_65 = arith.constant 0 : i32
      %dma_start3A_66 = tpu.memref_slice %arg4[%add3A_4, %dma_start3A_65] : memref<32768x128xf32, #tpu.memory_space<hbm>> -> memref<128x128xf32, #tpu.memory_space<hbm>>
      %dma_start3A_67 = arith.constant 0 : i32
      %dma_start3A_68 = tpu.memref_slice %arg4[%add3A_4, %dma_start3A_67] : memref<32768x128xf32, #tpu.memory_space<hbm>> -> memref<128x128xf32, #tpu.memory_space<hbm>>
      tpu.enqueue_dma source(%arg6 : memref<128x128xf32, #tpu.memory_space<vmem>>) target(%dma_start3A_68 : memref<128x128xf32, #tpu.memory_space<hbm>>) target_semaphore(%run_scoped3A : memref<!tpu.dma_semaphore, #tpu.memory_space<semaphore_mem>>)
      %dma_wait3A_69 = arith.constant 0 : i32
      %dma_wait3A_70 = tpu.memref_slice %arg4[%add3A_4, %dma_wait3A_69] : memref<32768x128xf32, #tpu.memory_space<hbm>> -> memref<128x128xf32, #tpu.memory_space<hbm>>
      %dma_wait3A_71 = arith.constant 0 : i32
      %dma_wait3A_72 = tpu.memref_slice %arg4[%add3A_4, %dma_wait3A_71] : memref<32768x128xf32, #tpu.memory_space<hbm>> -> memref<128x128xf32, #tpu.memory_space<hbm>>
      tpu.wait_dma2 semaphore(%run_scoped3A : memref<!tpu.dma_semaphore, #tpu.memory_space<semaphore_mem>>) src(%arg6 : memref<128x128xf32, #tpu.memory_space<vmem>>) dst(%dma_wait3A_72 : memref<128x128xf32, #tpu.memory_space<hbm>>)
      tpu.yield
    }) : () -> ()
    %add3A_9 = arith.constant 128 : i32
    %add3A_10 = arith.addi %mul3A_2, %add3A_9 : i32
    "tpu.region"() ({
      %run_scoped3A = tpu.sem_alloc : memref<!tpu.dma_semaphore, #tpu.memory_space<semaphore_mem>>
      %dma_start3A_65 = tpu.memref_slice %arg3[%add3A_10] : memref<32768xi32, #tpu.memory_space<hbm>> -> memref<128xi32, #tpu.memory_space<hbm>>
      %dma_start3A_66 = tpu.memref_slice %arg3[%add3A_10] : memref<32768xi32, #tpu.memory_space<hbm>> -> memref<128xi32, #tpu.memory_space<hbm>>
      tpu.enqueue_dma source(%dma_start3A_66 : memref<128xi32, #tpu.memory_space<hbm>>) target(%arg5 : memref<128xi32, #tpu.memory_space<vmem>>) target_semaphore(%run_scoped3A : memref<!tpu.dma_semaphore, #tpu.memory_space<semaphore_mem>>)
      %dma_wait3A_67 = tpu.memref_slice %arg3[%add3A_10] : memref<32768xi32, #tpu.memory_space<hbm>> -> memref<128xi32, #tpu.memory_space<hbm>>
      %dma_wait3A_68 = tpu.memref_slice %arg3[%add3A_10] : memref<32768xi32, #tpu.memory_space<hbm>> -> memref<128xi32, #tpu.memory_space<hbm>>
      tpu.wait_dma2 semaphore(%run_scoped3A : memref<!tpu.dma_semaphore, #tpu.memory_space<semaphore_mem>>) src(%dma_wait3A_68 : memref<128xi32, #tpu.memory_space<hbm>>) dst(%arg5 : memref<128xi32, #tpu.memory_space<vmem>>)
      tpu.yield
    }) : () -> ()
    %dma_start3A_11 = arith.constant 0 : i32
    %dma_start3A_12 = arith.constant 0 : i32
    %dma_start3A_13 = tpu.memref_slice %arg2[%dma_start3A_11, %dma_start3A_12] : memref<4096x128xf32, #tpu.memory_space<hbm>> -> memref<4096x128xf32, #tpu.memory_space<hbm>>
    tpu.enqueue_indirect_dma source(%dma_start3A_13 : memref<4096x128xf32, #tpu.memory_space<hbm>>) target(%arg6 : memref<128x128xf32, #tpu.memory_space<vmem>>) offsets(%arg5 : memref<128xi32, #tpu.memory_space<vmem>>) semaphore(%arg7 : memref<!tpu.dma_semaphore, #tpu.memory_space<semaphore_mem>>)
    %dma_wait3A_14 = arith.constant 0 : i32
    %dma_wait3A_15 = arith.constant 0 : i32
    %dma_wait3A_16 = tpu.memref_slice %arg2[%dma_wait3A_14, %dma_wait3A_15] : memref<4096x128xf32, #tpu.memory_space<hbm>> -> memref<4096x128xf32, #tpu.memory_space<hbm>>
    tpu.wait_indirect_dma semaphore(%arg7 : memref<!tpu.dma_semaphore, #tpu.memory_space<semaphore_mem>>) src(%dma_wait3A_16 : memref<4096x128xf32, #tpu.memory_space<hbm>>) dst(%arg6 : memref<128x128xf32, #tpu.memory_space<vmem>>)
    "tpu.region"() ({
      %run_scoped3A = tpu.sem_alloc : memref<!tpu.dma_semaphore, #tpu.memory_space<semaphore_mem>>
      %dma_start3A_65 = arith.constant 0 : i32
      %dma_start3A_66 = tpu.memref_slice %arg4[%add3A_10, %dma_start3A_65] : memref<32768x128xf32, #tpu.memory_space<hbm>> -> memref<128x128xf32, #tpu.memory_space<hbm>>
      %dma_start3A_67 = arith.constant 0 : i32
      %dma_start3A_68 = tpu.memref_slice %arg4[%add3A_10, %dma_start3A_67] : memref<32768x128xf32, #tpu.memory_space<hbm>> -> memref<128x128xf32, #tpu.memory_space<hbm>>
      tpu.enqueue_dma source(%arg6 : memref<128x128xf32, #tpu.memory_space<vmem>>) target(%dma_start3A_68 : memref<128x128xf32, #tpu.memory_space<hbm>>) target_semaphore(%run_scoped3A : memref<!tpu.dma_semaphore, #tpu.memory_space<semaphore_mem>>)
      %dma_wait3A_69 = arith.constant 0 : i32
      %dma_wait3A_70 = tpu.memref_slice %arg4[%add3A_10, %dma_wait3A_69] : memref<32768x128xf32, #tpu.memory_space<hbm>> -> memref<128x128xf32, #tpu.memory_space<hbm>>
      %dma_wait3A_71 = arith.constant 0 : i32
      %dma_wait3A_72 = tpu.memref_slice %arg4[%add3A_10, %dma_wait3A_71] : memref<32768x128xf32, #tpu.memory_space<hbm>> -> memref<128x128xf32, #tpu.memory_space<hbm>>
      tpu.wait_dma2 semaphore(%run_scoped3A : memref<!tpu.dma_semaphore, #tpu.memory_space<semaphore_mem>>) src(%arg6 : memref<128x128xf32, #tpu.memory_space<vmem>>) dst(%dma_wait3A_72 : memref<128x128xf32, #tpu.memory_space<hbm>>)
      tpu.yield
    }) : () -> ()
    %add3A_17 = arith.constant 256 : i32
    %add3A_18 = arith.addi %mul3A_2, %add3A_17 : i32
    "tpu.region"() ({
      %run_scoped3A = tpu.sem_alloc : memref<!tpu.dma_semaphore, #tpu.memory_space<semaphore_mem>>
      %dma_start3A_65 = tpu.memref_slice %arg3[%add3A_18] : memref<32768xi32, #tpu.memory_space<hbm>> -> memref<128xi32, #tpu.memory_space<hbm>>
      %dma_start3A_66 = tpu.memref_slice %arg3[%add3A_18] : memref<32768xi32, #tpu.memory_space<hbm>> -> memref<128xi32, #tpu.memory_space<hbm>>
      tpu.enqueue_dma source(%dma_start3A_66 : memref<128xi32, #tpu.memory_space<hbm>>) target(%arg5 : memref<128xi32, #tpu.memory_space<vmem>>) target_semaphore(%run_scoped3A : memref<!tpu.dma_semaphore, #tpu.memory_space<semaphore_mem>>)
      %dma_wait3A_67 = tpu.memref_slice %arg3[%add3A_18] : memref<32768xi32, #tpu.memory_space<hbm>> -> memref<128xi32, #tpu.memory_space<hbm>>
      %dma_wait3A_68 = tpu.memref_slice %arg3[%add3A_18] : memref<32768xi32, #tpu.memory_space<hbm>> -> memref<128xi32, #tpu.memory_space<hbm>>
      tpu.wait_dma2 semaphore(%run_scoped3A : memref<!tpu.dma_semaphore, #tpu.memory_space<semaphore_mem>>) src(%dma_wait3A_68 : memref<128xi32, #tpu.memory_space<hbm>>) dst(%arg5 : memref<128xi32, #tpu.memory_space<vmem>>)
      tpu.yield
    }) : () -> ()
    %dma_start3A_19 = arith.constant 0 : i32
    %dma_start3A_20 = arith.constant 0 : i32
    %dma_start3A_21 = tpu.memref_slice %arg2[%dma_start3A_19, %dma_start3A_20] : memref<4096x128xf32, #tpu.memory_space<hbm>> -> memref<4096x128xf32, #tpu.memory_space<hbm>>
    tpu.enqueue_indirect_dma source(%dma_start3A_21 : memref<4096x128xf32, #tpu.memory_space<hbm>>) target(%arg6 : memref<128x128xf32, #tpu.memory_space<vmem>>) offsets(%arg5 : memref<128xi32, #tpu.memory_space<vmem>>) semaphore(%arg7 : memref<!tpu.dma_semaphore, #tpu.memory_space<semaphore_mem>>)
    %dma_wait3A_22 = arith.constant 0 : i32
    %dma_wait3A_23 = arith.constant 0 : i32
    %dma_wait3A_24 = tpu.memref_slice %arg2[%dma_wait3A_22, %dma_wait3A_23] : memref<4096x128xf32, #tpu.memory_space<hbm>> -> memref<4096x128xf32, #tpu.memory_space<hbm>>
    tpu.wait_indirect_dma semaphore(%arg7 : memref<!tpu.dma_semaphore, #tpu.memory_space<semaphore_mem>>) src(%dma_wait3A_24 : memref<4096x128xf32, #tpu.memory_space<hbm>>) dst(%arg6 : memref<128x128xf32, #tpu.memory_space<vmem>>)
    "tpu.region"() ({
      %run_scoped3A = tpu.sem_alloc : memref<!tpu.dma_semaphore, #tpu.memory_space<semaphore_mem>>
      %dma_start3A_65 = arith.constant 0 : i32
      %dma_start3A_66 = tpu.memref_slice %arg4[%add3A_18, %dma_start3A_65] : memref<32768x128xf32, #tpu.memory_space<hbm>> -> memref<128x128xf32, #tpu.memory_space<hbm>>
      %dma_start3A_67 = arith.constant 0 : i32
      %dma_start3A_68 = tpu.memref_slice %arg4[%add3A_18, %dma_start3A_67] : memref<32768x128xf32, #tpu.memory_space<hbm>> -> memref<128x128xf32, #tpu.memory_space<hbm>>
      tpu.enqueue_dma source(%arg6 : memref<128x128xf32, #tpu.memory_space<vmem>>) target(%dma_start3A_68 : memref<128x128xf32, #tpu.memory_space<hbm>>) target_semaphore(%run_scoped3A : memref<!tpu.dma_semaphore, #tpu.memory_space<semaphore_mem>>)
      %dma_wait3A_69 = arith.constant 0 : i32
      %dma_wait3A_70 = tpu.memref_slice %arg4[%add3A_18, %dma_wait3A_69] : memref<32768x128xf32, #tpu.memory_space<hbm>> -> memref<128x128xf32, #tpu.memory_space<hbm>>
      %dma_wait3A_71 = arith.constant 0 : i32
      %dma_wait3A_72 = tpu.memref_slice %arg4[%add3A_18, %dma_wait3A_71] : memref<32768x128xf32, #tpu.memory_space<hbm>> -> memref<128x128xf32, #tpu.memory_space<hbm>>
      tpu.wait_dma2 semaphore(%run_scoped3A : memref<!tpu.dma_semaphore, #tpu.memory_space<semaphore_mem>>) src(%arg6 : memref<128x128xf32, #tpu.memory_space<vmem>>) dst(%dma_wait3A_72 : memref<128x128xf32, #tpu.memory_space<hbm>>)
      tpu.yield
    }) : () -> ()
    %add3A_25 = arith.constant 384 : i32
    %add3A_26 = arith.addi %mul3A_2, %add3A_25 : i32
    "tpu.region"() ({
      %run_scoped3A = tpu.sem_alloc : memref<!tpu.dma_semaphore, #tpu.memory_space<semaphore_mem>>
      %dma_start3A_65 = tpu.memref_slice %arg3[%add3A_26] : memref<32768xi32, #tpu.memory_space<hbm>> -> memref<128xi32, #tpu.memory_space<hbm>>
      %dma_start3A_66 = tpu.memref_slice %arg3[%add3A_26] : memref<32768xi32, #tpu.memory_space<hbm>> -> memref<128xi32, #tpu.memory_space<hbm>>
      tpu.enqueue_dma source(%dma_start3A_66 : memref<128xi32, #tpu.memory_space<hbm>>) target(%arg5 : memref<128xi32, #tpu.memory_space<vmem>>) target_semaphore(%run_scoped3A : memref<!tpu.dma_semaphore, #tpu.memory_space<semaphore_mem>>)
      %dma_wait3A_67 = tpu.memref_slice %arg3[%add3A_26] : memref<32768xi32, #tpu.memory_space<hbm>> -> memref<128xi32, #tpu.memory_space<hbm>>
      %dma_wait3A_68 = tpu.memref_slice %arg3[%add3A_26] : memref<32768xi32, #tpu.memory_space<hbm>> -> memref<128xi32, #tpu.memory_space<hbm>>
      tpu.wait_dma2 semaphore(%run_scoped3A : memref<!tpu.dma_semaphore, #tpu.memory_space<semaphore_mem>>) src(%dma_wait3A_68 : memref<128xi32, #tpu.memory_space<hbm>>) dst(%arg5 : memref<128xi32, #tpu.memory_space<vmem>>)
      tpu.yield
    }) : () -> ()
    %dma_start3A_27 = arith.constant 0 : i32
    %dma_start3A_28 = arith.constant 0 : i32
    %dma_start3A_29 = tpu.memref_slice %arg2[%dma_start3A_27, %dma_start3A_28] : memref<4096x128xf32, #tpu.memory_space<hbm>> -> memref<4096x128xf32, #tpu.memory_space<hbm>>
    tpu.enqueue_indirect_dma source(%dma_start3A_29 : memref<4096x128xf32, #tpu.memory_space<hbm>>) target(%arg6 : memref<128x128xf32, #tpu.memory_space<vmem>>) offsets(%arg5 : memref<128xi32, #tpu.memory_space<vmem>>) semaphore(%arg7 : memref<!tpu.dma_semaphore, #tpu.memory_space<semaphore_mem>>)
    %dma_wait3A_30 = arith.constant 0 : i32
    %dma_wait3A_31 = arith.constant 0 : i32
    %dma_wait3A_32 = tpu.memref_slice %arg2[%dma_wait3A_30, %dma_wait3A_31] : memref<4096x128xf32, #tpu.memory_space<hbm>> -> memref<4096x128xf32, #tpu.memory_space<hbm>>
    tpu.wait_indirect_dma semaphore(%arg7 : memref<!tpu.dma_semaphore, #tpu.memory_space<semaphore_mem>>) src(%dma_wait3A_32 : memref<4096x128xf32, #tpu.memory_space<hbm>>) dst(%arg6 : memref<128x128xf32, #tpu.memory_space<vmem>>)
    "tpu.region"() ({
      %run_scoped3A = tpu.sem_alloc : memref<!tpu.dma_semaphore, #tpu.memory_space<semaphore_mem>>
      %dma_start3A_65 = arith.constant 0 : i32
      %dma_start3A_66 = tpu.memref_slice %arg4[%add3A_26, %dma_start3A_65] : memref<32768x128xf32, #tpu.memory_space<hbm>> -> memref<128x128xf32, #tpu.memory_space<hbm>>
      %dma_start3A_67 = arith.constant 0 : i32
      %dma_start3A_68 = tpu.memref_slice %arg4[%add3A_26, %dma_start3A_67] : memref<32768x128xf32, #tpu.memory_space<hbm>> -> memref<128x128xf32, #tpu.memory_space<hbm>>
      tpu.enqueue_dma source(%arg6 : memref<128x128xf32, #tpu.memory_space<vmem>>) target(%dma_start3A_68 : memref<128x128xf32, #tpu.memory_space<hbm>>) target_semaphore(%run_scoped3A : memref<!tpu.dma_semaphore, #tpu.memory_space<semaphore_mem>>)
      %dma_wait3A_69 = arith.constant 0 : i32
      %dma_wait3A_70 = tpu.memref_slice %arg4[%add3A_26, %dma_wait3A_69] : memref<32768x128xf32, #tpu.memory_space<hbm>> -> memref<128x128xf32, #tpu.memory_space<hbm>>
      %dma_wait3A_71 = arith.constant 0 : i32
      %dma_wait3A_72 = tpu.memref_slice %arg4[%add3A_26, %dma_wait3A_71] : memref<32768x128xf32, #tpu.memory_space<hbm>> -> memref<128x128xf32, #tpu.memory_space<hbm>>
      tpu.wait_dma2 semaphore(%run_scoped3A : memref<!tpu.dma_semaphore, #tpu.memory_space<semaphore_mem>>) src(%arg6 : memref<128x128xf32, #tpu.memory_space<vmem>>) dst(%dma_wait3A_72 : memref<128x128xf32, #tpu.memory_space<hbm>>)
      tpu.yield
    }) : () -> ()
    %add3A_33 = arith.constant 512 : i32
    %add3A_34 = arith.addi %mul3A_2, %add3A_33 : i32
    "tpu.region"() ({
      %run_scoped3A = tpu.sem_alloc : memref<!tpu.dma_semaphore, #tpu.memory_space<semaphore_mem>>
      %dma_start3A_65 = tpu.memref_slice %arg3[%add3A_34] : memref<32768xi32, #tpu.memory_space<hbm>> -> memref<128xi32, #tpu.memory_space<hbm>>
      %dma_start3A_66 = tpu.memref_slice %arg3[%add3A_34] : memref<32768xi32, #tpu.memory_space<hbm>> -> memref<128xi32, #tpu.memory_space<hbm>>
      tpu.enqueue_dma source(%dma_start3A_66 : memref<128xi32, #tpu.memory_space<hbm>>) target(%arg5 : memref<128xi32, #tpu.memory_space<vmem>>) target_semaphore(%run_scoped3A : memref<!tpu.dma_semaphore, #tpu.memory_space<semaphore_mem>>)
      %dma_wait3A_67 = tpu.memref_slice %arg3[%add3A_34] : memref<32768xi32, #tpu.memory_space<hbm>> -> memref<128xi32, #tpu.memory_space<hbm>>
      %dma_wait3A_68 = tpu.memref_slice %arg3[%add3A_34] : memref<32768xi32, #tpu.memory_space<hbm>> -> memref<128xi32, #tpu.memory_space<hbm>>
      tpu.wait_dma2 semaphore(%run_scoped3A : memref<!tpu.dma_semaphore, #tpu.memory_space<semaphore_mem>>) src(%dma_wait3A_68 : memref<128xi32, #tpu.memory_space<hbm>>) dst(%arg5 : memref<128xi32, #tpu.memory_space<vmem>>)
      tpu.yield
    }) : () -> ()
    %dma_start3A_35 = arith.constant 0 : i32
    %dma_start3A_36 = arith.constant 0 : i32
    %dma_start3A_37 = tpu.memref_slice %arg2[%dma_start3A_35, %dma_start3A_36] : memref<4096x128xf32, #tpu.memory_space<hbm>> -> memref<4096x128xf32, #tpu.memory_space<hbm>>
    tpu.enqueue_indirect_dma source(%dma_start3A_37 : memref<4096x128xf32, #tpu.memory_space<hbm>>) target(%arg6 : memref<128x128xf32, #tpu.memory_space<vmem>>) offsets(%arg5 : memref<128xi32, #tpu.memory_space<vmem>>) semaphore(%arg7 : memref<!tpu.dma_semaphore, #tpu.memory_space<semaphore_mem>>)
    %dma_wait3A_38 = arith.constant 0 : i32
    %dma_wait3A_39 = arith.constant 0 : i32
    %dma_wait3A_40 = tpu.memref_slice %arg2[%dma_wait3A_38, %dma_wait3A_39] : memref<4096x128xf32, #tpu.memory_space<hbm>> -> memref<4096x128xf32, #tpu.memory_space<hbm>>
    tpu.wait_indirect_dma semaphore(%arg7 : memref<!tpu.dma_semaphore, #tpu.memory_space<semaphore_mem>>) src(%dma_wait3A_40 : memref<4096x128xf32, #tpu.memory_space<hbm>>) dst(%arg6 : memref<128x128xf32, #tpu.memory_space<vmem>>)
    "tpu.region"() ({
      %run_scoped3A = tpu.sem_alloc : memref<!tpu.dma_semaphore, #tpu.memory_space<semaphore_mem>>
      %dma_start3A_65 = arith.constant 0 : i32
      %dma_start3A_66 = tpu.memref_slice %arg4[%add3A_34, %dma_start3A_65] : memref<32768x128xf32, #tpu.memory_space<hbm>> -> memref<128x128xf32, #tpu.memory_space<hbm>>
      %dma_start3A_67 = arith.constant 0 : i32
      %dma_start3A_68 = tpu.memref_slice %arg4[%add3A_34, %dma_start3A_67] : memref<32768x128xf32, #tpu.memory_space<hbm>> -> memref<128x128xf32, #tpu.memory_space<hbm>>
      tpu.enqueue_dma source(%arg6 : memref<128x128xf32, #tpu.memory_space<vmem>>) target(%dma_start3A_68 : memref<128x128xf32, #tpu.memory_space<hbm>>) target_semaphore(%run_scoped3A : memref<!tpu.dma_semaphore, #tpu.memory_space<semaphore_mem>>)
      %dma_wait3A_69 = arith.constant 0 : i32
      %dma_wait3A_70 = tpu.memref_slice %arg4[%add3A_34, %dma_wait3A_69] : memref<32768x128xf32, #tpu.memory_space<hbm>> -> memref<128x128xf32, #tpu.memory_space<hbm>>
      %dma_wait3A_71 = arith.constant 0 : i32
      %dma_wait3A_72 = tpu.memref_slice %arg4[%add3A_34, %dma_wait3A_71] : memref<32768x128xf32, #tpu.memory_space<hbm>> -> memref<128x128xf32, #tpu.memory_space<hbm>>
      tpu.wait_dma2 semaphore(%run_scoped3A : memref<!tpu.dma_semaphore, #tpu.memory_space<semaphore_mem>>) src(%arg6 : memref<128x128xf32, #tpu.memory_space<vmem>>) dst(%dma_wait3A_72 : memref<128x128xf32, #tpu.memory_space<hbm>>)
      tpu.yield
    }) : () -> ()
    %add3A_41 = arith.constant 640 : i32
    %add3A_42 = arith.addi %mul3A_2, %add3A_41 : i32
    "tpu.region"() ({
      %run_scoped3A = tpu.sem_alloc : memref<!tpu.dma_semaphore, #tpu.memory_space<semaphore_mem>>
      %dma_start3A_65 = tpu.memref_slice %arg3[%add3A_42] : memref<32768xi32, #tpu.memory_space<hbm>> -> memref<128xi32, #tpu.memory_space<hbm>>
      %dma_start3A_66 = tpu.memref_slice %arg3[%add3A_42] : memref<32768xi32, #tpu.memory_space<hbm>> -> memref<128xi32, #tpu.memory_space<hbm>>
      tpu.enqueue_dma source(%dma_start3A_66 : memref<128xi32, #tpu.memory_space<hbm>>) target(%arg5 : memref<128xi32, #tpu.memory_space<vmem>>) target_semaphore(%run_scoped3A : memref<!tpu.dma_semaphore, #tpu.memory_space<semaphore_mem>>)
      %dma_wait3A_67 = tpu.memref_slice %arg3[%add3A_42] : memref<32768xi32, #tpu.memory_space<hbm>> -> memref<128xi32, #tpu.memory_space<hbm>>
      %dma_wait3A_68 = tpu.memref_slice %arg3[%add3A_42] : memref<32768xi32, #tpu.memory_space<hbm>> -> memref<128xi32, #tpu.memory_space<hbm>>
      tpu.wait_dma2 semaphore(%run_scoped3A : memref<!tpu.dma_semaphore, #tpu.memory_space<semaphore_mem>>) src(%dma_wait3A_68 : memref<128xi32, #tpu.memory_space<hbm>>) dst(%arg5 : memref<128xi32, #tpu.memory_space<vmem>>)
      tpu.yield
    }) : () -> ()
    %dma_start3A_43 = arith.constant 0 : i32
    %dma_start3A_44 = arith.constant 0 : i32
    %dma_start3A_45 = tpu.memref_slice %arg2[%dma_start3A_43, %dma_start3A_44] : memref<4096x128xf32, #tpu.memory_space<hbm>> -> memref<4096x128xf32, #tpu.memory_space<hbm>>
    tpu.enqueue_indirect_dma source(%dma_start3A_45 : memref<4096x128xf32, #tpu.memory_space<hbm>>) target(%arg6 : memref<128x128xf32, #tpu.memory_space<vmem>>) offsets(%arg5 : memref<128xi32, #tpu.memory_space<vmem>>) semaphore(%arg7 : memref<!tpu.dma_semaphore, #tpu.memory_space<semaphore_mem>>)
    %dma_wait3A_46 = arith.constant 0 : i32
    %dma_wait3A_47 = arith.constant 0 : i32
    %dma_wait3A_48 = tpu.memref_slice %arg2[%dma_wait3A_46, %dma_wait3A_47] : memref<4096x128xf32, #tpu.memory_space<hbm>> -> memref<4096x128xf32, #tpu.memory_space<hbm>>
    tpu.wait_indirect_dma semaphore(%arg7 : memref<!tpu.dma_semaphore, #tpu.memory_space<semaphore_mem>>) src(%dma_wait3A_48 : memref<4096x128xf32, #tpu.memory_space<hbm>>) dst(%arg6 : memref<128x128xf32, #tpu.memory_space<vmem>>)
    "tpu.region"() ({
      %run_scoped3A = tpu.sem_alloc : memref<!tpu.dma_semaphore, #tpu.memory_space<semaphore_mem>>
      %dma_start3A_65 = arith.constant 0 : i32
      %dma_start3A_66 = tpu.memref_slice %arg4[%add3A_42, %dma_start3A_65] : memref<32768x128xf32, #tpu.memory_space<hbm>> -> memref<128x128xf32, #tpu.memory_space<hbm>>
      %dma_start3A_67 = arith.constant 0 : i32
      %dma_start3A_68 = tpu.memref_slice %arg4[%add3A_42, %dma_start3A_67] : memref<32768x128xf32, #tpu.memory_space<hbm>> -> memref<128x128xf32, #tpu.memory_space<hbm>>
      tpu.enqueue_dma source(%arg6 : memref<128x128xf32, #tpu.memory_space<vmem>>) target(%dma_start3A_68 : memref<128x128xf32, #tpu.memory_space<hbm>>) target_semaphore(%run_scoped3A : memref<!tpu.dma_semaphore, #tpu.memory_space<semaphore_mem>>)
      %dma_wait3A_69 = arith.constant 0 : i32
      %dma_wait3A_70 = tpu.memref_slice %arg4[%add3A_42, %dma_wait3A_69] : memref<32768x128xf32, #tpu.memory_space<hbm>> -> memref<128x128xf32, #tpu.memory_space<hbm>>
      %dma_wait3A_71 = arith.constant 0 : i32
      %dma_wait3A_72 = tpu.memref_slice %arg4[%add3A_42, %dma_wait3A_71] : memref<32768x128xf32, #tpu.memory_space<hbm>> -> memref<128x128xf32, #tpu.memory_space<hbm>>
      tpu.wait_dma2 semaphore(%run_scoped3A : memref<!tpu.dma_semaphore, #tpu.memory_space<semaphore_mem>>) src(%arg6 : memref<128x128xf32, #tpu.memory_space<vmem>>) dst(%dma_wait3A_72 : memref<128x128xf32, #tpu.memory_space<hbm>>)
      tpu.yield
    }) : () -> ()
    %add3A_49 = arith.constant 768 : i32
    %add3A_50 = arith.addi %mul3A_2, %add3A_49 : i32
    "tpu.region"() ({
      %run_scoped3A = tpu.sem_alloc : memref<!tpu.dma_semaphore, #tpu.memory_space<semaphore_mem>>
      %dma_start3A_65 = tpu.memref_slice %arg3[%add3A_50] : memref<32768xi32, #tpu.memory_space<hbm>> -> memref<128xi32, #tpu.memory_space<hbm>>
      %dma_start3A_66 = tpu.memref_slice %arg3[%add3A_50] : memref<32768xi32, #tpu.memory_space<hbm>> -> memref<128xi32, #tpu.memory_space<hbm>>
      tpu.enqueue_dma source(%dma_start3A_66 : memref<128xi32, #tpu.memory_space<hbm>>) target(%arg5 : memref<128xi32, #tpu.memory_space<vmem>>) target_semaphore(%run_scoped3A : memref<!tpu.dma_semaphore, #tpu.memory_space<semaphore_mem>>)
      %dma_wait3A_67 = tpu.memref_slice %arg3[%add3A_50] : memref<32768xi32, #tpu.memory_space<hbm>> -> memref<128xi32, #tpu.memory_space<hbm>>
      %dma_wait3A_68 = tpu.memref_slice %arg3[%add3A_50] : memref<32768xi32, #tpu.memory_space<hbm>> -> memref<128xi32, #tpu.memory_space<hbm>>
      tpu.wait_dma2 semaphore(%run_scoped3A : memref<!tpu.dma_semaphore, #tpu.memory_space<semaphore_mem>>) src(%dma_wait3A_68 : memref<128xi32, #tpu.memory_space<hbm>>) dst(%arg5 : memref<128xi32, #tpu.memory_space<vmem>>)
      tpu.yield
    }) : () -> ()
    %dma_start3A_51 = arith.constant 0 : i32
    %dma_start3A_52 = arith.constant 0 : i32
    %dma_start3A_53 = tpu.memref_slice %arg2[%dma_start3A_51, %dma_start3A_52] : memref<4096x128xf32, #tpu.memory_space<hbm>> -> memref<4096x128xf32, #tpu.memory_space<hbm>>
    tpu.enqueue_indirect_dma source(%dma_start3A_53 : memref<4096x128xf32, #tpu.memory_space<hbm>>) target(%arg6 : memref<128x128xf32, #tpu.memory_space<vmem>>) offsets(%arg5 : memref<128xi32, #tpu.memory_space<vmem>>) semaphore(%arg7 : memref<!tpu.dma_semaphore, #tpu.memory_space<semaphore_mem>>)
    %dma_wait3A_54 = arith.constant 0 : i32
    %dma_wait3A_55 = arith.constant 0 : i32
    %dma_wait3A_56 = tpu.memref_slice %arg2[%dma_wait3A_54, %dma_wait3A_55] : memref<4096x128xf32, #tpu.memory_space<hbm>> -> memref<4096x128xf32, #tpu.memory_space<hbm>>
    tpu.wait_indirect_dma semaphore(%arg7 : memref<!tpu.dma_semaphore, #tpu.memory_space<semaphore_mem>>) src(%dma_wait3A_56 : memref<4096x128xf32, #tpu.memory_space<hbm>>) dst(%arg6 : memref<128x128xf32, #tpu.memory_space<vmem>>)
    "tpu.region"() ({
      %run_scoped3A = tpu.sem_alloc : memref<!tpu.dma_semaphore, #tpu.memory_space<semaphore_mem>>
      %dma_start3A_65 = arith.constant 0 : i32
      %dma_start3A_66 = tpu.memref_slice %arg4[%add3A_50, %dma_start3A_65] : memref<32768x128xf32, #tpu.memory_space<hbm>> -> memref<128x128xf32, #tpu.memory_space<hbm>>
      %dma_start3A_67 = arith.constant 0 : i32
      %dma_start3A_68 = tpu.memref_slice %arg4[%add3A_50, %dma_start3A_67] : memref<32768x128xf32, #tpu.memory_space<hbm>> -> memref<128x128xf32, #tpu.memory_space<hbm>>
      tpu.enqueue_dma source(%arg6 : memref<128x128xf32, #tpu.memory_space<vmem>>) target(%dma_start3A_68 : memref<128x128xf32, #tpu.memory_space<hbm>>) target_semaphore(%run_scoped3A : memref<!tpu.dma_semaphore, #tpu.memory_space<semaphore_mem>>)
      %dma_wait3A_69 = arith.constant 0 : i32
      %dma_wait3A_70 = tpu.memref_slice %arg4[%add3A_50, %dma_wait3A_69] : memref<32768x128xf32, #tpu.memory_space<hbm>> -> memref<128x128xf32, #tpu.memory_space<hbm>>
      %dma_wait3A_71 = arith.constant 0 : i32
      %dma_wait3A_72 = tpu.memref_slice %arg4[%add3A_50, %dma_wait3A_71] : memref<32768x128xf32, #tpu.memory_space<hbm>> -> memref<128x128xf32, #tpu.memory_space<hbm>>
      tpu.wait_dma2 semaphore(%run_scoped3A : memref<!tpu.dma_semaphore, #tpu.memory_space<semaphore_mem>>) src(%arg6 : memref<128x128xf32, #tpu.memory_space<vmem>>) dst(%dma_wait3A_72 : memref<128x128xf32, #tpu.memory_space<hbm>>)
      tpu.yield
    }) : () -> ()
    %add3A_57 = arith.constant 896 : i32
    %add3A_58 = arith.addi %mul3A_2, %add3A_57 : i32
    "tpu.region"() ({
      %run_scoped3A = tpu.sem_alloc : memref<!tpu.dma_semaphore, #tpu.memory_space<semaphore_mem>>
      %dma_start3A_65 = tpu.memref_slice %arg3[%add3A_58] : memref<32768xi32, #tpu.memory_space<hbm>> -> memref<128xi32, #tpu.memory_space<hbm>>
      %dma_start3A_66 = tpu.memref_slice %arg3[%add3A_58] : memref<32768xi32, #tpu.memory_space<hbm>> -> memref<128xi32, #tpu.memory_space<hbm>>
      tpu.enqueue_dma source(%dma_start3A_66 : memref<128xi32, #tpu.memory_space<hbm>>) target(%arg5 : memref<128xi32, #tpu.memory_space<vmem>>) target_semaphore(%run_scoped3A : memref<!tpu.dma_semaphore, #tpu.memory_space<semaphore_mem>>)
      %dma_wait3A_67 = tpu.memref_slice %arg3[%add3A_58] : memref<32768xi32, #tpu.memory_space<hbm>> -> memref<128xi32, #tpu.memory_space<hbm>>
      %dma_wait3A_68 = tpu.memref_slice %arg3[%add3A_58] : memref<32768xi32, #tpu.memory_space<hbm>> -> memref<128xi32, #tpu.memory_space<hbm>>
      tpu.wait_dma2 semaphore(%run_scoped3A : memref<!tpu.dma_semaphore, #tpu.memory_space<semaphore_mem>>) src(%dma_wait3A_68 : memref<128xi32, #tpu.memory_space<hbm>>) dst(%arg5 : memref<128xi32, #tpu.memory_space<vmem>>)
      tpu.yield
    }) : () -> ()
    %dma_start3A_59 = arith.constant 0 : i32
    %dma_start3A_60 = arith.constant 0 : i32
    %dma_start3A_61 = tpu.memref_slice %arg2[%dma_start3A_59, %dma_start3A_60] : memref<4096x128xf32, #tpu.memory_space<hbm>> -> memref<4096x128xf32, #tpu.memory_space<hbm>>
    tpu.enqueue_indirect_dma source(%dma_start3A_61 : memref<4096x128xf32, #tpu.memory_space<hbm>>) target(%arg6 : memref<128x128xf32, #tpu.memory_space<vmem>>) offsets(%arg5 : memref<128xi32, #tpu.memory_space<vmem>>) semaphore(%arg7 : memref<!tpu.dma_semaphore, #tpu.memory_space<semaphore_mem>>)
    %dma_wait3A_62 = arith.constant 0 : i32
    %dma_wait3A_63 = arith.constant 0 : i32
    %dma_wait3A_64 = tpu.memref_slice %arg2[%dma_wait3A_62, %dma_wait3A_63] : memref<4096x128xf32, #tpu.memory_space<hbm>> -> memref<4096x128xf32, #tpu.memory_space<hbm>>
    tpu.wait_indirect_dma semaphore(%arg7 : memref<!tpu.dma_semaphore, #tpu.memory_space<semaphore_mem>>) src(%dma_wait3A_64 : memref<4096x128xf32, #tpu.memory_space<hbm>>) dst(%arg6 : memref<128x128xf32, #tpu.memory_space<vmem>>)
    "tpu.region"() ({
      %run_scoped3A = tpu.sem_alloc : memref<!tpu.dma_semaphore, #tpu.memory_space<semaphore_mem>>
      %dma_start3A_65 = arith.constant 0 : i32
      %dma_start3A_66 = tpu.memref_slice %arg4[%add3A_58, %dma_start3A_65] : memref<32768x128xf32, #tpu.memory_space<hbm>> -> memref<128x128xf32, #tpu.memory_space<hbm>>
      %dma_start3A_67 = arith.constant 0 : i32
      %dma_start3A_68 = tpu.memref_slice %arg4[%add3A_58, %dma_start3A_67] : memref<32768x128xf32, #tpu.memory_space<hbm>> -> memref<128x128xf32, #tpu.memory_space<hbm>>
      tpu.enqueue_dma source(%arg6 : memref<128x128xf32, #tpu.memory_space<vmem>>) target(%dma_start3A_68 : memref<128x128xf32, #tpu.memory_space<hbm>>) target_semaphore(%run_scoped3A : memref<!tpu.dma_semaphore, #tpu.memory_space<semaphore_mem>>)
      %dma_wait3A_69 = arith.constant 0 : i32
      %dma_wait3A_70 = tpu.memref_slice %arg4[%add3A_58, %dma_wait3A_69] : memref<32768x128xf32, #tpu.memory_space<hbm>> -> memref<128x128xf32, #tpu.memory_space<hbm>>
      %dma_wait3A_71 = arith.constant 0 : i32
      %dma_wait3A_72 = tpu.memref_slice %arg4[%add3A_58, %dma_wait3A_71] : memref<32768x128xf32, #tpu.memory_space<hbm>> -> memref<128x128xf32, #tpu.memory_space<hbm>>
      tpu.wait_dma2 semaphore(%run_scoped3A : memref<!tpu.dma_semaphore, #tpu.memory_space<semaphore_mem>>) src(%arg6 : memref<128x128xf32, #tpu.memory_space<vmem>>) dst(%dma_wait3A_72 : memref<128x128xf32, #tpu.memory_space<hbm>>)
      tpu.yield
    }) : () -> ()
    return
  }
}

#map = affine_map<(d0, d1) -> (0, 0)>
#map1 = affine_map<(d0, d1) -> (0)>
module attributes {stable_mosaic.version = 14 : i64} {
  func.func @gk(%arg0: i32, %arg1: i32, %arg2: memref<4096x128xf32, #tpu.memory_space<hbm>>, %arg3: memref<32768xi32, #tpu.memory_space<hbm>>, %arg4: memref<32768x128xf32, #tpu.memory_space<hbm>>, %arg5: memref<128xi32, #tpu.memory_space<vmem>>, %arg6: memref<128x128xf32, #tpu.memory_space<vmem>>, %arg7: memref<!tpu.dma_semaphore, #tpu.memory_space<semaphore_mem>>) attributes {dimension_semantics = [#tpu.dimension_semantics<core_parallel>, #tpu.dimension_semantics<subcore_parallel>], iteration_bounds = array<i64: 2, 16>, scalar_prefetch = 0 : i64, scratch_operands = 3 : i64, tpu.core_type = #tpu.core_type<sc_vector_subcore>, window_params = [{transform_indices = #map}, {transform_indices = #map1}, {transform_indices = #map}]} {
    %mul3A = arith.constant 2 : i32
    %mul3A_0 = arith.muli %arg1, %mul3A : i32
    %add3A = arith.addi %mul3A_0, %arg0 : i32
    %mul3A_1 = arith.constant 1024 : i32
    %mul3A_2 = arith.muli %add3A, %mul3A_1 : i32
    %add3A_3 = arith.constant 0 : i32
    %add3A_4 = arith.addi %mul3A_2, %add3A_3 : i32
    "tpu.region"() ({
      %run_scoped3A = tpu.sem_alloc : memref<!tpu.dma_semaphore, #tpu.memory_space<semaphore_mem>>
      %dma_start3A_65 = tpu.memref_slice %arg3[%add3A_4] : memref<32768xi32, #tpu.memory_space<hbm>> -> memref<128xi32, #tpu.memory_space<hbm>>
      %dma_start3A_66 = tpu.memref_slice %arg3[%add3A_4] : memref<32768xi32, #tpu.memory_space<hbm>> -> memref<128xi32, #tpu.memory_space<hbm>>
      tpu.enqueue_dma source(%dma_start3A_66 : memref<128xi32, #tpu.memory_space<hbm>>) target(%arg5 : memref<128xi32, #tpu.memory_space<vmem>>) target_semaphore(%run_scoped3A : memref<!tpu.dma_semaphore, #tpu.memory_space<semaphore_mem>>)
      %dma_wait3A_67 = tpu.memref_slice %arg3[%add3A_4] : memref<32768xi32, #tpu.memory_space<hbm>> -> memref<128xi32, #tpu.memory_space<hbm>>
      %dma_wait3A_68 = tpu.memref_slice %arg3[%add3A_4] : memref<32768xi32, #tpu.memory_space<hbm>> -> memref<128xi32, #tpu.memory_space<hbm>>
      tpu.wait_dma2 semaphore(%run_scoped3A : memref<!tpu.dma_semaphore, #tpu.memory_space<semaphore_mem>>) src(%dma_wait3A_68 : memref<128xi32, #tpu.memory_space<hbm>>) dst(%arg5 : memref<128xi32, #tpu.memory_space<vmem>>)
      tpu.yield
    }) : () -> ()
    %dma_start3A = arith.constant 0 : i32
    %dma_start3A_5 = arith.constant 0 : i32
    %dma_start3A_6 = tpu.memref_slice %arg2[%dma_start3A, %dma_start3A_5] : memref<4096x128xf32, #tpu.memory_space<hbm>> -> memref<4096x128xf32, #tpu.memory_space<hbm>>
    tpu.enqueue_indirect_dma source(%dma_start3A_6 : memref<4096x128xf32, #tpu.memory_space<hbm>>) target(%arg6 : memref<128x128xf32, #tpu.memory_space<vmem>>) offsets(%arg5 : memref<128xi32, #tpu.memory_space<vmem>>) semaphore(%arg7 : memref<!tpu.dma_semaphore, #tpu.memory_space<semaphore_mem>>)
    %dma_wait3A = arith.constant 0 : i32
    %dma_wait3A_7 = arith.constant 0 : i32
    %dma_wait3A_8 = tpu.memref_slice %arg2[%dma_wait3A, %dma_wait3A_7] : memref<4096x128xf32, #tpu.memory_space<hbm>> -> memref<4096x128xf32, #tpu.memory_space<hbm>>
    tpu.wait_indirect_dma semaphore(%arg7 : memref<!tpu.dma_semaphore, #tpu.memory_space<semaphore_mem>>) src(%dma_wait3A_8 : memref<4096x128xf32, #tpu.memory_space<hbm>>) dst(%arg6 : memref<128x128xf32, #tpu.memory_space<vmem>>)
    "tpu.region"() ({
      %run_scoped3A = tpu.sem_alloc : memref<!tpu.dma_semaphore, #tpu.memory_space<semaphore_mem>>
      %dma_start3A_65 = arith.constant 0 : i32
      %dma_start3A_66 = tpu.memref_slice %arg4[%add3A_4, %dma_start3A_65] : memref<32768x128xf32, #tpu.memory_space<hbm>> -> memref<128x128xf32, #tpu.memory_space<hbm>>
      %dma_start3A_67 = arith.constant 0 : i32
      %dma_start3A_68 = tpu.memref_slice %arg4[%add3A_4, %dma_start3A_67] : memref<32768x128xf32, #tpu.memory_space<hbm>> -> memref<128x128xf32, #tpu.memory_space<hbm>>
      tpu.enqueue_dma source(%arg6 : memref<128x128xf32, #tpu.memory_space<vmem>>) target(%dma_start3A_68 : memref<128x128xf32, #tpu.memory_space<hbm>>) target_semaphore(%run_scoped3A : memref<!tpu.dma_semaphore, #tpu.memory_space<semaphore_mem>>)
      %dma_wait3A_69 = arith.constant 0 : i32
      %dma_wait3A_70 = tpu.memref_slice %arg4[%add3A_4, %dma_wait3A_69] : memref<32768x128xf32, #tpu.memory_space<hbm>> -> memref<128x128xf32, #tpu.memory_space<hbm>>
      %dma_wait3A_71 = arith.constant 0 : i32
      %dma_wait3A_72 = tpu.memref_slice %arg4[%add3A_4, %dma_wait3A_71] : memref<32768x128xf32, #tpu.memory_space<hbm>> -> memref<128x128xf32, #tpu.memory_space<hbm>>
      tpu.wait_dma2 semaphore(%run_scoped3A : memref<!tpu.dma_semaphore, #tpu.memory_space<semaphore_mem>>) src(%arg6 : memref<128x128xf32, #tpu.memory_space<vmem>>) dst(%dma_wait3A_72 : memref<128x128xf32, #tpu.memory_space<hbm>>)
      tpu.yield
    }) : () -> ()
    %add3A_9 = arith.constant 128 : i32
    %add3A_10 = arith.addi %mul3A_2, %add3A_9 : i32
    "tpu.region"() ({
      %run_scoped3A = tpu.sem_alloc : memref<!tpu.dma_semaphore, #tpu.memory_space<semaphore_mem>>
      %dma_start3A_65 = tpu.memref_slice %arg3[%add3A_10] : memref<32768xi32, #tpu.memory_space<hbm>> -> memref<128xi32, #tpu.memory_space<hbm>>
      %dma_start3A_66 = tpu.memref_slice %arg3[%add3A_10] : memref<32768xi32, #tpu.memory_space<hbm>> -> memref<128xi32, #tpu.memory_space<hbm>>
      tpu.enqueue_dma source(%dma_start3A_66 : memref<128xi32, #tpu.memory_space<hbm>>) target(%arg5 : memref<128xi32, #tpu.memory_space<vmem>>) target_semaphore(%run_scoped3A : memref<!tpu.dma_semaphore, #tpu.memory_space<semaphore_mem>>)
      %dma_wait3A_67 = tpu.memref_slice %arg3[%add3A_10] : memref<32768xi32, #tpu.memory_space<hbm>> -> memref<128xi32, #tpu.memory_space<hbm>>
      %dma_wait3A_68 = tpu.memref_slice %arg3[%add3A_10] : memref<32768xi32, #tpu.memory_space<hbm>> -> memref<128xi32, #tpu.memory_space<hbm>>
      tpu.wait_dma2 semaphore(%run_scoped3A : memref<!tpu.dma_semaphore, #tpu.memory_space<semaphore_mem>>) src(%dma_wait3A_68 : memref<128xi32, #tpu.memory_space<hbm>>) dst(%arg5 : memref<128xi32, #tpu.memory_space<vmem>>)
      tpu.yield
    }) : () -> ()
    %dma_start3A_11 = arith.constant 0 : i32
    %dma_start3A_12 = arith.constant 0 : i32
    %dma_start3A_13 = tpu.memref_slice %arg2[%dma_start3A_11, %dma_start3A_12] : memref<4096x128xf32, #tpu.memory_space<hbm>> -> memref<4096x128xf32, #tpu.memory_space<hbm>>
    tpu.enqueue_indirect_dma source(%dma_start3A_13 : memref<4096x128xf32, #tpu.memory_space<hbm>>) target(%arg6 : memref<128x128xf32, #tpu.memory_space<vmem>>) offsets(%arg5 : memref<128xi32, #tpu.memory_space<vmem>>) semaphore(%arg7 : memref<!tpu.dma_semaphore, #tpu.memory_space<semaphore_mem>>)
    %dma_wait3A_14 = arith.constant 0 : i32
    %dma_wait3A_15 = arith.constant 0 : i32
    %dma_wait3A_16 = tpu.memref_slice %arg2[%dma_wait3A_14, %dma_wait3A_15] : memref<4096x128xf32, #tpu.memory_space<hbm>> -> memref<4096x128xf32, #tpu.memory_space<hbm>>
    tpu.wait_indirect_dma semaphore(%arg7 : memref<!tpu.dma_semaphore, #tpu.memory_space<semaphore_mem>>) src(%dma_wait3A_16 : memref<4096x128xf32, #tpu.memory_space<hbm>>) dst(%arg6 : memref<128x128xf32, #tpu.memory_space<vmem>>)
    "tpu.region"() ({
      %run_scoped3A = tpu.sem_alloc : memref<!tpu.dma_semaphore, #tpu.memory_space<semaphore_mem>>
      %dma_start3A_65 = arith.constant 0 : i32
      %dma_start3A_66 = tpu.memref_slice %arg4[%add3A_10, %dma_start3A_65] : memref<32768x128xf32, #tpu.memory_space<hbm>> -> memref<128x128xf32, #tpu.memory_space<hbm>>
      %dma_start3A_67 = arith.constant 0 : i32
      %dma_start3A_68 = tpu.memref_slice %arg4[%add3A_10, %dma_start3A_67] : memref<32768x128xf32, #tpu.memory_space<hbm>> -> memref<128x128xf32, #tpu.memory_space<hbm>>
      tpu.enqueue_dma source(%arg6 : memref<128x128xf32, #tpu.memory_space<vmem>>) target(%dma_start3A_68 : memref<128x128xf32, #tpu.memory_space<hbm>>) target_semaphore(%run_scoped3A : memref<!tpu.dma_semaphore, #tpu.memory_space<semaphore_mem>>)
      %dma_wait3A_69 = arith.constant 0 : i32
      %dma_wait3A_70 = tpu.memref_slice %arg4[%add3A_10, %dma_wait3A_69] : memref<32768x128xf32, #tpu.memory_space<hbm>> -> memref<128x128xf32, #tpu.memory_space<hbm>>
      %dma_wait3A_71 = arith.constant 0 : i32
      %dma_wait3A_72 = tpu.memref_slice %arg4[%add3A_10, %dma_wait3A_71] : memref<32768x128xf32, #tpu.memory_space<hbm>> -> memref<128x128xf32, #tpu.memory_space<hbm>>
      tpu.wait_dma2 semaphore(%run_scoped3A : memref<!tpu.dma_semaphore, #tpu.memory_space<semaphore_mem>>) src(%arg6 : memref<128x128xf32, #tpu.memory_space<vmem>>) dst(%dma_wait3A_72 : memref<128x128xf32, #tpu.memory_space<hbm>>)
      tpu.yield
    }) : () -> ()
    %add3A_17 = arith.constant 256 : i32
    %add3A_18 = arith.addi %mul3A_2, %add3A_17 : i32
    "tpu.region"() ({
      %run_scoped3A = tpu.sem_alloc : memref<!tpu.dma_semaphore, #tpu.memory_space<semaphore_mem>>
      %dma_start3A_65 = tpu.memref_slice %arg3[%add3A_18] : memref<32768xi32, #tpu.memory_space<hbm>> -> memref<128xi32, #tpu.memory_space<hbm>>
      %dma_start3A_66 = tpu.memref_slice %arg3[%add3A_18] : memref<32768xi32, #tpu.memory_space<hbm>> -> memref<128xi32, #tpu.memory_space<hbm>>
      tpu.enqueue_dma source(%dma_start3A_66 : memref<128xi32, #tpu.memory_space<hbm>>) target(%arg5 : memref<128xi32, #tpu.memory_space<vmem>>) target_semaphore(%run_scoped3A : memref<!tpu.dma_semaphore, #tpu.memory_space<semaphore_mem>>)
      %dma_wait3A_67 = tpu.memref_slice %arg3[%add3A_18] : memref<32768xi32, #tpu.memory_space<hbm>> -> memref<128xi32, #tpu.memory_space<hbm>>
      %dma_wait3A_68 = tpu.memref_slice %arg3[%add3A_18] : memref<32768xi32, #tpu.memory_space<hbm>> -> memref<128xi32, #tpu.memory_space<hbm>>
      tpu.wait_dma2 semaphore(%run_scoped3A : memref<!tpu.dma_semaphore, #tpu.memory_space<semaphore_mem>>) src(%dma_wait3A_68 : memref<128xi32, #tpu.memory_space<hbm>>) dst(%arg5 : memref<128xi32, #tpu.memory_space<vmem>>)
      tpu.yield
    }) : () -> ()
    %dma_start3A_19 = arith.constant 0 : i32
    %dma_start3A_20 = arith.constant 0 : i32
    %dma_start3A_21 = tpu.memref_slice %arg2[%dma_start3A_19, %dma_start3A_20] : memref<4096x128xf32, #tpu.memory_space<hbm>> -> memref<4096x128xf32, #tpu.memory_space<hbm>>
    tpu.enqueue_indirect_dma source(%dma_start3A_21 : memref<4096x128xf32, #tpu.memory_space<hbm>>) target(%arg6 : memref<128x128xf32, #tpu.memory_space<vmem>>) offsets(%arg5 : memref<128xi32, #tpu.memory_space<vmem>>) semaphore(%arg7 : memref<!tpu.dma_semaphore, #tpu.memory_space<semaphore_mem>>)
    %dma_wait3A_22 = arith.constant 0 : i32
    %dma_wait3A_23 = arith.constant 0 : i32
    %dma_wait3A_24 = tpu.memref_slice %arg2[%dma_wait3A_22, %dma_wait3A_23] : memref<4096x128xf32, #tpu.memory_space<hbm>> -> memref<4096x128xf32, #tpu.memory_space<hbm>>
    tpu.wait_indirect_dma semaphore(%arg7 : memref<!tpu.dma_semaphore, #tpu.memory_space<semaphore_mem>>) src(%dma_wait3A_24 : memref<4096x128xf32, #tpu.memory_space<hbm>>) dst(%arg6 : memref<128x128xf32, #tpu.memory_space<vmem>>)
    "tpu.region"() ({
      %run_scoped3A = tpu.sem_alloc : memref<!tpu.dma_semaphore, #tpu.memory_space<semaphore_mem>>
      %dma_start3A_65 = arith.constant 0 : i32
      %dma_start3A_66 = tpu.memref_slice %arg4[%add3A_18, %dma_start3A_65] : memref<32768x128xf32, #tpu.memory_space<hbm>> -> memref<128x128xf32, #tpu.memory_space<hbm>>
      %dma_start3A_67 = arith.constant 0 : i32
      %dma_start3A_68 = tpu.memref_slice %arg4[%add3A_18, %dma_start3A_67] : memref<32768x128xf32, #tpu.memory_space<hbm>> -> memref<128x128xf32, #tpu.memory_space<hbm>>
      tpu.enqueue_dma source(%arg6 : memref<128x128xf32, #tpu.memory_space<vmem>>) target(%dma_start3A_68 : memref<128x128xf32, #tpu.memory_space<hbm>>) target_semaphore(%run_scoped3A : memref<!tpu.dma_semaphore, #tpu.memory_space<semaphore_mem>>)
      %dma_wait3A_69 = arith.constant 0 : i32
      %dma_wait3A_70 = tpu.memref_slice %arg4[%add3A_18, %dma_wait3A_69] : memref<32768x128xf32, #tpu.memory_space<hbm>> -> memref<128x128xf32, #tpu.memory_space<hbm>>
      %dma_wait3A_71 = arith.constant 0 : i32
      %dma_wait3A_72 = tpu.memref_slice %arg4[%add3A_18, %dma_wait3A_71] : memref<32768x128xf32, #tpu.memory_space<hbm>> -> memref<128x128xf32, #tpu.memory_space<hbm>>
      tpu.wait_dma2 semaphore(%run_scoped3A : memref<!tpu.dma_semaphore, #tpu.memory_space<semaphore_mem>>) src(%arg6 : memref<128x128xf32, #tpu.memory_space<vmem>>) dst(%dma_wait3A_72 : memref<128x128xf32, #tpu.memory_space<hbm>>)
      tpu.yield
    }) : () -> ()
    %add3A_25 = arith.constant 384 : i32
    %add3A_26 = arith.addi %mul3A_2, %add3A_25 : i32
    "tpu.region"() ({
      %run_scoped3A = tpu.sem_alloc : memref<!tpu.dma_semaphore, #tpu.memory_space<semaphore_mem>>
      %dma_start3A_65 = tpu.memref_slice %arg3[%add3A_26] : memref<32768xi32, #tpu.memory_space<hbm>> -> memref<128xi32, #tpu.memory_space<hbm>>
      %dma_start3A_66 = tpu.memref_slice %arg3[%add3A_26] : memref<32768xi32, #tpu.memory_space<hbm>> -> memref<128xi32, #tpu.memory_space<hbm>>
      tpu.enqueue_dma source(%dma_start3A_66 : memref<128xi32, #tpu.memory_space<hbm>>) target(%arg5 : memref<128xi32, #tpu.memory_space<vmem>>) target_semaphore(%run_scoped3A : memref<!tpu.dma_semaphore, #tpu.memory_space<semaphore_mem>>)
      %dma_wait3A_67 = tpu.memref_slice %arg3[%add3A_26] : memref<32768xi32, #tpu.memory_space<hbm>> -> memref<128xi32, #tpu.memory_space<hbm>>
      %dma_wait3A_68 = tpu.memref_slice %arg3[%add3A_26] : memref<32768xi32, #tpu.memory_space<hbm>> -> memref<128xi32, #tpu.memory_space<hbm>>
      tpu.wait_dma2 semaphore(%run_scoped3A : memref<!tpu.dma_semaphore, #tpu.memory_space<semaphore_mem>>) src(%dma_wait3A_68 : memref<128xi32, #tpu.memory_space<hbm>>) dst(%arg5 : memref<128xi32, #tpu.memory_space<vmem>>)
      tpu.yield
    }) : () -> ()
    %dma_start3A_27 = arith.constant 0 : i32
    %dma_start3A_28 = arith.constant 0 : i32
    %dma_start3A_29 = tpu.memref_slice %arg2[%dma_start3A_27, %dma_start3A_28] : memref<4096x128xf32, #tpu.memory_space<hbm>> -> memref<4096x128xf32, #tpu.memory_space<hbm>>
    tpu.enqueue_indirect_dma source(%dma_start3A_29 : memref<4096x128xf32, #tpu.memory_space<hbm>>) target(%arg6 : memref<128x128xf32, #tpu.memory_space<vmem>>) offsets(%arg5 : memref<128xi32, #tpu.memory_space<vmem>>) semaphore(%arg7 : memref<!tpu.dma_semaphore, #tpu.memory_space<semaphore_mem>>)
    %dma_wait3A_30 = arith.constant 0 : i32
    %dma_wait3A_31 = arith.constant 0 : i32
    %dma_wait3A_32 = tpu.memref_slice %arg2[%dma_wait3A_30, %dma_wait3A_31] : memref<4096x128xf32, #tpu.memory_space<hbm>> -> memref<4096x128xf32, #tpu.memory_space<hbm>>
    tpu.wait_indirect_dma semaphore(%arg7 : memref<!tpu.dma_semaphore, #tpu.memory_space<semaphore_mem>>) src(%dma_wait3A_32 : memref<4096x128xf32, #tpu.memory_space<hbm>>) dst(%arg6 : memref<128x128xf32, #tpu.memory_space<vmem>>)
    "tpu.region"() ({
      %run_scoped3A = tpu.sem_alloc : memref<!tpu.dma_semaphore, #tpu.memory_space<semaphore_mem>>
      %dma_start3A_65 = arith.constant 0 : i32
      %dma_start3A_66 = tpu.memref_slice %arg4[%add3A_26, %dma_start3A_65] : memref<32768x128xf32, #tpu.memory_space<hbm>> -> memref<128x128xf32, #tpu.memory_space<hbm>>
      %dma_start3A_67 = arith.constant 0 : i32
      %dma_start3A_68 = tpu.memref_slice %arg4[%add3A_26, %dma_start3A_67] : memref<32768x128xf32, #tpu.memory_space<hbm>> -> memref<128x128xf32, #tpu.memory_space<hbm>>
      tpu.enqueue_dma source(%arg6 : memref<128x128xf32, #tpu.memory_space<vmem>>) target(%dma_start3A_68 : memref<128x128xf32, #tpu.memory_space<hbm>>) target_semaphore(%run_scoped3A : memref<!tpu.dma_semaphore, #tpu.memory_space<semaphore_mem>>)
      %dma_wait3A_69 = arith.constant 0 : i32
      %dma_wait3A_70 = tpu.memref_slice %arg4[%add3A_26, %dma_wait3A_69] : memref<32768x128xf32, #tpu.memory_space<hbm>> -> memref<128x128xf32, #tpu.memory_space<hbm>>
      %dma_wait3A_71 = arith.constant 0 : i32
      %dma_wait3A_72 = tpu.memref_slice %arg4[%add3A_26, %dma_wait3A_71] : memref<32768x128xf32, #tpu.memory_space<hbm>> -> memref<128x128xf32, #tpu.memory_space<hbm>>
      tpu.wait_dma2 semaphore(%run_scoped3A : memref<!tpu.dma_semaphore, #tpu.memory_space<semaphore_mem>>) src(%arg6 : memref<128x128xf32, #tpu.memory_space<vmem>>) dst(%dma_wait3A_72 : memref<128x128xf32, #tpu.memory_space<hbm>>)
      tpu.yield
    }) : () -> ()
    %add3A_33 = arith.constant 512 : i32
    %add3A_34 = arith.addi %mul3A_2, %add3A_33 : i32
    "tpu.region"() ({
      %run_scoped3A = tpu.sem_alloc : memref<!tpu.dma_semaphore, #tpu.memory_space<semaphore_mem>>
      %dma_start3A_65 = tpu.memref_slice %arg3[%add3A_34] : memref<32768xi32, #tpu.memory_space<hbm>> -> memref<128xi32, #tpu.memory_space<hbm>>
      %dma_start3A_66 = tpu.memref_slice %arg3[%add3A_34] : memref<32768xi32, #tpu.memory_space<hbm>> -> memref<128xi32, #tpu.memory_space<hbm>>
      tpu.enqueue_dma source(%dma_start3A_66 : memref<128xi32, #tpu.memory_space<hbm>>) target(%arg5 : memref<128xi32, #tpu.memory_space<vmem>>) target_semaphore(%run_scoped3A : memref<!tpu.dma_semaphore, #tpu.memory_space<semaphore_mem>>)
      %dma_wait3A_67 = tpu.memref_slice %arg3[%add3A_34] : memref<32768xi32, #tpu.memory_space<hbm>> -> memref<128xi32, #tpu.memory_space<hbm>>
      %dma_wait3A_68 = tpu.memref_slice %arg3[%add3A_34] : memref<32768xi32, #tpu.memory_space<hbm>> -> memref<128xi32, #tpu.memory_space<hbm>>
      tpu.wait_dma2 semaphore(%run_scoped3A : memref<!tpu.dma_semaphore, #tpu.memory_space<semaphore_mem>>) src(%dma_wait3A_68 : memref<128xi32, #tpu.memory_space<hbm>>) dst(%arg5 : memref<128xi32, #tpu.memory_space<vmem>>)
      tpu.yield
    }) : () -> ()
    %dma_start3A_35 = arith.constant 0 : i32
    %dma_start3A_36 = arith.constant 0 : i32
    %dma_start3A_37 = tpu.memref_slice %arg2[%dma_start3A_35, %dma_start3A_36] : memref<4096x128xf32, #tpu.memory_space<hbm>> -> memref<4096x128xf32, #tpu.memory_space<hbm>>
    tpu.enqueue_indirect_dma source(%dma_start3A_37 : memref<4096x128xf32, #tpu.memory_space<hbm>>) target(%arg6 : memref<128x128xf32, #tpu.memory_space<vmem>>) offsets(%arg5 : memref<128xi32, #tpu.memory_space<vmem>>) semaphore(%arg7 : memref<!tpu.dma_semaphore, #tpu.memory_space<semaphore_mem>>)
    %dma_wait3A_38 = arith.constant 0 : i32
    %dma_wait3A_39 = arith.constant 0 : i32
    %dma_wait3A_40 = tpu.memref_slice %arg2[%dma_wait3A_38, %dma_wait3A_39] : memref<4096x128xf32, #tpu.memory_space<hbm>> -> memref<4096x128xf32, #tpu.memory_space<hbm>>
    tpu.wait_indirect_dma semaphore(%arg7 : memref<!tpu.dma_semaphore, #tpu.memory_space<semaphore_mem>>) src(%dma_wait3A_40 : memref<4096x128xf32, #tpu.memory_space<hbm>>) dst(%arg6 : memref<128x128xf32, #tpu.memory_space<vmem>>)
    "tpu.region"() ({
      %run_scoped3A = tpu.sem_alloc : memref<!tpu.dma_semaphore, #tpu.memory_space<semaphore_mem>>
      %dma_start3A_65 = arith.constant 0 : i32
      %dma_start3A_66 = tpu.memref_slice %arg4[%add3A_34, %dma_start3A_65] : memref<32768x128xf32, #tpu.memory_space<hbm>> -> memref<128x128xf32, #tpu.memory_space<hbm>>
      %dma_start3A_67 = arith.constant 0 : i32
      %dma_start3A_68 = tpu.memref_slice %arg4[%add3A_34, %dma_start3A_67] : memref<32768x128xf32, #tpu.memory_space<hbm>> -> memref<128x128xf32, #tpu.memory_space<hbm>>
      tpu.enqueue_dma source(%arg6 : memref<128x128xf32, #tpu.memory_space<vmem>>) target(%dma_start3A_68 : memref<128x128xf32, #tpu.memory_space<hbm>>) target_semaphore(%run_scoped3A : memref<!tpu.dma_semaphore, #tpu.memory_space<semaphore_mem>>)
      %dma_wait3A_69 = arith.constant 0 : i32
      %dma_wait3A_70 = tpu.memref_slice %arg4[%add3A_34, %dma_wait3A_69] : memref<32768x128xf32, #tpu.memory_space<hbm>> -> memref<128x128xf32, #tpu.memory_space<hbm>>
      %dma_wait3A_71 = arith.constant 0 : i32
      %dma_wait3A_72 = tpu.memref_slice %arg4[%add3A_34, %dma_wait3A_71] : memref<32768x128xf32, #tpu.memory_space<hbm>> -> memref<128x128xf32, #tpu.memory_space<hbm>>
      tpu.wait_dma2 semaphore(%run_scoped3A : memref<!tpu.dma_semaphore, #tpu.memory_space<semaphore_mem>>) src(%arg6 : memref<128x128xf32, #tpu.memory_space<vmem>>) dst(%dma_wait3A_72 : memref<128x128xf32, #tpu.memory_space<hbm>>)
      tpu.yield
    }) : () -> ()
    %add3A_41 = arith.constant 640 : i32
    %add3A_42 = arith.addi %mul3A_2, %add3A_41 : i32
    "tpu.region"() ({
      %run_scoped3A = tpu.sem_alloc : memref<!tpu.dma_semaphore, #tpu.memory_space<semaphore_mem>>
      %dma_start3A_65 = tpu.memref_slice %arg3[%add3A_42] : memref<32768xi32, #tpu.memory_space<hbm>> -> memref<128xi32, #tpu.memory_space<hbm>>
      %dma_start3A_66 = tpu.memref_slice %arg3[%add3A_42] : memref<32768xi32, #tpu.memory_space<hbm>> -> memref<128xi32, #tpu.memory_space<hbm>>
      tpu.enqueue_dma source(%dma_start3A_66 : memref<128xi32, #tpu.memory_space<hbm>>) target(%arg5 : memref<128xi32, #tpu.memory_space<vmem>>) target_semaphore(%run_scoped3A : memref<!tpu.dma_semaphore, #tpu.memory_space<semaphore_mem>>)
      %dma_wait3A_67 = tpu.memref_slice %arg3[%add3A_42] : memref<32768xi32, #tpu.memory_space<hbm>> -> memref<128xi32, #tpu.memory_space<hbm>>
      %dma_wait3A_68 = tpu.memref_slice %arg3[%add3A_42] : memref<32768xi32, #tpu.memory_space<hbm>> -> memref<128xi32, #tpu.memory_space<hbm>>
      tpu.wait_dma2 semaphore(%run_scoped3A : memref<!tpu.dma_semaphore, #tpu.memory_space<semaphore_mem>>) src(%dma_wait3A_68 : memref<128xi32, #tpu.memory_space<hbm>>) dst(%arg5 : memref<128xi32, #tpu.memory_space<vmem>>)
      tpu.yield
    }) : () -> ()
    %dma_start3A_43 = arith.constant 0 : i32
    %dma_start3A_44 = arith.constant 0 : i32
    %dma_start3A_45 = tpu.memref_slice %arg2[%dma_start3A_43, %dma_start3A_44] : memref<4096x128xf32, #tpu.memory_space<hbm>> -> memref<4096x128xf32, #tpu.memory_space<hbm>>
    tpu.enqueue_indirect_dma source(%dma_start3A_45 : memref<4096x128xf32, #tpu.memory_space<hbm>>) target(%arg6 : memref<128x128xf32, #tpu.memory_space<vmem>>) offsets(%arg5 : memref<128xi32, #tpu.memory_space<vmem>>) semaphore(%arg7 : memref<!tpu.dma_semaphore, #tpu.memory_space<semaphore_mem>>)
    %dma_wait3A_46 = arith.constant 0 : i32
    %dma_wait3A_47 = arith.constant 0 : i32
    %dma_wait3A_48 = tpu.memref_slice %arg2[%dma_wait3A_46, %dma_wait3A_47] : memref<4096x128xf32, #tpu.memory_space<hbm>> -> memref<4096x128xf32, #tpu.memory_space<hbm>>
    tpu.wait_indirect_dma semaphore(%arg7 : memref<!tpu.dma_semaphore, #tpu.memory_space<semaphore_mem>>) src(%dma_wait3A_48 : memref<4096x128xf32, #tpu.memory_space<hbm>>) dst(%arg6 : memref<128x128xf32, #tpu.memory_space<vmem>>)
    "tpu.region"() ({
      %run_scoped3A = tpu.sem_alloc : memref<!tpu.dma_semaphore, #tpu.memory_space<semaphore_mem>>
      %dma_start3A_65 = arith.constant 0 : i32
      %dma_start3A_66 = tpu.memref_slice %arg4[%add3A_42, %dma_start3A_65] : memref<32768x128xf32, #tpu.memory_space<hbm>> -> memref<128x128xf32, #tpu.memory_space<hbm>>
      %dma_start3A_67 = arith.constant 0 : i32
      %dma_start3A_68 = tpu.memref_slice %arg4[%add3A_42, %dma_start3A_67] : memref<32768x128xf32, #tpu.memory_space<hbm>> -> memref<128x128xf32, #tpu.memory_space<hbm>>
      tpu.enqueue_dma source(%arg6 : memref<128x128xf32, #tpu.memory_space<vmem>>) target(%dma_start3A_68 : memref<128x128xf32, #tpu.memory_space<hbm>>) target_semaphore(%run_scoped3A : memref<!tpu.dma_semaphore, #tpu.memory_space<semaphore_mem>>)
      %dma_wait3A_69 = arith.constant 0 : i32
      %dma_wait3A_70 = tpu.memref_slice %arg4[%add3A_42, %dma_wait3A_69] : memref<32768x128xf32, #tpu.memory_space<hbm>> -> memref<128x128xf32, #tpu.memory_space<hbm>>
      %dma_wait3A_71 = arith.constant 0 : i32
      %dma_wait3A_72 = tpu.memref_slice %arg4[%add3A_42, %dma_wait3A_71] : memref<32768x128xf32, #tpu.memory_space<hbm>> -> memref<128x128xf32, #tpu.memory_space<hbm>>
      tpu.wait_dma2 semaphore(%run_scoped3A : memref<!tpu.dma_semaphore, #tpu.memory_space<semaphore_mem>>) src(%arg6 : memref<128x128xf32, #tpu.memory_space<vmem>>) dst(%dma_wait3A_72 : memref<128x128xf32, #tpu.memory_space<hbm>>)
      tpu.yield
    }) : () -> ()
    %add3A_49 = arith.constant 768 : i32
    %add3A_50 = arith.addi %mul3A_2, %add3A_49 : i32
    "tpu.region"() ({
      %run_scoped3A = tpu.sem_alloc : memref<!tpu.dma_semaphore, #tpu.memory_space<semaphore_mem>>
      %dma_start3A_65 = tpu.memref_slice %arg3[%add3A_50] : memref<32768xi32, #tpu.memory_space<hbm>> -> memref<128xi32, #tpu.memory_space<hbm>>
      %dma_start3A_66 = tpu.memref_slice %arg3[%add3A_50] : memref<32768xi32, #tpu.memory_space<hbm>> -> memref<128xi32, #tpu.memory_space<hbm>>
      tpu.enqueue_dma source(%dma_start3A_66 : memref<128xi32, #tpu.memory_space<hbm>>) target(%arg5 : memref<128xi32, #tpu.memory_space<vmem>>) target_semaphore(%run_scoped3A : memref<!tpu.dma_semaphore, #tpu.memory_space<semaphore_mem>>)
      %dma_wait3A_67 = tpu.memref_slice %arg3[%add3A_50] : memref<32768xi32, #tpu.memory_space<hbm>> -> memref<128xi32, #tpu.memory_space<hbm>>
      %dma_wait3A_68 = tpu.memref_slice %arg3[%add3A_50] : memref<32768xi32, #tpu.memory_space<hbm>> -> memref<128xi32, #tpu.memory_space<hbm>>
      tpu.wait_dma2 semaphore(%run_scoped3A : memref<!tpu.dma_semaphore, #tpu.memory_space<semaphore_mem>>) src(%dma_wait3A_68 : memref<128xi32, #tpu.memory_space<hbm>>) dst(%arg5 : memref<128xi32, #tpu.memory_space<vmem>>)
      tpu.yield
    }) : () -> ()
    %dma_start3A_51 = arith.constant 0 : i32
    %dma_start3A_52 = arith.constant 0 : i32
    %dma_start3A_53 = tpu.memref_slice %arg2[%dma_start3A_51, %dma_start3A_52] : memref<4096x128xf32, #tpu.memory_space<hbm>> -> memref<4096x128xf32, #tpu.memory_space<hbm>>
    tpu.enqueue_indirect_dma source(%dma_start3A_53 : memref<4096x128xf32, #tpu.memory_space<hbm>>) target(%arg6 : memref<128x128xf32, #tpu.memory_space<vmem>>) offsets(%arg5 : memref<128xi32, #tpu.memory_space<vmem>>) semaphore(%arg7 : memref<!tpu.dma_semaphore, #tpu.memory_space<semaphore_mem>>)
    %dma_wait3A_54 = arith.constant 0 : i32
    %dma_wait3A_55 = arith.constant 0 : i32
    %dma_wait3A_56 = tpu.memref_slice %arg2[%dma_wait3A_54, %dma_wait3A_55] : memref<4096x128xf32, #tpu.memory_space<hbm>> -> memref<4096x128xf32, #tpu.memory_space<hbm>>
    tpu.wait_indirect_dma semaphore(%arg7 : memref<!tpu.dma_semaphore, #tpu.memory_space<semaphore_mem>>) src(%dma_wait3A_56 : memref<4096x128xf32, #tpu.memory_space<hbm>>) dst(%arg6 : memref<128x128xf32, #tpu.memory_space<vmem>>)
    "tpu.region"() ({
      %run_scoped3A = tpu.sem_alloc : memref<!tpu.dma_semaphore, #tpu.memory_space<semaphore_mem>>
      %dma_start3A_65 = arith.constant 0 : i32
      %dma_start3A_66 = tpu.memref_slice %arg4[%add3A_50, %dma_start3A_65] : memref<32768x128xf32, #tpu.memory_space<hbm>> -> memref<128x128xf32, #tpu.memory_space<hbm>>
      %dma_start3A_67 = arith.constant 0 : i32
      %dma_start3A_68 = tpu.memref_slice %arg4[%add3A_50, %dma_start3A_67] : memref<32768x128xf32, #tpu.memory_space<hbm>> -> memref<128x128xf32, #tpu.memory_space<hbm>>
      tpu.enqueue_dma source(%arg6 : memref<128x128xf32, #tpu.memory_space<vmem>>) target(%dma_start3A_68 : memref<128x128xf32, #tpu.memory_space<hbm>>) target_semaphore(%run_scoped3A : memref<!tpu.dma_semaphore, #tpu.memory_space<semaphore_mem>>)
      %dma_wait3A_69 = arith.constant 0 : i32
      %dma_wait3A_70 = tpu.memref_slice %arg4[%add3A_50, %dma_wait3A_69] : memref<32768x128xf32, #tpu.memory_space<hbm>> -> memref<128x128xf32, #tpu.memory_space<hbm>>
      %dma_wait3A_71 = arith.constant 0 : i32
      %dma_wait3A_72 = tpu.memref_slice %arg4[%add3A_50, %dma_wait3A_71] : memref<32768x128xf32, #tpu.memory_space<hbm>> -> memref<128x128xf32, #tpu.memory_space<hbm>>
      tpu.wait_dma2 semaphore(%run_scoped3A : memref<!tpu.dma_semaphore, #tpu.memory_space<semaphore_mem>>) src(%arg6 : memref<128x128xf32, #tpu.memory_space<vmem>>) dst(%dma_wait3A_72 : memref<128x128xf32, #tpu.memory_space<hbm>>)
      tpu.yield
    }) : () -> ()
    %add3A_57 = arith.constant 896 : i32
    %add3A_58 = arith.addi %mul3A_2, %add3A_57 : i32
    "tpu.region"() ({
      %run_scoped3A = tpu.sem_alloc : memref<!tpu.dma_semaphore, #tpu.memory_space<semaphore_mem>>
      %dma_start3A_65 = tpu.memref_slice %arg3[%add3A_58] : memref<32768xi32, #tpu.memory_space<hbm>> -> memref<128xi32, #tpu.memory_space<hbm>>
      %dma_start3A_66 = tpu.memref_slice %arg3[%add3A_58] : memref<32768xi32, #tpu.memory_space<hbm>> -> memref<128xi32, #tpu.memory_space<hbm>>
      tpu.enqueue_dma source(%dma_start3A_66 : memref<128xi32, #tpu.memory_space<hbm>>) target(%arg5 : memref<128xi32, #tpu.memory_space<vmem>>) target_semaphore(%run_scoped3A : memref<!tpu.dma_semaphore, #tpu.memory_space<semaphore_mem>>)
      %dma_wait3A_67 = tpu.memref_slice %arg3[%add3A_58] : memref<32768xi32, #tpu.memory_space<hbm>> -> memref<128xi32, #tpu.memory_space<hbm>>
      %dma_wait3A_68 = tpu.memref_slice %arg3[%add3A_58] : memref<32768xi32, #tpu.memory_space<hbm>> -> memref<128xi32, #tpu.memory_space<hbm>>
      tpu.wait_dma2 semaphore(%run_scoped3A : memref<!tpu.dma_semaphore, #tpu.memory_space<semaphore_mem>>) src(%dma_wait3A_68 : memref<128xi32, #tpu.memory_space<hbm>>) dst(%arg5 : memref<128xi32, #tpu.memory_space<vmem>>)
      tpu.yield
    }) : () -> ()
    %dma_start3A_59 = arith.constant 0 : i32
    %dma_start3A_60 = arith.constant 0 : i32
    %dma_start3A_61 = tpu.memref_slice %arg2[%dma_start3A_59, %dma_start3A_60] : memref<4096x128xf32, #tpu.memory_space<hbm>> -> memref<4096x128xf32, #tpu.memory_space<hbm>>
    tpu.enqueue_indirect_dma source(%dma_start3A_61 : memref<4096x128xf32, #tpu.memory_space<hbm>>) target(%arg6 : memref<128x128xf32, #tpu.memory_space<vmem>>) offsets(%arg5 : memref<128xi32, #tpu.memory_space<vmem>>) semaphore(%arg7 : memref<!tpu.dma_semaphore, #tpu.memory_space<semaphore_mem>>)
    %dma_wait3A_62 = arith.constant 0 : i32
    %dma_wait3A_63 = arith.constant 0 : i32
    %dma_wait3A_64 = tpu.memref_slice %arg2[%dma_wait3A_62, %dma_wait3A_63] : memref<4096x128xf32, #tpu.memory_space<hbm>> -> memref<4096x128xf32, #tpu.memory_space<hbm>>
    tpu.wait_indirect_dma semaphore(%arg7 : memref<!tpu.dma_semaphore, #tpu.memory_space<semaphore_mem>>) src(%dma_wait3A_64 : memref<4096x128xf32, #tpu.memory_space<hbm>>) dst(%arg6 : memref<128x128xf32, #tpu.memory_space<vmem>>)
    "tpu.region"() ({
      %run_scoped3A = tpu.sem_alloc : memref<!tpu.dma_semaphore, #tpu.memory_space<semaphore_mem>>
      %dma_start3A_65 = arith.constant 0 : i32
      %dma_start3A_66 = tpu.memref_slice %arg4[%add3A_58, %dma_start3A_65] : memref<32768x128xf32, #tpu.memory_space<hbm>> -> memref<128x128xf32, #tpu.memory_space<hbm>>
      %dma_start3A_67 = arith.constant 0 : i32
      %dma_start3A_68 = tpu.memref_slice %arg4[%add3A_58, %dma_start3A_67] : memref<32768x128xf32, #tpu.memory_space<hbm>> -> memref<128x128xf32, #tpu.memory_space<hbm>>
      tpu.enqueue_dma source(%arg6 : memref<128x128xf32, #tpu.memory_space<vmem>>) target(%dma_start3A_68 : memref<128x128xf32, #tpu.memory_space<hbm>>) target_semaphore(%run_scoped3A : memref<!tpu.dma_semaphore, #tpu.memory_space<semaphore_mem>>)
      %dma_wait3A_69 = arith.constant 0 : i32
      %dma_wait3A_70 = tpu.memref_slice %arg4[%add3A_58, %dma_wait3A_69] : memref<32768x128xf32, #tpu.memory_space<hbm>> -> memref<128x128xf32, #tpu.memory_space<hbm>>
      %dma_wait3A_71 = arith.constant 0 : i32
      %dma_wait3A_72 = tpu.memref_slice %arg4[%add3A_58, %dma_wait3A_71] : memref<32768x128xf32, #tpu.memory_space<hbm>> -> memref<128x128xf32, #tpu.memory_space<hbm>>
      tpu.wait_dma2 semaphore(%run_scoped3A : memref<!tpu.dma_semaphore, #tpu.memory_space<semaphore_mem>>) src(%arg6 : memref<128x128xf32, #tpu.memory_space<vmem>>) dst(%dma_wait3A_72 : memref<128x128xf32, #tpu.memory_space<hbm>>)
      tpu.yield
    }) : () -> ()
    return
  }
}

#map = affine_map<(d0, d1) -> (0, 0)>
#map1 = affine_map<(d0, d1) -> (0)>
module attributes {stable_mosaic.version = 14 : i64} {
  func.func @gk(%arg0: i32, %arg1: i32, %arg2: memref<4096x128xf32, #tpu.memory_space<hbm>>, %arg3: memref<32768xi32, #tpu.memory_space<hbm>>, %arg4: memref<32768x128xf32, #tpu.memory_space<hbm>>, %arg5: memref<128xi32, #tpu.memory_space<vmem>>, %arg6: memref<128x128xf32, #tpu.memory_space<vmem>>, %arg7: memref<!tpu.dma_semaphore, #tpu.memory_space<semaphore_mem>>) attributes {dimension_semantics = [#tpu.dimension_semantics<core_parallel>, #tpu.dimension_semantics<subcore_parallel>], iteration_bounds = array<i64: 2, 16>, scalar_prefetch = 0 : i64, scratch_operands = 3 : i64, tpu.core_type = #tpu.core_type<sc_vector_subcore>, window_params = [{transform_indices = #map}, {transform_indices = #map1}, {transform_indices = #map}]} {
    %mul3A = arith.constant 2 : i32
    %mul3A_0 = arith.muli %arg1, %mul3A : i32
    %add3A = arith.addi %mul3A_0, %arg0 : i32
    %mul3A_1 = arith.constant 1024 : i32
    %mul3A_2 = arith.muli %add3A, %mul3A_1 : i32
    %add3A_3 = arith.constant 0 : i32
    %add3A_4 = arith.addi %mul3A_2, %add3A_3 : i32
    "tpu.region"() ({
      %run_scoped3A = tpu.sem_alloc : memref<!tpu.dma_semaphore, #tpu.memory_space<semaphore_mem>>
      %dma_start3A_65 = tpu.memref_slice %arg3[%add3A_4] : memref<32768xi32, #tpu.memory_space<hbm>> -> memref<128xi32, #tpu.memory_space<hbm>>
      %dma_start3A_66 = tpu.memref_slice %arg3[%add3A_4] : memref<32768xi32, #tpu.memory_space<hbm>> -> memref<128xi32, #tpu.memory_space<hbm>>
      tpu.enqueue_dma source(%dma_start3A_66 : memref<128xi32, #tpu.memory_space<hbm>>) target(%arg5 : memref<128xi32, #tpu.memory_space<vmem>>) target_semaphore(%run_scoped3A : memref<!tpu.dma_semaphore, #tpu.memory_space<semaphore_mem>>)
      %dma_wait3A_67 = tpu.memref_slice %arg3[%add3A_4] : memref<32768xi32, #tpu.memory_space<hbm>> -> memref<128xi32, #tpu.memory_space<hbm>>
      %dma_wait3A_68 = tpu.memref_slice %arg3[%add3A_4] : memref<32768xi32, #tpu.memory_space<hbm>> -> memref<128xi32, #tpu.memory_space<hbm>>
      tpu.wait_dma2 semaphore(%run_scoped3A : memref<!tpu.dma_semaphore, #tpu.memory_space<semaphore_mem>>) src(%dma_wait3A_68 : memref<128xi32, #tpu.memory_space<hbm>>) dst(%arg5 : memref<128xi32, #tpu.memory_space<vmem>>)
      tpu.yield
    }) : () -> ()
    %dma_start3A = arith.constant 0 : i32
    %dma_start3A_5 = arith.constant 0 : i32
    %dma_start3A_6 = tpu.memref_slice %arg2[%dma_start3A, %dma_start3A_5] : memref<4096x128xf32, #tpu.memory_space<hbm>> -> memref<4096x128xf32, #tpu.memory_space<hbm>>
    tpu.enqueue_indirect_dma source(%dma_start3A_6 : memref<4096x128xf32, #tpu.memory_space<hbm>>) target(%arg6 : memref<128x128xf32, #tpu.memory_space<vmem>>) offsets(%arg5 : memref<128xi32, #tpu.memory_space<vmem>>) semaphore(%arg7 : memref<!tpu.dma_semaphore, #tpu.memory_space<semaphore_mem>>)
    %dma_wait3A = arith.constant 0 : i32
    %dma_wait3A_7 = arith.constant 0 : i32
    %dma_wait3A_8 = tpu.memref_slice %arg2[%dma_wait3A, %dma_wait3A_7] : memref<4096x128xf32, #tpu.memory_space<hbm>> -> memref<4096x128xf32, #tpu.memory_space<hbm>>
    tpu.wait_indirect_dma semaphore(%arg7 : memref<!tpu.dma_semaphore, #tpu.memory_space<semaphore_mem>>) src(%dma_wait3A_8 : memref<4096x128xf32, #tpu.memory_space<hbm>>) dst(%arg6 : memref<128x128xf32, #tpu.memory_space<vmem>>)
    "tpu.region"() ({
      %run_scoped3A = tpu.sem_alloc : memref<!tpu.dma_semaphore, #tpu.memory_space<semaphore_mem>>
      %dma_start3A_65 = arith.constant 0 : i32
      %dma_start3A_66 = tpu.memref_slice %arg4[%add3A_4, %dma_start3A_65] : memref<32768x128xf32, #tpu.memory_space<hbm>> -> memref<128x128xf32, #tpu.memory_space<hbm>>
      %dma_start3A_67 = arith.constant 0 : i32
      %dma_start3A_68 = tpu.memref_slice %arg4[%add3A_4, %dma_start3A_67] : memref<32768x128xf32, #tpu.memory_space<hbm>> -> memref<128x128xf32, #tpu.memory_space<hbm>>
      tpu.enqueue_dma source(%arg6 : memref<128x128xf32, #tpu.memory_space<vmem>>) target(%dma_start3A_68 : memref<128x128xf32, #tpu.memory_space<hbm>>) target_semaphore(%run_scoped3A : memref<!tpu.dma_semaphore, #tpu.memory_space<semaphore_mem>>)
      %dma_wait3A_69 = arith.constant 0 : i32
      %dma_wait3A_70 = tpu.memref_slice %arg4[%add3A_4, %dma_wait3A_69] : memref<32768x128xf32, #tpu.memory_space<hbm>> -> memref<128x128xf32, #tpu.memory_space<hbm>>
      %dma_wait3A_71 = arith.constant 0 : i32
      %dma_wait3A_72 = tpu.memref_slice %arg4[%add3A_4, %dma_wait3A_71] : memref<32768x128xf32, #tpu.memory_space<hbm>> -> memref<128x128xf32, #tpu.memory_space<hbm>>
      tpu.wait_dma2 semaphore(%run_scoped3A : memref<!tpu.dma_semaphore, #tpu.memory_space<semaphore_mem>>) src(%arg6 : memref<128x128xf32, #tpu.memory_space<vmem>>) dst(%dma_wait3A_72 : memref<128x128xf32, #tpu.memory_space<hbm>>)
      tpu.yield
    }) : () -> ()
    %add3A_9 = arith.constant 128 : i32
    %add3A_10 = arith.addi %mul3A_2, %add3A_9 : i32
    "tpu.region"() ({
      %run_scoped3A = tpu.sem_alloc : memref<!tpu.dma_semaphore, #tpu.memory_space<semaphore_mem>>
      %dma_start3A_65 = tpu.memref_slice %arg3[%add3A_10] : memref<32768xi32, #tpu.memory_space<hbm>> -> memref<128xi32, #tpu.memory_space<hbm>>
      %dma_start3A_66 = tpu.memref_slice %arg3[%add3A_10] : memref<32768xi32, #tpu.memory_space<hbm>> -> memref<128xi32, #tpu.memory_space<hbm>>
      tpu.enqueue_dma source(%dma_start3A_66 : memref<128xi32, #tpu.memory_space<hbm>>) target(%arg5 : memref<128xi32, #tpu.memory_space<vmem>>) target_semaphore(%run_scoped3A : memref<!tpu.dma_semaphore, #tpu.memory_space<semaphore_mem>>)
      %dma_wait3A_67 = tpu.memref_slice %arg3[%add3A_10] : memref<32768xi32, #tpu.memory_space<hbm>> -> memref<128xi32, #tpu.memory_space<hbm>>
      %dma_wait3A_68 = tpu.memref_slice %arg3[%add3A_10] : memref<32768xi32, #tpu.memory_space<hbm>> -> memref<128xi32, #tpu.memory_space<hbm>>
      tpu.wait_dma2 semaphore(%run_scoped3A : memref<!tpu.dma_semaphore, #tpu.memory_space<semaphore_mem>>) src(%dma_wait3A_68 : memref<128xi32, #tpu.memory_space<hbm>>) dst(%arg5 : memref<128xi32, #tpu.memory_space<vmem>>)
      tpu.yield
    }) : () -> ()
    %dma_start3A_11 = arith.constant 0 : i32
    %dma_start3A_12 = arith.constant 0 : i32
    %dma_start3A_13 = tpu.memref_slice %arg2[%dma_start3A_11, %dma_start3A_12] : memref<4096x128xf32, #tpu.memory_space<hbm>> -> memref<4096x128xf32, #tpu.memory_space<hbm>>
    tpu.enqueue_indirect_dma source(%dma_start3A_13 : memref<4096x128xf32, #tpu.memory_space<hbm>>) target(%arg6 : memref<128x128xf32, #tpu.memory_space<vmem>>) offsets(%arg5 : memref<128xi32, #tpu.memory_space<vmem>>) semaphore(%arg7 : memref<!tpu.dma_semaphore, #tpu.memory_space<semaphore_mem>>)
    %dma_wait3A_14 = arith.constant 0 : i32
    %dma_wait3A_15 = arith.constant 0 : i32
    %dma_wait3A_16 = tpu.memref_slice %arg2[%dma_wait3A_14, %dma_wait3A_15] : memref<4096x128xf32, #tpu.memory_space<hbm>> -> memref<4096x128xf32, #tpu.memory_space<hbm>>
    tpu.wait_indirect_dma semaphore(%arg7 : memref<!tpu.dma_semaphore, #tpu.memory_space<semaphore_mem>>) src(%dma_wait3A_16 : memref<4096x128xf32, #tpu.memory_space<hbm>>) dst(%arg6 : memref<128x128xf32, #tpu.memory_space<vmem>>)
    "tpu.region"() ({
      %run_scoped3A = tpu.sem_alloc : memref<!tpu.dma_semaphore, #tpu.memory_space<semaphore_mem>>
      %dma_start3A_65 = arith.constant 0 : i32
      %dma_start3A_66 = tpu.memref_slice %arg4[%add3A_10, %dma_start3A_65] : memref<32768x128xf32, #tpu.memory_space<hbm>> -> memref<128x128xf32, #tpu.memory_space<hbm>>
      %dma_start3A_67 = arith.constant 0 : i32
      %dma_start3A_68 = tpu.memref_slice %arg4[%add3A_10, %dma_start3A_67] : memref<32768x128xf32, #tpu.memory_space<hbm>> -> memref<128x128xf32, #tpu.memory_space<hbm>>
      tpu.enqueue_dma source(%arg6 : memref<128x128xf32, #tpu.memory_space<vmem>>) target(%dma_start3A_68 : memref<128x128xf32, #tpu.memory_space<hbm>>) target_semaphore(%run_scoped3A : memref<!tpu.dma_semaphore, #tpu.memory_space<semaphore_mem>>)
      %dma_wait3A_69 = arith.constant 0 : i32
      %dma_wait3A_70 = tpu.memref_slice %arg4[%add3A_10, %dma_wait3A_69] : memref<32768x128xf32, #tpu.memory_space<hbm>> -> memref<128x128xf32, #tpu.memory_space<hbm>>
      %dma_wait3A_71 = arith.constant 0 : i32
      %dma_wait3A_72 = tpu.memref_slice %arg4[%add3A_10, %dma_wait3A_71] : memref<32768x128xf32, #tpu.memory_space<hbm>> -> memref<128x128xf32, #tpu.memory_space<hbm>>
      tpu.wait_dma2 semaphore(%run_scoped3A : memref<!tpu.dma_semaphore, #tpu.memory_space<semaphore_mem>>) src(%arg6 : memref<128x128xf32, #tpu.memory_space<vmem>>) dst(%dma_wait3A_72 : memref<128x128xf32, #tpu.memory_space<hbm>>)
      tpu.yield
    }) : () -> ()
    %add3A_17 = arith.constant 256 : i32
    %add3A_18 = arith.addi %mul3A_2, %add3A_17 : i32
    "tpu.region"() ({
      %run_scoped3A = tpu.sem_alloc : memref<!tpu.dma_semaphore, #tpu.memory_space<semaphore_mem>>
      %dma_start3A_65 = tpu.memref_slice %arg3[%add3A_18] : memref<32768xi32, #tpu.memory_space<hbm>> -> memref<128xi32, #tpu.memory_space<hbm>>
      %dma_start3A_66 = tpu.memref_slice %arg3[%add3A_18] : memref<32768xi32, #tpu.memory_space<hbm>> -> memref<128xi32, #tpu.memory_space<hbm>>
      tpu.enqueue_dma source(%dma_start3A_66 : memref<128xi32, #tpu.memory_space<hbm>>) target(%arg5 : memref<128xi32, #tpu.memory_space<vmem>>) target_semaphore(%run_scoped3A : memref<!tpu.dma_semaphore, #tpu.memory_space<semaphore_mem>>)
      %dma_wait3A_67 = tpu.memref_slice %arg3[%add3A_18] : memref<32768xi32, #tpu.memory_space<hbm>> -> memref<128xi32, #tpu.memory_space<hbm>>
      %dma_wait3A_68 = tpu.memref_slice %arg3[%add3A_18] : memref<32768xi32, #tpu.memory_space<hbm>> -> memref<128xi32, #tpu.memory_space<hbm>>
      tpu.wait_dma2 semaphore(%run_scoped3A : memref<!tpu.dma_semaphore, #tpu.memory_space<semaphore_mem>>) src(%dma_wait3A_68 : memref<128xi32, #tpu.memory_space<hbm>>) dst(%arg5 : memref<128xi32, #tpu.memory_space<vmem>>)
      tpu.yield
    }) : () -> ()
    %dma_start3A_19 = arith.constant 0 : i32
    %dma_start3A_20 = arith.constant 0 : i32
    %dma_start3A_21 = tpu.memref_slice %arg2[%dma_start3A_19, %dma_start3A_20] : memref<4096x128xf32, #tpu.memory_space<hbm>> -> memref<4096x128xf32, #tpu.memory_space<hbm>>
    tpu.enqueue_indirect_dma source(%dma_start3A_21 : memref<4096x128xf32, #tpu.memory_space<hbm>>) target(%arg6 : memref<128x128xf32, #tpu.memory_space<vmem>>) offsets(%arg5 : memref<128xi32, #tpu.memory_space<vmem>>) semaphore(%arg7 : memref<!tpu.dma_semaphore, #tpu.memory_space<semaphore_mem>>)
    %dma_wait3A_22 = arith.constant 0 : i32
    %dma_wait3A_23 = arith.constant 0 : i32
    %dma_wait3A_24 = tpu.memref_slice %arg2[%dma_wait3A_22, %dma_wait3A_23] : memref<4096x128xf32, #tpu.memory_space<hbm>> -> memref<4096x128xf32, #tpu.memory_space<hbm>>
    tpu.wait_indirect_dma semaphore(%arg7 : memref<!tpu.dma_semaphore, #tpu.memory_space<semaphore_mem>>) src(%dma_wait3A_24 : memref<4096x128xf32, #tpu.memory_space<hbm>>) dst(%arg6 : memref<128x128xf32, #tpu.memory_space<vmem>>)
    "tpu.region"() ({
      %run_scoped3A = tpu.sem_alloc : memref<!tpu.dma_semaphore, #tpu.memory_space<semaphore_mem>>
      %dma_start3A_65 = arith.constant 0 : i32
      %dma_start3A_66 = tpu.memref_slice %arg4[%add3A_18, %dma_start3A_65] : memref<32768x128xf32, #tpu.memory_space<hbm>> -> memref<128x128xf32, #tpu.memory_space<hbm>>
      %dma_start3A_67 = arith.constant 0 : i32
      %dma_start3A_68 = tpu.memref_slice %arg4[%add3A_18, %dma_start3A_67] : memref<32768x128xf32, #tpu.memory_space<hbm>> -> memref<128x128xf32, #tpu.memory_space<hbm>>
      tpu.enqueue_dma source(%arg6 : memref<128x128xf32, #tpu.memory_space<vmem>>) target(%dma_start3A_68 : memref<128x128xf32, #tpu.memory_space<hbm>>) target_semaphore(%run_scoped3A : memref<!tpu.dma_semaphore, #tpu.memory_space<semaphore_mem>>)
      %dma_wait3A_69 = arith.constant 0 : i32
      %dma_wait3A_70 = tpu.memref_slice %arg4[%add3A_18, %dma_wait3A_69] : memref<32768x128xf32, #tpu.memory_space<hbm>> -> memref<128x128xf32, #tpu.memory_space<hbm>>
      %dma_wait3A_71 = arith.constant 0 : i32
      %dma_wait3A_72 = tpu.memref_slice %arg4[%add3A_18, %dma_wait3A_71] : memref<32768x128xf32, #tpu.memory_space<hbm>> -> memref<128x128xf32, #tpu.memory_space<hbm>>
      tpu.wait_dma2 semaphore(%run_scoped3A : memref<!tpu.dma_semaphore, #tpu.memory_space<semaphore_mem>>) src(%arg6 : memref<128x128xf32, #tpu.memory_space<vmem>>) dst(%dma_wait3A_72 : memref<128x128xf32, #tpu.memory_space<hbm>>)
      tpu.yield
    }) : () -> ()
    %add3A_25 = arith.constant 384 : i32
    %add3A_26 = arith.addi %mul3A_2, %add3A_25 : i32
    "tpu.region"() ({
      %run_scoped3A = tpu.sem_alloc : memref<!tpu.dma_semaphore, #tpu.memory_space<semaphore_mem>>
      %dma_start3A_65 = tpu.memref_slice %arg3[%add3A_26] : memref<32768xi32, #tpu.memory_space<hbm>> -> memref<128xi32, #tpu.memory_space<hbm>>
      %dma_start3A_66 = tpu.memref_slice %arg3[%add3A_26] : memref<32768xi32, #tpu.memory_space<hbm>> -> memref<128xi32, #tpu.memory_space<hbm>>
      tpu.enqueue_dma source(%dma_start3A_66 : memref<128xi32, #tpu.memory_space<hbm>>) target(%arg5 : memref<128xi32, #tpu.memory_space<vmem>>) target_semaphore(%run_scoped3A : memref<!tpu.dma_semaphore, #tpu.memory_space<semaphore_mem>>)
      %dma_wait3A_67 = tpu.memref_slice %arg3[%add3A_26] : memref<32768xi32, #tpu.memory_space<hbm>> -> memref<128xi32, #tpu.memory_space<hbm>>
      %dma_wait3A_68 = tpu.memref_slice %arg3[%add3A_26] : memref<32768xi32, #tpu.memory_space<hbm>> -> memref<128xi32, #tpu.memory_space<hbm>>
      tpu.wait_dma2 semaphore(%run_scoped3A : memref<!tpu.dma_semaphore, #tpu.memory_space<semaphore_mem>>) src(%dma_wait3A_68 : memref<128xi32, #tpu.memory_space<hbm>>) dst(%arg5 : memref<128xi32, #tpu.memory_space<vmem>>)
      tpu.yield
    }) : () -> ()
    %dma_start3A_27 = arith.constant 0 : i32
    %dma_start3A_28 = arith.constant 0 : i32
    %dma_start3A_29 = tpu.memref_slice %arg2[%dma_start3A_27, %dma_start3A_28] : memref<4096x128xf32, #tpu.memory_space<hbm>> -> memref<4096x128xf32, #tpu.memory_space<hbm>>
    tpu.enqueue_indirect_dma source(%dma_start3A_29 : memref<4096x128xf32, #tpu.memory_space<hbm>>) target(%arg6 : memref<128x128xf32, #tpu.memory_space<vmem>>) offsets(%arg5 : memref<128xi32, #tpu.memory_space<vmem>>) semaphore(%arg7 : memref<!tpu.dma_semaphore, #tpu.memory_space<semaphore_mem>>)
    %dma_wait3A_30 = arith.constant 0 : i32
    %dma_wait3A_31 = arith.constant 0 : i32
    %dma_wait3A_32 = tpu.memref_slice %arg2[%dma_wait3A_30, %dma_wait3A_31] : memref<4096x128xf32, #tpu.memory_space<hbm>> -> memref<4096x128xf32, #tpu.memory_space<hbm>>
    tpu.wait_indirect_dma semaphore(%arg7 : memref<!tpu.dma_semaphore, #tpu.memory_space<semaphore_mem>>) src(%dma_wait3A_32 : memref<4096x128xf32, #tpu.memory_space<hbm>>) dst(%arg6 : memref<128x128xf32, #tpu.memory_space<vmem>>)
    "tpu.region"() ({
      %run_scoped3A = tpu.sem_alloc : memref<!tpu.dma_semaphore, #tpu.memory_space<semaphore_mem>>
      %dma_start3A_65 = arith.constant 0 : i32
      %dma_start3A_66 = tpu.memref_slice %arg4[%add3A_26, %dma_start3A_65] : memref<32768x128xf32, #tpu.memory_space<hbm>> -> memref<128x128xf32, #tpu.memory_space<hbm>>
      %dma_start3A_67 = arith.constant 0 : i32
      %dma_start3A_68 = tpu.memref_slice %arg4[%add3A_26, %dma_start3A_67] : memref<32768x128xf32, #tpu.memory_space<hbm>> -> memref<128x128xf32, #tpu.memory_space<hbm>>
      tpu.enqueue_dma source(%arg6 : memref<128x128xf32, #tpu.memory_space<vmem>>) target(%dma_start3A_68 : memref<128x128xf32, #tpu.memory_space<hbm>>) target_semaphore(%run_scoped3A : memref<!tpu.dma_semaphore, #tpu.memory_space<semaphore_mem>>)
      %dma_wait3A_69 = arith.constant 0 : i32
      %dma_wait3A_70 = tpu.memref_slice %arg4[%add3A_26, %dma_wait3A_69] : memref<32768x128xf32, #tpu.memory_space<hbm>> -> memref<128x128xf32, #tpu.memory_space<hbm>>
      %dma_wait3A_71 = arith.constant 0 : i32
      %dma_wait3A_72 = tpu.memref_slice %arg4[%add3A_26, %dma_wait3A_71] : memref<32768x128xf32, #tpu.memory_space<hbm>> -> memref<128x128xf32, #tpu.memory_space<hbm>>
      tpu.wait_dma2 semaphore(%run_scoped3A : memref<!tpu.dma_semaphore, #tpu.memory_space<semaphore_mem>>) src(%arg6 : memref<128x128xf32, #tpu.memory_space<vmem>>) dst(%dma_wait3A_72 : memref<128x128xf32, #tpu.memory_space<hbm>>)
      tpu.yield
    }) : () -> ()
    %add3A_33 = arith.constant 512 : i32
    %add3A_34 = arith.addi %mul3A_2, %add3A_33 : i32
    "tpu.region"() ({
      %run_scoped3A = tpu.sem_alloc : memref<!tpu.dma_semaphore, #tpu.memory_space<semaphore_mem>>
      %dma_start3A_65 = tpu.memref_slice %arg3[%add3A_34] : memref<32768xi32, #tpu.memory_space<hbm>> -> memref<128xi32, #tpu.memory_space<hbm>>
      %dma_start3A_66 = tpu.memref_slice %arg3[%add3A_34] : memref<32768xi32, #tpu.memory_space<hbm>> -> memref<128xi32, #tpu.memory_space<hbm>>
      tpu.enqueue_dma source(%dma_start3A_66 : memref<128xi32, #tpu.memory_space<hbm>>) target(%arg5 : memref<128xi32, #tpu.memory_space<vmem>>) target_semaphore(%run_scoped3A : memref<!tpu.dma_semaphore, #tpu.memory_space<semaphore_mem>>)
      %dma_wait3A_67 = tpu.memref_slice %arg3[%add3A_34] : memref<32768xi32, #tpu.memory_space<hbm>> -> memref<128xi32, #tpu.memory_space<hbm>>
      %dma_wait3A_68 = tpu.memref_slice %arg3[%add3A_34] : memref<32768xi32, #tpu.memory_space<hbm>> -> memref<128xi32, #tpu.memory_space<hbm>>
      tpu.wait_dma2 semaphore(%run_scoped3A : memref<!tpu.dma_semaphore, #tpu.memory_space<semaphore_mem>>) src(%dma_wait3A_68 : memref<128xi32, #tpu.memory_space<hbm>>) dst(%arg5 : memref<128xi32, #tpu.memory_space<vmem>>)
      tpu.yield
    }) : () -> ()
    %dma_start3A_35 = arith.constant 0 : i32
    %dma_start3A_36 = arith.constant 0 : i32
    %dma_start3A_37 = tpu.memref_slice %arg2[%dma_start3A_35, %dma_start3A_36] : memref<4096x128xf32, #tpu.memory_space<hbm>> -> memref<4096x128xf32, #tpu.memory_space<hbm>>
    tpu.enqueue_indirect_dma source(%dma_start3A_37 : memref<4096x128xf32, #tpu.memory_space<hbm>>) target(%arg6 : memref<128x128xf32, #tpu.memory_space<vmem>>) offsets(%arg5 : memref<128xi32, #tpu.memory_space<vmem>>) semaphore(%arg7 : memref<!tpu.dma_semaphore, #tpu.memory_space<semaphore_mem>>)
    %dma_wait3A_38 = arith.constant 0 : i32
    %dma_wait3A_39 = arith.constant 0 : i32
    %dma_wait3A_40 = tpu.memref_slice %arg2[%dma_wait3A_38, %dma_wait3A_39] : memref<4096x128xf32, #tpu.memory_space<hbm>> -> memref<4096x128xf32, #tpu.memory_space<hbm>>
    tpu.wait_indirect_dma semaphore(%arg7 : memref<!tpu.dma_semaphore, #tpu.memory_space<semaphore_mem>>) src(%dma_wait3A_40 : memref<4096x128xf32, #tpu.memory_space<hbm>>) dst(%arg6 : memref<128x128xf32, #tpu.memory_space<vmem>>)
    "tpu.region"() ({
      %run_scoped3A = tpu.sem_alloc : memref<!tpu.dma_semaphore, #tpu.memory_space<semaphore_mem>>
      %dma_start3A_65 = arith.constant 0 : i32
      %dma_start3A_66 = tpu.memref_slice %arg4[%add3A_34, %dma_start3A_65] : memref<32768x128xf32, #tpu.memory_space<hbm>> -> memref<128x128xf32, #tpu.memory_space<hbm>>
      %dma_start3A_67 = arith.constant 0 : i32
      %dma_start3A_68 = tpu.memref_slice %arg4[%add3A_34, %dma_start3A_67] : memref<32768x128xf32, #tpu.memory_space<hbm>> -> memref<128x128xf32, #tpu.memory_space<hbm>>
      tpu.enqueue_dma source(%arg6 : memref<128x128xf32, #tpu.memory_space<vmem>>) target(%dma_start3A_68 : memref<128x128xf32, #tpu.memory_space<hbm>>) target_semaphore(%run_scoped3A : memref<!tpu.dma_semaphore, #tpu.memory_space<semaphore_mem>>)
      %dma_wait3A_69 = arith.constant 0 : i32
      %dma_wait3A_70 = tpu.memref_slice %arg4[%add3A_34, %dma_wait3A_69] : memref<32768x128xf32, #tpu.memory_space<hbm>> -> memref<128x128xf32, #tpu.memory_space<hbm>>
      %dma_wait3A_71 = arith.constant 0 : i32
      %dma_wait3A_72 = tpu.memref_slice %arg4[%add3A_34, %dma_wait3A_71] : memref<32768x128xf32, #tpu.memory_space<hbm>> -> memref<128x128xf32, #tpu.memory_space<hbm>>
      tpu.wait_dma2 semaphore(%run_scoped3A : memref<!tpu.dma_semaphore, #tpu.memory_space<semaphore_mem>>) src(%arg6 : memref<128x128xf32, #tpu.memory_space<vmem>>) dst(%dma_wait3A_72 : memref<128x128xf32, #tpu.memory_space<hbm>>)
      tpu.yield
    }) : () -> ()
    %add3A_41 = arith.constant 640 : i32
    %add3A_42 = arith.addi %mul3A_2, %add3A_41 : i32
    "tpu.region"() ({
      %run_scoped3A = tpu.sem_alloc : memref<!tpu.dma_semaphore, #tpu.memory_space<semaphore_mem>>
      %dma_start3A_65 = tpu.memref_slice %arg3[%add3A_42] : memref<32768xi32, #tpu.memory_space<hbm>> -> memref<128xi32, #tpu.memory_space<hbm>>
      %dma_start3A_66 = tpu.memref_slice %arg3[%add3A_42] : memref<32768xi32, #tpu.memory_space<hbm>> -> memref<128xi32, #tpu.memory_space<hbm>>
      tpu.enqueue_dma source(%dma_start3A_66 : memref<128xi32, #tpu.memory_space<hbm>>) target(%arg5 : memref<128xi32, #tpu.memory_space<vmem>>) target_semaphore(%run_scoped3A : memref<!tpu.dma_semaphore, #tpu.memory_space<semaphore_mem>>)
      %dma_wait3A_67 = tpu.memref_slice %arg3[%add3A_42] : memref<32768xi32, #tpu.memory_space<hbm>> -> memref<128xi32, #tpu.memory_space<hbm>>
      %dma_wait3A_68 = tpu.memref_slice %arg3[%add3A_42] : memref<32768xi32, #tpu.memory_space<hbm>> -> memref<128xi32, #tpu.memory_space<hbm>>
      tpu.wait_dma2 semaphore(%run_scoped3A : memref<!tpu.dma_semaphore, #tpu.memory_space<semaphore_mem>>) src(%dma_wait3A_68 : memref<128xi32, #tpu.memory_space<hbm>>) dst(%arg5 : memref<128xi32, #tpu.memory_space<vmem>>)
      tpu.yield
    }) : () -> ()
    %dma_start3A_43 = arith.constant 0 : i32
    %dma_start3A_44 = arith.constant 0 : i32
    %dma_start3A_45 = tpu.memref_slice %arg2[%dma_start3A_43, %dma_start3A_44] : memref<4096x128xf32, #tpu.memory_space<hbm>> -> memref<4096x128xf32, #tpu.memory_space<hbm>>
    tpu.enqueue_indirect_dma source(%dma_start3A_45 : memref<4096x128xf32, #tpu.memory_space<hbm>>) target(%arg6 : memref<128x128xf32, #tpu.memory_space<vmem>>) offsets(%arg5 : memref<128xi32, #tpu.memory_space<vmem>>) semaphore(%arg7 : memref<!tpu.dma_semaphore, #tpu.memory_space<semaphore_mem>>)
    %dma_wait3A_46 = arith.constant 0 : i32
    %dma_wait3A_47 = arith.constant 0 : i32
    %dma_wait3A_48 = tpu.memref_slice %arg2[%dma_wait3A_46, %dma_wait3A_47] : memref<4096x128xf32, #tpu.memory_space<hbm>> -> memref<4096x128xf32, #tpu.memory_space<hbm>>
    tpu.wait_indirect_dma semaphore(%arg7 : memref<!tpu.dma_semaphore, #tpu.memory_space<semaphore_mem>>) src(%dma_wait3A_48 : memref<4096x128xf32, #tpu.memory_space<hbm>>) dst(%arg6 : memref<128x128xf32, #tpu.memory_space<vmem>>)
    "tpu.region"() ({
      %run_scoped3A = tpu.sem_alloc : memref<!tpu.dma_semaphore, #tpu.memory_space<semaphore_mem>>
      %dma_start3A_65 = arith.constant 0 : i32
      %dma_start3A_66 = tpu.memref_slice %arg4[%add3A_42, %dma_start3A_65] : memref<32768x128xf32, #tpu.memory_space<hbm>> -> memref<128x128xf32, #tpu.memory_space<hbm>>
      %dma_start3A_67 = arith.constant 0 : i32
      %dma_start3A_68 = tpu.memref_slice %arg4[%add3A_42, %dma_start3A_67] : memref<32768x128xf32, #tpu.memory_space<hbm>> -> memref<128x128xf32, #tpu.memory_space<hbm>>
      tpu.enqueue_dma source(%arg6 : memref<128x128xf32, #tpu.memory_space<vmem>>) target(%dma_start3A_68 : memref<128x128xf32, #tpu.memory_space<hbm>>) target_semaphore(%run_scoped3A : memref<!tpu.dma_semaphore, #tpu.memory_space<semaphore_mem>>)
      %dma_wait3A_69 = arith.constant 0 : i32
      %dma_wait3A_70 = tpu.memref_slice %arg4[%add3A_42, %dma_wait3A_69] : memref<32768x128xf32, #tpu.memory_space<hbm>> -> memref<128x128xf32, #tpu.memory_space<hbm>>
      %dma_wait3A_71 = arith.constant 0 : i32
      %dma_wait3A_72 = tpu.memref_slice %arg4[%add3A_42, %dma_wait3A_71] : memref<32768x128xf32, #tpu.memory_space<hbm>> -> memref<128x128xf32, #tpu.memory_space<hbm>>
      tpu.wait_dma2 semaphore(%run_scoped3A : memref<!tpu.dma_semaphore, #tpu.memory_space<semaphore_mem>>) src(%arg6 : memref<128x128xf32, #tpu.memory_space<vmem>>) dst(%dma_wait3A_72 : memref<128x128xf32, #tpu.memory_space<hbm>>)
      tpu.yield
    }) : () -> ()
    %add3A_49 = arith.constant 768 : i32
    %add3A_50 = arith.addi %mul3A_2, %add3A_49 : i32
    "tpu.region"() ({
      %run_scoped3A = tpu.sem_alloc : memref<!tpu.dma_semaphore, #tpu.memory_space<semaphore_mem>>
      %dma_start3A_65 = tpu.memref_slice %arg3[%add3A_50] : memref<32768xi32, #tpu.memory_space<hbm>> -> memref<128xi32, #tpu.memory_space<hbm>>
      %dma_start3A_66 = tpu.memref_slice %arg3[%add3A_50] : memref<32768xi32, #tpu.memory_space<hbm>> -> memref<128xi32, #tpu.memory_space<hbm>>
      tpu.enqueue_dma source(%dma_start3A_66 : memref<128xi32, #tpu.memory_space<hbm>>) target(%arg5 : memref<128xi32, #tpu.memory_space<vmem>>) target_semaphore(%run_scoped3A : memref<!tpu.dma_semaphore, #tpu.memory_space<semaphore_mem>>)
      %dma_wait3A_67 = tpu.memref_slice %arg3[%add3A_50] : memref<32768xi32, #tpu.memory_space<hbm>> -> memref<128xi32, #tpu.memory_space<hbm>>
      %dma_wait3A_68 = tpu.memref_slice %arg3[%add3A_50] : memref<32768xi32, #tpu.memory_space<hbm>> -> memref<128xi32, #tpu.memory_space<hbm>>
      tpu.wait_dma2 semaphore(%run_scoped3A : memref<!tpu.dma_semaphore, #tpu.memory_space<semaphore_mem>>) src(%dma_wait3A_68 : memref<128xi32, #tpu.memory_space<hbm>>) dst(%arg5 : memref<128xi32, #tpu.memory_space<vmem>>)
      tpu.yield
    }) : () -> ()
    %dma_start3A_51 = arith.constant 0 : i32
    %dma_start3A_52 = arith.constant 0 : i32
    %dma_start3A_53 = tpu.memref_slice %arg2[%dma_start3A_51, %dma_start3A_52] : memref<4096x128xf32, #tpu.memory_space<hbm>> -> memref<4096x128xf32, #tpu.memory_space<hbm>>
    tpu.enqueue_indirect_dma source(%dma_start3A_53 : memref<4096x128xf32, #tpu.memory_space<hbm>>) target(%arg6 : memref<128x128xf32, #tpu.memory_space<vmem>>) offsets(%arg5 : memref<128xi32, #tpu.memory_space<vmem>>) semaphore(%arg7 : memref<!tpu.dma_semaphore, #tpu.memory_space<semaphore_mem>>)
    %dma_wait3A_54 = arith.constant 0 : i32
    %dma_wait3A_55 = arith.constant 0 : i32
    %dma_wait3A_56 = tpu.memref_slice %arg2[%dma_wait3A_54, %dma_wait3A_55] : memref<4096x128xf32, #tpu.memory_space<hbm>> -> memref<4096x128xf32, #tpu.memory_space<hbm>>
    tpu.wait_indirect_dma semaphore(%arg7 : memref<!tpu.dma_semaphore, #tpu.memory_space<semaphore_mem>>) src(%dma_wait3A_56 : memref<4096x128xf32, #tpu.memory_space<hbm>>) dst(%arg6 : memref<128x128xf32, #tpu.memory_space<vmem>>)
    "tpu.region"() ({
      %run_scoped3A = tpu.sem_alloc : memref<!tpu.dma_semaphore, #tpu.memory_space<semaphore_mem>>
      %dma_start3A_65 = arith.constant 0 : i32
      %dma_start3A_66 = tpu.memref_slice %arg4[%add3A_50, %dma_start3A_65] : memref<32768x128xf32, #tpu.memory_space<hbm>> -> memref<128x128xf32, #tpu.memory_space<hbm>>
      %dma_start3A_67 = arith.constant 0 : i32
      %dma_start3A_68 = tpu.memref_slice %arg4[%add3A_50, %dma_start3A_67] : memref<32768x128xf32, #tpu.memory_space<hbm>> -> memref<128x128xf32, #tpu.memory_space<hbm>>
      tpu.enqueue_dma source(%arg6 : memref<128x128xf32, #tpu.memory_space<vmem>>) target(%dma_start3A_68 : memref<128x128xf32, #tpu.memory_space<hbm>>) target_semaphore(%run_scoped3A : memref<!tpu.dma_semaphore, #tpu.memory_space<semaphore_mem>>)
      %dma_wait3A_69 = arith.constant 0 : i32
      %dma_wait3A_70 = tpu.memref_slice %arg4[%add3A_50, %dma_wait3A_69] : memref<32768x128xf32, #tpu.memory_space<hbm>> -> memref<128x128xf32, #tpu.memory_space<hbm>>
      %dma_wait3A_71 = arith.constant 0 : i32
      %dma_wait3A_72 = tpu.memref_slice %arg4[%add3A_50, %dma_wait3A_71] : memref<32768x128xf32, #tpu.memory_space<hbm>> -> memref<128x128xf32, #tpu.memory_space<hbm>>
      tpu.wait_dma2 semaphore(%run_scoped3A : memref<!tpu.dma_semaphore, #tpu.memory_space<semaphore_mem>>) src(%arg6 : memref<128x128xf32, #tpu.memory_space<vmem>>) dst(%dma_wait3A_72 : memref<128x128xf32, #tpu.memory_space<hbm>>)
      tpu.yield
    }) : () -> ()
    %add3A_57 = arith.constant 896 : i32
    %add3A_58 = arith.addi %mul3A_2, %add3A_57 : i32
    "tpu.region"() ({
      %run_scoped3A = tpu.sem_alloc : memref<!tpu.dma_semaphore, #tpu.memory_space<semaphore_mem>>
      %dma_start3A_65 = tpu.memref_slice %arg3[%add3A_58] : memref<32768xi32, #tpu.memory_space<hbm>> -> memref<128xi32, #tpu.memory_space<hbm>>
      %dma_start3A_66 = tpu.memref_slice %arg3[%add3A_58] : memref<32768xi32, #tpu.memory_space<hbm>> -> memref<128xi32, #tpu.memory_space<hbm>>
      tpu.enqueue_dma source(%dma_start3A_66 : memref<128xi32, #tpu.memory_space<hbm>>) target(%arg5 : memref<128xi32, #tpu.memory_space<vmem>>) target_semaphore(%run_scoped3A : memref<!tpu.dma_semaphore, #tpu.memory_space<semaphore_mem>>)
      %dma_wait3A_67 = tpu.memref_slice %arg3[%add3A_58] : memref<32768xi32, #tpu.memory_space<hbm>> -> memref<128xi32, #tpu.memory_space<hbm>>
      %dma_wait3A_68 = tpu.memref_slice %arg3[%add3A_58] : memref<32768xi32, #tpu.memory_space<hbm>> -> memref<128xi32, #tpu.memory_space<hbm>>
      tpu.wait_dma2 semaphore(%run_scoped3A : memref<!tpu.dma_semaphore, #tpu.memory_space<semaphore_mem>>) src(%dma_wait3A_68 : memref<128xi32, #tpu.memory_space<hbm>>) dst(%arg5 : memref<128xi32, #tpu.memory_space<vmem>>)
      tpu.yield
    }) : () -> ()
    %dma_start3A_59 = arith.constant 0 : i32
    %dma_start3A_60 = arith.constant 0 : i32
    %dma_start3A_61 = tpu.memref_slice %arg2[%dma_start3A_59, %dma_start3A_60] : memref<4096x128xf32, #tpu.memory_space<hbm>> -> memref<4096x128xf32, #tpu.memory_space<hbm>>
    tpu.enqueue_indirect_dma source(%dma_start3A_61 : memref<4096x128xf32, #tpu.memory_space<hbm>>) target(%arg6 : memref<128x128xf32, #tpu.memory_space<vmem>>) offsets(%arg5 : memref<128xi32, #tpu.memory_space<vmem>>) semaphore(%arg7 : memref<!tpu.dma_semaphore, #tpu.memory_space<semaphore_mem>>)
    %dma_wait3A_62 = arith.constant 0 : i32
    %dma_wait3A_63 = arith.constant 0 : i32
    %dma_wait3A_64 = tpu.memref_slice %arg2[%dma_wait3A_62, %dma_wait3A_63] : memref<4096x128xf32, #tpu.memory_space<hbm>> -> memref<4096x128xf32, #tpu.memory_space<hbm>>
    tpu.wait_indirect_dma semaphore(%arg7 : memref<!tpu.dma_semaphore, #tpu.memory_space<semaphore_mem>>) src(%dma_wait3A_64 : memref<4096x128xf32, #tpu.memory_space<hbm>>) dst(%arg6 : memref<128x128xf32, #tpu.memory_space<vmem>>)
    "tpu.region"() ({
      %run_scoped3A = tpu.sem_alloc : memref<!tpu.dma_semaphore, #tpu.memory_space<semaphore_mem>>
      %dma_start3A_65 = arith.constant 0 : i32
      %dma_start3A_66 = tpu.memref_slice %arg4[%add3A_58, %dma_start3A_65] : memref<32768x128xf32, #tpu.memory_space<hbm>> -> memref<128x128xf32, #tpu.memory_space<hbm>>
      %dma_start3A_67 = arith.constant 0 : i32
      %dma_start3A_68 = tpu.memref_slice %arg4[%add3A_58, %dma_start3A_67] : memref<32768x128xf32, #tpu.memory_space<hbm>> -> memref<128x128xf32, #tpu.memory_space<hbm>>
      tpu.enqueue_dma source(%arg6 : memref<128x128xf32, #tpu.memory_space<vmem>>) target(%dma_start3A_68 : memref<128x128xf32, #tpu.memory_space<hbm>>) target_semaphore(%run_scoped3A : memref<!tpu.dma_semaphore, #tpu.memory_space<semaphore_mem>>)
      %dma_wait3A_69 = arith.constant 0 : i32
      %dma_wait3A_70 = tpu.memref_slice %arg4[%add3A_58, %dma_wait3A_69] : memref<32768x128xf32, #tpu.memory_space<hbm>> -> memref<128x128xf32, #tpu.memory_space<hbm>>
      %dma_wait3A_71 = arith.constant 0 : i32
      %dma_wait3A_72 = tpu.memref_slice %arg4[%add3A_58, %dma_wait3A_71] : memref<32768x128xf32, #tpu.memory_space<hbm>> -> memref<128x128xf32, #tpu.memory_space<hbm>>
      tpu.wait_dma2 semaphore(%run_scoped3A : memref<!tpu.dma_semaphore, #tpu.memory_space<semaphore_mem>>) src(%arg6 : memref<128x128xf32, #tpu.memory_space<vmem>>) dst(%dma_wait3A_72 : memref<128x128xf32, #tpu.memory_space<hbm>>)
      tpu.yield
    }) : () -> ()
    return
  }
}

module attributes {stable_mosaic.version = 14 : i64} {
  func.func @_topk_body(%arg0: i32, %arg1: i32, %arg2: memref<1x1024x3xf32, #tpu.memory_space<vmem>>, %arg3: memref<1x3x1024xf32, #tpu.memory_space<vmem>>, %arg4: memref<1x256x3xf32, #tpu.memory_space<vmem>>, %arg5: memref<1x256x8xi32, #tpu.memory_space<vmem>>, %arg6: memref<1x256x8xf32, #tpu.memory_space<vmem>>, %arg7: memref<1x256x8xf32, #tpu.memory_space<vmem>>, %arg8: memref<1x256x8xf32, #tpu.memory_space<vmem>>, %arg9: memref<1x256x8xf32, #tpu.memory_space<vmem>>) attributes {dimension_semantics = [#tpu.dimension_semantics<arbitrary>, #tpu.dimension_semantics<arbitrary>], iteration_bounds = array<i64: 4, 4>, scalar_prefetch = 0 : i64, scratch_operands = 0 : i64, tpu.core_type = #tpu.core_type<tc>, window_params = [{transform_indices = @transform_0, window_bounds = array<i64: 1, 1024, 3>}, {transform_indices = @transform_1, window_bounds = array<i64: 1, 3, 1024>}, {transform_indices = @transform_2, window_bounds = array<i64: 1, 256, 3>}, {transform_indices = @transform_3, window_bounds = array<i64: 1, 256, 8>}, {transform_indices = @transform_4, window_bounds = array<i64: 1, 256, 8>}, {transform_indices = @transform_5, window_bounds = array<i64: 1, 256, 8>}, {transform_indices = @transform_6, window_bounds = array<i64: 1, 256, 8>}, {transform_indices = @transform_7, window_bounds = array<i64: 1, 256, 8>}]} {
    %get3A = arith.constant 0 : index
    %get3A_0 = arith.constant 0 : index
    %get3A_1 = arith.constant 0 : index
    %get3A_2 = vector.load %arg2[%get3A, %get3A_0, %get3A_1] : memref<1x1024x3xf32, #tpu.memory_space<vmem>>, vector<1x1024x3xf32>
    %get3A_3 = vector.shape_cast %get3A_2 : vector<1x1024x3xf32> to vector<1024x3xf32>
    %get3A_4 = arith.constant 0 : index
    %get3A_5 = arith.constant 0 : index
    %get3A_6 = arith.constant 0 : index
    %get3A_7 = vector.load %arg3[%get3A_4, %get3A_5, %get3A_6] : memref<1x3x1024xf32, #tpu.memory_space<vmem>>, vector<1x3x1024xf32>
    %get3A_8 = vector.shape_cast %get3A_7 : vector<1x3x1024xf32> to vector<3x1024xf32>
    %get3A_9 = arith.constant 0 : index
    %get3A_10 = arith.constant 0 : index
    %get3A_11 = arith.constant 0 : index
    %get3A_12 = vector.load %arg4[%get3A_9, %get3A_10, %get3A_11] : memref<1x256x3xf32, #tpu.memory_space<vmem>>, vector<1x256x3xf32>
    %get3A_13 = vector.shape_cast %get3A_12 : vector<1x256x3xf32> to vector<256x3xf32>
    %slice3A = vector.extract_strided_slice %get3A_13 {offsets = [0, 0], sizes = [256, 1], strides = [1, 1]} : vector<256x3xf32> to vector<256x1xf32>
    %slice3A_14 = vector.extract_strided_slice %get3A_8 {offsets = [0, 0], sizes = [1, 1024], strides = [1, 1]} : vector<3x1024xf32> to vector<1x1024xf32>
    %sub3A = vector.broadcast %slice3A : vector<256x1xf32> to vector<256x1024xf32>
    %sub3A_15 = vector.broadcast %slice3A_14 : vector<1x1024xf32> to vector<256x1024xf32>
    %sub3A_16 = arith.subf %sub3A, %sub3A_15 : vector<256x1024xf32>
    %slice3A_17 = vector.extract_strided_slice %get3A_13 {offsets = [0, 1], sizes = [256, 1], strides = [1, 1]} : vector<256x3xf32> to vector<256x1xf32>
    %slice3A_18 = vector.extract_strided_slice %get3A_8 {offsets = [1, 0], sizes = [1, 1024], strides = [1, 1]} : vector<3x1024xf32> to vector<1x1024xf32>
    %sub3A_19 = vector.broadcast %slice3A_17 : vector<256x1xf32> to vector<256x1024xf32>
    %sub3A_20 = vector.broadcast %slice3A_18 : vector<1x1024xf32> to vector<256x1024xf32>
    %sub3A_21 = arith.subf %sub3A_19, %sub3A_20 : vector<256x1024xf32>
    %slice3A_22 = vector.extract_strided_slice %get3A_13 {offsets = [0, 2], sizes = [256, 1], strides = [1, 1]} : vector<256x3xf32> to vector<256x1xf32>
    %slice3A_23 = vector.extract_strided_slice %get3A_8 {offsets = [2, 0], sizes = [1, 1024], strides = [1, 1]} : vector<3x1024xf32> to vector<1x1024xf32>
    %sub3A_24 = vector.broadcast %slice3A_22 : vector<256x1xf32> to vector<256x1024xf32>
    %sub3A_25 = vector.broadcast %slice3A_23 : vector<1x1024xf32> to vector<256x1024xf32>
    %sub3A_26 = arith.subf %sub3A_24, %sub3A_25 : vector<256x1024xf32>
    %mul3A = arith.mulf %sub3A_16, %sub3A_16 : vector<256x1024xf32>
    %mul3A_27 = arith.mulf %sub3A_21, %sub3A_21 : vector<256x1024xf32>
    %add3A = arith.addf %mul3A, %mul3A_27 : vector<256x1024xf32>
    %mul3A_28 = arith.mulf %sub3A_26, %sub3A_26 : vector<256x1024xf32>
    %add3A_29 = arith.addf %add3A, %mul3A_28 : vector<256x1024xf32>
    %iota3A = tpu.iota {dimensions = array<i32: 1>} : vector<256x1024xi32>
    %reduce_min3A = arith.constant dense<0x7F800000> : vector<256xf32>
    %reduce_min3A_30 = vector.multi_reduction <minimumf>, %add3A_29, %reduce_min3A [1] : vector<256x1024xf32> to vector<256xf32>
    %broadcast_in_dim3A = vector.shape_cast %reduce_min3A_30 : vector<256xf32> to vector<256x1xf32>
    %eq3A = vector.broadcast %broadcast_in_dim3A : vector<256x1xf32> to vector<256x1024xf32>
    %eq3A_31 = arith.cmpf oeq, %add3A_29, %eq3A : vector<256x1024xf32>
    %jit3A = arith.constant 1024 : i32
    %broadcast_in_dim3A_32 = vector.broadcast %jit3A : i32 to vector<256x1024xi32>
    %select_n3A = arith.select %eq3A_31, %iota3A, %broadcast_in_dim3A_32 : vector<256x1024xi1>, vector<256x1024xi32>
    %reduce_min3A_33 = arith.constant dense<2147483647> : vector<256xi32>
    %reduce_min3A_34 = vector.multi_reduction <minsi>, %select_n3A, %reduce_min3A_33 [1] : vector<256x1024xi32> to vector<256xi32>
    %broadcast_in_dim3A_35 = vector.shape_cast %reduce_min3A_34 : vector<256xi32> to vector<256x1xi32>
    %eq3A_36 = vector.broadcast %broadcast_in_dim3A_35 : vector<256x1xi32> to vector<256x1024xi32>
    %eq3A_37 = arith.cmpi eq, %iota3A, %eq3A_36 : vector<256x1024xi32>
    %convert_element_type3A = arith.extui %eq3A_37 : vector<256x1024xi1> to vector<256x1024xi32>
    %convert_element_type3A_38 = arith.sitofp %convert_element_type3A : vector<256x1024xi32> to vector<256x1024xf32>
    %dot_general3A = arith.constant dense<0.000000e+00> : vector<256x3xf32>
    %dot_general3A_39 = tpu.matmul %convert_element_type3A_38, %get3A_3, %dot_general3A {dimension_numbers = #tpu.dot_dimension_numbers<[1], [0], [0], [1], [0, 0, 1, 1], [], []>, precision = #tpu.contract_precision<fp32>, transpose_lhs_hint = false} : vector<256x1024xf32>, vector<1024x3xf32>, vector<256x3xf32> -> vector<256x3xf32>
    %sub3A_40 = arith.subf %get3A_13, %dot_general3A_39 : vector<256x3xf32>
    %mul3A_41 = arith.constant 1024 : i32
    %mul3A_42 = arith.muli %arg0, %mul3A_41 : i32
    %add3A_43 = vector.broadcast %mul3A_42 : i32 to vector<256x1xi32>
    %add3A_44 = arith.addi %broadcast_in_dim3A_35, %add3A_43 : vector<256x1xi32>
    %swap3A = arith.constant 0 : index
    %swap3A_45 = arith.constant 0 : index
    %swap3A_46 = arith.constant 0 : index
    %swap3A_47 = vector.load %arg5[%swap3A, %swap3A_45, %swap3A_46] : memref<1x256x8xi32, #tpu.memory_space<vmem>>, vector<1x256x1xi32>
    %swap3A_48 = vector.shape_cast %swap3A_47 : vector<1x256x1xi32> to vector<256x1xi32>
    %swap3A_49 = vector.shape_cast %add3A_44 : vector<256x1xi32> to vector<1x256x1xi32>
    tpu.vector_store %arg5[%swap3A, %swap3A_45, %swap3A_46], %swap3A_49 {strides = array<i32>} : memref<1x256x8xi32, #tpu.memory_space<vmem>>, vector<1x256x1xi32>,
    %swap3A_50 = arith.constant 0 : index
    %swap3A_51 = arith.constant 0 : index
    %swap3A_52 = arith.constant 0 : index
    %swap3A_53 = vector.load %arg6[%swap3A_50, %swap3A_51, %swap3A_52] : memref<1x256x8xf32, #tpu.memory_space<vmem>>, vector<1x256x1xf32>
    %swap3A_54 = vector.shape_cast %swap3A_53 : vector<1x256x1xf32> to vector<256x1xf32>
    %swap3A_55 = vector.shape_cast %broadcast_in_dim3A : vector<256x1xf32> to vector<1x256x1xf32>
    tpu.vector_store %arg6[%swap3A_50, %swap3A_51, %swap3A_52], %swap3A_55 {strides = array<i32>} : memref<1x256x8xf32, #tpu.memory_space<vmem>>, vector<1x256x1xf32>,
    %slice3A_56 = vector.extract_strided_slice %sub3A_40 {offsets = [0, 0], sizes = [256, 1], strides = [1, 1]} : vector<256x3xf32> to vector<256x1xf32>
    %swap3A_57 = arith.constant 0 : index
    %swap3A_58 = arith.constant 0 : index
    %swap3A_59 = arith.constant 0 : index
    %swap3A_60 = vector.load %arg7[%swap3A_57, %swap3A_58, %swap3A_59] : memref<1x256x8xf32, #tpu.memory_space<vmem>>, vector<1x256x1xf32>
    %swap3A_61 = vector.shape_cast %swap3A_60 : vector<1x256x1xf32> to vector<256x1xf32>
    %swap3A_62 = vector.shape_cast %slice3A_56 : vector<256x1xf32> to vector<1x256x1xf32>
    tpu.vector_store %arg7[%swap3A_57, %swap3A_58, %swap3A_59], %swap3A_62 {strides = array<i32>} : memref<1x256x8xf32, #tpu.memory_space<vmem>>, vector<1x256x1xf32>,
    %slice3A_63 = vector.extract_strided_slice %sub3A_40 {offsets = [0, 1], sizes = [256, 1], strides = [1, 1]} : vector<256x3xf32> to vector<256x1xf32>
    %swap3A_64 = arith.constant 0 : index
    %swap3A_65 = arith.constant 0 : index
    %swap3A_66 = arith.constant 0 : index
    %swap3A_67 = vector.load %arg8[%swap3A_64, %swap3A_65, %swap3A_66] : memref<1x256x8xf32, #tpu.memory_space<vmem>>, vector<1x256x1xf32>
    %swap3A_68 = vector.shape_cast %swap3A_67 : vector<1x256x1xf32> to vector<256x1xf32>
    %swap3A_69 = vector.shape_cast %slice3A_63 : vector<256x1xf32> to vector<1x256x1xf32>
    tpu.vector_store %arg8[%swap3A_64, %swap3A_65, %swap3A_66], %swap3A_69 {strides = array<i32>} : memref<1x256x8xf32, #tpu.memory_space<vmem>>, vector<1x256x1xf32>,
    %slice3A_70 = vector.extract_strided_slice %sub3A_40 {offsets = [0, 2], sizes = [256, 1], strides = [1, 1]} : vector<256x3xf32> to vector<256x1xf32>
    %swap3A_71 = arith.constant 0 : index
    %swap3A_72 = arith.constant 0 : index
    %swap3A_73 = arith.constant 0 : index
    %swap3A_74 = vector.load %arg9[%swap3A_71, %swap3A_72, %swap3A_73] : memref<1x256x8xf32, #tpu.memory_space<vmem>>, vector<1x256x1xf32>
    %swap3A_75 = vector.shape_cast %swap3A_74 : vector<1x256x1xf32> to vector<256x1xf32>
    %swap3A_76 = vector.shape_cast %slice3A_70 : vector<256x1xf32> to vector<1x256x1xf32>
    tpu.vector_store %arg9[%swap3A_71, %swap3A_72, %swap3A_73], %swap3A_76 {strides = array<i32>} : memref<1x256x8xf32, #tpu.memory_space<vmem>>, vector<1x256x1xf32>,
    %eq3A_77 = vector.broadcast %broadcast_in_dim3A_35 : vector<256x1xi32> to vector<256x1024xi32>
    %eq3A_78 = arith.cmpi eq, %iota3A, %eq3A_77 : vector<256x1024xi32>
    %jit3A_79 = arith.constant 3.000000e+38 : f32
    %broadcast_in_dim3A_80 = vector.broadcast %jit3A_79 : f32 to vector<256x1024xf32>
    %select_n3A_81 = arith.select %eq3A_78, %broadcast_in_dim3A_80, %add3A_29 : vector<256x1024xi1>, vector<256x1024xf32>
    %reduce_min3A_82 = arith.constant dense<0x7F800000> : vector<256xf32>
    %reduce_min3A_83 = vector.multi_reduction <minimumf>, %select_n3A_81, %reduce_min3A_82 [1] : vector<256x1024xf32> to vector<256xf32>
    %broadcast_in_dim3A_84 = vector.shape_cast %reduce_min3A_83 : vector<256xf32> to vector<256x1xf32>
    %eq3A_85 = vector.broadcast %broadcast_in_dim3A_84 : vector<256x1xf32> to vector<256x1024xf32>
    %eq3A_86 = arith.cmpf oeq, %select_n3A_81, %eq3A_85 : vector<256x1024xf32>
    %jit3A_87 = arith.constant 1024 : i32
    %broadcast_in_dim3A_88 = vector.broadcast %jit3A_87 : i32 to vector<256x1024xi32>
    %select_n3A_89 = arith.select %eq3A_86, %iota3A, %broadcast_in_dim3A_88 : vector<256x1024xi1>, vector<256x1024xi32>
    %reduce_min3A_90 = arith.constant dense<2147483647> : vector<256xi32>
    %reduce_min3A_91 = vector.multi_reduction <minsi>, %select_n3A_89, %reduce_min3A_90 [1] : vector<256x1024xi32> to vector<256xi32>
    %broadcast_in_dim3A_92 = vector.shape_cast %reduce_min3A_91 : vector<256xi32> to vector<256x1xi32>
    %eq3A_93 = vector.broadcast %broadcast_in_dim3A_92 : vector<256x1xi32> to vector<256x1024xi32>
    %eq3A_94 = arith.cmpi eq, %iota3A, %eq3A_93 : vector<256x1024xi32>
    %convert_element_type3A_95 = arith.extui %eq3A_94 : vector<256x1024xi1> to vector<256x1024xi32>
    %convert_element_type3A_96 = arith.sitofp %convert_element_type3A_95 : vector<256x1024xi32> to vector<256x1024xf32>
    %dot_general3A_97 = arith.constant dense<0.000000e+00> : vector<256x3xf32>
    %dot_general3A_98 = tpu.matmul %convert_element_type3A_96, %get3A_3, %dot_general3A_97 {dimension_numbers = #tpu.dot_dimension_numbers<[1], [0], [0], [1], [0, 0, 1, 1], [], []>, precision = #tpu.contract_precision<fp32>, transpose_lhs_hint = false} : vector<256x1024xf32>, vector<1024x3xf32>, vector<256x3xf32> -> vector<256x3xf32>
    %sub3A_99 = arith.subf %get3A_13, %dot_general3A_98 : vector<256x3xf32>
    %mul3A_100 = arith.constant 1024 : i32
    %mul3A_101 = arith.muli %arg0, %mul3A_100 : i32
    %add3A_102 = vector.broadcast %mul3A_101 : i32 to vector<256x1xi32>
    %add3A_103 = arith.addi %broadcast_in_dim3A_92, %add3A_102 : vector<256x1xi32>
    %swap3A_104 = arith.constant 0 : index
    %swap3A_105 = arith.constant 0 : index
    %swap3A_106 = arith.constant 1 : index
    %swap3A_107 = vector.load %arg5[%swap3A_104, %swap3A_105, %swap3A_106] : memref<1x256x8xi32, #tpu.memory_space<vmem>>, vector<1x256x1xi32>
    %swap3A_108 = vector.shape_cast %swap3A_107 : vector<1x256x1xi32> to vector<256x1xi32>
    %swap3A_109 = vector.shape_cast %add3A_103 : vector<256x1xi32> to vector<1x256x1xi32>
    tpu.vector_store %arg5[%swap3A_104, %swap3A_105, %swap3A_106], %swap3A_109 {strides = array<i32>} : memref<1x256x8xi32, #tpu.memory_space<vmem>>, vector<1x256x1xi32>,
    %swap3A_110 = arith.constant 0 : index
    %swap3A_111 = arith.constant 0 : index
    %swap3A_112 = arith.constant 1 : index
    %swap3A_113 = vector.load %arg6[%swap3A_110, %swap3A_111, %swap3A_112] : memref<1x256x8xf32, #tpu.memory_space<vmem>>, vector<1x256x1xf32>
    %swap3A_114 = vector.shape_cast %swap3A_113 : vector<1x256x1xf32> to vector<256x1xf32>
    %swap3A_115 = vector.shape_cast %broadcast_in_dim3A_84 : vector<256x1xf32> to vector<1x256x1xf32>
    tpu.vector_store %arg6[%swap3A_110, %swap3A_111, %swap3A_112], %swap3A_115 {strides = array<i32>} : memref<1x256x8xf32, #tpu.memory_space<vmem>>, vector<1x256x1xf32>,
    %slice3A_116 = vector.extract_strided_slice %sub3A_99 {offsets = [0, 0], sizes = [256, 1], strides = [1, 1]} : vector<256x3xf32> to vector<256x1xf32>
    %swap3A_117 = arith.constant 0 : index
    %swap3A_118 = arith.constant 0 : index
    %swap3A_119 = arith.constant 1 : index
    %swap3A_120 = vector.load %arg7[%swap3A_117, %swap3A_118, %swap3A_119] : memref<1x256x8xf32, #tpu.memory_space<vmem>>, vector<1x256x1xf32>
    %swap3A_121 = vector.shape_cast %swap3A_120 : vector<1x256x1xf32> to vector<256x1xf32>
    %swap3A_122 = vector.shape_cast %slice3A_116 : vector<256x1xf32> to vector<1x256x1xf32>
    tpu.vector_store %arg7[%swap3A_117, %swap3A_118, %swap3A_119], %swap3A_122 {strides = array<i32>} : memref<1x256x8xf32, #tpu.memory_space<vmem>>, vector<1x256x1xf32>,
    %slice3A_123 = vector.extract_strided_slice %sub3A_99 {offsets = [0, 1], sizes = [256, 1], strides = [1, 1]} : vector<256x3xf32> to vector<256x1xf32>
    %swap3A_124 = arith.constant 0 : index
    %swap3A_125 = arith.constant 0 : index
    %swap3A_126 = arith.constant 1 : index
    %swap3A_127 = vector.load %arg8[%swap3A_124, %swap3A_125, %swap3A_126] : memref<1x256x8xf32, #tpu.memory_space<vmem>>, vector<1x256x1xf32>
    %swap3A_128 = vector.shape_cast %swap3A_127 : vector<1x256x1xf32> to vector<256x1xf32>
    %swap3A_129 = vector.shape_cast %slice3A_123 : vector<256x1xf32> to vector<1x256x1xf32>
    tpu.vector_store %arg8[%swap3A_124, %swap3A_125, %swap3A_126], %swap3A_129 {strides = array<i32>} : memref<1x256x8xf32, #tpu.memory_space<vmem>>, vector<1x256x1xf32>,
    %slice3A_130 = vector.extract_strided_slice %sub3A_99 {offsets = [0, 2], sizes = [256, 1], strides = [1, 1]} : vector<256x3xf32> to vector<256x1xf32>
    %swap3A_131 = arith.constant 0 : index
    %swap3A_132 = arith.constant 0 : index
    %swap3A_133 = arith.constant 1 : index
    %swap3A_134 = vector.load %arg9[%swap3A_131, %swap3A_132, %swap3A_133] : memref<1x256x8xf32, #tpu.memory_space<vmem>>, vector<1x256x1xf32>
    %swap3A_135 = vector.shape_cast %swap3A_134 : vector<1x256x1xf32> to vector<256x1xf32>
    %swap3A_136 = vector.shape_cast %slice3A_130 : vector<256x1xf32> to vector<1x256x1xf32>
    tpu.vector_store %arg9[%swap3A_131, %swap3A_132, %swap3A_133], %swap3A_136 {strides = array<i32>} : memref<1x256x8xf32, #tpu.memory_space<vmem>>, vector<1x256x1xf32>,
    %eq3A_137 = vector.broadcast %broadcast_in_dim3A_92 : vector<256x1xi32> to vector<256x1024xi32>
    %eq3A_138 = arith.cmpi eq, %iota3A, %eq3A_137 : vector<256x1024xi32>
    %jit3A_139 = arith.constant 3.000000e+38 : f32
    %broadcast_in_dim3A_140 = vector.broadcast %jit3A_139 : f32 to vector<256x1024xf32>
    %select_n3A_141 = arith.select %eq3A_138, %broadcast_in_dim3A_140, %select_n3A_81 : vector<256x1024xi1>, vector<256x1024xf32>
    %reduce_min3A_142 = arith.constant dense<0x7F800000> : vector<256xf32>
    %reduce_min3A_143 = vector.multi_reduction <minimumf>, %select_n3A_141, %reduce_min3A_142 [1] : vector<256x1024xf32> to vector<256xf32>
    %broadcast_in_dim3A_144 = vector.shape_cast %reduce_min3A_143 : vector<256xf32> to vector<256x1xf32>
    %eq3A_145 = vector.broadcast %broadcast_in_dim3A_144 : vector<256x1xf32> to vector<256x1024xf32>
    %eq3A_146 = arith.cmpf oeq, %select_n3A_141, %eq3A_145 : vector<256x1024xf32>
    %jit3A_147 = arith.constant 1024 : i32
    %broadcast_in_dim3A_148 = vector.broadcast %jit3A_147 : i32 to vector<256x1024xi32>
    %select_n3A_149 = arith.select %eq3A_146, %iota3A, %broadcast_in_dim3A_148 : vector<256x1024xi1>, vector<256x1024xi32>
    %reduce_min3A_150 = arith.constant dense<2147483647> : vector<256xi32>
    %reduce_min3A_151 = vector.multi_reduction <minsi>, %select_n3A_149, %reduce_min3A_150 [1] : vector<256x1024xi32> to vector<256xi32>
    %broadcast_in_dim3A_152 = vector.shape_cast %reduce_min3A_151 : vector<256xi32> to vector<256x1xi32>
    %eq3A_153 = vector.broadcast %broadcast_in_dim3A_152 : vector<256x1xi32> to vector<256x1024xi32>
    %eq3A_154 = arith.cmpi eq, %iota3A, %eq3A_153 : vector<256x1024xi32>
    %convert_element_type3A_155 = arith.extui %eq3A_154 : vector<256x1024xi1> to vector<256x1024xi32>
    %convert_element_type3A_156 = arith.sitofp %convert_element_type3A_155 : vector<256x1024xi32> to vector<256x1024xf32>
    %dot_general3A_157 = arith.constant dense<0.000000e+00> : vector<256x3xf32>
    %dot_general3A_158 = tpu.matmul %convert_element_type3A_156, %get3A_3, %dot_general3A_157 {dimension_numbers = #tpu.dot_dimension_numbers<[1], [0], [0], [1], [0, 0, 1, 1], [], []>, precision = #tpu.contract_precision<fp32>, transpose_lhs_hint = false} : vector<256x1024xf32>, vector<1024x3xf32>, vector<256x3xf32> -> vector<256x3xf32>
    %sub3A_159 = arith.subf %get3A_13, %dot_general3A_158 : vector<256x3xf32>
    %mul3A_160 = arith.constant 1024 : i32
    %mul3A_161 = arith.muli %arg0, %mul3A_160 : i32
    %add3A_162 = vector.broadcast %mul3A_161 : i32 to vector<256x1xi32>
    %add3A_163 = arith.addi %broadcast_in_dim3A_152, %add3A_162 : vector<256x1xi32>
    %swap3A_164 = arith.constant 0 : index
    %swap3A_165 = arith.constant 0 : index
    %swap3A_166 = arith.constant 2 : index
    %swap3A_167 = vector.load %arg5[%swap3A_164, %swap3A_165, %swap3A_166] : memref<1x256x8xi32, #tpu.memory_space<vmem>>, vector<1x256x1xi32>
    %swap3A_168 = vector.shape_cast %swap3A_167 : vector<1x256x1xi32> to vector<256x1xi32>
    %swap3A_169 = vector.shape_cast %add3A_163 : vector<256x1xi32> to vector<1x256x1xi32>
    tpu.vector_store %arg5[%swap3A_164, %swap3A_165, %swap3A_166], %swap3A_169 {strides = array<i32>} : memref<1x256x8xi32, #tpu.memory_space<vmem>>, vector<1x256x1xi32>,
    %swap3A_170 = arith.constant 0 : index
    %swap3A_171 = arith.constant 0 : index
    %swap3A_172 = arith.constant 2 : index
    %swap3A_173 = vector.load %arg6[%swap3A_170, %swap3A_171, %swap3A_172] : memref<1x256x8xf32, #tpu.memory_space<vmem>>, vector<1x256x1xf32>
    %swap3A_174 = vector.shape_cast %swap3A_173 : vector<1x256x1xf32> to vector<256x1xf32>
    %swap3A_175 = vector.shape_cast %broadcast_in_dim3A_144 : vector<256x1xf32> to vector<1x256x1xf32>
    tpu.vector_store %arg6[%swap3A_170, %swap3A_171, %swap3A_172], %swap3A_175 {strides = array<i32>} : memref<1x256x8xf32, #tpu.memory_space<vmem>>, vector<1x256x1xf32>,
    %slice3A_176 = vector.extract_strided_slice %sub3A_159 {offsets = [0, 0], sizes = [256, 1], strides = [1, 1]} : vector<256x3xf32> to vector<256x1xf32>
    %swap3A_177 = arith.constant 0 : index
    %swap3A_178 = arith.constant 0 : index
    %swap3A_179 = arith.constant 2 : index
    %swap3A_180 = vector.load %arg7[%swap3A_177, %swap3A_178, %swap3A_179] : memref<1x256x8xf32, #tpu.memory_space<vmem>>, vector<1x256x1xf32>
    %swap3A_181 = vector.shape_cast %swap3A_180 : vector<1x256x1xf32> to vector<256x1xf32>
    %swap3A_182 = vector.shape_cast %slice3A_176 : vector<256x1xf32> to vector<1x256x1xf32>
    tpu.vector_store %arg7[%swap3A_177, %swap3A_178, %swap3A_179], %swap3A_182 {strides = array<i32>} : memref<1x256x8xf32, #tpu.memory_space<vmem>>, vector<1x256x1xf32>,
    %slice3A_183 = vector.extract_strided_slice %sub3A_159 {offsets = [0, 1], sizes = [256, 1], strides = [1, 1]} : vector<256x3xf32> to vector<256x1xf32>
    %swap3A_184 = arith.constant 0 : index
    %swap3A_185 = arith.constant 0 : index
    %swap3A_186 = arith.constant 2 : index
    %swap3A_187 = vector.load %arg8[%swap3A_184, %swap3A_185, %swap3A_186] : memref<1x256x8xf32, #tpu.memory_space<vmem>>, vector<1x256x1xf32>
    %swap3A_188 = vector.shape_cast %swap3A_187 : vector<1x256x1xf32> to vector<256x1xf32>
    %swap3A_189 = vector.shape_cast %slice3A_183 : vector<256x1xf32> to vector<1x256x1xf32>
    tpu.vector_store %arg8[%swap3A_184, %swap3A_185, %swap3A_186], %swap3A_189 {strides = array<i32>} : memref<1x256x8xf32, #tpu.memory_space<vmem>>, vector<1x256x1xf32>,
    %slice3A_190 = vector.extract_strided_slice %sub3A_159 {offsets = [0, 2], sizes = [256, 1], strides = [1, 1]} : vector<256x3xf32> to vector<256x1xf32>
    %swap3A_191 = arith.constant 0 : index
    %swap3A_192 = arith.constant 0 : index
    %swap3A_193 = arith.constant 2 : index
    %swap3A_194 = vector.load %arg9[%swap3A_191, %swap3A_192, %swap3A_193] : memref<1x256x8xf32, #tpu.memory_space<vmem>>, vector<1x256x1xf32>
    %swap3A_195 = vector.shape_cast %swap3A_194 : vector<1x256x1xf32> to vector<256x1xf32>
    %swap3A_196 = vector.shape_cast %slice3A_190 : vector<256x1xf32> to vector<1x256x1xf32>
    tpu.vector_store %arg9[%swap3A_191, %swap3A_192, %swap3A_193], %swap3A_196 {strides = array<i32>} : memref<1x256x8xf32, #tpu.memory_space<vmem>>, vector<1x256x1xf32>,
    %eq3A_197 = vector.broadcast %broadcast_in_dim3A_152 : vector<256x1xi32> to vector<256x1024xi32>
    %eq3A_198 = arith.cmpi eq, %iota3A, %eq3A_197 : vector<256x1024xi32>
    %jit3A_199 = arith.constant 3.000000e+38 : f32
    %broadcast_in_dim3A_200 = vector.broadcast %jit3A_199 : f32 to vector<256x1024xf32>
    %select_n3A_201 = arith.select %eq3A_198, %broadcast_in_dim3A_200, %select_n3A_141 : vector<256x1024xi1>, vector<256x1024xf32>
    %reduce_min3A_202 = arith.constant dense<0x7F800000> : vector<256xf32>
    %reduce_min3A_203 = vector.multi_reduction <minimumf>, %select_n3A_201, %reduce_min3A_202 [1] : vector<256x1024xf32> to vector<256xf32>
    %broadcast_in_dim3A_204 = vector.shape_cast %reduce_min3A_203 : vector<256xf32> to vector<256x1xf32>
    %eq3A_205 = vector.broadcast %broadcast_in_dim3A_204 : vector<256x1xf32> to vector<256x1024xf32>
    %eq3A_206 = arith.cmpf oeq, %select_n3A_201, %eq3A_205 : vector<256x1024xf32>
    %jit3A_207 = arith.constant 1024 : i32
    %broadcast_in_dim3A_208 = vector.broadcast %jit3A_207 : i32 to vector<256x1024xi32>
    %select_n3A_209 = arith.select %eq3A_206, %iota3A, %broadcast_in_dim3A_208 : vector<256x1024xi1>, vector<256x1024xi32>
    %reduce_min3A_210 = arith.constant dense<2147483647> : vector<256xi32>
    %reduce_min3A_211 = vector.multi_reduction <minsi>, %select_n3A_209, %reduce_min3A_210 [1] : vector<256x1024xi32> to vector<256xi32>
    %broadcast_in_dim3A_212 = vector.shape_cast %reduce_min3A_211 : vector<256xi32> to vector<256x1xi32>
    %eq3A_213 = vector.broadcast %broadcast_in_dim3A_212 : vector<256x1xi32> to vector<256x1024xi32>
    %eq3A_214 = arith.cmpi eq, %iota3A, %eq3A_213 : vector<256x1024xi32>
    %convert_element_type3A_215 = arith.extui %eq3A_214 : vector<256x1024xi1> to vector<256x1024xi32>
    %convert_element_type3A_216 = arith.sitofp %convert_element_type3A_215 : vector<256x1024xi32> to vector<256x1024xf32>
    %dot_general3A_217 = arith.constant dense<0.000000e+00> : vector<256x3xf32>
    %dot_general3A_218 = tpu.matmul %convert_element_type3A_216, %get3A_3, %dot_general3A_217 {dimension_numbers = #tpu.dot_dimension_numbers<[1], [0], [0], [1], [0, 0, 1, 1], [], []>, precision = #tpu.contract_precision<fp32>, transpose_lhs_hint = false} : vector<256x1024xf32>, vector<1024x3xf32>, vector<256x3xf32> -> vector<256x3xf32>
    %sub3A_219 = arith.subf %get3A_13, %dot_general3A_218 : vector<256x3xf32>
    %mul3A_220 = arith.constant 1024 : i32
    %mul3A_221 = arith.muli %arg0, %mul3A_220 : i32
    %add3A_222 = vector.broadcast %mul3A_221 : i32 to vector<256x1xi32>
    %add3A_223 = arith.addi %broadcast_in_dim3A_212, %add3A_222 : vector<256x1xi32>
    %swap3A_224 = arith.constant 0 : index
    %swap3A_225 = arith.constant 0 : index
    %swap3A_226 = arith.constant 3 : index
    %swap3A_227 = vector.load %arg5[%swap3A_224, %swap3A_225, %swap3A_226] : memref<1x256x8xi32, #tpu.memory_space<vmem>>, vector<1x256x1xi32>
    %swap3A_228 = vector.shape_cast %swap3A_227 : vector<1x256x1xi32> to vector<256x1xi32>
    %swap3A_229 = vector.shape_cast %add3A_223 : vector<256x1xi32> to vector<1x256x1xi32>
    tpu.vector_store %arg5[%swap3A_224, %swap3A_225, %swap3A_226], %swap3A_229 {strides = array<i32>} : memref<1x256x8xi32, #tpu.memory_space<vmem>>, vector<1x256x1xi32>,
    %swap3A_230 = arith.constant 0 : index
    %swap3A_231 = arith.constant 0 : index
    %swap3A_232 = arith.constant 3 : index
    %swap3A_233 = vector.load %arg6[%swap3A_230, %swap3A_231, %swap3A_232] : memref<1x256x8xf32, #tpu.memory_space<vmem>>, vector<1x256x1xf32>
    %swap3A_234 = vector.shape_cast %swap3A_233 : vector<1x256x1xf32> to vector<256x1xf32>
    %swap3A_235 = vector.shape_cast %broadcast_in_dim3A_204 : vector<256x1xf32> to vector<1x256x1xf32>
    tpu.vector_store %arg6[%swap3A_230, %swap3A_231, %swap3A_232], %swap3A_235 {strides = array<i32>} : memref<1x256x8xf32, #tpu.memory_space<vmem>>, vector<1x256x1xf32>,
    %slice3A_236 = vector.extract_strided_slice %sub3A_219 {offsets = [0, 0], sizes = [256, 1], strides = [1, 1]} : vector<256x3xf32> to vector<256x1xf32>
    %swap3A_237 = arith.constant 0 : index
    %swap3A_238 = arith.constant 0 : index
    %swap3A_239 = arith.constant 3 : index
    %swap3A_240 = vector.load %arg7[%swap3A_237, %swap3A_238, %swap3A_239] : memref<1x256x8xf32, #tpu.memory_space<vmem>>, vector<1x256x1xf32>
    %swap3A_241 = vector.shape_cast %swap3A_240 : vector<1x256x1xf32> to vector<256x1xf32>
    %swap3A_242 = vector.shape_cast %slice3A_236 : vector<256x1xf32> to vector<1x256x1xf32>
    tpu.vector_store %arg7[%swap3A_237, %swap3A_238, %swap3A_239], %swap3A_242 {strides = array<i32>} : memref<1x256x8xf32, #tpu.memory_space<vmem>>, vector<1x256x1xf32>,
    %slice3A_243 = vector.extract_strided_slice %sub3A_219 {offsets = [0, 1], sizes = [256, 1], strides = [1, 1]} : vector<256x3xf32> to vector<256x1xf32>
    %swap3A_244 = arith.constant 0 : index
    %swap3A_245 = arith.constant 0 : index
    %swap3A_246 = arith.constant 3 : index
    %swap3A_247 = vector.load %arg8[%swap3A_244, %swap3A_245, %swap3A_246] : memref<1x256x8xf32, #tpu.memory_space<vmem>>, vector<1x256x1xf32>
    %swap3A_248 = vector.shape_cast %swap3A_247 : vector<1x256x1xf32> to vector<256x1xf32>
    %swap3A_249 = vector.shape_cast %slice3A_243 : vector<256x1xf32> to vector<1x256x1xf32>
    tpu.vector_store %arg8[%swap3A_244, %swap3A_245, %swap3A_246], %swap3A_249 {strides = array<i32>} : memref<1x256x8xf32, #tpu.memory_space<vmem>>, vector<1x256x1xf32>,
    %slice3A_250 = vector.extract_strided_slice %sub3A_219 {offsets = [0, 2], sizes = [256, 1], strides = [1, 1]} : vector<256x3xf32> to vector<256x1xf32>
    %swap3A_251 = arith.constant 0 : index
    %swap3A_252 = arith.constant 0 : index
    %swap3A_253 = arith.constant 3 : index
    %swap3A_254 = vector.load %arg9[%swap3A_251, %swap3A_252, %swap3A_253] : memref<1x256x8xf32, #tpu.memory_space<vmem>>, vector<1x256x1xf32>
    %swap3A_255 = vector.shape_cast %swap3A_254 : vector<1x256x1xf32> to vector<256x1xf32>
    %swap3A_256 = vector.shape_cast %slice3A_250 : vector<256x1xf32> to vector<1x256x1xf32>
    tpu.vector_store %arg9[%swap3A_251, %swap3A_252, %swap3A_253], %swap3A_256 {strides = array<i32>} : memref<1x256x8xf32, #tpu.memory_space<vmem>>, vector<1x256x1xf32>,
    %eq3A_257 = vector.broadcast %broadcast_in_dim3A_212 : vector<256x1xi32> to vector<256x1024xi32>
    %eq3A_258 = arith.cmpi eq, %iota3A, %eq3A_257 : vector<256x1024xi32>
    %jit3A_259 = arith.constant 3.000000e+38 : f32
    %broadcast_in_dim3A_260 = vector.broadcast %jit3A_259 : f32 to vector<256x1024xf32>
    %select_n3A_261 = arith.select %eq3A_258, %broadcast_in_dim3A_260, %select_n3A_201 : vector<256x1024xi1>, vector<256x1024xf32>
    %reduce_min3A_262 = arith.constant dense<0x7F800000> : vector<256xf32>
    %reduce_min3A_263 = vector.multi_reduction <minimumf>, %select_n3A_261, %reduce_min3A_262 [1] : vector<256x1024xf32> to vector<256xf32>
    %broadcast_in_dim3A_264 = vector.shape_cast %reduce_min3A_263 : vector<256xf32> to vector<256x1xf32>
    %eq3A_265 = vector.broadcast %broadcast_in_dim3A_264 : vector<256x1xf32> to vector<256x1024xf32>
    %eq3A_266 = arith.cmpf oeq, %select_n3A_261, %eq3A_265 : vector<256x1024xf32>
    %jit3A_267 = arith.constant 1024 : i32
    %broadcast_in_dim3A_268 = vector.broadcast %jit3A_267 : i32 to vector<256x1024xi32>
    %select_n3A_269 = arith.select %eq3A_266, %iota3A, %broadcast_in_dim3A_268 : vector<256x1024xi1>, vector<256x1024xi32>
    %reduce_min3A_270 = arith.constant dense<2147483647> : vector<256xi32>
    %reduce_min3A_271 = vector.multi_reduction <minsi>, %select_n3A_269, %reduce_min3A_270 [1] : vector<256x1024xi32> to vector<256xi32>
    %broadcast_in_dim3A_272 = vector.shape_cast %reduce_min3A_271 : vector<256xi32> to vector<256x1xi32>
    %eq3A_273 = vector.broadcast %broadcast_in_dim3A_272 : vector<256x1xi32> to vector<256x1024xi32>
    %eq3A_274 = arith.cmpi eq, %iota3A, %eq3A_273 : vector<256x1024xi32>
    %convert_element_type3A_275 = arith.extui %eq3A_274 : vector<256x1024xi1> to vector<256x1024xi32>
    %convert_element_type3A_276 = arith.sitofp %convert_element_type3A_275 : vector<256x1024xi32> to vector<256x1024xf32>
    %dot_general3A_277 = arith.constant dense<0.000000e+00> : vector<256x3xf32>
    %dot_general3A_278 = tpu.matmul %convert_element_type3A_276, %get3A_3, %dot_general3A_277 {dimension_numbers = #tpu.dot_dimension_numbers<[1], [0], [0], [1], [0, 0, 1, 1], [], []>, precision = #tpu.contract_precision<fp32>, transpose_lhs_hint = false} : vector<256x1024xf32>, vector<1024x3xf32>, vector<256x3xf32> -> vector<256x3xf32>
    %sub3A_279 = arith.subf %get3A_13, %dot_general3A_278 : vector<256x3xf32>
    %mul3A_280 = arith.constant 1024 : i32
    %mul3A_281 = arith.muli %arg0, %mul3A_280 : i32
    %add3A_282 = vector.broadcast %mul3A_281 : i32 to vector<256x1xi32>
    %add3A_283 = arith.addi %broadcast_in_dim3A_272, %add3A_282 : vector<256x1xi32>
    %swap3A_284 = arith.constant 0 : index
    %swap3A_285 = arith.constant 0 : index
    %swap3A_286 = arith.constant 4 : index
    %swap3A_287 = vector.load %arg5[%swap3A_284, %swap3A_285, %swap3A_286] : memref<1x256x8xi32, #tpu.memory_space<vmem>>, vector<1x256x1xi32>
    %swap3A_288 = vector.shape_cast %swap3A_287 : vector<1x256x1xi32> to vector<256x1xi32>
    %swap3A_289 = vector.shape_cast %add3A_283 : vector<256x1xi32> to vector<1x256x1xi32>
    tpu.vector_store %arg5[%swap3A_284, %swap3A_285, %swap3A_286], %swap3A_289 {strides = array<i32>} : memref<1x256x8xi32, #tpu.memory_space<vmem>>, vector<1x256x1xi32>,
    %swap3A_290 = arith.constant 0 : index
    %swap3A_291 = arith.constant 0 : index
    %swap3A_292 = arith.constant 4 : index
    %swap3A_293 = vector.load %arg6[%swap3A_290, %swap3A_291, %swap3A_292] : memref<1x256x8xf32, #tpu.memory_space<vmem>>, vector<1x256x1xf32>
    %swap3A_294 = vector.shape_cast %swap3A_293 : vector<1x256x1xf32> to vector<256x1xf32>
    %swap3A_295 = vector.shape_cast %broadcast_in_dim3A_264 : vector<256x1xf32> to vector<1x256x1xf32>
    tpu.vector_store %arg6[%swap3A_290, %swap3A_291, %swap3A_292], %swap3A_295 {strides = array<i32>} : memref<1x256x8xf32, #tpu.memory_space<vmem>>, vector<1x256x1xf32>,
    %slice3A_296 = vector.extract_strided_slice %sub3A_279 {offsets = [0, 0], sizes = [256, 1], strides = [1, 1]} : vector<256x3xf32> to vector<256x1xf32>
    %swap3A_297 = arith.constant 0 : index
    %swap3A_298 = arith.constant 0 : index
    %swap3A_299 = arith.constant 4 : index
    %swap3A_300 = vector.load %arg7[%swap3A_297, %swap3A_298, %swap3A_299] : memref<1x256x8xf32, #tpu.memory_space<vmem>>, vector<1x256x1xf32>
    %swap3A_301 = vector.shape_cast %swap3A_300 : vector<1x256x1xf32> to vector<256x1xf32>
    %swap3A_302 = vector.shape_cast %slice3A_296 : vector<256x1xf32> to vector<1x256x1xf32>
    tpu.vector_store %arg7[%swap3A_297, %swap3A_298, %swap3A_299], %swap3A_302 {strides = array<i32>} : memref<1x256x8xf32, #tpu.memory_space<vmem>>, vector<1x256x1xf32>,
    %slice3A_303 = vector.extract_strided_slice %sub3A_279 {offsets = [0, 1], sizes = [256, 1], strides = [1, 1]} : vector<256x3xf32> to vector<256x1xf32>
    %swap3A_304 = arith.constant 0 : index
    %swap3A_305 = arith.constant 0 : index
    %swap3A_306 = arith.constant 4 : index
    %swap3A_307 = vector.load %arg8[%swap3A_304, %swap3A_305, %swap3A_306] : memref<1x256x8xf32, #tpu.memory_space<vmem>>, vector<1x256x1xf32>
    %swap3A_308 = vector.shape_cast %swap3A_307 : vector<1x256x1xf32> to vector<256x1xf32>
    %swap3A_309 = vector.shape_cast %slice3A_303 : vector<256x1xf32> to vector<1x256x1xf32>
    tpu.vector_store %arg8[%swap3A_304, %swap3A_305, %swap3A_306], %swap3A_309 {strides = array<i32>} : memref<1x256x8xf32, #tpu.memory_space<vmem>>, vector<1x256x1xf32>,
    %slice3A_310 = vector.extract_strided_slice %sub3A_279 {offsets = [0, 2], sizes = [256, 1], strides = [1, 1]} : vector<256x3xf32> to vector<256x1xf32>
    %swap3A_311 = arith.constant 0 : index
    %swap3A_312 = arith.constant 0 : index
    %swap3A_313 = arith.constant 4 : index
    %swap3A_314 = vector.load %arg9[%swap3A_311, %swap3A_312, %swap3A_313] : memref<1x256x8xf32, #tpu.memory_space<vmem>>, vector<1x256x1xf32>
    %swap3A_315 = vector.shape_cast %swap3A_314 : vector<1x256x1xf32> to vector<256x1xf32>
    %swap3A_316 = vector.shape_cast %slice3A_310 : vector<256x1xf32> to vector<1x256x1xf32>
    tpu.vector_store %arg9[%swap3A_311, %swap3A_312, %swap3A_313], %swap3A_316 {strides = array<i32>} : memref<1x256x8xf32, #tpu.memory_space<vmem>>, vector<1x256x1xf32>,
    %eq3A_317 = vector.broadcast %broadcast_in_dim3A_272 : vector<256x1xi32> to vector<256x1024xi32>
    %eq3A_318 = arith.cmpi eq, %iota3A, %eq3A_317 : vector<256x1024xi32>
    %jit3A_319 = arith.constant 3.000000e+38 : f32
    %broadcast_in_dim3A_320 = vector.broadcast %jit3A_319 : f32 to vector<256x1024xf32>
    %select_n3A_321 = arith.select %eq3A_318, %broadcast_in_dim3A_320, %select_n3A_261 : vector<256x1024xi1>, vector<256x1024xf32>
    %reduce_min3A_322 = arith.constant dense<0x7F800000> : vector<256xf32>
    %reduce_min3A_323 = vector.multi_reduction <minimumf>, %select_n3A_321, %reduce_min3A_322 [1] : vector<256x1024xf32> to vector<256xf32>
    %broadcast_in_dim3A_324 = vector.shape_cast %reduce_min3A_323 : vector<256xf32> to vector<256x1xf32>
    %eq3A_325 = vector.broadcast %broadcast_in_dim3A_324 : vector<256x1xf32> to vector<256x1024xf32>
    %eq3A_326 = arith.cmpf oeq, %select_n3A_321, %eq3A_325 : vector<256x1024xf32>
    %jit3A_327 = arith.constant 1024 : i32
    %broadcast_in_dim3A_328 = vector.broadcast %jit3A_327 : i32 to vector<256x1024xi32>
    %select_n3A_329 = arith.select %eq3A_326, %iota3A, %broadcast_in_dim3A_328 : vector<256x1024xi1>, vector<256x1024xi32>
    %reduce_min3A_330 = arith.constant dense<2147483647> : vector<256xi32>
    %reduce_min3A_331 = vector.multi_reduction <minsi>, %select_n3A_329, %reduce_min3A_330 [1] : vector<256x1024xi32> to vector<256xi32>
    %broadcast_in_dim3A_332 = vector.shape_cast %reduce_min3A_331 : vector<256xi32> to vector<256x1xi32>
    %eq3A_333 = vector.broadcast %broadcast_in_dim3A_332 : vector<256x1xi32> to vector<256x1024xi32>
    %eq3A_334 = arith.cmpi eq, %iota3A, %eq3A_333 : vector<256x1024xi32>
    %convert_element_type3A_335 = arith.extui %eq3A_334 : vector<256x1024xi1> to vector<256x1024xi32>
    %convert_element_type3A_336 = arith.sitofp %convert_element_type3A_335 : vector<256x1024xi32> to vector<256x1024xf32>
    %dot_general3A_337 = arith.constant dense<0.000000e+00> : vector<256x3xf32>
    %dot_general3A_338 = tpu.matmul %convert_element_type3A_336, %get3A_3, %dot_general3A_337 {dimension_numbers = #tpu.dot_dimension_numbers<[1], [0], [0], [1], [0, 0, 1, 1], [], []>, precision = #tpu.contract_precision<fp32>, transpose_lhs_hint = false} : vector<256x1024xf32>, vector<1024x3xf32>, vector<256x3xf32> -> vector<256x3xf32>
    %sub3A_339 = arith.subf %get3A_13, %dot_general3A_338 : vector<256x3xf32>
    %mul3A_340 = arith.constant 1024 : i32
    %mul3A_341 = arith.muli %arg0, %mul3A_340 : i32
    %add3A_342 = vector.broadcast %mul3A_341 : i32 to vector<256x1xi32>
    %add3A_343 = arith.addi %broadcast_in_dim3A_332, %add3A_342 : vector<256x1xi32>
    %swap3A_344 = arith.constant 0 : index
    %swap3A_345 = arith.constant 0 : index
    %swap3A_346 = arith.constant 5 : index
    %swap3A_347 = vector.load %arg5[%swap3A_344, %swap3A_345, %swap3A_346] : memref<1x256x8xi32, #tpu.memory_space<vmem>>, vector<1x256x1xi32>
    %swap3A_348 = vector.shape_cast %swap3A_347 : vector<1x256x1xi32> to vector<256x1xi32>
    %swap3A_349 = vector.shape_cast %add3A_343 : vector<256x1xi32> to vector<1x256x1xi32>
    tpu.vector_store %arg5[%swap3A_344, %swap3A_345, %swap3A_346], %swap3A_349 {strides = array<i32>} : memref<1x256x8xi32, #tpu.memory_space<vmem>>, vector<1x256x1xi32>,
    %swap3A_350 = arith.constant 0 : index
    %swap3A_351 = arith.constant 0 : index
    %swap3A_352 = arith.constant 5 : index
    %swap3A_353 = vector.load %arg6[%swap3A_350, %swap3A_351, %swap3A_352] : memref<1x256x8xf32, #tpu.memory_space<vmem>>, vector<1x256x1xf32>
    %swap3A_354 = vector.shape_cast %swap3A_353 : vector<1x256x1xf32> to vector<256x1xf32>
    %swap3A_355 = vector.shape_cast %broadcast_in_dim3A_324 : vector<256x1xf32> to vector<1x256x1xf32>
    tpu.vector_store %arg6[%swap3A_350, %swap3A_351, %swap3A_352], %swap3A_355 {strides = array<i32>} : memref<1x256x8xf32, #tpu.memory_space<vmem>>, vector<1x256x1xf32>,
    %slice3A_356 = vector.extract_strided_slice %sub3A_339 {offsets = [0, 0], sizes = [256, 1], strides = [1, 1]} : vector<256x3xf32> to vector<256x1xf32>
    %swap3A_357 = arith.constant 0 : index
    %swap3A_358 = arith.constant 0 : index
    %swap3A_359 = arith.constant 5 : index
    %swap3A_360 = vector.load %arg7[%swap3A_357, %swap3A_358, %swap3A_359] : memref<1x256x8xf32, #tpu.memory_space<vmem>>, vector<1x256x1xf32>
    %swap3A_361 = vector.shape_cast %swap3A_360 : vector<1x256x1xf32> to vector<256x1xf32>
    %swap3A_362 = vector.shape_cast %slice3A_356 : vector<256x1xf32> to vector<1x256x1xf32>
    tpu.vector_store %arg7[%swap3A_357, %swap3A_358, %swap3A_359], %swap3A_362 {strides = array<i32>} : memref<1x256x8xf32, #tpu.memory_space<vmem>>, vector<1x256x1xf32>,
    %slice3A_363 = vector.extract_strided_slice %sub3A_339 {offsets = [0, 1], sizes = [256, 1], strides = [1, 1]} : vector<256x3xf32> to vector<256x1xf32>
    %swap3A_364 = arith.constant 0 : index
    %swap3A_365 = arith.constant 0 : index
    %swap3A_366 = arith.constant 5 : index
    %swap3A_367 = vector.load %arg8[%swap3A_364, %swap3A_365, %swap3A_366] : memref<1x256x8xf32, #tpu.memory_space<vmem>>, vector<1x256x1xf32>
    %swap3A_368 = vector.shape_cast %swap3A_367 : vector<1x256x1xf32> to vector<256x1xf32>
    %swap3A_369 = vector.shape_cast %slice3A_363 : vector<256x1xf32> to vector<1x256x1xf32>
    tpu.vector_store %arg8[%swap3A_364, %swap3A_365, %swap3A_366], %swap3A_369 {strides = array<i32>} : memref<1x256x8xf32, #tpu.memory_space<vmem>>, vector<1x256x1xf32>,
    %slice3A_370 = vector.extract_strided_slice %sub3A_339 {offsets = [0, 2], sizes = [256, 1], strides = [1, 1]} : vector<256x3xf32> to vector<256x1xf32>
    %swap3A_371 = arith.constant 0 : index
    %swap3A_372 = arith.constant 0 : index
    %swap3A_373 = arith.constant 5 : index
    %swap3A_374 = vector.load %arg9[%swap3A_371, %swap3A_372, %swap3A_373] : memref<1x256x8xf32, #tpu.memory_space<vmem>>, vector<1x256x1xf32>
    %swap3A_375 = vector.shape_cast %swap3A_374 : vector<1x256x1xf32> to vector<256x1xf32>
    %swap3A_376 = vector.shape_cast %slice3A_370 : vector<256x1xf32> to vector<1x256x1xf32>
    tpu.vector_store %arg9[%swap3A_371, %swap3A_372, %swap3A_373], %swap3A_376 {strides = array<i32>} : memref<1x256x8xf32, #tpu.memory_space<vmem>>, vector<1x256x1xf32>,
    %eq3A_377 = vector.broadcast %broadcast_in_dim3A_332 : vector<256x1xi32> to vector<256x1024xi32>
    %eq3A_378 = arith.cmpi eq, %iota3A, %eq3A_377 : vector<256x1024xi32>
    %jit3A_379 = arith.constant 3.000000e+38 : f32
    %broadcast_in_dim3A_380 = vector.broadcast %jit3A_379 : f32 to vector<256x1024xf32>
    %select_n3A_381 = arith.select %eq3A_378, %broadcast_in_dim3A_380, %select_n3A_321 : vector<256x1024xi1>, vector<256x1024xf32>
    %reduce_min3A_382 = arith.constant dense<0x7F800000> : vector<256xf32>
    %reduce_min3A_383 = vector.multi_reduction <minimumf>, %select_n3A_381, %reduce_min3A_382 [1] : vector<256x1024xf32> to vector<256xf32>
    %broadcast_in_dim3A_384 = vector.shape_cast %reduce_min3A_383 : vector<256xf32> to vector<256x1xf32>
    %eq3A_385 = vector.broadcast %broadcast_in_dim3A_384 : vector<256x1xf32> to vector<256x1024xf32>
    %eq3A_386 = arith.cmpf oeq, %select_n3A_381, %eq3A_385 : vector<256x1024xf32>
    %jit3A_387 = arith.constant 1024 : i32
    %broadcast_in_dim3A_388 = vector.broadcast %jit3A_387 : i32 to vector<256x1024xi32>
    %select_n3A_389 = arith.select %eq3A_386, %iota3A, %broadcast_in_dim3A_388 : vector<256x1024xi1>, vector<256x1024xi32>
    %reduce_min3A_390 = arith.constant dense<2147483647> : vector<256xi32>
    %reduce_min3A_391 = vector.multi_reduction <minsi>, %select_n3A_389, %reduce_min3A_390 [1] : vector<256x1024xi32> to vector<256xi32>
    %broadcast_in_dim3A_392 = vector.shape_cast %reduce_min3A_391 : vector<256xi32> to vector<256x1xi32>
    %eq3A_393 = vector.broadcast %broadcast_in_dim3A_392 : vector<256x1xi32> to vector<256x1024xi32>
    %eq3A_394 = arith.cmpi eq, %iota3A, %eq3A_393 : vector<256x1024xi32>
    %convert_element_type3A_395 = arith.extui %eq3A_394 : vector<256x1024xi1> to vector<256x1024xi32>
    %convert_element_type3A_396 = arith.sitofp %convert_element_type3A_395 : vector<256x1024xi32> to vector<256x1024xf32>
    %dot_general3A_397 = arith.constant dense<0.000000e+00> : vector<256x3xf32>
    %dot_general3A_398 = tpu.matmul %convert_element_type3A_396, %get3A_3, %dot_general3A_397 {dimension_numbers = #tpu.dot_dimension_numbers<[1], [0], [0], [1], [0, 0, 1, 1], [], []>, precision = #tpu.contract_precision<fp32>, transpose_lhs_hint = false} : vector<256x1024xf32>, vector<1024x3xf32>, vector<256x3xf32> -> vector<256x3xf32>
    %sub3A_399 = arith.subf %get3A_13, %dot_general3A_398 : vector<256x3xf32>
    %mul3A_400 = arith.constant 1024 : i32
    %mul3A_401 = arith.muli %arg0, %mul3A_400 : i32
    %add3A_402 = vector.broadcast %mul3A_401 : i32 to vector<256x1xi32>
    %add3A_403 = arith.addi %broadcast_in_dim3A_392, %add3A_402 : vector<256x1xi32>
    %swap3A_404 = arith.constant 0 : index
    %swap3A_405 = arith.constant 0 : index
    %swap3A_406 = arith.constant 6 : index
    %swap3A_407 = vector.load %arg5[%swap3A_404, %swap3A_405, %swap3A_406] : memref<1x256x8xi32, #tpu.memory_space<vmem>>, vector<1x256x1xi32>
    %swap3A_408 = vector.shape_cast %swap3A_407 : vector<1x256x1xi32> to vector<256x1xi32>
    %swap3A_409 = vector.shape_cast %add3A_403 : vector<256x1xi32> to vector<1x256x1xi32>
    tpu.vector_store %arg5[%swap3A_404, %swap3A_405, %swap3A_406], %swap3A_409 {strides = array<i32>} : memref<1x256x8xi32, #tpu.memory_space<vmem>>, vector<1x256x1xi32>,
    %swap3A_410 = arith.constant 0 : index
    %swap3A_411 = arith.constant 0 : index
    %swap3A_412 = arith.constant 6 : index
    %swap3A_413 = vector.load %arg6[%swap3A_410, %swap3A_411, %swap3A_412] : memref<1x256x8xf32, #tpu.memory_space<vmem>>, vector<1x256x1xf32>
    %swap3A_414 = vector.shape_cast %swap3A_413 : vector<1x256x1xf32> to vector<256x1xf32>
    %swap3A_415 = vector.shape_cast %broadcast_in_dim3A_384 : vector<256x1xf32> to vector<1x256x1xf32>
    tpu.vector_store %arg6[%swap3A_410, %swap3A_411, %swap3A_412], %swap3A_415 {strides = array<i32>} : memref<1x256x8xf32, #tpu.memory_space<vmem>>, vector<1x256x1xf32>,
    %slice3A_416 = vector.extract_strided_slice %sub3A_399 {offsets = [0, 0], sizes = [256, 1], strides = [1, 1]} : vector<256x3xf32> to vector<256x1xf32>
    %swap3A_417 = arith.constant 0 : index
    %swap3A_418 = arith.constant 0 : index
    %swap3A_419 = arith.constant 6 : index
    %swap3A_420 = vector.load %arg7[%swap3A_417, %swap3A_418, %swap3A_419] : memref<1x256x8xf32, #tpu.memory_space<vmem>>, vector<1x256x1xf32>
    %swap3A_421 = vector.shape_cast %swap3A_420 : vector<1x256x1xf32> to vector<256x1xf32>
    %swap3A_422 = vector.shape_cast %slice3A_416 : vector<256x1xf32> to vector<1x256x1xf32>
    tpu.vector_store %arg7[%swap3A_417, %swap3A_418, %swap3A_419], %swap3A_422 {strides = array<i32>} : memref<1x256x8xf32, #tpu.memory_space<vmem>>, vector<1x256x1xf32>,
    %slice3A_423 = vector.extract_strided_slice %sub3A_399 {offsets = [0, 1], sizes = [256, 1], strides = [1, 1]} : vector<256x3xf32> to vector<256x1xf32>
    %swap3A_424 = arith.constant 0 : index
    %swap3A_425 = arith.constant 0 : index
    %swap3A_426 = arith.constant 6 : index
    %swap3A_427 = vector.load %arg8[%swap3A_424, %swap3A_425, %swap3A_426] : memref<1x256x8xf32, #tpu.memory_space<vmem>>, vector<1x256x1xf32>
    %swap3A_428 = vector.shape_cast %swap3A_427 : vector<1x256x1xf32> to vector<256x1xf32>
    %swap3A_429 = vector.shape_cast %slice3A_423 : vector<256x1xf32> to vector<1x256x1xf32>
    tpu.vector_store %arg8[%swap3A_424, %swap3A_425, %swap3A_426], %swap3A_429 {strides = array<i32>} : memref<1x256x8xf32, #tpu.memory_space<vmem>>, vector<1x256x1xf32>,
    %slice3A_430 = vector.extract_strided_slice %sub3A_399 {offsets = [0, 2], sizes = [256, 1], strides = [1, 1]} : vector<256x3xf32> to vector<256x1xf32>
    %swap3A_431 = arith.constant 0 : index
    %swap3A_432 = arith.constant 0 : index
    %swap3A_433 = arith.constant 6 : index
    %swap3A_434 = vector.load %arg9[%swap3A_431, %swap3A_432, %swap3A_433] : memref<1x256x8xf32, #tpu.memory_space<vmem>>, vector<1x256x1xf32>
    %swap3A_435 = vector.shape_cast %swap3A_434 : vector<1x256x1xf32> to vector<256x1xf32>
    %swap3A_436 = vector.shape_cast %slice3A_430 : vector<256x1xf32> to vector<1x256x1xf32>
    tpu.vector_store %arg9[%swap3A_431, %swap3A_432, %swap3A_433], %swap3A_436 {strides = array<i32>} : memref<1x256x8xf32, #tpu.memory_space<vmem>>, vector<1x256x1xf32>,
    %eq3A_437 = vector.broadcast %broadcast_in_dim3A_392 : vector<256x1xi32> to vector<256x1024xi32>
    %eq3A_438 = arith.cmpi eq, %iota3A, %eq3A_437 : vector<256x1024xi32>
    %jit3A_439 = arith.constant 3.000000e+38 : f32
    %broadcast_in_dim3A_440 = vector.broadcast %jit3A_439 : f32 to vector<256x1024xf32>
    %select_n3A_441 = arith.select %eq3A_438, %broadcast_in_dim3A_440, %select_n3A_381 : vector<256x1024xi1>, vector<256x1024xf32>
    %reduce_min3A_442 = arith.constant dense<0x7F800000> : vector<256xf32>
    %reduce_min3A_443 = vector.multi_reduction <minimumf>, %select_n3A_441, %reduce_min3A_442 [1] : vector<256x1024xf32> to vector<256xf32>
    %broadcast_in_dim3A_444 = vector.shape_cast %reduce_min3A_443 : vector<256xf32> to vector<256x1xf32>
    %eq3A_445 = vector.broadcast %broadcast_in_dim3A_444 : vector<256x1xf32> to vector<256x1024xf32>
    %eq3A_446 = arith.cmpf oeq, %select_n3A_441, %eq3A_445 : vector<256x1024xf32>
    %jit3A_447 = arith.constant 1024 : i32
    %broadcast_in_dim3A_448 = vector.broadcast %jit3A_447 : i32 to vector<256x1024xi32>
    %select_n3A_449 = arith.select %eq3A_446, %iota3A, %broadcast_in_dim3A_448 : vector<256x1024xi1>, vector<256x1024xi32>
    %reduce_min3A_450 = arith.constant dense<2147483647> : vector<256xi32>
    %reduce_min3A_451 = vector.multi_reduction <minsi>, %select_n3A_449, %reduce_min3A_450 [1] : vector<256x1024xi32> to vector<256xi32>
    %broadcast_in_dim3A_452 = vector.shape_cast %reduce_min3A_451 : vector<256xi32> to vector<256x1xi32>
    %eq3A_453 = vector.broadcast %broadcast_in_dim3A_452 : vector<256x1xi32> to vector<256x1024xi32>
    %eq3A_454 = arith.cmpi eq, %iota3A, %eq3A_453 : vector<256x1024xi32>
    %convert_element_type3A_455 = arith.extui %eq3A_454 : vector<256x1024xi1> to vector<256x1024xi32>
    %convert_element_type3A_456 = arith.sitofp %convert_element_type3A_455 : vector<256x1024xi32> to vector<256x1024xf32>
    %dot_general3A_457 = arith.constant dense<0.000000e+00> : vector<256x3xf32>
    %dot_general3A_458 = tpu.matmul %convert_element_type3A_456, %get3A_3, %dot_general3A_457 {dimension_numbers = #tpu.dot_dimension_numbers<[1], [0], [0], [1], [0, 0, 1, 1], [], []>, precision = #tpu.contract_precision<fp32>, transpose_lhs_hint = false} : vector<256x1024xf32>, vector<1024x3xf32>, vector<256x3xf32> -> vector<256x3xf32>
    %sub3A_459 = arith.subf %get3A_13, %dot_general3A_458 : vector<256x3xf32>
    %mul3A_460 = arith.constant 1024 : i32
    %mul3A_461 = arith.muli %arg0, %mul3A_460 : i32
    %add3A_462 = vector.broadcast %mul3A_461 : i32 to vector<256x1xi32>
    %add3A_463 = arith.addi %broadcast_in_dim3A_452, %add3A_462 : vector<256x1xi32>
    %swap3A_464 = arith.constant 0 : index
    %swap3A_465 = arith.constant 0 : index
    %swap3A_466 = arith.constant 7 : index
    %swap3A_467 = vector.load %arg5[%swap3A_464, %swap3A_465, %swap3A_466] : memref<1x256x8xi32, #tpu.memory_space<vmem>>, vector<1x256x1xi32>
    %swap3A_468 = vector.shape_cast %swap3A_467 : vector<1x256x1xi32> to vector<256x1xi32>
    %swap3A_469 = vector.shape_cast %add3A_463 : vector<256x1xi32> to vector<1x256x1xi32>
    tpu.vector_store %arg5[%swap3A_464, %swap3A_465, %swap3A_466], %swap3A_469 {strides = array<i32>} : memref<1x256x8xi32, #tpu.memory_space<vmem>>, vector<1x256x1xi32>,
    %swap3A_470 = arith.constant 0 : index
    %swap3A_471 = arith.constant 0 : index
    %swap3A_472 = arith.constant 7 : index
    %swap3A_473 = vector.load %arg6[%swap3A_470, %swap3A_471, %swap3A_472] : memref<1x256x8xf32, #tpu.memory_space<vmem>>, vector<1x256x1xf32>
    %swap3A_474 = vector.shape_cast %swap3A_473 : vector<1x256x1xf32> to vector<256x1xf32>
    %swap3A_475 = vector.shape_cast %broadcast_in_dim3A_444 : vector<256x1xf32> to vector<1x256x1xf32>
    tpu.vector_store %arg6[%swap3A_470, %swap3A_471, %swap3A_472], %swap3A_475 {strides = array<i32>} : memref<1x256x8xf32, #tpu.memory_space<vmem>>, vector<1x256x1xf32>,
    %slice3A_476 = vector.extract_strided_slice %sub3A_459 {offsets = [0, 0], sizes = [256, 1], strides = [1, 1]} : vector<256x3xf32> to vector<256x1xf32>
    %swap3A_477 = arith.constant 0 : index
    %swap3A_478 = arith.constant 0 : index
    %swap3A_479 = arith.constant 7 : index
    %swap3A_480 = vector.load %arg7[%swap3A_477, %swap3A_478, %swap3A_479] : memref<1x256x8xf32, #tpu.memory_space<vmem>>, vector<1x256x1xf32>
    %swap3A_481 = vector.shape_cast %swap3A_480 : vector<1x256x1xf32> to vector<256x1xf32>
    %swap3A_482 = vector.shape_cast %slice3A_476 : vector<256x1xf32> to vector<1x256x1xf32>
    tpu.vector_store %arg7[%swap3A_477, %swap3A_478, %swap3A_479], %swap3A_482 {strides = array<i32>} : memref<1x256x8xf32, #tpu.memory_space<vmem>>, vector<1x256x1xf32>,
    %slice3A_483 = vector.extract_strided_slice %sub3A_459 {offsets = [0, 1], sizes = [256, 1], strides = [1, 1]} : vector<256x3xf32> to vector<256x1xf32>
    %swap3A_484 = arith.constant 0 : index
    %swap3A_485 = arith.constant 0 : index
    %swap3A_486 = arith.constant 7 : index
    %swap3A_487 = vector.load %arg8[%swap3A_484, %swap3A_485, %swap3A_486] : memref<1x256x8xf32, #tpu.memory_space<vmem>>, vector<1x256x1xf32>
    %swap3A_488 = vector.shape_cast %swap3A_487 : vector<1x256x1xf32> to vector<256x1xf32>
    %swap3A_489 = vector.shape_cast %slice3A_483 : vector<256x1xf32> to vector<1x256x1xf32>
    tpu.vector_store %arg8[%swap3A_484, %swap3A_485, %swap3A_486], %swap3A_489 {strides = array<i32>} : memref<1x256x8xf32, #tpu.memory_space<vmem>>, vector<1x256x1xf32>,
    %slice3A_490 = vector.extract_strided_slice %sub3A_459 {offsets = [0, 2], sizes = [256, 1], strides = [1, 1]} : vector<256x3xf32> to vector<256x1xf32>
    %swap3A_491 = arith.constant 0 : index
    %swap3A_492 = arith.constant 0 : index
    %swap3A_493 = arith.constant 7 : index
    %swap3A_494 = vector.load %arg9[%swap3A_491, %swap3A_492, %swap3A_493] : memref<1x256x8xf32, #tpu.memory_space<vmem>>, vector<1x256x1xf32>
    %swap3A_495 = vector.shape_cast %swap3A_494 : vector<1x256x1xf32> to vector<256x1xf32>
    %swap3A_496 = vector.shape_cast %slice3A_490 : vector<256x1xf32> to vector<1x256x1xf32>
    tpu.vector_store %arg9[%swap3A_491, %swap3A_492, %swap3A_493], %swap3A_496 {strides = array<i32>} : memref<1x256x8xf32, #tpu.memory_space<vmem>>, vector<1x256x1xf32>,
    return
  }
  func.func @transform_0(%arg0: i32, %arg1: i32) -> (i32, i32, i32) {
    %c0_i32 = arith.constant 0 : i32
    %c0_i32_0 = arith.constant 0 : i32
    %c0_i32_1 = arith.constant 0 : i32
    return %arg0, %c0_i32, %c0_i32_0 : i32, i32, i32
  }
  func.func @transform_1(%arg0: i32, %arg1: i32) -> (i32, i32, i32) {
    %c0_i32 = arith.constant 0 : i32
    %c0_i32_0 = arith.constant 0 : i32
    %c0_i32_1 = arith.constant 0 : i32
    return %arg0, %c0_i32, %c0_i32_0 : i32, i32, i32
  }
  func.func @transform_2(%arg0: i32, %arg1: i32) -> (i32, i32, i32) {
    %c0_i32 = arith.constant 0 : i32
    %c0_i32_0 = arith.constant 0 : i32
    return %arg0, %arg1, %c0_i32 : i32, i32, i32
  }
  func.func @transform_3(%arg0: i32, %arg1: i32) -> (i32, i32, i32) {
    %c0_i32 = arith.constant 0 : i32
    %c0_i32_0 = arith.constant 0 : i32
    return %arg0, %arg1, %c0_i32 : i32, i32, i32
  }
  func.func @transform_4(%arg0: i32, %arg1: i32) -> (i32, i32, i32) {
    %c0_i32 = arith.constant 0 : i32
    %c0_i32_0 = arith.constant 0 : i32
    return %arg0, %arg1, %c0_i32 : i32, i32, i32
  }
  func.func @transform_5(%arg0: i32, %arg1: i32) -> (i32, i32, i32) {
    %c0_i32 = arith.constant 0 : i32
    %c0_i32_0 = arith.constant 0 : i32
    return %arg0, %arg1, %c0_i32 : i32, i32, i32
  }
  func.func @transform_6(%arg0: i32, %arg1: i32) -> (i32, i32, i32) {
    %c0_i32 = arith.constant 0 : i32
    %c0_i32_0 = arith.constant 0 : i32
    return %arg0, %arg1, %c0_i32 : i32, i32, i32
  }
  func.func @transform_7(%arg0: i32, %arg1: i32) -> (i32, i32, i32) {
    %c0_i32 = arith.constant 0 : i32
    %c0_i32_0 = arith.constant 0 : i32
    return %arg0, %arg1, %c0_i32 : i32, i32, i32
  }
}

module attributes {stable_mosaic.version = 14 : i64} {
  func.func @_embed_body(%arg0: i32, %arg1: memref<1x1024x1xi32, #tpu.memory_space<vmem>>, %arg2: memref<32x128xf32, #tpu.memory_space<vmem>>, %arg3: memref<1x1024x128xf32, #tpu.memory_space<vmem>>) attributes {dimension_semantics = [#tpu.dimension_semantics<arbitrary>], iteration_bounds = array<i64: 4>, scalar_prefetch = 0 : i64, scratch_operands = 0 : i64, tpu.core_type = #tpu.core_type<tc>, window_params = [{transform_indices = @transform_0, window_bounds = array<i64: 1, 1024, 1>}, {pipeline_mode = #tpu.pipeline_mode<synchronous>, transform_indices = @transform_1, window_bounds = array<i64: 32, 128>}, {transform_indices = @transform_2, window_bounds = array<i64: 1, 1024, 128>}]} {
    %get3A = arith.constant 0 : index
    %get3A_0 = arith.constant 0 : index
    %get3A_1 = arith.constant 0 : index
    %get3A_2 = vector.load %arg1[%get3A, %get3A_0, %get3A_1] : memref<1x1024x1xi32, #tpu.memory_space<vmem>>, vector<1x1024x1xi32>
    %get3A_3 = vector.shape_cast %get3A_2 : vector<1x1024x1xi32> to vector<1024x1xi32>
    %iota3A = tpu.iota {dimensions = array<i32: 1>} : vector<1024x32xi32>
    %eq3A = vector.broadcast %get3A_3 : vector<1024x1xi32> to vector<1024x32xi32>
    %eq3A_4 = arith.cmpi eq, %eq3A, %iota3A : vector<1024x32xi32>
    %convert_element_type3A = arith.extui %eq3A_4 : vector<1024x32xi1> to vector<1024x32xi32>
    %convert_element_type3A_5 = arith.sitofp %convert_element_type3A : vector<1024x32xi32> to vector<1024x32xf32>
    %get3A_6 = arith.constant 0 : index
    %get3A_7 = arith.constant 0 : index
    %get3A_8 = vector.load %arg2[%get3A_6, %get3A_7] : memref<32x128xf32, #tpu.memory_space<vmem>>, vector<32x128xf32>
    %dot_general3A = arith.constant dense<0.000000e+00> : vector<1024x128xf32>
    %dot_general3A_9 = tpu.matmul %convert_element_type3A_5, %get3A_8, %dot_general3A {dimension_numbers = #tpu.dot_dimension_numbers<[1], [0], [0], [1], [0, 0, 1, 1], [], []>, precision = #tpu.contract_precision<fp32>, transpose_lhs_hint = false} : vector<1024x32xf32>, vector<32x128xf32>, vector<1024x128xf32> -> vector<1024x128xf32>
    %swap3A = arith.constant 0 : index
    %swap3A_10 = arith.constant 0 : index
    %swap3A_11 = arith.constant 0 : index
    %swap3A_12 = vector.load %arg3[%swap3A, %swap3A_10, %swap3A_11] : memref<1x1024x128xf32, #tpu.memory_space<vmem>>, vector<1x1024x128xf32>
    %swap3A_13 = vector.shape_cast %swap3A_12 : vector<1x1024x128xf32> to vector<1024x128xf32>
    %swap3A_14 = vector.shape_cast %dot_general3A_9 : vector<1024x128xf32> to vector<1x1024x128xf32>
    tpu.vector_store %arg3[%swap3A, %swap3A_10, %swap3A_11], %swap3A_14 {strides = array<i32>} : memref<1x1024x128xf32, #tpu.memory_space<vmem>>, vector<1x1024x128xf32>,
    return
  }
  func.func @transform_0(%arg0: i32) -> (i32, i32, i32) {
    %c0_i32 = arith.constant 0 : i32
    %c0_i32_0 = arith.constant 0 : i32
    %c0_i32_1 = arith.constant 0 : i32
    return %arg0, %c0_i32, %c0_i32_0 : i32, i32, i32
  }
  func.func @transform_1(%arg0: i32) -> (i32, i32) {
    %c0_i32 = arith.constant 0 : i32
    %c0_i32_0 = arith.constant 0 : i32
    %c0_i32_1 = arith.constant 0 : i32
    return %c0_i32, %c0_i32_0 : i32, i32
  }
  func.func @transform_2(%arg0: i32) -> (i32, i32, i32) {
    %c0_i32 = arith.constant 0 : i32
    %c0_i32_0 = arith.constant 0 : i32
    %c0_i32_1 = arith.constant 0 : i32
    return %arg0, %c0_i32, %c0_i32_0 : i32, i32, i32
  }
}

module attributes {stable_mosaic.version = 14 : i64} {
  func.func @_mlp_body(%arg0: i32, %arg1: i32, %arg2: memref<1x256x128xf32, #tpu.memory_space<vmem>>, %arg3: memref<1x256x3xf32, #tpu.memory_space<vmem>>, %arg4: memref<1x256x1024xf32, #tpu.memory_space<vmem>>, %arg5: memref<1x256x8xf32, #tpu.memory_space<vmem>>, %arg6: memref<1x256x8xf32, #tpu.memory_space<vmem>>, %arg7: memref<1x256x8xf32, #tpu.memory_space<vmem>>, %arg8: memref<1x256x8xf32, #tpu.memory_space<vmem>>, %arg9: memref<257x514xf32, #tpu.memory_space<vmem>>, %arg10: memref<1x514xf32, #tpu.memory_space<vmem>>, %arg11: memref<514x16xf32, #tpu.memory_space<vmem>>, %arg12: memref<1x16xf32, #tpu.memory_space<vmem>>, %arg13: memref<1x128xf32, #tpu.memory_space<vmem>>, %arg14: memref<1x128xf32, #tpu.memory_space<vmem>>, %arg15: memref<144x256xf32, #tpu.memory_space<vmem>>, %arg16: memref<1x256xf32, #tpu.memory_space<vmem>>, %arg17: memref<256x128xf32, #tpu.memory_space<vmem>>, %arg18: memref<1x128xf32, #tpu.memory_space<vmem>>, %arg19: memref<16x64xf32, #tpu.memory_space<vmem>>, %arg20: memref<1x64xf32, #tpu.memory_space<vmem>>, %arg21: memref<64x1xf32, #tpu.memory_space<vmem>>, %arg22: memref<1x1xf32, #tpu.memory_space<vmem>>, %arg23: memref<1x256x128xf32, #tpu.memory_space<vmem>>, %arg24: memref<1x256x3xf32, #tpu.memory_space<vmem>>) attributes {dimension_semantics = [#tpu.dimension_semantics<arbitrary>, #tpu.dimension_semantics<arbitrary>], iteration_bounds = array<i64: 4, 4>, scalar_prefetch = 0 : i64, scratch_operands = 0 : i64, tpu.core_type = #tpu.core_type<tc>, window_params = [{transform_indices = @transform_0, window_bounds = array<i64: 1, 256, 128>}, {transform_indices = @transform_1, window_bounds = array<i64: 1, 256, 3>}, {transform_indices = @transform_2, window_bounds = array<i64: 1, 256, 1024>}, {transform_indices = @transform_3, window_bounds = array<i64: 1, 256, 8>}, {transform_indices = @transform_4, window_bounds = array<i64: 1, 256, 8>}, {transform_indices = @transform_5, window_bounds = array<i64: 1, 256, 8>}, {transform_indices = @transform_6, window_bounds = array<i64: 1, 256, 8>}, {pipeline_mode = #tpu.pipeline_mode<synchronous>, transform_indices = @transform_7, window_bounds = array<i64: 257, 514>}, {pipeline_mode = #tpu.pipeline_mode<synchronous>, transform_indices = @transform_8, window_bounds = array<i64: 1, 514>}, {pipeline_mode = #tpu.pipeline_mode<synchronous>, transform_indices = @transform_9, window_bounds = array<i64: 514, 16>}, {pipeline_mode = #tpu.pipeline_mode<synchronous>, transform_indices = @transform_10, window_bounds = array<i64: 1, 16>}, {pipeline_mode = #tpu.pipeline_mode<synchronous>, transform_indices = @transform_11, window_bounds = array<i64: 1, 128>}, {pipeline_mode = #tpu.pipeline_mode<synchronous>, transform_indices = @transform_12, window_bounds = array<i64: 1, 128>}, {pipeline_mode = #tpu.pipeline_mode<synchronous>, transform_indices = @transform_13, window_bounds = array<i64: 144, 256>}, {pipeline_mode = #tpu.pipeline_mode<synchronous>, transform_indices = @transform_14, window_bounds = array<i64: 1, 256>}, {pipeline_mode = #tpu.pipeline_mode<synchronous>, transform_indices = @transform_15, window_bounds = array<i64: 256, 128>}, {pipeline_mode = #tpu.pipeline_mode<synchronous>, transform_indices = @transform_16, window_bounds = array<i64: 1, 128>}, {pipeline_mode = #tpu.pipeline_mode<synchronous>, transform_indices = @transform_17, window_bounds = array<i64: 16, 64>}, {pipeline_mode = #tpu.pipeline_mode<synchronous>, transform_indices = @transform_18, window_bounds = array<i64: 1, 64>}, {pipeline_mode = #tpu.pipeline_mode<synchronous>, transform_indices = @transform_19, window_bounds = array<i64: 64, 1>}, {pipeline_mode = #tpu.pipeline_mode<synchronous>, transform_indices = @transform_20, window_bounds = array<i64: 1, 1>}, {transform_indices = @transform_21, window_bounds = array<i64: 1, 256, 128>}, {transform_indices = @transform_22, window_bounds = array<i64: 1, 256, 3>}]} {
    %get3A = arith.constant 0 : index
    %get3A_0 = arith.constant 0 : index
    %get3A_1 = arith.constant 0 : index
    %get3A_2 = vector.load %arg2[%get3A, %get3A_0, %get3A_1] : memref<1x256x128xf32, #tpu.memory_space<vmem>>, vector<1x256x128xf32>
    %get3A_3 = vector.shape_cast %get3A_2 : vector<1x256x128xf32> to vector<256x128xf32>
    %get3A_4 = arith.constant 0 : index
    %get3A_5 = arith.constant 0 : index
    %get3A_6 = vector.load %arg9[%get3A_4, %get3A_5] : memref<257x514xf32, #tpu.memory_space<vmem>>, vector<257x514xf32>
    %get3A_7 = arith.constant 0 : index
    %get3A_8 = arith.constant 0 : index
    %get3A_9 = vector.load %arg10[%get3A_7, %get3A_8] : memref<1x514xf32, #tpu.memory_space<vmem>>, vector<1x514xf32>
    %broadcast_in_dim3A = arith.constant 0.000000e+00 : f32
    %broadcast_in_dim3A_10 = vector.broadcast %broadcast_in_dim3A : f32 to vector<256x16xf32>
    %broadcast_in_dim3A_11 = arith.constant 0.000000e+00 : f32
    %broadcast_in_dim3A_12 = vector.broadcast %broadcast_in_dim3A_11 : f32 to vector<256x1xf32>
    %broadcast_in_dim3A_13 = arith.constant 0.000000e+00 : f32
    %broadcast_in_dim3A_14 = vector.broadcast %broadcast_in_dim3A_13 : f32 to vector<256x1xf32>
    %broadcast_in_dim3A_15 = arith.constant 0.000000e+00 : f32
    %broadcast_in_dim3A_16 = vector.broadcast %broadcast_in_dim3A_15 : f32 to vector<256x1xf32>
    %get3A_17 = arith.constant 0 : index
    %get3A_18 = arith.constant 0 : index
    %get3A_19 = arith.constant 0 : index
    %get3A_20 = vector.load %arg4[%get3A_17, %get3A_18, %get3A_19] : memref<1x256x1024xf32, #tpu.memory_space<vmem>>, vector<1x256x128xf32>
    %get3A_21 = vector.shape_cast %get3A_20 : vector<1x256x128xf32> to vector<256x128xf32>
    %get3A_22 = arith.constant 0 : index
    %get3A_23 = arith.constant 0 : index
    %get3A_24 = arith.constant 0 : index
    %get3A_25 = vector.load %arg5[%get3A_22, %get3A_23, %get3A_24] : memref<1x256x8xf32, #tpu.memory_space<vmem>>, vector<1x256x1xf32>
    %get3A_26 = vector.shape_cast %get3A_25 : vector<1x256x1xf32> to vector<256x1xf32>
    %concatenate3A = tpu.concatenate %get3A_3, %get3A_21, %get3A_26 in 1 : vector<256x128xf32>, vector<256x128xf32>, vector<256x1xf32> -> vector<256x257xf32>
    %dot_general3A = arith.constant dense<0.000000e+00> : vector<256x514xf32>
    %dot_general3A_27 = tpu.matmul %concatenate3A, %get3A_6, %dot_general3A {dimension_numbers = #tpu.dot_dimension_numbers<[1], [0], [0], [1], [0, 0, 1, 1], [], []>, transpose_lhs_hint = false} : vector<256x257xf32>, vector<257x514xf32>, vector<256x514xf32> -> vector<256x514xf32>
    %add3A = vector.broadcast %get3A_9 : vector<1x514xf32> to vector<256x514xf32>
    %add3A_28 = arith.addf %dot_general3A_27, %add3A : vector<256x514xf32>
    %logistic3A = arith.negf %add3A_28 : vector<256x514xf32>
    %logistic3A_29 = math.exp %logistic3A : vector<256x514xf32>
    %logistic3A_30 = arith.constant 1.000000e+00 : f32
    %logistic3A_31 = vector.broadcast %logistic3A_30 : f32 to vector<256x514xf32>
    %logistic3A_32 = arith.addf %logistic3A_31, %logistic3A_29 : vector<256x514xf32>
    %logistic3A_33 = arith.divf %logistic3A_31, %logistic3A_32 : vector<256x514xf32>
    %mul3A = arith.mulf %add3A_28, %logistic3A_33 : vector<256x514xf32>
    %get3A_34 = arith.constant 0 : index
    %get3A_35 = arith.constant 0 : index
    %get3A_36 = vector.load %arg11[%get3A_34, %get3A_35] : memref<514x16xf32, #tpu.memory_space<vmem>>, vector<514x16xf32>
    %dot_general3A_37 = arith.constant dense<0.000000e+00> : vector<256x16xf32>
    %dot_general3A_38 = tpu.matmul %mul3A, %get3A_36, %dot_general3A_37 {dimension_numbers = #tpu.dot_dimension_numbers<[1], [0], [0], [1], [0, 0, 1, 1], [], []>, transpose_lhs_hint = false} : vector<256x514xf32>, vector<514x16xf32>, vector<256x16xf32> -> vector<256x16xf32>
    %get3A_39 = arith.constant 0 : index
    %get3A_40 = arith.constant 0 : index
    %get3A_41 = vector.load %arg12[%get3A_39, %get3A_40] : memref<1x16xf32, #tpu.memory_space<vmem>>, vector<1x16xf32>
    %add3A_42 = vector.broadcast %get3A_41 : vector<1x16xf32> to vector<256x16xf32>
    %add3A_43 = arith.addf %dot_general3A_38, %add3A_42 : vector<256x16xf32>
    %logistic3A_44 = arith.negf %add3A_43 : vector<256x16xf32>
    %logistic3A_45 = math.exp %logistic3A_44 : vector<256x16xf32>
    %logistic3A_46 = arith.constant 1.000000e+00 : f32
    %logistic3A_47 = vector.broadcast %logistic3A_46 : f32 to vector<256x16xf32>
    %logistic3A_48 = arith.addf %logistic3A_47, %logistic3A_45 : vector<256x16xf32>
    %logistic3A_49 = arith.divf %logistic3A_47, %logistic3A_48 : vector<256x16xf32>
    %mul3A_50 = arith.mulf %add3A_43, %logistic3A_49 : vector<256x16xf32>
    %add3A_51 = arith.addf %broadcast_in_dim3A_10, %mul3A_50 : vector<256x16xf32>
    %get3A_52 = arith.constant 0 : index
    %get3A_53 = arith.constant 0 : index
    %get3A_54 = vector.load %arg19[%get3A_52, %get3A_53] : memref<16x64xf32, #tpu.memory_space<vmem>>, vector<16x64xf32>
    %dot_general3A_55 = arith.constant dense<0.000000e+00> : vector<256x64xf32>
    %dot_general3A_56 = tpu.matmul %mul3A_50, %get3A_54, %dot_general3A_55 {dimension_numbers = #tpu.dot_dimension_numbers<[1], [0], [0], [1], [0, 0, 1, 1], [], []>, transpose_lhs_hint = false} : vector<256x16xf32>, vector<16x64xf32>, vector<256x64xf32> -> vector<256x64xf32>
    %get3A_57 = arith.constant 0 : index
    %get3A_58 = arith.constant 0 : index
    %get3A_59 = vector.load %arg20[%get3A_57, %get3A_58] : memref<1x64xf32, #tpu.memory_space<vmem>>, vector<1x64xf32>
    %add3A_60 = vector.broadcast %get3A_59 : vector<1x64xf32> to vector<256x64xf32>
    %add3A_61 = arith.addf %dot_general3A_56, %add3A_60 : vector<256x64xf32>
    %logistic3A_62 = arith.negf %add3A_61 : vector<256x64xf32>
    %logistic3A_63 = math.exp %logistic3A_62 : vector<256x64xf32>
    %logistic3A_64 = arith.constant 1.000000e+00 : f32
    %logistic3A_65 = vector.broadcast %logistic3A_64 : f32 to vector<256x64xf32>
    %logistic3A_66 = arith.addf %logistic3A_65, %logistic3A_63 : vector<256x64xf32>
    %logistic3A_67 = arith.divf %logistic3A_65, %logistic3A_66 : vector<256x64xf32>
    %mul3A_68 = arith.mulf %add3A_61, %logistic3A_67 : vector<256x64xf32>
    %get3A_69 = arith.constant 0 : index
    %get3A_70 = arith.constant 0 : index
    %get3A_71 = vector.load %arg21[%get3A_69, %get3A_70] : memref<64x1xf32, #tpu.memory_space<vmem>>, vector<64x1xf32>
    %dot_general3A_72 = arith.constant dense<0.000000e+00> : vector<256x1xf32>
    %dot_general3A_73 = tpu.matmul %mul3A_68, %get3A_71, %dot_general3A_72 {dimension_numbers = #tpu.dot_dimension_numbers<[1], [0], [0], [1], [0, 0, 1, 1], [], []>, transpose_lhs_hint = false} : vector<256x64xf32>, vector<64x1xf32>, vector<256x1xf32> -> vector<256x1xf32>
    %get3A_74 = arith.constant 0 : index
    %get3A_75 = arith.constant 0 : index
    %get3A_76 = vector.load %arg22[%get3A_74, %get3A_75] : memref<1x1xf32, #tpu.memory_space<vmem>>, vector<1x1xf32>
    %add3A_77 = vector.broadcast %get3A_76 : vector<1x1xf32> to vector<256x1xf32>
    %add3A_78 = arith.addf %dot_general3A_73, %add3A_77 : vector<256x1xf32>
    %jit3A = arith.constant -2.000000e+00 : f32
    %jit3A_79 = arith.constant 2.000000e+00 : f32
    %max3A = vector.broadcast %jit3A : f32 to vector<256x1xf32>
    %max3A_80 = arith.maximumf %max3A, %add3A_78 : vector<256x1xf32>
    %min3A = vector.broadcast %jit3A_79 : f32 to vector<256x1xf32>
    %min3A_81 = arith.minimumf %min3A, %max3A_80 : vector<256x1xf32>
    %convert_element_type3A = arith.truncf %min3A_81 : vector<256x1xf32> to vector<256x1xbf16>
    %convert_element_type3A_82 = arith.extf %convert_element_type3A : vector<256x1xbf16> to vector<256x1xf32>
    %get3A_83 = arith.constant 0 : index
    %get3A_84 = arith.constant 0 : index
    %get3A_85 = arith.constant 0 : index
    %get3A_86 = vector.load %arg6[%get3A_83, %get3A_84, %get3A_85] : memref<1x256x8xf32, #tpu.memory_space<vmem>>, vector<1x256x1xf32>
    %get3A_87 = vector.shape_cast %get3A_86 : vector<1x256x1xf32> to vector<256x1xf32>
    %convert_element_type3A_88 = arith.truncf %get3A_87 : vector<256x1xf32> to vector<256x1xbf16>
    %convert_element_type3A_89 = arith.extf %convert_element_type3A_88 : vector<256x1xbf16> to vector<256x1xf32>
    %mul3A_90 = arith.mulf %convert_element_type3A_82, %convert_element_type3A_89 : vector<256x1xf32>
    %add3A_91 = arith.addf %broadcast_in_dim3A_12, %mul3A_90 : vector<256x1xf32>
    %get3A_92 = arith.constant 0 : index
    %get3A_93 = arith.constant 0 : index
    %get3A_94 = arith.constant 0 : index
    %get3A_95 = vector.load %arg7[%get3A_92, %get3A_93, %get3A_94] : memref<1x256x8xf32, #tpu.memory_space<vmem>>, vector<1x256x1xf32>
    %get3A_96 = vector.shape_cast %get3A_95 : vector<1x256x1xf32> to vector<256x1xf32>
    %convert_element_type3A_97 = arith.truncf %get3A_96 : vector<256x1xf32> to vector<256x1xbf16>
    %convert_element_type3A_98 = arith.extf %convert_element_type3A_97 : vector<256x1xbf16> to vector<256x1xf32>
    %mul3A_99 = arith.mulf %convert_element_type3A_82, %convert_element_type3A_98 : vector<256x1xf32>
    %add3A_100 = arith.addf %broadcast_in_dim3A_14, %mul3A_99 : vector<256x1xf32>
    %get3A_101 = arith.constant 0 : index
    %get3A_102 = arith.constant 0 : index
    %get3A_103 = arith.constant 0 : index
    %get3A_104 = vector.load %arg8[%get3A_101, %get3A_102, %get3A_103] : memref<1x256x8xf32, #tpu.memory_space<vmem>>, vector<1x256x1xf32>
    %get3A_105 = vector.shape_cast %get3A_104 : vector<1x256x1xf32> to vector<256x1xf32>
    %convert_element_type3A_106 = arith.truncf %get3A_105 : vector<256x1xf32> to vector<256x1xbf16>
    %convert_element_type3A_107 = arith.extf %convert_element_type3A_106 : vector<256x1xbf16> to vector<256x1xf32>
    %mul3A_108 = arith.mulf %convert_element_type3A_82, %convert_element_type3A_107 : vector<256x1xf32>
    %add3A_109 = arith.addf %broadcast_in_dim3A_16, %mul3A_108 : vector<256x1xf32>
    %get3A_110 = arith.constant 0 : index
    %get3A_111 = arith.constant 0 : index
    %get3A_112 = arith.constant 128 : index
    %get3A_113 = vector.load %arg4[%get3A_110, %get3A_111, %get3A_112] : memref<1x256x1024xf32, #tpu.memory_space<vmem>>, vector<1x256x128xf32>
    %get3A_114 = vector.shape_cast %get3A_113 : vector<1x256x128xf32> to vector<256x128xf32>
    %get3A_115 = arith.constant 0 : index
    %get3A_116 = arith.constant 0 : index
    %get3A_117 = arith.constant 1 : index
    %get3A_118 = vector.load %arg5[%get3A_115, %get3A_116, %get3A_117] : memref<1x256x8xf32, #tpu.memory_space<vmem>>, vector<1x256x1xf32>
    %get3A_119 = vector.shape_cast %get3A_118 : vector<1x256x1xf32> to vector<256x1xf32>
    %concatenate3A_120 = tpu.concatenate %get3A_3, %get3A_114, %get3A_119 in 1 : vector<256x128xf32>, vector<256x128xf32>, vector<256x1xf32> -> vector<256x257xf32>
    %dot_general3A_121 = arith.constant dense<0.000000e+00> : vector<256x514xf32>
    %dot_general3A_122 = tpu.matmul %concatenate3A_120, %get3A_6, %dot_general3A_121 {dimension_numbers = #tpu.dot_dimension_numbers<[1], [0], [0], [1], [0, 0, 1, 1], [], []>, transpose_lhs_hint = false} : vector<256x257xf32>, vector<257x514xf32>, vector<256x514xf32> -> vector<256x514xf32>
    %add3A_123 = vector.broadcast %get3A_9 : vector<1x514xf32> to vector<256x514xf32>
    %add3A_124 = arith.addf %dot_general3A_122, %add3A_123 : vector<256x514xf32>
    %logistic3A_125 = arith.negf %add3A_124 : vector<256x514xf32>
    %logistic3A_126 = math.exp %logistic3A_125 : vector<256x514xf32>
    %logistic3A_127 = arith.constant 1.000000e+00 : f32
    %logistic3A_128 = vector.broadcast %logistic3A_127 : f32 to vector<256x514xf32>
    %logistic3A_129 = arith.addf %logistic3A_128, %logistic3A_126 : vector<256x514xf32>
    %logistic3A_130 = arith.divf %logistic3A_128, %logistic3A_129 : vector<256x514xf32>
    %mul3A_131 = arith.mulf %add3A_124, %logistic3A_130 : vector<256x514xf32>
    %get3A_132 = arith.constant 0 : index
    %get3A_133 = arith.constant 0 : index
    %get3A_134 = vector.load %arg11[%get3A_132, %get3A_133] : memref<514x16xf32, #tpu.memory_space<vmem>>, vector<514x16xf32>
    %dot_general3A_135 = arith.constant dense<0.000000e+00> : vector<256x16xf32>
    %dot_general3A_136 = tpu.matmul %mul3A_131, %get3A_134, %dot_general3A_135 {dimension_numbers = #tpu.dot_dimension_numbers<[1], [0], [0], [1], [0, 0, 1, 1], [], []>, transpose_lhs_hint = false} : vector<256x514xf32>, vector<514x16xf32>, vector<256x16xf32> -> vector<256x16xf32>
    %get3A_137 = arith.constant 0 : index
    %get3A_138 = arith.constant 0 : index
    %get3A_139 = vector.load %arg12[%get3A_137, %get3A_138] : memref<1x16xf32, #tpu.memory_space<vmem>>, vector<1x16xf32>
    %add3A_140 = vector.broadcast %get3A_139 : vector<1x16xf32> to vector<256x16xf32>
    %add3A_141 = arith.addf %dot_general3A_136, %add3A_140 : vector<256x16xf32>
    %logistic3A_142 = arith.negf %add3A_141 : vector<256x16xf32>
    %logistic3A_143 = math.exp %logistic3A_142 : vector<256x16xf32>
    %logistic3A_144 = arith.constant 1.000000e+00 : f32
    %logistic3A_145 = vector.broadcast %logistic3A_144 : f32 to vector<256x16xf32>
    %logistic3A_146 = arith.addf %logistic3A_145, %logistic3A_143 : vector<256x16xf32>
    %logistic3A_147 = arith.divf %logistic3A_145, %logistic3A_146 : vector<256x16xf32>
    %mul3A_148 = arith.mulf %add3A_141, %logistic3A_147 : vector<256x16xf32>
    %add3A_149 = arith.addf %add3A_51, %mul3A_148 : vector<256x16xf32>
    %get3A_150 = arith.constant 0 : index
    %get3A_151 = arith.constant 0 : index
    %get3A_152 = vector.load %arg19[%get3A_150, %get3A_151] : memref<16x64xf32, #tpu.memory_space<vmem>>, vector<16x64xf32>
    %dot_general3A_153 = arith.constant dense<0.000000e+00> : vector<256x64xf32>
    %dot_general3A_154 = tpu.matmul %mul3A_148, %get3A_152, %dot_general3A_153 {dimension_numbers = #tpu.dot_dimension_numbers<[1], [0], [0], [1], [0, 0, 1, 1], [], []>, transpose_lhs_hint = false} : vector<256x16xf32>, vector<16x64xf32>, vector<256x64xf32> -> vector<256x64xf32>
    %get3A_155 = arith.constant 0 : index
    %get3A_156 = arith.constant 0 : index
    %get3A_157 = vector.load %arg20[%get3A_155, %get3A_156] : memref<1x64xf32, #tpu.memory_space<vmem>>, vector<1x64xf32>
    %add3A_158 = vector.broadcast %get3A_157 : vector<1x64xf32> to vector<256x64xf32>
    %add3A_159 = arith.addf %dot_general3A_154, %add3A_158 : vector<256x64xf32>
    %logistic3A_160 = arith.negf %add3A_159 : vector<256x64xf32>
    %logistic3A_161 = math.exp %logistic3A_160 : vector<256x64xf32>
    %logistic3A_162 = arith.constant 1.000000e+00 : f32
    %logistic3A_163 = vector.broadcast %logistic3A_162 : f32 to vector<256x64xf32>
    %logistic3A_164 = arith.addf %logistic3A_163, %logistic3A_161 : vector<256x64xf32>
    %logistic3A_165 = arith.divf %logistic3A_163, %logistic3A_164 : vector<256x64xf32>
    %mul3A_166 = arith.mulf %add3A_159, %logistic3A_165 : vector<256x64xf32>
    %get3A_167 = arith.constant 0 : index
    %get3A_168 = arith.constant 0 : index
    %get3A_169 = vector.load %arg21[%get3A_167, %get3A_168] : memref<64x1xf32, #tpu.memory_space<vmem>>, vector<64x1xf32>
    %dot_general3A_170 = arith.constant dense<0.000000e+00> : vector<256x1xf32>
    %dot_general3A_171 = tpu.matmul %mul3A_166, %get3A_169, %dot_general3A_170 {dimension_numbers = #tpu.dot_dimension_numbers<[1], [0], [0], [1], [0, 0, 1, 1], [], []>, transpose_lhs_hint = false} : vector<256x64xf32>, vector<64x1xf32>, vector<256x1xf32> -> vector<256x1xf32>
    %get3A_172 = arith.constant 0 : index
    %get3A_173 = arith.constant 0 : index
    %get3A_174 = vector.load %arg22[%get3A_172, %get3A_173] : memref<1x1xf32, #tpu.memory_space<vmem>>, vector<1x1xf32>
    %add3A_175 = vector.broadcast %get3A_174 : vector<1x1xf32> to vector<256x1xf32>
    %add3A_176 = arith.addf %dot_general3A_171, %add3A_175 : vector<256x1xf32>
    %jit3A_177 = arith.constant -2.000000e+00 : f32
    %jit3A_178 = arith.constant 2.000000e+00 : f32
    %max3A_179 = vector.broadcast %jit3A_177 : f32 to vector<256x1xf32>
    %max3A_180 = arith.maximumf %max3A_179, %add3A_176 : vector<256x1xf32>
    %min3A_181 = vector.broadcast %jit3A_178 : f32 to vector<256x1xf32>
    %min3A_182 = arith.minimumf %min3A_181, %max3A_180 : vector<256x1xf32>
    %convert_element_type3A_183 = arith.truncf %min3A_182 : vector<256x1xf32> to vector<256x1xbf16>
    %convert_element_type3A_184 = arith.extf %convert_element_type3A_183 : vector<256x1xbf16> to vector<256x1xf32>
    %get3A_185 = arith.constant 0 : index
    %get3A_186 = arith.constant 0 : index
    %get3A_187 = arith.constant 1 : index
    %get3A_188 = vector.load %arg6[%get3A_185, %get3A_186, %get3A_187] : memref<1x256x8xf32, #tpu.memory_space<vmem>>, vector<1x256x1xf32>
    %get3A_189 = vector.shape_cast %get3A_188 : vector<1x256x1xf32> to vector<256x1xf32>
    %convert_element_type3A_190 = arith.truncf %get3A_189 : vector<256x1xf32> to vector<256x1xbf16>
    %convert_element_type3A_191 = arith.extf %convert_element_type3A_190 : vector<256x1xbf16> to vector<256x1xf32>
    %mul3A_192 = arith.mulf %convert_element_type3A_184, %convert_element_type3A_191 : vector<256x1xf32>
    %add3A_193 = arith.addf %add3A_91, %mul3A_192 : vector<256x1xf32>
    %get3A_194 = arith.constant 0 : index
    %get3A_195 = arith.constant 0 : index
    %get3A_196 = arith.constant 1 : index
    %get3A_197 = vector.load %arg7[%get3A_194, %get3A_195, %get3A_196] : memref<1x256x8xf32, #tpu.memory_space<vmem>>, vector<1x256x1xf32>
    %get3A_198 = vector.shape_cast %get3A_197 : vector<1x256x1xf32> to vector<256x1xf32>
    %convert_element_type3A_199 = arith.truncf %get3A_198 : vector<256x1xf32> to vector<256x1xbf16>
    %convert_element_type3A_200 = arith.extf %convert_element_type3A_199 : vector<256x1xbf16> to vector<256x1xf32>
    %mul3A_201 = arith.mulf %convert_element_type3A_184, %convert_element_type3A_200 : vector<256x1xf32>
    %add3A_202 = arith.addf %add3A_100, %mul3A_201 : vector<256x1xf32>
    %get3A_203 = arith.constant 0 : index
    %get3A_204 = arith.constant 0 : index
    %get3A_205 = arith.constant 1 : index
    %get3A_206 = vector.load %arg8[%get3A_203, %get3A_204, %get3A_205] : memref<1x256x8xf32, #tpu.memory_space<vmem>>, vector<1x256x1xf32>
    %get3A_207 = vector.shape_cast %get3A_206 : vector<1x256x1xf32> to vector<256x1xf32>
    %convert_element_type3A_208 = arith.truncf %get3A_207 : vector<256x1xf32> to vector<256x1xbf16>
    %convert_element_type3A_209 = arith.extf %convert_element_type3A_208 : vector<256x1xbf16> to vector<256x1xf32>
    %mul3A_210 = arith.mulf %convert_element_type3A_184, %convert_element_type3A_209 : vector<256x1xf32>
    %add3A_211 = arith.addf %add3A_109, %mul3A_210 : vector<256x1xf32>
    %get3A_212 = arith.constant 0 : index
    %get3A_213 = arith.constant 0 : index
    %get3A_214 = arith.constant 256 : index
    %get3A_215 = vector.load %arg4[%get3A_212, %get3A_213, %get3A_214] : memref<1x256x1024xf32, #tpu.memory_space<vmem>>, vector<1x256x128xf32>
    %get3A_216 = vector.shape_cast %get3A_215 : vector<1x256x128xf32> to vector<256x128xf32>
    %get3A_217 = arith.constant 0 : index
    %get3A_218 = arith.constant 0 : index
    %get3A_219 = arith.constant 2 : index
    %get3A_220 = vector.load %arg5[%get3A_217, %get3A_218, %get3A_219] : memref<1x256x8xf32, #tpu.memory_space<vmem>>, vector<1x256x1xf32>
    %get3A_221 = vector.shape_cast %get3A_220 : vector<1x256x1xf32> to vector<256x1xf32>
    %concatenate3A_222 = tpu.concatenate %get3A_3, %get3A_216, %get3A_221 in 1 : vector<256x128xf32>, vector<256x128xf32>, vector<256x1xf32> -> vector<256x257xf32>
    %dot_general3A_223 = arith.constant dense<0.000000e+00> : vector<256x514xf32>
    %dot_general3A_224 = tpu.matmul %concatenate3A_222, %get3A_6, %dot_general3A_223 {dimension_numbers = #tpu.dot_dimension_numbers<[1], [0], [0], [1], [0, 0, 1, 1], [], []>, transpose_lhs_hint = false} : vector<256x257xf32>, vector<257x514xf32>, vector<256x514xf32> -> vector<256x514xf32>
    %add3A_225 = vector.broadcast %get3A_9 : vector<1x514xf32> to vector<256x514xf32>
    %add3A_226 = arith.addf %dot_general3A_224, %add3A_225 : vector<256x514xf32>
    %logistic3A_227 = arith.negf %add3A_226 : vector<256x514xf32>
    %logistic3A_228 = math.exp %logistic3A_227 : vector<256x514xf32>
    %logistic3A_229 = arith.constant 1.000000e+00 : f32
    %logistic3A_230 = vector.broadcast %logistic3A_229 : f32 to vector<256x514xf32>
    %logistic3A_231 = arith.addf %logistic3A_230, %logistic3A_228 : vector<256x514xf32>
    %logistic3A_232 = arith.divf %logistic3A_230, %logistic3A_231 : vector<256x514xf32>
    %mul3A_233 = arith.mulf %add3A_226, %logistic3A_232 : vector<256x514xf32>
    %get3A_234 = arith.constant 0 : index
    %get3A_235 = arith.constant 0 : index
    %get3A_236 = vector.load %arg11[%get3A_234, %get3A_235] : memref<514x16xf32, #tpu.memory_space<vmem>>, vector<514x16xf32>
    %dot_general3A_237 = arith.constant dense<0.000000e+00> : vector<256x16xf32>
    %dot_general3A_238 = tpu.matmul %mul3A_233, %get3A_236, %dot_general3A_237 {dimension_numbers = #tpu.dot_dimension_numbers<[1], [0], [0], [1], [0, 0, 1, 1], [], []>, transpose_lhs_hint = false} : vector<256x514xf32>, vector<514x16xf32>, vector<256x16xf32> -> vector<256x16xf32>
    %get3A_239 = arith.constant 0 : index
    %get3A_240 = arith.constant 0 : index
    %get3A_241 = vector.load %arg12[%get3A_239, %get3A_240] : memref<1x16xf32, #tpu.memory_space<vmem>>, vector<1x16xf32>
    %add3A_242 = vector.broadcast %get3A_241 : vector<1x16xf32> to vector<256x16xf32>
    %add3A_243 = arith.addf %dot_general3A_238, %add3A_242 : vector<256x16xf32>
    %logistic3A_244 = arith.negf %add3A_243 : vector<256x16xf32>
    %logistic3A_245 = math.exp %logistic3A_244 : vector<256x16xf32>
    %logistic3A_246 = arith.constant 1.000000e+00 : f32
    %logistic3A_247 = vector.broadcast %logistic3A_246 : f32 to vector<256x16xf32>
    %logistic3A_248 = arith.addf %logistic3A_247, %logistic3A_245 : vector<256x16xf32>
    %logistic3A_249 = arith.divf %logistic3A_247, %logistic3A_248 : vector<256x16xf32>
    %mul3A_250 = arith.mulf %add3A_243, %logistic3A_249 : vector<256x16xf32>
    %add3A_251 = arith.addf %add3A_149, %mul3A_250 : vector<256x16xf32>
    %get3A_252 = arith.constant 0 : index
    %get3A_253 = arith.constant 0 : index
    %get3A_254 = vector.load %arg19[%get3A_252, %get3A_253] : memref<16x64xf32, #tpu.memory_space<vmem>>, vector<16x64xf32>
    %dot_general3A_255 = arith.constant dense<0.000000e+00> : vector<256x64xf32>
    %dot_general3A_256 = tpu.matmul %mul3A_250, %get3A_254, %dot_general3A_255 {dimension_numbers = #tpu.dot_dimension_numbers<[1], [0], [0], [1], [0, 0, 1, 1], [], []>, transpose_lhs_hint = false} : vector<256x16xf32>, vector<16x64xf32>, vector<256x64xf32> -> vector<256x64xf32>
    %get3A_257 = arith.constant 0 : index
    %get3A_258 = arith.constant 0 : index
    %get3A_259 = vector.load %arg20[%get3A_257, %get3A_258] : memref<1x64xf32, #tpu.memory_space<vmem>>, vector<1x64xf32>
    %add3A_260 = vector.broadcast %get3A_259 : vector<1x64xf32> to vector<256x64xf32>
    %add3A_261 = arith.addf %dot_general3A_256, %add3A_260 : vector<256x64xf32>
    %logistic3A_262 = arith.negf %add3A_261 : vector<256x64xf32>
    %logistic3A_263 = math.exp %logistic3A_262 : vector<256x64xf32>
    %logistic3A_264 = arith.constant 1.000000e+00 : f32
    %logistic3A_265 = vector.broadcast %logistic3A_264 : f32 to vector<256x64xf32>
    %logistic3A_266 = arith.addf %logistic3A_265, %logistic3A_263 : vector<256x64xf32>
    %logistic3A_267 = arith.divf %logistic3A_265, %logistic3A_266 : vector<256x64xf32>
    %mul3A_268 = arith.mulf %add3A_261, %logistic3A_267 : vector<256x64xf32>
    %get3A_269 = arith.constant 0 : index
    %get3A_270 = arith.constant 0 : index
    %get3A_271 = vector.load %arg21[%get3A_269, %get3A_270] : memref<64x1xf32, #tpu.memory_space<vmem>>, vector<64x1xf32>
    %dot_general3A_272 = arith.constant dense<0.000000e+00> : vector<256x1xf32>
    %dot_general3A_273 = tpu.matmul %mul3A_268, %get3A_271, %dot_general3A_272 {dimension_numbers = #tpu.dot_dimension_numbers<[1], [0], [0], [1], [0, 0, 1, 1], [], []>, transpose_lhs_hint = false} : vector<256x64xf32>, vector<64x1xf32>, vector<256x1xf32> -> vector<256x1xf32>
    %get3A_274 = arith.constant 0 : index
    %get3A_275 = arith.constant 0 : index
    %get3A_276 = vector.load %arg22[%get3A_274, %get3A_275] : memref<1x1xf32, #tpu.memory_space<vmem>>, vector<1x1xf32>
    %add3A_277 = vector.broadcast %get3A_276 : vector<1x1xf32> to vector<256x1xf32>
    %add3A_278 = arith.addf %dot_general3A_273, %add3A_277 : vector<256x1xf32>
    %jit3A_279 = arith.constant -2.000000e+00 : f32
    %jit3A_280 = arith.constant 2.000000e+00 : f32
    %max3A_281 = vector.broadcast %jit3A_279 : f32 to vector<256x1xf32>
    %max3A_282 = arith.maximumf %max3A_281, %add3A_278 : vector<256x1xf32>
    %min3A_283 = vector.broadcast %jit3A_280 : f32 to vector<256x1xf32>
    %min3A_284 = arith.minimumf %min3A_283, %max3A_282 : vector<256x1xf32>
    %convert_element_type3A_285 = arith.truncf %min3A_284 : vector<256x1xf32> to vector<256x1xbf16>
    %convert_element_type3A_286 = arith.extf %convert_element_type3A_285 : vector<256x1xbf16> to vector<256x1xf32>
    %get3A_287 = arith.constant 0 : index
    %get3A_288 = arith.constant 0 : index
    %get3A_289 = arith.constant 2 : index
    %get3A_290 = vector.load %arg6[%get3A_287, %get3A_288, %get3A_289] : memref<1x256x8xf32, #tpu.memory_space<vmem>>, vector<1x256x1xf32>
    %get3A_291 = vector.shape_cast %get3A_290 : vector<1x256x1xf32> to vector<256x1xf32>
    %convert_element_type3A_292 = arith.truncf %get3A_291 : vector<256x1xf32> to vector<256x1xbf16>
    %convert_element_type3A_293 = arith.extf %convert_element_type3A_292 : vector<256x1xbf16> to vector<256x1xf32>
    %mul3A_294 = arith.mulf %convert_element_type3A_286, %convert_element_type3A_293 : vector<256x1xf32>
    %add3A_295 = arith.addf %add3A_193, %mul3A_294 : vector<256x1xf32>
    %get3A_296 = arith.constant 0 : index
    %get3A_297 = arith.constant 0 : index
    %get3A_298 = arith.constant 2 : index
    %get3A_299 = vector.load %arg7[%get3A_296, %get3A_297, %get3A_298] : memref<1x256x8xf32, #tpu.memory_space<vmem>>, vector<1x256x1xf32>
    %get3A_300 = vector.shape_cast %get3A_299 : vector<1x256x1xf32> to vector<256x1xf32>
    %convert_element_type3A_301 = arith.truncf %get3A_300 : vector<256x1xf32> to vector<256x1xbf16>
    %convert_element_type3A_302 = arith.extf %convert_element_type3A_301 : vector<256x1xbf16> to vector<256x1xf32>
    %mul3A_303 = arith.mulf %convert_element_type3A_286, %convert_element_type3A_302 : vector<256x1xf32>
    %add3A_304 = arith.addf %add3A_202, %mul3A_303 : vector<256x1xf32>
    %get3A_305 = arith.constant 0 : index
    %get3A_306 = arith.constant 0 : index
    %get3A_307 = arith.constant 2 : index
    %get3A_308 = vector.load %arg8[%get3A_305, %get3A_306, %get3A_307] : memref<1x256x8xf32, #tpu.memory_space<vmem>>, vector<1x256x1xf32>
    %get3A_309 = vector.shape_cast %get3A_308 : vector<1x256x1xf32> to vector<256x1xf32>
    %convert_element_type3A_310 = arith.truncf %get3A_309 : vector<256x1xf32> to vector<256x1xbf16>
    %convert_element_type3A_311 = arith.extf %convert_element_type3A_310 : vector<256x1xbf16> to vector<256x1xf32>
    %mul3A_312 = arith.mulf %convert_element_type3A_286, %convert_element_type3A_311 : vector<256x1xf32>
    %add3A_313 = arith.addf %add3A_211, %mul3A_312 : vector<256x1xf32>
    %get3A_314 = arith.constant 0 : index
    %get3A_315 = arith.constant 0 : index
    %get3A_316 = arith.constant 384 : index
    %get3A_317 = vector.load %arg4[%get3A_314, %get3A_315, %get3A_316] : memref<1x256x1024xf32, #tpu.memory_space<vmem>>, vector<1x256x128xf32>
    %get3A_318 = vector.shape_cast %get3A_317 : vector<1x256x128xf32> to vector<256x128xf32>
    %get3A_319 = arith.constant 0 : index
    %get3A_320 = arith.constant 0 : index
    %get3A_321 = arith.constant 3 : index
    %get3A_322 = vector.load %arg5[%get3A_319, %get3A_320, %get3A_321] : memref<1x256x8xf32, #tpu.memory_space<vmem>>, vector<1x256x1xf32>
    %get3A_323 = vector.shape_cast %get3A_322 : vector<1x256x1xf32> to vector<256x1xf32>
    %concatenate3A_324 = tpu.concatenate %get3A_3, %get3A_318, %get3A_323 in 1 : vector<256x128xf32>, vector<256x128xf32>, vector<256x1xf32> -> vector<256x257xf32>
    %dot_general3A_325 = arith.constant dense<0.000000e+00> : vector<256x514xf32>
    %dot_general3A_326 = tpu.matmul %concatenate3A_324, %get3A_6, %dot_general3A_325 {dimension_numbers = #tpu.dot_dimension_numbers<[1], [0], [0], [1], [0, 0, 1, 1], [], []>, transpose_lhs_hint = false} : vector<256x257xf32>, vector<257x514xf32>, vector<256x514xf32> -> vector<256x514xf32>
    %add3A_327 = vector.broadcast %get3A_9 : vector<1x514xf32> to vector<256x514xf32>
    %add3A_328 = arith.addf %dot_general3A_326, %add3A_327 : vector<256x514xf32>
    %logistic3A_329 = arith.negf %add3A_328 : vector<256x514xf32>
    %logistic3A_330 = math.exp %logistic3A_329 : vector<256x514xf32>
    %logistic3A_331 = arith.constant 1.000000e+00 : f32
    %logistic3A_332 = vector.broadcast %logistic3A_331 : f32 to vector<256x514xf32>
    %logistic3A_333 = arith.addf %logistic3A_332, %logistic3A_330 : vector<256x514xf32>
    %logistic3A_334 = arith.divf %logistic3A_332, %logistic3A_333 : vector<256x514xf32>
    %mul3A_335 = arith.mulf %add3A_328, %logistic3A_334 : vector<256x514xf32>
    %get3A_336 = arith.constant 0 : index
    %get3A_337 = arith.constant 0 : index
    %get3A_338 = vector.load %arg11[%get3A_336, %get3A_337] : memref<514x16xf32, #tpu.memory_space<vmem>>, vector<514x16xf32>
    %dot_general3A_339 = arith.constant dense<0.000000e+00> : vector<256x16xf32>
    %dot_general3A_340 = tpu.matmul %mul3A_335, %get3A_338, %dot_general3A_339 {dimension_numbers = #tpu.dot_dimension_numbers<[1], [0], [0], [1], [0, 0, 1, 1], [], []>, transpose_lhs_hint = false} : vector<256x514xf32>, vector<514x16xf32>, vector<256x16xf32> -> vector<256x16xf32>
    %get3A_341 = arith.constant 0 : index
    %get3A_342 = arith.constant 0 : index
    %get3A_343 = vector.load %arg12[%get3A_341, %get3A_342] : memref<1x16xf32, #tpu.memory_space<vmem>>, vector<1x16xf32>
    %add3A_344 = vector.broadcast %get3A_343 : vector<1x16xf32> to vector<256x16xf32>
    %add3A_345 = arith.addf %dot_general3A_340, %add3A_344 : vector<256x16xf32>
    %logistic3A_346 = arith.negf %add3A_345 : vector<256x16xf32>
    %logistic3A_347 = math.exp %logistic3A_346 : vector<256x16xf32>
    %logistic3A_348 = arith.constant 1.000000e+00 : f32
    %logistic3A_349 = vector.broadcast %logistic3A_348 : f32 to vector<256x16xf32>
    %logistic3A_350 = arith.addf %logistic3A_349, %logistic3A_347 : vector<256x16xf32>
    %logistic3A_351 = arith.divf %logistic3A_349, %logistic3A_350 : vector<256x16xf32>
    %mul3A_352 = arith.mulf %add3A_345, %logistic3A_351 : vector<256x16xf32>
    %add3A_353 = arith.addf %add3A_251, %mul3A_352 : vector<256x16xf32>
    %get3A_354 = arith.constant 0 : index
    %get3A_355 = arith.constant 0 : index
    %get3A_356 = vector.load %arg19[%get3A_354, %get3A_355] : memref<16x64xf32, #tpu.memory_space<vmem>>, vector<16x64xf32>
    %dot_general3A_357 = arith.constant dense<0.000000e+00> : vector<256x64xf32>
    %dot_general3A_358 = tpu.matmul %mul3A_352, %get3A_356, %dot_general3A_357 {dimension_numbers = #tpu.dot_dimension_numbers<[1], [0], [0], [1], [0, 0, 1, 1], [], []>, transpose_lhs_hint = false} : vector<256x16xf32>, vector<16x64xf32>, vector<256x64xf32> -> vector<256x64xf32>
    %get3A_359 = arith.constant 0 : index
    %get3A_360 = arith.constant 0 : index
    %get3A_361 = vector.load %arg20[%get3A_359, %get3A_360] : memref<1x64xf32, #tpu.memory_space<vmem>>, vector<1x64xf32>
    %add3A_362 = vector.broadcast %get3A_361 : vector<1x64xf32> to vector<256x64xf32>
    %add3A_363 = arith.addf %dot_general3A_358, %add3A_362 : vector<256x64xf32>
    %logistic3A_364 = arith.negf %add3A_363 : vector<256x64xf32>
    %logistic3A_365 = math.exp %logistic3A_364 : vector<256x64xf32>
    %logistic3A_366 = arith.constant 1.000000e+00 : f32
    %logistic3A_367 = vector.broadcast %logistic3A_366 : f32 to vector<256x64xf32>
    %logistic3A_368 = arith.addf %logistic3A_367, %logistic3A_365 : vector<256x64xf32>
    %logistic3A_369 = arith.divf %logistic3A_367, %logistic3A_368 : vector<256x64xf32>
    %mul3A_370 = arith.mulf %add3A_363, %logistic3A_369 : vector<256x64xf32>
    %get3A_371 = arith.constant 0 : index
    %get3A_372 = arith.constant 0 : index
    %get3A_373 = vector.load %arg21[%get3A_371, %get3A_372] : memref<64x1xf32, #tpu.memory_space<vmem>>, vector<64x1xf32>
    %dot_general3A_374 = arith.constant dense<0.000000e+00> : vector<256x1xf32>
    %dot_general3A_375 = tpu.matmul %mul3A_370, %get3A_373, %dot_general3A_374 {dimension_numbers = #tpu.dot_dimension_numbers<[1], [0], [0], [1], [0, 0, 1, 1], [], []>, transpose_lhs_hint = false} : vector<256x64xf32>, vector<64x1xf32>, vector<256x1xf32> -> vector<256x1xf32>
    %get3A_376 = arith.constant 0 : index
    %get3A_377 = arith.constant 0 : index
    %get3A_378 = vector.load %arg22[%get3A_376, %get3A_377] : memref<1x1xf32, #tpu.memory_space<vmem>>, vector<1x1xf32>
    %add3A_379 = vector.broadcast %get3A_378 : vector<1x1xf32> to vector<256x1xf32>
    %add3A_380 = arith.addf %dot_general3A_375, %add3A_379 : vector<256x1xf32>
    %jit3A_381 = arith.constant -2.000000e+00 : f32
    %jit3A_382 = arith.constant 2.000000e+00 : f32
    %max3A_383 = vector.broadcast %jit3A_381 : f32 to vector<256x1xf32>
    %max3A_384 = arith.maximumf %max3A_383, %add3A_380 : vector<256x1xf32>
    %min3A_385 = vector.broadcast %jit3A_382 : f32 to vector<256x1xf32>
    %min3A_386 = arith.minimumf %min3A_385, %max3A_384 : vector<256x1xf32>
    %convert_element_type3A_387 = arith.truncf %min3A_386 : vector<256x1xf32> to vector<256x1xbf16>
    %convert_element_type3A_388 = arith.extf %convert_element_type3A_387 : vector<256x1xbf16> to vector<256x1xf32>
    %get3A_389 = arith.constant 0 : index
    %get3A_390 = arith.constant 0 : index
    %get3A_391 = arith.constant 3 : index
    %get3A_392 = vector.load %arg6[%get3A_389, %get3A_390, %get3A_391] : memref<1x256x8xf32, #tpu.memory_space<vmem>>, vector<1x256x1xf32>
    %get3A_393 = vector.shape_cast %get3A_392 : vector<1x256x1xf32> to vector<256x1xf32>
    %convert_element_type3A_394 = arith.truncf %get3A_393 : vector<256x1xf32> to vector<256x1xbf16>
    %convert_element_type3A_395 = arith.extf %convert_element_type3A_394 : vector<256x1xbf16> to vector<256x1xf32>
    %mul3A_396 = arith.mulf %convert_element_type3A_388, %convert_element_type3A_395 : vector<256x1xf32>
    %add3A_397 = arith.addf %add3A_295, %mul3A_396 : vector<256x1xf32>
    %get3A_398 = arith.constant 0 : index
    %get3A_399 = arith.constant 0 : index
    %get3A_400 = arith.constant 3 : index
    %get3A_401 = vector.load %arg7[%get3A_398, %get3A_399, %get3A_400] : memref<1x256x8xf32, #tpu.memory_space<vmem>>, vector<1x256x1xf32>
    %get3A_402 = vector.shape_cast %get3A_401 : vector<1x256x1xf32> to vector<256x1xf32>
    %convert_element_type3A_403 = arith.truncf %get3A_402 : vector<256x1xf32> to vector<256x1xbf16>
    %convert_element_type3A_404 = arith.extf %convert_element_type3A_403 : vector<256x1xbf16> to vector<256x1xf32>
    %mul3A_405 = arith.mulf %convert_element_type3A_388, %convert_element_type3A_404 : vector<256x1xf32>
    %add3A_406 = arith.addf %add3A_304, %mul3A_405 : vector<256x1xf32>
    %get3A_407 = arith.constant 0 : index
    %get3A_408 = arith.constant 0 : index
    %get3A_409 = arith.constant 3 : index
    %get3A_410 = vector.load %arg8[%get3A_407, %get3A_408, %get3A_409] : memref<1x256x8xf32, #tpu.memory_space<vmem>>, vector<1x256x1xf32>
    %get3A_411 = vector.shape_cast %get3A_410 : vector<1x256x1xf32> to vector<256x1xf32>
    %convert_element_type3A_412 = arith.truncf %get3A_411 : vector<256x1xf32> to vector<256x1xbf16>
    %convert_element_type3A_413 = arith.extf %convert_element_type3A_412 : vector<256x1xbf16> to vector<256x1xf32>
    %mul3A_414 = arith.mulf %convert_element_type3A_388, %convert_element_type3A_413 : vector<256x1xf32>
    %add3A_415 = arith.addf %add3A_313, %mul3A_414 : vector<256x1xf32>
    %get3A_416 = arith.constant 0 : index
    %get3A_417 = arith.constant 0 : index
    %get3A_418 = arith.constant 512 : index
    %get3A_419 = vector.load %arg4[%get3A_416, %get3A_417, %get3A_418] : memref<1x256x1024xf32, #tpu.memory_space<vmem>>, vector<1x256x128xf32>
    %get3A_420 = vector.shape_cast %get3A_419 : vector<1x256x128xf32> to vector<256x128xf32>
    %get3A_421 = arith.constant 0 : index
    %get3A_422 = arith.constant 0 : index
    %get3A_423 = arith.constant 4 : index
    %get3A_424 = vector.load %arg5[%get3A_421, %get3A_422, %get3A_423] : memref<1x256x8xf32, #tpu.memory_space<vmem>>, vector<1x256x1xf32>
    %get3A_425 = vector.shape_cast %get3A_424 : vector<1x256x1xf32> to vector<256x1xf32>
    %concatenate3A_426 = tpu.concatenate %get3A_3, %get3A_420, %get3A_425 in 1 : vector<256x128xf32>, vector<256x128xf32>, vector<256x1xf32> -> vector<256x257xf32>
    %dot_general3A_427 = arith.constant dense<0.000000e+00> : vector<256x514xf32>
    %dot_general3A_428 = tpu.matmul %concatenate3A_426, %get3A_6, %dot_general3A_427 {dimension_numbers = #tpu.dot_dimension_numbers<[1], [0], [0], [1], [0, 0, 1, 1], [], []>, transpose_lhs_hint = false} : vector<256x257xf32>, vector<257x514xf32>, vector<256x514xf32> -> vector<256x514xf32>
    %add3A_429 = vector.broadcast %get3A_9 : vector<1x514xf32> to vector<256x514xf32>
    %add3A_430 = arith.addf %dot_general3A_428, %add3A_429 : vector<256x514xf32>
    %logistic3A_431 = arith.negf %add3A_430 : vector<256x514xf32>
    %logistic3A_432 = math.exp %logistic3A_431 : vector<256x514xf32>
    %logistic3A_433 = arith.constant 1.000000e+00 : f32
    %logistic3A_434 = vector.broadcast %logistic3A_433 : f32 to vector<256x514xf32>
    %logistic3A_435 = arith.addf %logistic3A_434, %logistic3A_432 : vector<256x514xf32>
    %logistic3A_436 = arith.divf %logistic3A_434, %logistic3A_435 : vector<256x514xf32>
    %mul3A_437 = arith.mulf %add3A_430, %logistic3A_436 : vector<256x514xf32>
    %get3A_438 = arith.constant 0 : index
    %get3A_439 = arith.constant 0 : index
    %get3A_440 = vector.load %arg11[%get3A_438, %get3A_439] : memref<514x16xf32, #tpu.memory_space<vmem>>, vector<514x16xf32>
    %dot_general3A_441 = arith.constant dense<0.000000e+00> : vector<256x16xf32>
    %dot_general3A_442 = tpu.matmul %mul3A_437, %get3A_440, %dot_general3A_441 {dimension_numbers = #tpu.dot_dimension_numbers<[1], [0], [0], [1], [0, 0, 1, 1], [], []>, transpose_lhs_hint = false} : vector<256x514xf32>, vector<514x16xf32>, vector<256x16xf32> -> vector<256x16xf32>
    %get3A_443 = arith.constant 0 : index
    %get3A_444 = arith.constant 0 : index
    %get3A_445 = vector.load %arg12[%get3A_443, %get3A_444] : memref<1x16xf32, #tpu.memory_space<vmem>>, vector<1x16xf32>
    %add3A_446 = vector.broadcast %get3A_445 : vector<1x16xf32> to vector<256x16xf32>
    %add3A_447 = arith.addf %dot_general3A_442, %add3A_446 : vector<256x16xf32>
    %logistic3A_448 = arith.negf %add3A_447 : vector<256x16xf32>
    %logistic3A_449 = math.exp %logistic3A_448 : vector<256x16xf32>
    %logistic3A_450 = arith.constant 1.000000e+00 : f32
    %logistic3A_451 = vector.broadcast %logistic3A_450 : f32 to vector<256x16xf32>
    %logistic3A_452 = arith.addf %logistic3A_451, %logistic3A_449 : vector<256x16xf32>
    %logistic3A_453 = arith.divf %logistic3A_451, %logistic3A_452 : vector<256x16xf32>
    %mul3A_454 = arith.mulf %add3A_447, %logistic3A_453 : vector<256x16xf32>
    %add3A_455 = arith.addf %add3A_353, %mul3A_454 : vector<256x16xf32>
    %get3A_456 = arith.constant 0 : index
    %get3A_457 = arith.constant 0 : index
    %get3A_458 = vector.load %arg19[%get3A_456, %get3A_457] : memref<16x64xf32, #tpu.memory_space<vmem>>, vector<16x64xf32>
    %dot_general3A_459 = arith.constant dense<0.000000e+00> : vector<256x64xf32>
    %dot_general3A_460 = tpu.matmul %mul3A_454, %get3A_458, %dot_general3A_459 {dimension_numbers = #tpu.dot_dimension_numbers<[1], [0], [0], [1], [0, 0, 1, 1], [], []>, transpose_lhs_hint = false} : vector<256x16xf32>, vector<16x64xf32>, vector<256x64xf32> -> vector<256x64xf32>
    %get3A_461 = arith.constant 0 : index
    %get3A_462 = arith.constant 0 : index
    %get3A_463 = vector.load %arg20[%get3A_461, %get3A_462] : memref<1x64xf32, #tpu.memory_space<vmem>>, vector<1x64xf32>
    %add3A_464 = vector.broadcast %get3A_463 : vector<1x64xf32> to vector<256x64xf32>
    %add3A_465 = arith.addf %dot_general3A_460, %add3A_464 : vector<256x64xf32>
    %logistic3A_466 = arith.negf %add3A_465 : vector<256x64xf32>
    %logistic3A_467 = math.exp %logistic3A_466 : vector<256x64xf32>
    %logistic3A_468 = arith.constant 1.000000e+00 : f32
    %logistic3A_469 = vector.broadcast %logistic3A_468 : f32 to vector<256x64xf32>
    %logistic3A_470 = arith.addf %logistic3A_469, %logistic3A_467 : vector<256x64xf32>
    %logistic3A_471 = arith.divf %logistic3A_469, %logistic3A_470 : vector<256x64xf32>
    %mul3A_472 = arith.mulf %add3A_465, %logistic3A_471 : vector<256x64xf32>
    %get3A_473 = arith.constant 0 : index
    %get3A_474 = arith.constant 0 : index
    %get3A_475 = vector.load %arg21[%get3A_473, %get3A_474] : memref<64x1xf32, #tpu.memory_space<vmem>>, vector<64x1xf32>
    %dot_general3A_476 = arith.constant dense<0.000000e+00> : vector<256x1xf32>
    %dot_general3A_477 = tpu.matmul %mul3A_472, %get3A_475, %dot_general3A_476 {dimension_numbers = #tpu.dot_dimension_numbers<[1], [0], [0], [1], [0, 0, 1, 1], [], []>, transpose_lhs_hint = false} : vector<256x64xf32>, vector<64x1xf32>, vector<256x1xf32> -> vector<256x1xf32>
    %get3A_478 = arith.constant 0 : index
    %get3A_479 = arith.constant 0 : index
    %get3A_480 = vector.load %arg22[%get3A_478, %get3A_479] : memref<1x1xf32, #tpu.memory_space<vmem>>, vector<1x1xf32>
    %add3A_481 = vector.broadcast %get3A_480 : vector<1x1xf32> to vector<256x1xf32>
    %add3A_482 = arith.addf %dot_general3A_477, %add3A_481 : vector<256x1xf32>
    %jit3A_483 = arith.constant -2.000000e+00 : f32
    %jit3A_484 = arith.constant 2.000000e+00 : f32
    %max3A_485 = vector.broadcast %jit3A_483 : f32 to vector<256x1xf32>
    %max3A_486 = arith.maximumf %max3A_485, %add3A_482 : vector<256x1xf32>
    %min3A_487 = vector.broadcast %jit3A_484 : f32 to vector<256x1xf32>
    %min3A_488 = arith.minimumf %min3A_487, %max3A_486 : vector<256x1xf32>
    %convert_element_type3A_489 = arith.truncf %min3A_488 : vector<256x1xf32> to vector<256x1xbf16>
    %convert_element_type3A_490 = arith.extf %convert_element_type3A_489 : vector<256x1xbf16> to vector<256x1xf32>
    %get3A_491 = arith.constant 0 : index
    %get3A_492 = arith.constant 0 : index
    %get3A_493 = arith.constant 4 : index
    %get3A_494 = vector.load %arg6[%get3A_491, %get3A_492, %get3A_493] : memref<1x256x8xf32, #tpu.memory_space<vmem>>, vector<1x256x1xf32>
    %get3A_495 = vector.shape_cast %get3A_494 : vector<1x256x1xf32> to vector<256x1xf32>
    %convert_element_type3A_496 = arith.truncf %get3A_495 : vector<256x1xf32> to vector<256x1xbf16>
    %convert_element_type3A_497 = arith.extf %convert_element_type3A_496 : vector<256x1xbf16> to vector<256x1xf32>
    %mul3A_498 = arith.mulf %convert_element_type3A_490, %convert_element_type3A_497 : vector<256x1xf32>
    %add3A_499 = arith.addf %add3A_397, %mul3A_498 : vector<256x1xf32>
    %get3A_500 = arith.constant 0 : index
    %get3A_501 = arith.constant 0 : index
    %get3A_502 = arith.constant 4 : index
    %get3A_503 = vector.load %arg7[%get3A_500, %get3A_501, %get3A_502] : memref<1x256x8xf32, #tpu.memory_space<vmem>>, vector<1x256x1xf32>
    %get3A_504 = vector.shape_cast %get3A_503 : vector<1x256x1xf32> to vector<256x1xf32>
    %convert_element_type3A_505 = arith.truncf %get3A_504 : vector<256x1xf32> to vector<256x1xbf16>
    %convert_element_type3A_506 = arith.extf %convert_element_type3A_505 : vector<256x1xbf16> to vector<256x1xf32>
    %mul3A_507 = arith.mulf %convert_element_type3A_490, %convert_element_type3A_506 : vector<256x1xf32>
    %add3A_508 = arith.addf %add3A_406, %mul3A_507 : vector<256x1xf32>
    %get3A_509 = arith.constant 0 : index
    %get3A_510 = arith.constant 0 : index
    %get3A_511 = arith.constant 4 : index
    %get3A_512 = vector.load %arg8[%get3A_509, %get3A_510, %get3A_511] : memref<1x256x8xf32, #tpu.memory_space<vmem>>, vector<1x256x1xf32>
    %get3A_513 = vector.shape_cast %get3A_512 : vector<1x256x1xf32> to vector<256x1xf32>
    %convert_element_type3A_514 = arith.truncf %get3A_513 : vector<256x1xf32> to vector<256x1xbf16>
    %convert_element_type3A_515 = arith.extf %convert_element_type3A_514 : vector<256x1xbf16> to vector<256x1xf32>
    %mul3A_516 = arith.mulf %convert_element_type3A_490, %convert_element_type3A_515 : vector<256x1xf32>
    %add3A_517 = arith.addf %add3A_415, %mul3A_516 : vector<256x1xf32>
    %get3A_518 = arith.constant 0 : index
    %get3A_519 = arith.constant 0 : index
    %get3A_520 = arith.constant 640 : index
    %get3A_521 = vector.load %arg4[%get3A_518, %get3A_519, %get3A_520] : memref<1x256x1024xf32, #tpu.memory_space<vmem>>, vector<1x256x128xf32>
    %get3A_522 = vector.shape_cast %get3A_521 : vector<1x256x128xf32> to vector<256x128xf32>
    %get3A_523 = arith.constant 0 : index
    %get3A_524 = arith.constant 0 : index
    %get3A_525 = arith.constant 5 : index
    %get3A_526 = vector.load %arg5[%get3A_523, %get3A_524, %get3A_525] : memref<1x256x8xf32, #tpu.memory_space<vmem>>, vector<1x256x1xf32>
    %get3A_527 = vector.shape_cast %get3A_526 : vector<1x256x1xf32> to vector<256x1xf32>
    %concatenate3A_528 = tpu.concatenate %get3A_3, %get3A_522, %get3A_527 in 1 : vector<256x128xf32>, vector<256x128xf32>, vector<256x1xf32> -> vector<256x257xf32>
    %dot_general3A_529 = arith.constant dense<0.000000e+00> : vector<256x514xf32>
    %dot_general3A_530 = tpu.matmul %concatenate3A_528, %get3A_6, %dot_general3A_529 {dimension_numbers = #tpu.dot_dimension_numbers<[1], [0], [0], [1], [0, 0, 1, 1], [], []>, transpose_lhs_hint = false} : vector<256x257xf32>, vector<257x514xf32>, vector<256x514xf32> -> vector<256x514xf32>
    %add3A_531 = vector.broadcast %get3A_9 : vector<1x514xf32> to vector<256x514xf32>
    %add3A_532 = arith.addf %dot_general3A_530, %add3A_531 : vector<256x514xf32>
    %logistic3A_533 = arith.negf %add3A_532 : vector<256x514xf32>
    %logistic3A_534 = math.exp %logistic3A_533 : vector<256x514xf32>
    %logistic3A_535 = arith.constant 1.000000e+00 : f32
    %logistic3A_536 = vector.broadcast %logistic3A_535 : f32 to vector<256x514xf32>
    %logistic3A_537 = arith.addf %logistic3A_536, %logistic3A_534 : vector<256x514xf32>
    %logistic3A_538 = arith.divf %logistic3A_536, %logistic3A_537 : vector<256x514xf32>
    %mul3A_539 = arith.mulf %add3A_532, %logistic3A_538 : vector<256x514xf32>
    %get3A_540 = arith.constant 0 : index
    %get3A_541 = arith.constant 0 : index
    %get3A_542 = vector.load %arg11[%get3A_540, %get3A_541] : memref<514x16xf32, #tpu.memory_space<vmem>>, vector<514x16xf32>
    %dot_general3A_543 = arith.constant dense<0.000000e+00> : vector<256x16xf32>
    %dot_general3A_544 = tpu.matmul %mul3A_539, %get3A_542, %dot_general3A_543 {dimension_numbers = #tpu.dot_dimension_numbers<[1], [0], [0], [1], [0, 0, 1, 1], [], []>, transpose_lhs_hint = false} : vector<256x514xf32>, vector<514x16xf32>, vector<256x16xf32> -> vector<256x16xf32>
    %get3A_545 = arith.constant 0 : index
    %get3A_546 = arith.constant 0 : index
    %get3A_547 = vector.load %arg12[%get3A_545, %get3A_546] : memref<1x16xf32, #tpu.memory_space<vmem>>, vector<1x16xf32>
    %add3A_548 = vector.broadcast %get3A_547 : vector<1x16xf32> to vector<256x16xf32>
    %add3A_549 = arith.addf %dot_general3A_544, %add3A_548 : vector<256x16xf32>
    %logistic3A_550 = arith.negf %add3A_549 : vector<256x16xf32>
    %logistic3A_551 = math.exp %logistic3A_550 : vector<256x16xf32>
    %logistic3A_552 = arith.constant 1.000000e+00 : f32
    %logistic3A_553 = vector.broadcast %logistic3A_552 : f32 to vector<256x16xf32>
    %logistic3A_554 = arith.addf %logistic3A_553, %logistic3A_551 : vector<256x16xf32>
    %logistic3A_555 = arith.divf %logistic3A_553, %logistic3A_554 : vector<256x16xf32>
    %mul3A_556 = arith.mulf %add3A_549, %logistic3A_555 : vector<256x16xf32>
    %add3A_557 = arith.addf %add3A_455, %mul3A_556 : vector<256x16xf32>
    %get3A_558 = arith.constant 0 : index
    %get3A_559 = arith.constant 0 : index
    %get3A_560 = vector.load %arg19[%get3A_558, %get3A_559] : memref<16x64xf32, #tpu.memory_space<vmem>>, vector<16x64xf32>
    %dot_general3A_561 = arith.constant dense<0.000000e+00> : vector<256x64xf32>
    %dot_general3A_562 = tpu.matmul %mul3A_556, %get3A_560, %dot_general3A_561 {dimension_numbers = #tpu.dot_dimension_numbers<[1], [0], [0], [1], [0, 0, 1, 1], [], []>, transpose_lhs_hint = false} : vector<256x16xf32>, vector<16x64xf32>, vector<256x64xf32> -> vector<256x64xf32>
    %get3A_563 = arith.constant 0 : index
    %get3A_564 = arith.constant 0 : index
    %get3A_565 = vector.load %arg20[%get3A_563, %get3A_564] : memref<1x64xf32, #tpu.memory_space<vmem>>, vector<1x64xf32>
    %add3A_566 = vector.broadcast %get3A_565 : vector<1x64xf32> to vector<256x64xf32>
    %add3A_567 = arith.addf %dot_general3A_562, %add3A_566 : vector<256x64xf32>
    %logistic3A_568 = arith.negf %add3A_567 : vector<256x64xf32>
    %logistic3A_569 = math.exp %logistic3A_568 : vector<256x64xf32>
    %logistic3A_570 = arith.constant 1.000000e+00 : f32
    %logistic3A_571 = vector.broadcast %logistic3A_570 : f32 to vector<256x64xf32>
    %logistic3A_572 = arith.addf %logistic3A_571, %logistic3A_569 : vector<256x64xf32>
    %logistic3A_573 = arith.divf %logistic3A_571, %logistic3A_572 : vector<256x64xf32>
    %mul3A_574 = arith.mulf %add3A_567, %logistic3A_573 : vector<256x64xf32>
    %get3A_575 = arith.constant 0 : index
    %get3A_576 = arith.constant 0 : index
    %get3A_577 = vector.load %arg21[%get3A_575, %get3A_576] : memref<64x1xf32, #tpu.memory_space<vmem>>, vector<64x1xf32>
    %dot_general3A_578 = arith.constant dense<0.000000e+00> : vector<256x1xf32>
    %dot_general3A_579 = tpu.matmul %mul3A_574, %get3A_577, %dot_general3A_578 {dimension_numbers = #tpu.dot_dimension_numbers<[1], [0], [0], [1], [0, 0, 1, 1], [], []>, transpose_lhs_hint = false} : vector<256x64xf32>, vector<64x1xf32>, vector<256x1xf32> -> vector<256x1xf32>
    %get3A_580 = arith.constant 0 : index
    %get3A_581 = arith.constant 0 : index
    %get3A_582 = vector.load %arg22[%get3A_580, %get3A_581] : memref<1x1xf32, #tpu.memory_space<vmem>>, vector<1x1xf32>
    %add3A_583 = vector.broadcast %get3A_582 : vector<1x1xf32> to vector<256x1xf32>
    %add3A_584 = arith.addf %dot_general3A_579, %add3A_583 : vector<256x1xf32>
    %jit3A_585 = arith.constant -2.000000e+00 : f32
    %jit3A_586 = arith.constant 2.000000e+00 : f32
    %max3A_587 = vector.broadcast %jit3A_585 : f32 to vector<256x1xf32>
    %max3A_588 = arith.maximumf %max3A_587, %add3A_584 : vector<256x1xf32>
    %min3A_589 = vector.broadcast %jit3A_586 : f32 to vector<256x1xf32>
    %min3A_590 = arith.minimumf %min3A_589, %max3A_588 : vector<256x1xf32>
    %convert_element_type3A_591 = arith.truncf %min3A_590 : vector<256x1xf32> to vector<256x1xbf16>
    %convert_element_type3A_592 = arith.extf %convert_element_type3A_591 : vector<256x1xbf16> to vector<256x1xf32>
    %get3A_593 = arith.constant 0 : index
    %get3A_594 = arith.constant 0 : index
    %get3A_595 = arith.constant 5 : index
    %get3A_596 = vector.load %arg6[%get3A_593, %get3A_594, %get3A_595] : memref<1x256x8xf32, #tpu.memory_space<vmem>>, vector<1x256x1xf32>
    %get3A_597 = vector.shape_cast %get3A_596 : vector<1x256x1xf32> to vector<256x1xf32>
    %convert_element_type3A_598 = arith.truncf %get3A_597 : vector<256x1xf32> to vector<256x1xbf16>
    %convert_element_type3A_599 = arith.extf %convert_element_type3A_598 : vector<256x1xbf16> to vector<256x1xf32>
    %mul3A_600 = arith.mulf %convert_element_type3A_592, %convert_element_type3A_599 : vector<256x1xf32>
    %add3A_601 = arith.addf %add3A_499, %mul3A_600 : vector<256x1xf32>
    %get3A_602 = arith.constant 0 : index
    %get3A_603 = arith.constant 0 : index
    %get3A_604 = arith.constant 5 : index
    %get3A_605 = vector.load %arg7[%get3A_602, %get3A_603, %get3A_604] : memref<1x256x8xf32, #tpu.memory_space<vmem>>, vector<1x256x1xf32>
    %get3A_606 = vector.shape_cast %get3A_605 : vector<1x256x1xf32> to vector<256x1xf32>
    %convert_element_type3A_607 = arith.truncf %get3A_606 : vector<256x1xf32> to vector<256x1xbf16>
    %convert_element_type3A_608 = arith.extf %convert_element_type3A_607 : vector<256x1xbf16> to vector<256x1xf32>
    %mul3A_609 = arith.mulf %convert_element_type3A_592, %convert_element_type3A_608 : vector<256x1xf32>
    %add3A_610 = arith.addf %add3A_508, %mul3A_609 : vector<256x1xf32>
    %get3A_611 = arith.constant 0 : index
    %get3A_612 = arith.constant 0 : index
    %get3A_613 = arith.constant 5 : index
    %get3A_614 = vector.load %arg8[%get3A_611, %get3A_612, %get3A_613] : memref<1x256x8xf32, #tpu.memory_space<vmem>>, vector<1x256x1xf32>
    %get3A_615 = vector.shape_cast %get3A_614 : vector<1x256x1xf32> to vector<256x1xf32>
    %convert_element_type3A_616 = arith.truncf %get3A_615 : vector<256x1xf32> to vector<256x1xbf16>
    %convert_element_type3A_617 = arith.extf %convert_element_type3A_616 : vector<256x1xbf16> to vector<256x1xf32>
    %mul3A_618 = arith.mulf %convert_element_type3A_592, %convert_element_type3A_617 : vector<256x1xf32>
    %add3A_619 = arith.addf %add3A_517, %mul3A_618 : vector<256x1xf32>
    %get3A_620 = arith.constant 0 : index
    %get3A_621 = arith.constant 0 : index
    %get3A_622 = arith.constant 768 : index
    %get3A_623 = vector.load %arg4[%get3A_620, %get3A_621, %get3A_622] : memref<1x256x1024xf32, #tpu.memory_space<vmem>>, vector<1x256x128xf32>
    %get3A_624 = vector.shape_cast %get3A_623 : vector<1x256x128xf32> to vector<256x128xf32>
    %get3A_625 = arith.constant 0 : index
    %get3A_626 = arith.constant 0 : index
    %get3A_627 = arith.constant 6 : index
    %get3A_628 = vector.load %arg5[%get3A_625, %get3A_626, %get3A_627] : memref<1x256x8xf32, #tpu.memory_space<vmem>>, vector<1x256x1xf32>
    %get3A_629 = vector.shape_cast %get3A_628 : vector<1x256x1xf32> to vector<256x1xf32>
    %concatenate3A_630 = tpu.concatenate %get3A_3, %get3A_624, %get3A_629 in 1 : vector<256x128xf32>, vector<256x128xf32>, vector<256x1xf32> -> vector<256x257xf32>
    %dot_general3A_631 = arith.constant dense<0.000000e+00> : vector<256x514xf32>
    %dot_general3A_632 = tpu.matmul %concatenate3A_630, %get3A_6, %dot_general3A_631 {dimension_numbers = #tpu.dot_dimension_numbers<[1], [0], [0], [1], [0, 0, 1, 1], [], []>, transpose_lhs_hint = false} : vector<256x257xf32>, vector<257x514xf32>, vector<256x514xf32> -> vector<256x514xf32>
    %add3A_633 = vector.broadcast %get3A_9 : vector<1x514xf32> to vector<256x514xf32>
    %add3A_634 = arith.addf %dot_general3A_632, %add3A_633 : vector<256x514xf32>
    %logistic3A_635 = arith.negf %add3A_634 : vector<256x514xf32>
    %logistic3A_636 = math.exp %logistic3A_635 : vector<256x514xf32>
    %logistic3A_637 = arith.constant 1.000000e+00 : f32
    %logistic3A_638 = vector.broadcast %logistic3A_637 : f32 to vector<256x514xf32>
    %logistic3A_639 = arith.addf %logistic3A_638, %logistic3A_636 : vector<256x514xf32>
    %logistic3A_640 = arith.divf %logistic3A_638, %logistic3A_639 : vector<256x514xf32>
    %mul3A_641 = arith.mulf %add3A_634, %logistic3A_640 : vector<256x514xf32>
    %get3A_642 = arith.constant 0 : index
    %get3A_643 = arith.constant 0 : index
    %get3A_644 = vector.load %arg11[%get3A_642, %get3A_643] : memref<514x16xf32, #tpu.memory_space<vmem>>, vector<514x16xf32>
    %dot_general3A_645 = arith.constant dense<0.000000e+00> : vector<256x16xf32>
    %dot_general3A_646 = tpu.matmul %mul3A_641, %get3A_644, %dot_general3A_645 {dimension_numbers = #tpu.dot_dimension_numbers<[1], [0], [0], [1], [0, 0, 1, 1], [], []>, transpose_lhs_hint = false} : vector<256x514xf32>, vector<514x16xf32>, vector<256x16xf32> -> vector<256x16xf32>
    %get3A_647 = arith.constant 0 : index
    %get3A_648 = arith.constant 0 : index
    %get3A_649 = vector.load %arg12[%get3A_647, %get3A_648] : memref<1x16xf32, #tpu.memory_space<vmem>>, vector<1x16xf32>
    %add3A_650 = vector.broadcast %get3A_649 : vector<1x16xf32> to vector<256x16xf32>
    %add3A_651 = arith.addf %dot_general3A_646, %add3A_650 : vector<256x16xf32>
    %logistic3A_652 = arith.negf %add3A_651 : vector<256x16xf32>
    %logistic3A_653 = math.exp %logistic3A_652 : vector<256x16xf32>
    %logistic3A_654 = arith.constant 1.000000e+00 : f32
    %logistic3A_655 = vector.broadcast %logistic3A_654 : f32 to vector<256x16xf32>
    %logistic3A_656 = arith.addf %logistic3A_655, %logistic3A_653 : vector<256x16xf32>
    %logistic3A_657 = arith.divf %logistic3A_655, %logistic3A_656 : vector<256x16xf32>
    %mul3A_658 = arith.mulf %add3A_651, %logistic3A_657 : vector<256x16xf32>
    %add3A_659 = arith.addf %add3A_557, %mul3A_658 : vector<256x16xf32>
    %get3A_660 = arith.constant 0 : index
    %get3A_661 = arith.constant 0 : index
    %get3A_662 = vector.load %arg19[%get3A_660, %get3A_661] : memref<16x64xf32, #tpu.memory_space<vmem>>, vector<16x64xf32>
    %dot_general3A_663 = arith.constant dense<0.000000e+00> : vector<256x64xf32>
    %dot_general3A_664 = tpu.matmul %mul3A_658, %get3A_662, %dot_general3A_663 {dimension_numbers = #tpu.dot_dimension_numbers<[1], [0], [0], [1], [0, 0, 1, 1], [], []>, transpose_lhs_hint = false} : vector<256x16xf32>, vector<16x64xf32>, vector<256x64xf32> -> vector<256x64xf32>
    %get3A_665 = arith.constant 0 : index
    %get3A_666 = arith.constant 0 : index
    %get3A_667 = vector.load %arg20[%get3A_665, %get3A_666] : memref<1x64xf32, #tpu.memory_space<vmem>>, vector<1x64xf32>
    %add3A_668 = vector.broadcast %get3A_667 : vector<1x64xf32> to vector<256x64xf32>
    %add3A_669 = arith.addf %dot_general3A_664, %add3A_668 : vector<256x64xf32>
    %logistic3A_670 = arith.negf %add3A_669 : vector<256x64xf32>
    %logistic3A_671 = math.exp %logistic3A_670 : vector<256x64xf32>
    %logistic3A_672 = arith.constant 1.000000e+00 : f32
    %logistic3A_673 = vector.broadcast %logistic3A_672 : f32 to vector<256x64xf32>
    %logistic3A_674 = arith.addf %logistic3A_673, %logistic3A_671 : vector<256x64xf32>
    %logistic3A_675 = arith.divf %logistic3A_673, %logistic3A_674 : vector<256x64xf32>
    %mul3A_676 = arith.mulf %add3A_669, %logistic3A_675 : vector<256x64xf32>
    %get3A_677 = arith.constant 0 : index
    %get3A_678 = arith.constant 0 : index
    %get3A_679 = vector.load %arg21[%get3A_677, %get3A_678] : memref<64x1xf32, #tpu.memory_space<vmem>>, vector<64x1xf32>
    %dot_general3A_680 = arith.constant dense<0.000000e+00> : vector<256x1xf32>
    %dot_general3A_681 = tpu.matmul %mul3A_676, %get3A_679, %dot_general3A_680 {dimension_numbers = #tpu.dot_dimension_numbers<[1], [0], [0], [1], [0, 0, 1, 1], [], []>, transpose_lhs_hint = false} : vector<256x64xf32>, vector<64x1xf32>, vector<256x1xf32> -> vector<256x1xf32>
    %get3A_682 = arith.constant 0 : index
    %get3A_683 = arith.constant 0 : index
    %get3A_684 = vector.load %arg22[%get3A_682, %get3A_683] : memref<1x1xf32, #tpu.memory_space<vmem>>, vector<1x1xf32>
    %add3A_685 = vector.broadcast %get3A_684 : vector<1x1xf32> to vector<256x1xf32>
    %add3A_686 = arith.addf %dot_general3A_681, %add3A_685 : vector<256x1xf32>
    %jit3A_687 = arith.constant -2.000000e+00 : f32
    %jit3A_688 = arith.constant 2.000000e+00 : f32
    %max3A_689 = vector.broadcast %jit3A_687 : f32 to vector<256x1xf32>
    %max3A_690 = arith.maximumf %max3A_689, %add3A_686 : vector<256x1xf32>
    %min3A_691 = vector.broadcast %jit3A_688 : f32 to vector<256x1xf32>
    %min3A_692 = arith.minimumf %min3A_691, %max3A_690 : vector<256x1xf32>
    %convert_element_type3A_693 = arith.truncf %min3A_692 : vector<256x1xf32> to vector<256x1xbf16>
    %convert_element_type3A_694 = arith.extf %convert_element_type3A_693 : vector<256x1xbf16> to vector<256x1xf32>
    %get3A_695 = arith.constant 0 : index
    %get3A_696 = arith.constant 0 : index
    %get3A_697 = arith.constant 6 : index
    %get3A_698 = vector.load %arg6[%get3A_695, %get3A_696, %get3A_697] : memref<1x256x8xf32, #tpu.memory_space<vmem>>, vector<1x256x1xf32>
    %get3A_699 = vector.shape_cast %get3A_698 : vector<1x256x1xf32> to vector<256x1xf32>
    %convert_element_type3A_700 = arith.truncf %get3A_699 : vector<256x1xf32> to vector<256x1xbf16>
    %convert_element_type3A_701 = arith.extf %convert_element_type3A_700 : vector<256x1xbf16> to vector<256x1xf32>
    %mul3A_702 = arith.mulf %convert_element_type3A_694, %convert_element_type3A_701 : vector<256x1xf32>
    %add3A_703 = arith.addf %add3A_601, %mul3A_702 : vector<256x1xf32>
    %get3A_704 = arith.constant 0 : index
    %get3A_705 = arith.constant 0 : index
    %get3A_706 = arith.constant 6 : index
    %get3A_707 = vector.load %arg7[%get3A_704, %get3A_705, %get3A_706] : memref<1x256x8xf32, #tpu.memory_space<vmem>>, vector<1x256x1xf32>
    %get3A_708 = vector.shape_cast %get3A_707 : vector<1x256x1xf32> to vector<256x1xf32>
    %convert_element_type3A_709 = arith.truncf %get3A_708 : vector<256x1xf32> to vector<256x1xbf16>
    %convert_element_type3A_710 = arith.extf %convert_element_type3A_709 : vector<256x1xbf16> to vector<256x1xf32>
    %mul3A_711 = arith.mulf %convert_element_type3A_694, %convert_element_type3A_710 : vector<256x1xf32>
    %add3A_712 = arith.addf %add3A_610, %mul3A_711 : vector<256x1xf32>
    %get3A_713 = arith.constant 0 : index
    %get3A_714 = arith.constant 0 : index
    %get3A_715 = arith.constant 6 : index
    %get3A_716 = vector.load %arg8[%get3A_713, %get3A_714, %get3A_715] : memref<1x256x8xf32, #tpu.memory_space<vmem>>, vector<1x256x1xf32>
    %get3A_717 = vector.shape_cast %get3A_716 : vector<1x256x1xf32> to vector<256x1xf32>
    %convert_element_type3A_718 = arith.truncf %get3A_717 : vector<256x1xf32> to vector<256x1xbf16>
    %convert_element_type3A_719 = arith.extf %convert_element_type3A_718 : vector<256x1xbf16> to vector<256x1xf32>
    %mul3A_720 = arith.mulf %convert_element_type3A_694, %convert_element_type3A_719 : vector<256x1xf32>
    %add3A_721 = arith.addf %add3A_619, %mul3A_720 : vector<256x1xf32>
    %get3A_722 = arith.constant 0 : index
    %get3A_723 = arith.constant 0 : index
    %get3A_724 = arith.constant 896 : index
    %get3A_725 = vector.load %arg4[%get3A_722, %get3A_723, %get3A_724] : memref<1x256x1024xf32, #tpu.memory_space<vmem>>, vector<1x256x128xf32>
    %get3A_726 = vector.shape_cast %get3A_725 : vector<1x256x128xf32> to vector<256x128xf32>
    %get3A_727 = arith.constant 0 : index
    %get3A_728 = arith.constant 0 : index
    %get3A_729 = arith.constant 7 : index
    %get3A_730 = vector.load %arg5[%get3A_727, %get3A_728, %get3A_729] : memref<1x256x8xf32, #tpu.memory_space<vmem>>, vector<1x256x1xf32>
    %get3A_731 = vector.shape_cast %get3A_730 : vector<1x256x1xf32> to vector<256x1xf32>
    %concatenate3A_732 = tpu.concatenate %get3A_3, %get3A_726, %get3A_731 in 1 : vector<256x128xf32>, vector<256x128xf32>, vector<256x1xf32> -> vector<256x257xf32>
    %dot_general3A_733 = arith.constant dense<0.000000e+00> : vector<256x514xf32>
    %dot_general3A_734 = tpu.matmul %concatenate3A_732, %get3A_6, %dot_general3A_733 {dimension_numbers = #tpu.dot_dimension_numbers<[1], [0], [0], [1], [0, 0, 1, 1], [], []>, transpose_lhs_hint = false} : vector<256x257xf32>, vector<257x514xf32>, vector<256x514xf32> -> vector<256x514xf32>
    %add3A_735 = vector.broadcast %get3A_9 : vector<1x514xf32> to vector<256x514xf32>
    %add3A_736 = arith.addf %dot_general3A_734, %add3A_735 : vector<256x514xf32>
    %logistic3A_737 = arith.negf %add3A_736 : vector<256x514xf32>
    %logistic3A_738 = math.exp %logistic3A_737 : vector<256x514xf32>
    %logistic3A_739 = arith.constant 1.000000e+00 : f32
    %logistic3A_740 = vector.broadcast %logistic3A_739 : f32 to vector<256x514xf32>
    %logistic3A_741 = arith.addf %logistic3A_740, %logistic3A_738 : vector<256x514xf32>
    %logistic3A_742 = arith.divf %logistic3A_740, %logistic3A_741 : vector<256x514xf32>
    %mul3A_743 = arith.mulf %add3A_736, %logistic3A_742 : vector<256x514xf32>
    %get3A_744 = arith.constant 0 : index
    %get3A_745 = arith.constant 0 : index
    %get3A_746 = vector.load %arg11[%get3A_744, %get3A_745] : memref<514x16xf32, #tpu.memory_space<vmem>>, vector<514x16xf32>
    %dot_general3A_747 = arith.constant dense<0.000000e+00> : vector<256x16xf32>
    %dot_general3A_748 = tpu.matmul %mul3A_743, %get3A_746, %dot_general3A_747 {dimension_numbers = #tpu.dot_dimension_numbers<[1], [0], [0], [1], [0, 0, 1, 1], [], []>, transpose_lhs_hint = false} : vector<256x514xf32>, vector<514x16xf32>, vector<256x16xf32> -> vector<256x16xf32>
    %get3A_749 = arith.constant 0 : index
    %get3A_750 = arith.constant 0 : index
    %get3A_751 = vector.load %arg12[%get3A_749, %get3A_750] : memref<1x16xf32, #tpu.memory_space<vmem>>, vector<1x16xf32>
    %add3A_752 = vector.broadcast %get3A_751 : vector<1x16xf32> to vector<256x16xf32>
    %add3A_753 = arith.addf %dot_general3A_748, %add3A_752 : vector<256x16xf32>
    %logistic3A_754 = arith.negf %add3A_753 : vector<256x16xf32>
    %logistic3A_755 = math.exp %logistic3A_754 : vector<256x16xf32>
    %logistic3A_756 = arith.constant 1.000000e+00 : f32
    %logistic3A_757 = vector.broadcast %logistic3A_756 : f32 to vector<256x16xf32>
    %logistic3A_758 = arith.addf %logistic3A_757, %logistic3A_755 : vector<256x16xf32>
    %logistic3A_759 = arith.divf %logistic3A_757, %logistic3A_758 : vector<256x16xf32>
    %mul3A_760 = arith.mulf %add3A_753, %logistic3A_759 : vector<256x16xf32>
    %add3A_761 = arith.addf %add3A_659, %mul3A_760 : vector<256x16xf32>
    %get3A_762 = arith.constant 0 : index
    %get3A_763 = arith.constant 0 : index
    %get3A_764 = vector.load %arg19[%get3A_762, %get3A_763] : memref<16x64xf32, #tpu.memory_space<vmem>>, vector<16x64xf32>
    %dot_general3A_765 = arith.constant dense<0.000000e+00> : vector<256x64xf32>
    %dot_general3A_766 = tpu.matmul %mul3A_760, %get3A_764, %dot_general3A_765 {dimension_numbers = #tpu.dot_dimension_numbers<[1], [0], [0], [1], [0, 0, 1, 1], [], []>, transpose_lhs_hint = false} : vector<256x16xf32>, vector<16x64xf32>, vector<256x64xf32> -> vector<256x64xf32>
    %get3A_767 = arith.constant 0 : index
    %get3A_768 = arith.constant 0 : index
    %get3A_769 = vector.load %arg20[%get3A_767, %get3A_768] : memref<1x64xf32, #tpu.memory_space<vmem>>, vector<1x64xf32>
    %add3A_770 = vector.broadcast %get3A_769 : vector<1x64xf32> to vector<256x64xf32>
    %add3A_771 = arith.addf %dot_general3A_766, %add3A_770 : vector<256x64xf32>
    %logistic3A_772 = arith.negf %add3A_771 : vector<256x64xf32>
    %logistic3A_773 = math.exp %logistic3A_772 : vector<256x64xf32>
    %logistic3A_774 = arith.constant 1.000000e+00 : f32
    %logistic3A_775 = vector.broadcast %logistic3A_774 : f32 to vector<256x64xf32>
    %logistic3A_776 = arith.addf %logistic3A_775, %logistic3A_773 : vector<256x64xf32>
    %logistic3A_777 = arith.divf %logistic3A_775, %logistic3A_776 : vector<256x64xf32>
    %mul3A_778 = arith.mulf %add3A_771, %logistic3A_777 : vector<256x64xf32>
    %get3A_779 = arith.constant 0 : index
    %get3A_780 = arith.constant 0 : index
    %get3A_781 = vector.load %arg21[%get3A_779, %get3A_780] : memref<64x1xf32, #tpu.memory_space<vmem>>, vector<64x1xf32>
    %dot_general3A_782 = arith.constant dense<0.000000e+00> : vector<256x1xf32>
    %dot_general3A_783 = tpu.matmul %mul3A_778, %get3A_781, %dot_general3A_782 {dimension_numbers = #tpu.dot_dimension_numbers<[1], [0], [0], [1], [0, 0, 1, 1], [], []>, transpose_lhs_hint = false} : vector<256x64xf32>, vector<64x1xf32>, vector<256x1xf32> -> vector<256x1xf32>
    %get3A_784 = arith.constant 0 : index
    %get3A_785 = arith.constant 0 : index
    %get3A_786 = vector.load %arg22[%get3A_784, %get3A_785] : memref<1x1xf32, #tpu.memory_space<vmem>>, vector<1x1xf32>
    %add3A_787 = vector.broadcast %get3A_786 : vector<1x1xf32> to vector<256x1xf32>
    %add3A_788 = arith.addf %dot_general3A_783, %add3A_787 : vector<256x1xf32>
    %jit3A_789 = arith.constant -2.000000e+00 : f32
    %jit3A_790 = arith.constant 2.000000e+00 : f32
    %max3A_791 = vector.broadcast %jit3A_789 : f32 to vector<256x1xf32>
    %max3A_792 = arith.maximumf %max3A_791, %add3A_788 : vector<256x1xf32>
    %min3A_793 = vector.broadcast %jit3A_790 : f32 to vector<256x1xf32>
    %min3A_794 = arith.minimumf %min3A_793, %max3A_792 : vector<256x1xf32>
    %convert_element_type3A_795 = arith.truncf %min3A_794 : vector<256x1xf32> to vector<256x1xbf16>
    %convert_element_type3A_796 = arith.extf %convert_element_type3A_795 : vector<256x1xbf16> to vector<256x1xf32>
    %get3A_797 = arith.constant 0 : index
    %get3A_798 = arith.constant 0 : index
    %get3A_799 = arith.constant 7 : index
    %get3A_800 = vector.load %arg6[%get3A_797, %get3A_798, %get3A_799] : memref<1x256x8xf32, #tpu.memory_space<vmem>>, vector<1x256x1xf32>
    %get3A_801 = vector.shape_cast %get3A_800 : vector<1x256x1xf32> to vector<256x1xf32>
    %convert_element_type3A_802 = arith.truncf %get3A_801 : vector<256x1xf32> to vector<256x1xbf16>
    %convert_element_type3A_803 = arith.extf %convert_element_type3A_802 : vector<256x1xbf16> to vector<256x1xf32>
    %mul3A_804 = arith.mulf %convert_element_type3A_796, %convert_element_type3A_803 : vector<256x1xf32>
    %add3A_805 = arith.addf %add3A_703, %mul3A_804 : vector<256x1xf32>
    %get3A_806 = arith.constant 0 : index
    %get3A_807 = arith.constant 0 : index
    %get3A_808 = arith.constant 7 : index
    %get3A_809 = vector.load %arg7[%get3A_806, %get3A_807, %get3A_808] : memref<1x256x8xf32, #tpu.memory_space<vmem>>, vector<1x256x1xf32>
    %get3A_810 = vector.shape_cast %get3A_809 : vector<1x256x1xf32> to vector<256x1xf32>
    %convert_element_type3A_811 = arith.truncf %get3A_810 : vector<256x1xf32> to vector<256x1xbf16>
    %convert_element_type3A_812 = arith.extf %convert_element_type3A_811 : vector<256x1xbf16> to vector<256x1xf32>
    %mul3A_813 = arith.mulf %convert_element_type3A_796, %convert_element_type3A_812 : vector<256x1xf32>
    %add3A_814 = arith.addf %add3A_712, %mul3A_813 : vector<256x1xf32>
    %get3A_815 = arith.constant 0 : index
    %get3A_816 = arith.constant 0 : index
    %get3A_817 = arith.constant 7 : index
    %get3A_818 = vector.load %arg8[%get3A_815, %get3A_816, %get3A_817] : memref<1x256x8xf32, #tpu.memory_space<vmem>>, vector<1x256x1xf32>
    %get3A_819 = vector.shape_cast %get3A_818 : vector<1x256x1xf32> to vector<256x1xf32>
    %convert_element_type3A_820 = arith.truncf %get3A_819 : vector<256x1xf32> to vector<256x1xbf16>
    %convert_element_type3A_821 = arith.extf %convert_element_type3A_820 : vector<256x1xbf16> to vector<256x1xf32>
    %mul3A_822 = arith.mulf %convert_element_type3A_796, %convert_element_type3A_821 : vector<256x1xf32>
    %add3A_823 = arith.addf %add3A_721, %mul3A_822 : vector<256x1xf32>
    %reduce_sum3A = arith.constant dense<0.000000e+00> : vector<256xf32>
    %reduce_sum3A_824 = vector.multi_reduction <add>, %get3A_3, %reduce_sum3A [1] : vector<256x128xf32> to vector<256xf32>
    %broadcast_in_dim3A_825 = vector.shape_cast %reduce_sum3A_824 : vector<256xf32> to vector<256x1xf32>
    %div3A = arith.constant 1.280000e+02 : f32
    %div3A_826 = vector.broadcast %div3A : f32 to vector<256x1xf32>
    %div3A_827 = arith.divf %broadcast_in_dim3A_825, %div3A_826 : vector<256x1xf32>
    %sub3A = vector.broadcast %div3A_827 : vector<256x1xf32> to vector<256x128xf32>
    %sub3A_828 = arith.subf %get3A_3, %sub3A : vector<256x128xf32>
    %integer_pow3A = arith.mulf %sub3A_828, %sub3A_828 : vector<256x128xf32>
    %reduce_sum3A_829 = arith.constant dense<0.000000e+00> : vector<256xf32>
    %reduce_sum3A_830 = vector.multi_reduction <add>, %integer_pow3A, %reduce_sum3A_829 [1] : vector<256x128xf32> to vector<256xf32>
    %broadcast_in_dim3A_831 = vector.shape_cast %reduce_sum3A_830 : vector<256xf32> to vector<256x1xf32>
    %div3A_832 = arith.constant 1.280000e+02 : f32
    %div3A_833 = vector.broadcast %div3A_832 : f32 to vector<256x1xf32>
    %div3A_834 = arith.divf %broadcast_in_dim3A_831, %div3A_833 : vector<256x1xf32>
    %sub3A_835 = vector.broadcast %div3A_827 : vector<256x1xf32> to vector<256x128xf32>
    %sub3A_836 = arith.subf %get3A_3, %sub3A_835 : vector<256x128xf32>
    %add3A_837 = arith.constant 9.99999974E-6 : f32
    %add3A_838 = vector.broadcast %add3A_837 : f32 to vector<256x1xf32>
    %add3A_839 = arith.addf %div3A_834, %add3A_838 : vector<256x1xf32>
    %sqrt3A = math.sqrt %add3A_839 : vector<256x1xf32>
    %div3A_840 = vector.broadcast %sqrt3A : vector<256x1xf32> to vector<256x128xf32>
    %div3A_841 = arith.divf %sub3A_836, %div3A_840 : vector<256x128xf32>
    %get3A_842 = arith.constant 0 : index
    %get3A_843 = arith.constant 0 : index
    %get3A_844 = vector.load %arg13[%get3A_842, %get3A_843] : memref<1x128xf32, #tpu.memory_space<vmem>>, vector<1x128xf32>
    %mul3A_845 = vector.broadcast %get3A_844 : vector<1x128xf32> to vector<256x128xf32>
    %mul3A_846 = arith.mulf %div3A_841, %mul3A_845 : vector<256x128xf32>
    %get3A_847 = arith.constant 0 : index
    %get3A_848 = arith.constant 0 : index
    %get3A_849 = vector.load %arg14[%get3A_847, %get3A_848] : memref<1x128xf32, #tpu.memory_space<vmem>>, vector<1x128xf32>
    %add3A_850 = vector.broadcast %get3A_849 : vector<1x128xf32> to vector<256x128xf32>
    %add3A_851 = arith.addf %mul3A_846, %add3A_850 : vector<256x128xf32>
    %concatenate3A_852 = tpu.concatenate %add3A_851, %add3A_761 in 1 : vector<256x128xf32>, vector<256x16xf32> -> vector<256x144xf32>
    %get3A_853 = arith.constant 0 : index
    %get3A_854 = arith.constant 0 : index
    %get3A_855 = vector.load %arg15[%get3A_853, %get3A_854] : memref<144x256xf32, #tpu.memory_space<vmem>>, vector<144x256xf32>
    %dot_general3A_856 = arith.constant dense<0.000000e+00> : vector<256x256xf32>
    %dot_general3A_857 = tpu.matmul %concatenate3A_852, %get3A_855, %dot_general3A_856 {dimension_numbers = #tpu.dot_dimension_numbers<[1], [0], [0], [1], [0, 0, 1, 1], [], []>, transpose_lhs_hint = false} : vector<256x144xf32>, vector<144x256xf32>, vector<256x256xf32> -> vector<256x256xf32>
    %get3A_858 = arith.constant 0 : index
    %get3A_859 = arith.constant 0 : index
    %get3A_860 = vector.load %arg16[%get3A_858, %get3A_859] : memref<1x256xf32, #tpu.memory_space<vmem>>, vector<1x256xf32>
    %add3A_861 = vector.broadcast %get3A_860 : vector<1x256xf32> to vector<256x256xf32>
    %add3A_862 = arith.addf %dot_general3A_857, %add3A_861 : vector<256x256xf32>
    %logistic3A_863 = arith.negf %add3A_862 : vector<256x256xf32>
    %logistic3A_864 = math.exp %logistic3A_863 : vector<256x256xf32>
    %logistic3A_865 = arith.constant 1.000000e+00 : f32
    %logistic3A_866 = vector.broadcast %logistic3A_865 : f32 to vector<256x256xf32>
    %logistic3A_867 = arith.addf %logistic3A_866, %logistic3A_864 : vector<256x256xf32>
    %logistic3A_868 = arith.divf %logistic3A_866, %logistic3A_867 : vector<256x256xf32>
    %mul3A_869 = arith.mulf %add3A_862, %logistic3A_868 : vector<256x256xf32>
    %get3A_870 = arith.constant 0 : index
    %get3A_871 = arith.constant 0 : index
    %get3A_872 = vector.load %arg17[%get3A_870, %get3A_871] : memref<256x128xf32, #tpu.memory_space<vmem>>, vector<256x128xf32>
    %dot_general3A_873 = arith.constant dense<0.000000e+00> : vector<256x128xf32>
    %dot_general3A_874 = tpu.matmul %mul3A_869, %get3A_872, %dot_general3A_873 {dimension_numbers = #tpu.dot_dimension_numbers<[1], [0], [0], [1], [0, 0, 1, 1], [], []>, transpose_lhs_hint = false} : vector<256x256xf32>, vector<256x128xf32>, vector<256x128xf32> -> vector<256x128xf32>
    %get3A_875 = arith.constant 0 : index
    %get3A_876 = arith.constant 0 : index
    %get3A_877 = vector.load %arg18[%get3A_875, %get3A_876] : memref<1x128xf32, #tpu.memory_space<vmem>>, vector<1x128xf32>
    %add3A_878 = vector.broadcast %get3A_877 : vector<1x128xf32> to vector<256x128xf32>
    %add3A_879 = arith.addf %dot_general3A_874, %add3A_878 : vector<256x128xf32>
    %add3A_880 = arith.addf %add3A_879, %get3A_3 : vector<256x128xf32>
    %swap3A = arith.constant 0 : index
    %swap3A_881 = arith.constant 0 : index
    %swap3A_882 = arith.constant 0 : index
    %swap3A_883 = vector.load %arg23[%swap3A, %swap3A_881, %swap3A_882] : memref<1x256x128xf32, #tpu.memory_space<vmem>>, vector<1x256x128xf32>
    %swap3A_884 = vector.shape_cast %swap3A_883 : vector<1x256x128xf32> to vector<256x128xf32>
    %swap3A_885 = vector.shape_cast %add3A_880 : vector<256x128xf32> to vector<1x256x128xf32>
    tpu.vector_store %arg23[%swap3A, %swap3A_881, %swap3A_882], %swap3A_885 {strides = array<i32>} : memref<1x256x128xf32, #tpu.memory_space<vmem>>, vector<1x256x128xf32>,
    %get3A_886 = arith.constant 0 : index
    %get3A_887 = arith.constant 0 : index
    %get3A_888 = arith.constant 0 : index
    %get3A_889 = vector.load %arg3[%get3A_886, %get3A_887, %get3A_888] : memref<1x256x3xf32, #tpu.memory_space<vmem>>, vector<1x256x3xf32>
    %get3A_890 = vector.shape_cast %get3A_889 : vector<1x256x3xf32> to vector<256x3xf32>
    %slice3A = vector.extract_strided_slice %get3A_890 {offsets = [0, 0], sizes = [256, 1], strides = [1, 1]} : vector<256x3xf32> to vector<256x1xf32>
    %add3A_891 = arith.addf %slice3A, %add3A_805 : vector<256x1xf32>
    %slice3A_892 = vector.extract_strided_slice %get3A_890 {offsets = [0, 1], sizes = [256, 1], strides = [1, 1]} : vector<256x3xf32> to vector<256x1xf32>
    %add3A_893 = arith.addf %slice3A_892, %add3A_814 : vector<256x1xf32>
    %slice3A_894 = vector.extract_strided_slice %get3A_890 {offsets = [0, 2], sizes = [256, 1], strides = [1, 1]} : vector<256x3xf32> to vector<256x1xf32>
    %add3A_895 = arith.addf %slice3A_894, %add3A_823 : vector<256x1xf32>
    %concatenate3A_896 = tpu.concatenate %add3A_891, %add3A_893, %add3A_895 in 1 : vector<256x1xf32>, vector<256x1xf32>, vector<256x1xf32> -> vector<256x3xf32>
    %swap3A_897 = arith.constant 0 : index
    %swap3A_898 = arith.constant 0 : index
    %swap3A_899 = arith.constant 0 : index
    %swap3A_900 = vector.load %arg24[%swap3A_897, %swap3A_898, %swap3A_899] : memref<1x256x3xf32, #tpu.memory_space<vmem>>, vector<1x256x3xf32>
    %swap3A_901 = vector.shape_cast %swap3A_900 : vector<1x256x3xf32> to vector<256x3xf32>
    %swap3A_902 = vector.shape_cast %concatenate3A_896 : vector<256x3xf32> to vector<1x256x3xf32>
    tpu.vector_store %arg24[%swap3A_897, %swap3A_898, %swap3A_899], %swap3A_902 {strides = array<i32>} : memref<1x256x3xf32, #tpu.memory_space<vmem>>, vector<1x256x3xf32>,
    return
  }
  func.func @transform_0(%arg0: i32, %arg1: i32) -> (i32, i32, i32) {
    %c0_i32 = arith.constant 0 : i32
    %c0_i32_0 = arith.constant 0 : i32
    return %arg0, %arg1, %c0_i32 : i32, i32, i32
  }
  func.func @transform_1(%arg0: i32, %arg1: i32) -> (i32, i32, i32) {
    %c0_i32 = arith.constant 0 : i32
    %c0_i32_0 = arith.constant 0 : i32
    return %arg0, %arg1, %c0_i32 : i32, i32, i32
  }
  func.func @transform_2(%arg0: i32, %arg1: i32) -> (i32, i32, i32) {
    %c0_i32 = arith.constant 0 : i32
    %c0_i32_0 = arith.constant 0 : i32
    return %arg0, %arg1, %c0_i32 : i32, i32, i32
  }
  func.func @transform_3(%arg0: i32, %arg1: i32) -> (i32, i32, i32) {
    %c0_i32 = arith.constant 0 : i32
    %c0_i32_0 = arith.constant 0 : i32
    return %arg0, %arg1, %c0_i32 : i32, i32, i32
  }
  func.func @transform_4(%arg0: i32, %arg1: i32) -> (i32, i32, i32) {
    %c0_i32 = arith.constant 0 : i32
    %c0_i32_0 = arith.constant 0 : i32
    return %arg0, %arg1, %c0_i32 : i32, i32, i32
  }
  func.func @transform_5(%arg0: i32, %arg1: i32) -> (i32, i32, i32) {
    %c0_i32 = arith.constant 0 : i32
    %c0_i32_0 = arith.constant 0 : i32
    return %arg0, %arg1, %c0_i32 : i32, i32, i32
  }
  func.func @transform_6(%arg0: i32, %arg1: i32) -> (i32, i32, i32) {
    %c0_i32 = arith.constant 0 : i32
    %c0_i32_0 = arith.constant 0 : i32
    return %arg0, %arg1, %c0_i32 : i32, i32, i32
  }
  func.func @transform_7(%arg0: i32, %arg1: i32) -> (i32, i32) {
    %c0_i32 = arith.constant 0 : i32
    %c0_i32_0 = arith.constant 0 : i32
    %c0_i32_1 = arith.constant 0 : i32
    return %c0_i32, %c0_i32_0 : i32, i32
  }
  func.func @transform_8(%arg0: i32, %arg1: i32) -> (i32, i32) {
    %c0_i32 = arith.constant 0 : i32
    %c0_i32_0 = arith.constant 0 : i32
    %c0_i32_1 = arith.constant 0 : i32
    return %c0_i32, %c0_i32_0 : i32, i32
  }
  func.func @transform_9(%arg0: i32, %arg1: i32) -> (i32, i32) {
    %c0_i32 = arith.constant 0 : i32
    %c0_i32_0 = arith.constant 0 : i32
    %c0_i32_1 = arith.constant 0 : i32
    return %c0_i32, %c0_i32_0 : i32, i32
  }
  func.func @transform_10(%arg0: i32, %arg1: i32) -> (i32, i32) {
    %c0_i32 = arith.constant 0 : i32
    %c0_i32_0 = arith.constant 0 : i32
    %c0_i32_1 = arith.constant 0 : i32
    return %c0_i32, %c0_i32_0 : i32, i32
  }
  func.func @transform_11(%arg0: i32, %arg1: i32) -> (i32, i32) {
    %c0_i32 = arith.constant 0 : i32
    %c0_i32_0 = arith.constant 0 : i32
    %c0_i32_1 = arith.constant 0 : i32
    return %c0_i32, %c0_i32_0 : i32, i32
  }
  func.func @transform_12(%arg0: i32, %arg1: i32) -> (i32, i32) {
    %c0_i32 = arith.constant 0 : i32
    %c0_i32_0 = arith.constant 0 : i32
    %c0_i32_1 = arith.constant 0 : i32
    return %c0_i32, %c0_i32_0 : i32, i32
  }
  func.func @transform_13(%arg0: i32, %arg1: i32) -> (i32, i32) {
    %c0_i32 = arith.constant 0 : i32
    %c0_i32_0 = arith.constant 0 : i32
    %c0_i32_1 = arith.constant 0 : i32
    return %c0_i32, %c0_i32_0 : i32, i32
  }
  func.func @transform_14(%arg0: i32, %arg1: i32) -> (i32, i32) {
    %c0_i32 = arith.constant 0 : i32
    %c0_i32_0 = arith.constant 0 : i32
    %c0_i32_1 = arith.constant 0 : i32
    return %c0_i32, %c0_i32_0 : i32, i32
  }
  func.func @transform_15(%arg0: i32, %arg1: i32) -> (i32, i32) {
    %c0_i32 = arith.constant 0 : i32
    %c0_i32_0 = arith.constant 0 : i32
    %c0_i32_1 = arith.constant 0 : i32
    return %c0_i32, %c0_i32_0 : i32, i32
  }
  func.func @transform_16(%arg0: i32, %arg1: i32) -> (i32, i32) {
    %c0_i32 = arith.constant 0 : i32
    %c0_i32_0 = arith.constant 0 : i32
    %c0_i32_1 = arith.constant 0 : i32
    return %c0_i32, %c0_i32_0 : i32, i32
  }
  func.func @transform_17(%arg0: i32, %arg1: i32) -> (i32, i32) {
    %c0_i32 = arith.constant 0 : i32
    %c0_i32_0 = arith.constant 0 : i32
    %c0_i32_1 = arith.constant 0 : i32
    return %c0_i32, %c0_i32_0 : i32, i32
  }
  func.func @transform_18(%arg0: i32, %arg1: i32) -> (i32, i32) {
    %c0_i32 = arith.constant 0 : i32
    %c0_i32_0 = arith.constant 0 : i32
    %c0_i32_1 = arith.constant 0 : i32
    return %c0_i32, %c0_i32_0 : i32, i32
  }
  func.func @transform_19(%arg0: i32, %arg1: i32) -> (i32, i32) {
    %c0_i32 = arith.constant 0 : i32
    %c0_i32_0 = arith.constant 0 : i32
    %c0_i32_1 = arith.constant 0 : i32
    return %c0_i32, %c0_i32_0 : i32, i32
  }
  func.func @transform_20(%arg0: i32, %arg1: i32) -> (i32, i32) {
    %c0_i32 = arith.constant 0 : i32
    %c0_i32_0 = arith.constant 0 : i32
    %c0_i32_1 = arith.constant 0 : i32
    return %c0_i32, %c0_i32_0 : i32, i32
  }
  func.func @transform_21(%arg0: i32, %arg1: i32) -> (i32, i32, i32) {
    %c0_i32 = arith.constant 0 : i32
    %c0_i32_0 = arith.constant 0 : i32
    return %arg0, %arg1, %c0_i32 : i32, i32, i32
  }
  func.func @transform_22(%arg0: i32, %arg1: i32) -> (i32, i32, i32) {
    %c0_i32 = arith.constant 0 : i32
    %c0_i32_0 = arith.constant 0 : i32
    return %arg0, %arg1, %c0_i32 : i32, i32, i32
  }
}

module attributes {stable_mosaic.version = 14 : i64} {
  func.func @_mlp_body(%arg0: i32, %arg1: i32, %arg2: memref<1x256x128xf32, #tpu.memory_space<vmem>>, %arg3: memref<1x256x3xf32, #tpu.memory_space<vmem>>, %arg4: memref<1x256x1024xf32, #tpu.memory_space<vmem>>, %arg5: memref<1x256x8xf32, #tpu.memory_space<vmem>>, %arg6: memref<1x256x8xf32, #tpu.memory_space<vmem>>, %arg7: memref<1x256x8xf32, #tpu.memory_space<vmem>>, %arg8: memref<1x256x8xf32, #tpu.memory_space<vmem>>, %arg9: memref<257x514xf32, #tpu.memory_space<vmem>>, %arg10: memref<1x514xf32, #tpu.memory_space<vmem>>, %arg11: memref<514x16xf32, #tpu.memory_space<vmem>>, %arg12: memref<1x16xf32, #tpu.memory_space<vmem>>, %arg13: memref<1x128xf32, #tpu.memory_space<vmem>>, %arg14: memref<1x128xf32, #tpu.memory_space<vmem>>, %arg15: memref<144x256xf32, #tpu.memory_space<vmem>>, %arg16: memref<1x256xf32, #tpu.memory_space<vmem>>, %arg17: memref<256x128xf32, #tpu.memory_space<vmem>>, %arg18: memref<1x128xf32, #tpu.memory_space<vmem>>, %arg19: memref<16x64xf32, #tpu.memory_space<vmem>>, %arg20: memref<1x64xf32, #tpu.memory_space<vmem>>, %arg21: memref<64x1xf32, #tpu.memory_space<vmem>>, %arg22: memref<1x1xf32, #tpu.memory_space<vmem>>, %arg23: memref<1x256x128xf32, #tpu.memory_space<vmem>>, %arg24: memref<1x256x3xf32, #tpu.memory_space<vmem>>) attributes {dimension_semantics = [#tpu.dimension_semantics<arbitrary>, #tpu.dimension_semantics<arbitrary>], iteration_bounds = array<i64: 4, 4>, scalar_prefetch = 0 : i64, scratch_operands = 0 : i64, tpu.core_type = #tpu.core_type<tc>, window_params = [{transform_indices = @transform_0, window_bounds = array<i64: 1, 256, 128>}, {transform_indices = @transform_1, window_bounds = array<i64: 1, 256, 3>}, {transform_indices = @transform_2, window_bounds = array<i64: 1, 256, 1024>}, {transform_indices = @transform_3, window_bounds = array<i64: 1, 256, 8>}, {transform_indices = @transform_4, window_bounds = array<i64: 1, 256, 8>}, {transform_indices = @transform_5, window_bounds = array<i64: 1, 256, 8>}, {transform_indices = @transform_6, window_bounds = array<i64: 1, 256, 8>}, {pipeline_mode = #tpu.pipeline_mode<synchronous>, transform_indices = @transform_7, window_bounds = array<i64: 257, 514>}, {pipeline_mode = #tpu.pipeline_mode<synchronous>, transform_indices = @transform_8, window_bounds = array<i64: 1, 514>}, {pipeline_mode = #tpu.pipeline_mode<synchronous>, transform_indices = @transform_9, window_bounds = array<i64: 514, 16>}, {pipeline_mode = #tpu.pipeline_mode<synchronous>, transform_indices = @transform_10, window_bounds = array<i64: 1, 16>}, {pipeline_mode = #tpu.pipeline_mode<synchronous>, transform_indices = @transform_11, window_bounds = array<i64: 1, 128>}, {pipeline_mode = #tpu.pipeline_mode<synchronous>, transform_indices = @transform_12, window_bounds = array<i64: 1, 128>}, {pipeline_mode = #tpu.pipeline_mode<synchronous>, transform_indices = @transform_13, window_bounds = array<i64: 144, 256>}, {pipeline_mode = #tpu.pipeline_mode<synchronous>, transform_indices = @transform_14, window_bounds = array<i64: 1, 256>}, {pipeline_mode = #tpu.pipeline_mode<synchronous>, transform_indices = @transform_15, window_bounds = array<i64: 256, 128>}, {pipeline_mode = #tpu.pipeline_mode<synchronous>, transform_indices = @transform_16, window_bounds = array<i64: 1, 128>}, {pipeline_mode = #tpu.pipeline_mode<synchronous>, transform_indices = @transform_17, window_bounds = array<i64: 16, 64>}, {pipeline_mode = #tpu.pipeline_mode<synchronous>, transform_indices = @transform_18, window_bounds = array<i64: 1, 64>}, {pipeline_mode = #tpu.pipeline_mode<synchronous>, transform_indices = @transform_19, window_bounds = array<i64: 64, 1>}, {pipeline_mode = #tpu.pipeline_mode<synchronous>, transform_indices = @transform_20, window_bounds = array<i64: 1, 1>}, {transform_indices = @transform_21, window_bounds = array<i64: 1, 256, 128>}, {transform_indices = @transform_22, window_bounds = array<i64: 1, 256, 3>}]} {
    %get3A = arith.constant 0 : index
    %get3A_0 = arith.constant 0 : index
    %get3A_1 = arith.constant 0 : index
    %get3A_2 = vector.load %arg2[%get3A, %get3A_0, %get3A_1] : memref<1x256x128xf32, #tpu.memory_space<vmem>>, vector<1x256x128xf32>
    %get3A_3 = vector.shape_cast %get3A_2 : vector<1x256x128xf32> to vector<256x128xf32>
    %get3A_4 = arith.constant 0 : index
    %get3A_5 = arith.constant 0 : index
    %get3A_6 = vector.load %arg9[%get3A_4, %get3A_5] : memref<257x514xf32, #tpu.memory_space<vmem>>, vector<257x514xf32>
    %get3A_7 = arith.constant 0 : index
    %get3A_8 = arith.constant 0 : index
    %get3A_9 = vector.load %arg10[%get3A_7, %get3A_8] : memref<1x514xf32, #tpu.memory_space<vmem>>, vector<1x514xf32>
    %broadcast_in_dim3A = arith.constant 0.000000e+00 : f32
    %broadcast_in_dim3A_10 = vector.broadcast %broadcast_in_dim3A : f32 to vector<256x16xf32>
    %broadcast_in_dim3A_11 = arith.constant 0.000000e+00 : f32
    %broadcast_in_dim3A_12 = vector.broadcast %broadcast_in_dim3A_11 : f32 to vector<256x1xf32>
    %broadcast_in_dim3A_13 = arith.constant 0.000000e+00 : f32
    %broadcast_in_dim3A_14 = vector.broadcast %broadcast_in_dim3A_13 : f32 to vector<256x1xf32>
    %broadcast_in_dim3A_15 = arith.constant 0.000000e+00 : f32
    %broadcast_in_dim3A_16 = vector.broadcast %broadcast_in_dim3A_15 : f32 to vector<256x1xf32>
    %get3A_17 = arith.constant 0 : index
    %get3A_18 = arith.constant 0 : index
    %get3A_19 = arith.constant 0 : index
    %get3A_20 = vector.load %arg4[%get3A_17, %get3A_18, %get3A_19] : memref<1x256x1024xf32, #tpu.memory_space<vmem>>, vector<1x256x128xf32>
    %get3A_21 = vector.shape_cast %get3A_20 : vector<1x256x128xf32> to vector<256x128xf32>
    %get3A_22 = arith.constant 0 : index
    %get3A_23 = arith.constant 0 : index
    %get3A_24 = arith.constant 0 : index
    %get3A_25 = vector.load %arg5[%get3A_22, %get3A_23, %get3A_24] : memref<1x256x8xf32, #tpu.memory_space<vmem>>, vector<1x256x1xf32>
    %get3A_26 = vector.shape_cast %get3A_25 : vector<1x256x1xf32> to vector<256x1xf32>
    %concatenate3A = tpu.concatenate %get3A_3, %get3A_21, %get3A_26 in 1 : vector<256x128xf32>, vector<256x128xf32>, vector<256x1xf32> -> vector<256x257xf32>
    %dot_general3A = arith.constant dense<0.000000e+00> : vector<256x514xf32>
    %dot_general3A_27 = tpu.matmul %concatenate3A, %get3A_6, %dot_general3A {dimension_numbers = #tpu.dot_dimension_numbers<[1], [0], [0], [1], [0, 0, 1, 1], [], []>, transpose_lhs_hint = false} : vector<256x257xf32>, vector<257x514xf32>, vector<256x514xf32> -> vector<256x514xf32>
    %add3A = vector.broadcast %get3A_9 : vector<1x514xf32> to vector<256x514xf32>
    %add3A_28 = arith.addf %dot_general3A_27, %add3A : vector<256x514xf32>
    %logistic3A = arith.negf %add3A_28 : vector<256x514xf32>
    %logistic3A_29 = math.exp %logistic3A : vector<256x514xf32>
    %logistic3A_30 = arith.constant 1.000000e+00 : f32
    %logistic3A_31 = vector.broadcast %logistic3A_30 : f32 to vector<256x514xf32>
    %logistic3A_32 = arith.addf %logistic3A_31, %logistic3A_29 : vector<256x514xf32>
    %logistic3A_33 = arith.divf %logistic3A_31, %logistic3A_32 : vector<256x514xf32>
    %mul3A = arith.mulf %add3A_28, %logistic3A_33 : vector<256x514xf32>
    %get3A_34 = arith.constant 0 : index
    %get3A_35 = arith.constant 0 : index
    %get3A_36 = vector.load %arg11[%get3A_34, %get3A_35] : memref<514x16xf32, #tpu.memory_space<vmem>>, vector<514x16xf32>
    %dot_general3A_37 = arith.constant dense<0.000000e+00> : vector<256x16xf32>
    %dot_general3A_38 = tpu.matmul %mul3A, %get3A_36, %dot_general3A_37 {dimension_numbers = #tpu.dot_dimension_numbers<[1], [0], [0], [1], [0, 0, 1, 1], [], []>, transpose_lhs_hint = false} : vector<256x514xf32>, vector<514x16xf32>, vector<256x16xf32> -> vector<256x16xf32>
    %get3A_39 = arith.constant 0 : index
    %get3A_40 = arith.constant 0 : index
    %get3A_41 = vector.load %arg12[%get3A_39, %get3A_40] : memref<1x16xf32, #tpu.memory_space<vmem>>, vector<1x16xf32>
    %add3A_42 = vector.broadcast %get3A_41 : vector<1x16xf32> to vector<256x16xf32>
    %add3A_43 = arith.addf %dot_general3A_38, %add3A_42 : vector<256x16xf32>
    %logistic3A_44 = arith.negf %add3A_43 : vector<256x16xf32>
    %logistic3A_45 = math.exp %logistic3A_44 : vector<256x16xf32>
    %logistic3A_46 = arith.constant 1.000000e+00 : f32
    %logistic3A_47 = vector.broadcast %logistic3A_46 : f32 to vector<256x16xf32>
    %logistic3A_48 = arith.addf %logistic3A_47, %logistic3A_45 : vector<256x16xf32>
    %logistic3A_49 = arith.divf %logistic3A_47, %logistic3A_48 : vector<256x16xf32>
    %mul3A_50 = arith.mulf %add3A_43, %logistic3A_49 : vector<256x16xf32>
    %add3A_51 = arith.addf %broadcast_in_dim3A_10, %mul3A_50 : vector<256x16xf32>
    %get3A_52 = arith.constant 0 : index
    %get3A_53 = arith.constant 0 : index
    %get3A_54 = vector.load %arg19[%get3A_52, %get3A_53] : memref<16x64xf32, #tpu.memory_space<vmem>>, vector<16x64xf32>
    %dot_general3A_55 = arith.constant dense<0.000000e+00> : vector<256x64xf32>
    %dot_general3A_56 = tpu.matmul %mul3A_50, %get3A_54, %dot_general3A_55 {dimension_numbers = #tpu.dot_dimension_numbers<[1], [0], [0], [1], [0, 0, 1, 1], [], []>, transpose_lhs_hint = false} : vector<256x16xf32>, vector<16x64xf32>, vector<256x64xf32> -> vector<256x64xf32>
    %get3A_57 = arith.constant 0 : index
    %get3A_58 = arith.constant 0 : index
    %get3A_59 = vector.load %arg20[%get3A_57, %get3A_58] : memref<1x64xf32, #tpu.memory_space<vmem>>, vector<1x64xf32>
    %add3A_60 = vector.broadcast %get3A_59 : vector<1x64xf32> to vector<256x64xf32>
    %add3A_61 = arith.addf %dot_general3A_56, %add3A_60 : vector<256x64xf32>
    %logistic3A_62 = arith.negf %add3A_61 : vector<256x64xf32>
    %logistic3A_63 = math.exp %logistic3A_62 : vector<256x64xf32>
    %logistic3A_64 = arith.constant 1.000000e+00 : f32
    %logistic3A_65 = vector.broadcast %logistic3A_64 : f32 to vector<256x64xf32>
    %logistic3A_66 = arith.addf %logistic3A_65, %logistic3A_63 : vector<256x64xf32>
    %logistic3A_67 = arith.divf %logistic3A_65, %logistic3A_66 : vector<256x64xf32>
    %mul3A_68 = arith.mulf %add3A_61, %logistic3A_67 : vector<256x64xf32>
    %get3A_69 = arith.constant 0 : index
    %get3A_70 = arith.constant 0 : index
    %get3A_71 = vector.load %arg21[%get3A_69, %get3A_70] : memref<64x1xf32, #tpu.memory_space<vmem>>, vector<64x1xf32>
    %dot_general3A_72 = arith.constant dense<0.000000e+00> : vector<256x1xf32>
    %dot_general3A_73 = tpu.matmul %mul3A_68, %get3A_71, %dot_general3A_72 {dimension_numbers = #tpu.dot_dimension_numbers<[1], [0], [0], [1], [0, 0, 1, 1], [], []>, transpose_lhs_hint = false} : vector<256x64xf32>, vector<64x1xf32>, vector<256x1xf32> -> vector<256x1xf32>
    %get3A_74 = arith.constant 0 : index
    %get3A_75 = arith.constant 0 : index
    %get3A_76 = vector.load %arg22[%get3A_74, %get3A_75] : memref<1x1xf32, #tpu.memory_space<vmem>>, vector<1x1xf32>
    %add3A_77 = vector.broadcast %get3A_76 : vector<1x1xf32> to vector<256x1xf32>
    %add3A_78 = arith.addf %dot_general3A_73, %add3A_77 : vector<256x1xf32>
    %jit3A = arith.constant -2.000000e+00 : f32
    %jit3A_79 = arith.constant 2.000000e+00 : f32
    %max3A = vector.broadcast %jit3A : f32 to vector<256x1xf32>
    %max3A_80 = arith.maximumf %max3A, %add3A_78 : vector<256x1xf32>
    %min3A = vector.broadcast %jit3A_79 : f32 to vector<256x1xf32>
    %min3A_81 = arith.minimumf %min3A, %max3A_80 : vector<256x1xf32>
    %convert_element_type3A = arith.truncf %min3A_81 : vector<256x1xf32> to vector<256x1xbf16>
    %convert_element_type3A_82 = arith.extf %convert_element_type3A : vector<256x1xbf16> to vector<256x1xf32>
    %get3A_83 = arith.constant 0 : index
    %get3A_84 = arith.constant 0 : index
    %get3A_85 = arith.constant 0 : index
    %get3A_86 = vector.load %arg6[%get3A_83, %get3A_84, %get3A_85] : memref<1x256x8xf32, #tpu.memory_space<vmem>>, vector<1x256x1xf32>
    %get3A_87 = vector.shape_cast %get3A_86 : vector<1x256x1xf32> to vector<256x1xf32>
    %convert_element_type3A_88 = arith.truncf %get3A_87 : vector<256x1xf32> to vector<256x1xbf16>
    %convert_element_type3A_89 = arith.extf %convert_element_type3A_88 : vector<256x1xbf16> to vector<256x1xf32>
    %mul3A_90 = arith.mulf %convert_element_type3A_82, %convert_element_type3A_89 : vector<256x1xf32>
    %add3A_91 = arith.addf %broadcast_in_dim3A_12, %mul3A_90 : vector<256x1xf32>
    %get3A_92 = arith.constant 0 : index
    %get3A_93 = arith.constant 0 : index
    %get3A_94 = arith.constant 0 : index
    %get3A_95 = vector.load %arg7[%get3A_92, %get3A_93, %get3A_94] : memref<1x256x8xf32, #tpu.memory_space<vmem>>, vector<1x256x1xf32>
    %get3A_96 = vector.shape_cast %get3A_95 : vector<1x256x1xf32> to vector<256x1xf32>
    %convert_element_type3A_97 = arith.truncf %get3A_96 : vector<256x1xf32> to vector<256x1xbf16>
    %convert_element_type3A_98 = arith.extf %convert_element_type3A_97 : vector<256x1xbf16> to vector<256x1xf32>
    %mul3A_99 = arith.mulf %convert_element_type3A_82, %convert_element_type3A_98 : vector<256x1xf32>
    %add3A_100 = arith.addf %broadcast_in_dim3A_14, %mul3A_99 : vector<256x1xf32>
    %get3A_101 = arith.constant 0 : index
    %get3A_102 = arith.constant 0 : index
    %get3A_103 = arith.constant 0 : index
    %get3A_104 = vector.load %arg8[%get3A_101, %get3A_102, %get3A_103] : memref<1x256x8xf32, #tpu.memory_space<vmem>>, vector<1x256x1xf32>
    %get3A_105 = vector.shape_cast %get3A_104 : vector<1x256x1xf32> to vector<256x1xf32>
    %convert_element_type3A_106 = arith.truncf %get3A_105 : vector<256x1xf32> to vector<256x1xbf16>
    %convert_element_type3A_107 = arith.extf %convert_element_type3A_106 : vector<256x1xbf16> to vector<256x1xf32>
    %mul3A_108 = arith.mulf %convert_element_type3A_82, %convert_element_type3A_107 : vector<256x1xf32>
    %add3A_109 = arith.addf %broadcast_in_dim3A_16, %mul3A_108 : vector<256x1xf32>
    %get3A_110 = arith.constant 0 : index
    %get3A_111 = arith.constant 0 : index
    %get3A_112 = arith.constant 128 : index
    %get3A_113 = vector.load %arg4[%get3A_110, %get3A_111, %get3A_112] : memref<1x256x1024xf32, #tpu.memory_space<vmem>>, vector<1x256x128xf32>
    %get3A_114 = vector.shape_cast %get3A_113 : vector<1x256x128xf32> to vector<256x128xf32>
    %get3A_115 = arith.constant 0 : index
    %get3A_116 = arith.constant 0 : index
    %get3A_117 = arith.constant 1 : index
    %get3A_118 = vector.load %arg5[%get3A_115, %get3A_116, %get3A_117] : memref<1x256x8xf32, #tpu.memory_space<vmem>>, vector<1x256x1xf32>
    %get3A_119 = vector.shape_cast %get3A_118 : vector<1x256x1xf32> to vector<256x1xf32>
    %concatenate3A_120 = tpu.concatenate %get3A_3, %get3A_114, %get3A_119 in 1 : vector<256x128xf32>, vector<256x128xf32>, vector<256x1xf32> -> vector<256x257xf32>
    %dot_general3A_121 = arith.constant dense<0.000000e+00> : vector<256x514xf32>
    %dot_general3A_122 = tpu.matmul %concatenate3A_120, %get3A_6, %dot_general3A_121 {dimension_numbers = #tpu.dot_dimension_numbers<[1], [0], [0], [1], [0, 0, 1, 1], [], []>, transpose_lhs_hint = false} : vector<256x257xf32>, vector<257x514xf32>, vector<256x514xf32> -> vector<256x514xf32>
    %add3A_123 = vector.broadcast %get3A_9 : vector<1x514xf32> to vector<256x514xf32>
    %add3A_124 = arith.addf %dot_general3A_122, %add3A_123 : vector<256x514xf32>
    %logistic3A_125 = arith.negf %add3A_124 : vector<256x514xf32>
    %logistic3A_126 = math.exp %logistic3A_125 : vector<256x514xf32>
    %logistic3A_127 = arith.constant 1.000000e+00 : f32
    %logistic3A_128 = vector.broadcast %logistic3A_127 : f32 to vector<256x514xf32>
    %logistic3A_129 = arith.addf %logistic3A_128, %logistic3A_126 : vector<256x514xf32>
    %logistic3A_130 = arith.divf %logistic3A_128, %logistic3A_129 : vector<256x514xf32>
    %mul3A_131 = arith.mulf %add3A_124, %logistic3A_130 : vector<256x514xf32>
    %get3A_132 = arith.constant 0 : index
    %get3A_133 = arith.constant 0 : index
    %get3A_134 = vector.load %arg11[%get3A_132, %get3A_133] : memref<514x16xf32, #tpu.memory_space<vmem>>, vector<514x16xf32>
    %dot_general3A_135 = arith.constant dense<0.000000e+00> : vector<256x16xf32>
    %dot_general3A_136 = tpu.matmul %mul3A_131, %get3A_134, %dot_general3A_135 {dimension_numbers = #tpu.dot_dimension_numbers<[1], [0], [0], [1], [0, 0, 1, 1], [], []>, transpose_lhs_hint = false} : vector<256x514xf32>, vector<514x16xf32>, vector<256x16xf32> -> vector<256x16xf32>
    %get3A_137 = arith.constant 0 : index
    %get3A_138 = arith.constant 0 : index
    %get3A_139 = vector.load %arg12[%get3A_137, %get3A_138] : memref<1x16xf32, #tpu.memory_space<vmem>>, vector<1x16xf32>
    %add3A_140 = vector.broadcast %get3A_139 : vector<1x16xf32> to vector<256x16xf32>
    %add3A_141 = arith.addf %dot_general3A_136, %add3A_140 : vector<256x16xf32>
    %logistic3A_142 = arith.negf %add3A_141 : vector<256x16xf32>
    %logistic3A_143 = math.exp %logistic3A_142 : vector<256x16xf32>
    %logistic3A_144 = arith.constant 1.000000e+00 : f32
    %logistic3A_145 = vector.broadcast %logistic3A_144 : f32 to vector<256x16xf32>
    %logistic3A_146 = arith.addf %logistic3A_145, %logistic3A_143 : vector<256x16xf32>
    %logistic3A_147 = arith.divf %logistic3A_145, %logistic3A_146 : vector<256x16xf32>
    %mul3A_148 = arith.mulf %add3A_141, %logistic3A_147 : vector<256x16xf32>
    %add3A_149 = arith.addf %add3A_51, %mul3A_148 : vector<256x16xf32>
    %get3A_150 = arith.constant 0 : index
    %get3A_151 = arith.constant 0 : index
    %get3A_152 = vector.load %arg19[%get3A_150, %get3A_151] : memref<16x64xf32, #tpu.memory_space<vmem>>, vector<16x64xf32>
    %dot_general3A_153 = arith.constant dense<0.000000e+00> : vector<256x64xf32>
    %dot_general3A_154 = tpu.matmul %mul3A_148, %get3A_152, %dot_general3A_153 {dimension_numbers = #tpu.dot_dimension_numbers<[1], [0], [0], [1], [0, 0, 1, 1], [], []>, transpose_lhs_hint = false} : vector<256x16xf32>, vector<16x64xf32>, vector<256x64xf32> -> vector<256x64xf32>
    %get3A_155 = arith.constant 0 : index
    %get3A_156 = arith.constant 0 : index
    %get3A_157 = vector.load %arg20[%get3A_155, %get3A_156] : memref<1x64xf32, #tpu.memory_space<vmem>>, vector<1x64xf32>
    %add3A_158 = vector.broadcast %get3A_157 : vector<1x64xf32> to vector<256x64xf32>
    %add3A_159 = arith.addf %dot_general3A_154, %add3A_158 : vector<256x64xf32>
    %logistic3A_160 = arith.negf %add3A_159 : vector<256x64xf32>
    %logistic3A_161 = math.exp %logistic3A_160 : vector<256x64xf32>
    %logistic3A_162 = arith.constant 1.000000e+00 : f32
    %logistic3A_163 = vector.broadcast %logistic3A_162 : f32 to vector<256x64xf32>
    %logistic3A_164 = arith.addf %logistic3A_163, %logistic3A_161 : vector<256x64xf32>
    %logistic3A_165 = arith.divf %logistic3A_163, %logistic3A_164 : vector<256x64xf32>
    %mul3A_166 = arith.mulf %add3A_159, %logistic3A_165 : vector<256x64xf32>
    %get3A_167 = arith.constant 0 : index
    %get3A_168 = arith.constant 0 : index
    %get3A_169 = vector.load %arg21[%get3A_167, %get3A_168] : memref<64x1xf32, #tpu.memory_space<vmem>>, vector<64x1xf32>
    %dot_general3A_170 = arith.constant dense<0.000000e+00> : vector<256x1xf32>
    %dot_general3A_171 = tpu.matmul %mul3A_166, %get3A_169, %dot_general3A_170 {dimension_numbers = #tpu.dot_dimension_numbers<[1], [0], [0], [1], [0, 0, 1, 1], [], []>, transpose_lhs_hint = false} : vector<256x64xf32>, vector<64x1xf32>, vector<256x1xf32> -> vector<256x1xf32>
    %get3A_172 = arith.constant 0 : index
    %get3A_173 = arith.constant 0 : index
    %get3A_174 = vector.load %arg22[%get3A_172, %get3A_173] : memref<1x1xf32, #tpu.memory_space<vmem>>, vector<1x1xf32>
    %add3A_175 = vector.broadcast %get3A_174 : vector<1x1xf32> to vector<256x1xf32>
    %add3A_176 = arith.addf %dot_general3A_171, %add3A_175 : vector<256x1xf32>
    %jit3A_177 = arith.constant -2.000000e+00 : f32
    %jit3A_178 = arith.constant 2.000000e+00 : f32
    %max3A_179 = vector.broadcast %jit3A_177 : f32 to vector<256x1xf32>
    %max3A_180 = arith.maximumf %max3A_179, %add3A_176 : vector<256x1xf32>
    %min3A_181 = vector.broadcast %jit3A_178 : f32 to vector<256x1xf32>
    %min3A_182 = arith.minimumf %min3A_181, %max3A_180 : vector<256x1xf32>
    %convert_element_type3A_183 = arith.truncf %min3A_182 : vector<256x1xf32> to vector<256x1xbf16>
    %convert_element_type3A_184 = arith.extf %convert_element_type3A_183 : vector<256x1xbf16> to vector<256x1xf32>
    %get3A_185 = arith.constant 0 : index
    %get3A_186 = arith.constant 0 : index
    %get3A_187 = arith.constant 1 : index
    %get3A_188 = vector.load %arg6[%get3A_185, %get3A_186, %get3A_187] : memref<1x256x8xf32, #tpu.memory_space<vmem>>, vector<1x256x1xf32>
    %get3A_189 = vector.shape_cast %get3A_188 : vector<1x256x1xf32> to vector<256x1xf32>
    %convert_element_type3A_190 = arith.truncf %get3A_189 : vector<256x1xf32> to vector<256x1xbf16>
    %convert_element_type3A_191 = arith.extf %convert_element_type3A_190 : vector<256x1xbf16> to vector<256x1xf32>
    %mul3A_192 = arith.mulf %convert_element_type3A_184, %convert_element_type3A_191 : vector<256x1xf32>
    %add3A_193 = arith.addf %add3A_91, %mul3A_192 : vector<256x1xf32>
    %get3A_194 = arith.constant 0 : index
    %get3A_195 = arith.constant 0 : index
    %get3A_196 = arith.constant 1 : index
    %get3A_197 = vector.load %arg7[%get3A_194, %get3A_195, %get3A_196] : memref<1x256x8xf32, #tpu.memory_space<vmem>>, vector<1x256x1xf32>
    %get3A_198 = vector.shape_cast %get3A_197 : vector<1x256x1xf32> to vector<256x1xf32>
    %convert_element_type3A_199 = arith.truncf %get3A_198 : vector<256x1xf32> to vector<256x1xbf16>
    %convert_element_type3A_200 = arith.extf %convert_element_type3A_199 : vector<256x1xbf16> to vector<256x1xf32>
    %mul3A_201 = arith.mulf %convert_element_type3A_184, %convert_element_type3A_200 : vector<256x1xf32>
    %add3A_202 = arith.addf %add3A_100, %mul3A_201 : vector<256x1xf32>
    %get3A_203 = arith.constant 0 : index
    %get3A_204 = arith.constant 0 : index
    %get3A_205 = arith.constant 1 : index
    %get3A_206 = vector.load %arg8[%get3A_203, %get3A_204, %get3A_205] : memref<1x256x8xf32, #tpu.memory_space<vmem>>, vector<1x256x1xf32>
    %get3A_207 = vector.shape_cast %get3A_206 : vector<1x256x1xf32> to vector<256x1xf32>
    %convert_element_type3A_208 = arith.truncf %get3A_207 : vector<256x1xf32> to vector<256x1xbf16>
    %convert_element_type3A_209 = arith.extf %convert_element_type3A_208 : vector<256x1xbf16> to vector<256x1xf32>
    %mul3A_210 = arith.mulf %convert_element_type3A_184, %convert_element_type3A_209 : vector<256x1xf32>
    %add3A_211 = arith.addf %add3A_109, %mul3A_210 : vector<256x1xf32>
    %get3A_212 = arith.constant 0 : index
    %get3A_213 = arith.constant 0 : index
    %get3A_214 = arith.constant 256 : index
    %get3A_215 = vector.load %arg4[%get3A_212, %get3A_213, %get3A_214] : memref<1x256x1024xf32, #tpu.memory_space<vmem>>, vector<1x256x128xf32>
    %get3A_216 = vector.shape_cast %get3A_215 : vector<1x256x128xf32> to vector<256x128xf32>
    %get3A_217 = arith.constant 0 : index
    %get3A_218 = arith.constant 0 : index
    %get3A_219 = arith.constant 2 : index
    %get3A_220 = vector.load %arg5[%get3A_217, %get3A_218, %get3A_219] : memref<1x256x8xf32, #tpu.memory_space<vmem>>, vector<1x256x1xf32>
    %get3A_221 = vector.shape_cast %get3A_220 : vector<1x256x1xf32> to vector<256x1xf32>
    %concatenate3A_222 = tpu.concatenate %get3A_3, %get3A_216, %get3A_221 in 1 : vector<256x128xf32>, vector<256x128xf32>, vector<256x1xf32> -> vector<256x257xf32>
    %dot_general3A_223 = arith.constant dense<0.000000e+00> : vector<256x514xf32>
    %dot_general3A_224 = tpu.matmul %concatenate3A_222, %get3A_6, %dot_general3A_223 {dimension_numbers = #tpu.dot_dimension_numbers<[1], [0], [0], [1], [0, 0, 1, 1], [], []>, transpose_lhs_hint = false} : vector<256x257xf32>, vector<257x514xf32>, vector<256x514xf32> -> vector<256x514xf32>
    %add3A_225 = vector.broadcast %get3A_9 : vector<1x514xf32> to vector<256x514xf32>
    %add3A_226 = arith.addf %dot_general3A_224, %add3A_225 : vector<256x514xf32>
    %logistic3A_227 = arith.negf %add3A_226 : vector<256x514xf32>
    %logistic3A_228 = math.exp %logistic3A_227 : vector<256x514xf32>
    %logistic3A_229 = arith.constant 1.000000e+00 : f32
    %logistic3A_230 = vector.broadcast %logistic3A_229 : f32 to vector<256x514xf32>
    %logistic3A_231 = arith.addf %logistic3A_230, %logistic3A_228 : vector<256x514xf32>
    %logistic3A_232 = arith.divf %logistic3A_230, %logistic3A_231 : vector<256x514xf32>
    %mul3A_233 = arith.mulf %add3A_226, %logistic3A_232 : vector<256x514xf32>
    %get3A_234 = arith.constant 0 : index
    %get3A_235 = arith.constant 0 : index
    %get3A_236 = vector.load %arg11[%get3A_234, %get3A_235] : memref<514x16xf32, #tpu.memory_space<vmem>>, vector<514x16xf32>
    %dot_general3A_237 = arith.constant dense<0.000000e+00> : vector<256x16xf32>
    %dot_general3A_238 = tpu.matmul %mul3A_233, %get3A_236, %dot_general3A_237 {dimension_numbers = #tpu.dot_dimension_numbers<[1], [0], [0], [1], [0, 0, 1, 1], [], []>, transpose_lhs_hint = false} : vector<256x514xf32>, vector<514x16xf32>, vector<256x16xf32> -> vector<256x16xf32>
    %get3A_239 = arith.constant 0 : index
    %get3A_240 = arith.constant 0 : index
    %get3A_241 = vector.load %arg12[%get3A_239, %get3A_240] : memref<1x16xf32, #tpu.memory_space<vmem>>, vector<1x16xf32>
    %add3A_242 = vector.broadcast %get3A_241 : vector<1x16xf32> to vector<256x16xf32>
    %add3A_243 = arith.addf %dot_general3A_238, %add3A_242 : vector<256x16xf32>
    %logistic3A_244 = arith.negf %add3A_243 : vector<256x16xf32>
    %logistic3A_245 = math.exp %logistic3A_244 : vector<256x16xf32>
    %logistic3A_246 = arith.constant 1.000000e+00 : f32
    %logistic3A_247 = vector.broadcast %logistic3A_246 : f32 to vector<256x16xf32>
    %logistic3A_248 = arith.addf %logistic3A_247, %logistic3A_245 : vector<256x16xf32>
    %logistic3A_249 = arith.divf %logistic3A_247, %logistic3A_248 : vector<256x16xf32>
    %mul3A_250 = arith.mulf %add3A_243, %logistic3A_249 : vector<256x16xf32>
    %add3A_251 = arith.addf %add3A_149, %mul3A_250 : vector<256x16xf32>
    %get3A_252 = arith.constant 0 : index
    %get3A_253 = arith.constant 0 : index
    %get3A_254 = vector.load %arg19[%get3A_252, %get3A_253] : memref<16x64xf32, #tpu.memory_space<vmem>>, vector<16x64xf32>
    %dot_general3A_255 = arith.constant dense<0.000000e+00> : vector<256x64xf32>
    %dot_general3A_256 = tpu.matmul %mul3A_250, %get3A_254, %dot_general3A_255 {dimension_numbers = #tpu.dot_dimension_numbers<[1], [0], [0], [1], [0, 0, 1, 1], [], []>, transpose_lhs_hint = false} : vector<256x16xf32>, vector<16x64xf32>, vector<256x64xf32> -> vector<256x64xf32>
    %get3A_257 = arith.constant 0 : index
    %get3A_258 = arith.constant 0 : index
    %get3A_259 = vector.load %arg20[%get3A_257, %get3A_258] : memref<1x64xf32, #tpu.memory_space<vmem>>, vector<1x64xf32>
    %add3A_260 = vector.broadcast %get3A_259 : vector<1x64xf32> to vector<256x64xf32>
    %add3A_261 = arith.addf %dot_general3A_256, %add3A_260 : vector<256x64xf32>
    %logistic3A_262 = arith.negf %add3A_261 : vector<256x64xf32>
    %logistic3A_263 = math.exp %logistic3A_262 : vector<256x64xf32>
    %logistic3A_264 = arith.constant 1.000000e+00 : f32
    %logistic3A_265 = vector.broadcast %logistic3A_264 : f32 to vector<256x64xf32>
    %logistic3A_266 = arith.addf %logistic3A_265, %logistic3A_263 : vector<256x64xf32>
    %logistic3A_267 = arith.divf %logistic3A_265, %logistic3A_266 : vector<256x64xf32>
    %mul3A_268 = arith.mulf %add3A_261, %logistic3A_267 : vector<256x64xf32>
    %get3A_269 = arith.constant 0 : index
    %get3A_270 = arith.constant 0 : index
    %get3A_271 = vector.load %arg21[%get3A_269, %get3A_270] : memref<64x1xf32, #tpu.memory_space<vmem>>, vector<64x1xf32>
    %dot_general3A_272 = arith.constant dense<0.000000e+00> : vector<256x1xf32>
    %dot_general3A_273 = tpu.matmul %mul3A_268, %get3A_271, %dot_general3A_272 {dimension_numbers = #tpu.dot_dimension_numbers<[1], [0], [0], [1], [0, 0, 1, 1], [], []>, transpose_lhs_hint = false} : vector<256x64xf32>, vector<64x1xf32>, vector<256x1xf32> -> vector<256x1xf32>
    %get3A_274 = arith.constant 0 : index
    %get3A_275 = arith.constant 0 : index
    %get3A_276 = vector.load %arg22[%get3A_274, %get3A_275] : memref<1x1xf32, #tpu.memory_space<vmem>>, vector<1x1xf32>
    %add3A_277 = vector.broadcast %get3A_276 : vector<1x1xf32> to vector<256x1xf32>
    %add3A_278 = arith.addf %dot_general3A_273, %add3A_277 : vector<256x1xf32>
    %jit3A_279 = arith.constant -2.000000e+00 : f32
    %jit3A_280 = arith.constant 2.000000e+00 : f32
    %max3A_281 = vector.broadcast %jit3A_279 : f32 to vector<256x1xf32>
    %max3A_282 = arith.maximumf %max3A_281, %add3A_278 : vector<256x1xf32>
    %min3A_283 = vector.broadcast %jit3A_280 : f32 to vector<256x1xf32>
    %min3A_284 = arith.minimumf %min3A_283, %max3A_282 : vector<256x1xf32>
    %convert_element_type3A_285 = arith.truncf %min3A_284 : vector<256x1xf32> to vector<256x1xbf16>
    %convert_element_type3A_286 = arith.extf %convert_element_type3A_285 : vector<256x1xbf16> to vector<256x1xf32>
    %get3A_287 = arith.constant 0 : index
    %get3A_288 = arith.constant 0 : index
    %get3A_289 = arith.constant 2 : index
    %get3A_290 = vector.load %arg6[%get3A_287, %get3A_288, %get3A_289] : memref<1x256x8xf32, #tpu.memory_space<vmem>>, vector<1x256x1xf32>
    %get3A_291 = vector.shape_cast %get3A_290 : vector<1x256x1xf32> to vector<256x1xf32>
    %convert_element_type3A_292 = arith.truncf %get3A_291 : vector<256x1xf32> to vector<256x1xbf16>
    %convert_element_type3A_293 = arith.extf %convert_element_type3A_292 : vector<256x1xbf16> to vector<256x1xf32>
    %mul3A_294 = arith.mulf %convert_element_type3A_286, %convert_element_type3A_293 : vector<256x1xf32>
    %add3A_295 = arith.addf %add3A_193, %mul3A_294 : vector<256x1xf32>
    %get3A_296 = arith.constant 0 : index
    %get3A_297 = arith.constant 0 : index
    %get3A_298 = arith.constant 2 : index
    %get3A_299 = vector.load %arg7[%get3A_296, %get3A_297, %get3A_298] : memref<1x256x8xf32, #tpu.memory_space<vmem>>, vector<1x256x1xf32>
    %get3A_300 = vector.shape_cast %get3A_299 : vector<1x256x1xf32> to vector<256x1xf32>
    %convert_element_type3A_301 = arith.truncf %get3A_300 : vector<256x1xf32> to vector<256x1xbf16>
    %convert_element_type3A_302 = arith.extf %convert_element_type3A_301 : vector<256x1xbf16> to vector<256x1xf32>
    %mul3A_303 = arith.mulf %convert_element_type3A_286, %convert_element_type3A_302 : vector<256x1xf32>
    %add3A_304 = arith.addf %add3A_202, %mul3A_303 : vector<256x1xf32>
    %get3A_305 = arith.constant 0 : index
    %get3A_306 = arith.constant 0 : index
    %get3A_307 = arith.constant 2 : index
    %get3A_308 = vector.load %arg8[%get3A_305, %get3A_306, %get3A_307] : memref<1x256x8xf32, #tpu.memory_space<vmem>>, vector<1x256x1xf32>
    %get3A_309 = vector.shape_cast %get3A_308 : vector<1x256x1xf32> to vector<256x1xf32>
    %convert_element_type3A_310 = arith.truncf %get3A_309 : vector<256x1xf32> to vector<256x1xbf16>
    %convert_element_type3A_311 = arith.extf %convert_element_type3A_310 : vector<256x1xbf16> to vector<256x1xf32>
    %mul3A_312 = arith.mulf %convert_element_type3A_286, %convert_element_type3A_311 : vector<256x1xf32>
    %add3A_313 = arith.addf %add3A_211, %mul3A_312 : vector<256x1xf32>
    %get3A_314 = arith.constant 0 : index
    %get3A_315 = arith.constant 0 : index
    %get3A_316 = arith.constant 384 : index
    %get3A_317 = vector.load %arg4[%get3A_314, %get3A_315, %get3A_316] : memref<1x256x1024xf32, #tpu.memory_space<vmem>>, vector<1x256x128xf32>
    %get3A_318 = vector.shape_cast %get3A_317 : vector<1x256x128xf32> to vector<256x128xf32>
    %get3A_319 = arith.constant 0 : index
    %get3A_320 = arith.constant 0 : index
    %get3A_321 = arith.constant 3 : index
    %get3A_322 = vector.load %arg5[%get3A_319, %get3A_320, %get3A_321] : memref<1x256x8xf32, #tpu.memory_space<vmem>>, vector<1x256x1xf32>
    %get3A_323 = vector.shape_cast %get3A_322 : vector<1x256x1xf32> to vector<256x1xf32>
    %concatenate3A_324 = tpu.concatenate %get3A_3, %get3A_318, %get3A_323 in 1 : vector<256x128xf32>, vector<256x128xf32>, vector<256x1xf32> -> vector<256x257xf32>
    %dot_general3A_325 = arith.constant dense<0.000000e+00> : vector<256x514xf32>
    %dot_general3A_326 = tpu.matmul %concatenate3A_324, %get3A_6, %dot_general3A_325 {dimension_numbers = #tpu.dot_dimension_numbers<[1], [0], [0], [1], [0, 0, 1, 1], [], []>, transpose_lhs_hint = false} : vector<256x257xf32>, vector<257x514xf32>, vector<256x514xf32> -> vector<256x514xf32>
    %add3A_327 = vector.broadcast %get3A_9 : vector<1x514xf32> to vector<256x514xf32>
    %add3A_328 = arith.addf %dot_general3A_326, %add3A_327 : vector<256x514xf32>
    %logistic3A_329 = arith.negf %add3A_328 : vector<256x514xf32>
    %logistic3A_330 = math.exp %logistic3A_329 : vector<256x514xf32>
    %logistic3A_331 = arith.constant 1.000000e+00 : f32
    %logistic3A_332 = vector.broadcast %logistic3A_331 : f32 to vector<256x514xf32>
    %logistic3A_333 = arith.addf %logistic3A_332, %logistic3A_330 : vector<256x514xf32>
    %logistic3A_334 = arith.divf %logistic3A_332, %logistic3A_333 : vector<256x514xf32>
    %mul3A_335 = arith.mulf %add3A_328, %logistic3A_334 : vector<256x514xf32>
    %get3A_336 = arith.constant 0 : index
    %get3A_337 = arith.constant 0 : index
    %get3A_338 = vector.load %arg11[%get3A_336, %get3A_337] : memref<514x16xf32, #tpu.memory_space<vmem>>, vector<514x16xf32>
    %dot_general3A_339 = arith.constant dense<0.000000e+00> : vector<256x16xf32>
    %dot_general3A_340 = tpu.matmul %mul3A_335, %get3A_338, %dot_general3A_339 {dimension_numbers = #tpu.dot_dimension_numbers<[1], [0], [0], [1], [0, 0, 1, 1], [], []>, transpose_lhs_hint = false} : vector<256x514xf32>, vector<514x16xf32>, vector<256x16xf32> -> vector<256x16xf32>
    %get3A_341 = arith.constant 0 : index
    %get3A_342 = arith.constant 0 : index
    %get3A_343 = vector.load %arg12[%get3A_341, %get3A_342] : memref<1x16xf32, #tpu.memory_space<vmem>>, vector<1x16xf32>
    %add3A_344 = vector.broadcast %get3A_343 : vector<1x16xf32> to vector<256x16xf32>
    %add3A_345 = arith.addf %dot_general3A_340, %add3A_344 : vector<256x16xf32>
    %logistic3A_346 = arith.negf %add3A_345 : vector<256x16xf32>
    %logistic3A_347 = math.exp %logistic3A_346 : vector<256x16xf32>
    %logistic3A_348 = arith.constant 1.000000e+00 : f32
    %logistic3A_349 = vector.broadcast %logistic3A_348 : f32 to vector<256x16xf32>
    %logistic3A_350 = arith.addf %logistic3A_349, %logistic3A_347 : vector<256x16xf32>
    %logistic3A_351 = arith.divf %logistic3A_349, %logistic3A_350 : vector<256x16xf32>
    %mul3A_352 = arith.mulf %add3A_345, %logistic3A_351 : vector<256x16xf32>
    %add3A_353 = arith.addf %add3A_251, %mul3A_352 : vector<256x16xf32>
    %get3A_354 = arith.constant 0 : index
    %get3A_355 = arith.constant 0 : index
    %get3A_356 = vector.load %arg19[%get3A_354, %get3A_355] : memref<16x64xf32, #tpu.memory_space<vmem>>, vector<16x64xf32>
    %dot_general3A_357 = arith.constant dense<0.000000e+00> : vector<256x64xf32>
    %dot_general3A_358 = tpu.matmul %mul3A_352, %get3A_356, %dot_general3A_357 {dimension_numbers = #tpu.dot_dimension_numbers<[1], [0], [0], [1], [0, 0, 1, 1], [], []>, transpose_lhs_hint = false} : vector<256x16xf32>, vector<16x64xf32>, vector<256x64xf32> -> vector<256x64xf32>
    %get3A_359 = arith.constant 0 : index
    %get3A_360 = arith.constant 0 : index
    %get3A_361 = vector.load %arg20[%get3A_359, %get3A_360] : memref<1x64xf32, #tpu.memory_space<vmem>>, vector<1x64xf32>
    %add3A_362 = vector.broadcast %get3A_361 : vector<1x64xf32> to vector<256x64xf32>
    %add3A_363 = arith.addf %dot_general3A_358, %add3A_362 : vector<256x64xf32>
    %logistic3A_364 = arith.negf %add3A_363 : vector<256x64xf32>
    %logistic3A_365 = math.exp %logistic3A_364 : vector<256x64xf32>
    %logistic3A_366 = arith.constant 1.000000e+00 : f32
    %logistic3A_367 = vector.broadcast %logistic3A_366 : f32 to vector<256x64xf32>
    %logistic3A_368 = arith.addf %logistic3A_367, %logistic3A_365 : vector<256x64xf32>
    %logistic3A_369 = arith.divf %logistic3A_367, %logistic3A_368 : vector<256x64xf32>
    %mul3A_370 = arith.mulf %add3A_363, %logistic3A_369 : vector<256x64xf32>
    %get3A_371 = arith.constant 0 : index
    %get3A_372 = arith.constant 0 : index
    %get3A_373 = vector.load %arg21[%get3A_371, %get3A_372] : memref<64x1xf32, #tpu.memory_space<vmem>>, vector<64x1xf32>
    %dot_general3A_374 = arith.constant dense<0.000000e+00> : vector<256x1xf32>
    %dot_general3A_375 = tpu.matmul %mul3A_370, %get3A_373, %dot_general3A_374 {dimension_numbers = #tpu.dot_dimension_numbers<[1], [0], [0], [1], [0, 0, 1, 1], [], []>, transpose_lhs_hint = false} : vector<256x64xf32>, vector<64x1xf32>, vector<256x1xf32> -> vector<256x1xf32>
    %get3A_376 = arith.constant 0 : index
    %get3A_377 = arith.constant 0 : index
    %get3A_378 = vector.load %arg22[%get3A_376, %get3A_377] : memref<1x1xf32, #tpu.memory_space<vmem>>, vector<1x1xf32>
    %add3A_379 = vector.broadcast %get3A_378 : vector<1x1xf32> to vector<256x1xf32>
    %add3A_380 = arith.addf %dot_general3A_375, %add3A_379 : vector<256x1xf32>
    %jit3A_381 = arith.constant -2.000000e+00 : f32
    %jit3A_382 = arith.constant 2.000000e+00 : f32
    %max3A_383 = vector.broadcast %jit3A_381 : f32 to vector<256x1xf32>
    %max3A_384 = arith.maximumf %max3A_383, %add3A_380 : vector<256x1xf32>
    %min3A_385 = vector.broadcast %jit3A_382 : f32 to vector<256x1xf32>
    %min3A_386 = arith.minimumf %min3A_385, %max3A_384 : vector<256x1xf32>
    %convert_element_type3A_387 = arith.truncf %min3A_386 : vector<256x1xf32> to vector<256x1xbf16>
    %convert_element_type3A_388 = arith.extf %convert_element_type3A_387 : vector<256x1xbf16> to vector<256x1xf32>
    %get3A_389 = arith.constant 0 : index
    %get3A_390 = arith.constant 0 : index
    %get3A_391 = arith.constant 3 : index
    %get3A_392 = vector.load %arg6[%get3A_389, %get3A_390, %get3A_391] : memref<1x256x8xf32, #tpu.memory_space<vmem>>, vector<1x256x1xf32>
    %get3A_393 = vector.shape_cast %get3A_392 : vector<1x256x1xf32> to vector<256x1xf32>
    %convert_element_type3A_394 = arith.truncf %get3A_393 : vector<256x1xf32> to vector<256x1xbf16>
    %convert_element_type3A_395 = arith.extf %convert_element_type3A_394 : vector<256x1xbf16> to vector<256x1xf32>
    %mul3A_396 = arith.mulf %convert_element_type3A_388, %convert_element_type3A_395 : vector<256x1xf32>
    %add3A_397 = arith.addf %add3A_295, %mul3A_396 : vector<256x1xf32>
    %get3A_398 = arith.constant 0 : index
    %get3A_399 = arith.constant 0 : index
    %get3A_400 = arith.constant 3 : index
    %get3A_401 = vector.load %arg7[%get3A_398, %get3A_399, %get3A_400] : memref<1x256x8xf32, #tpu.memory_space<vmem>>, vector<1x256x1xf32>
    %get3A_402 = vector.shape_cast %get3A_401 : vector<1x256x1xf32> to vector<256x1xf32>
    %convert_element_type3A_403 = arith.truncf %get3A_402 : vector<256x1xf32> to vector<256x1xbf16>
    %convert_element_type3A_404 = arith.extf %convert_element_type3A_403 : vector<256x1xbf16> to vector<256x1xf32>
    %mul3A_405 = arith.mulf %convert_element_type3A_388, %convert_element_type3A_404 : vector<256x1xf32>
    %add3A_406 = arith.addf %add3A_304, %mul3A_405 : vector<256x1xf32>
    %get3A_407 = arith.constant 0 : index
    %get3A_408 = arith.constant 0 : index
    %get3A_409 = arith.constant 3 : index
    %get3A_410 = vector.load %arg8[%get3A_407, %get3A_408, %get3A_409] : memref<1x256x8xf32, #tpu.memory_space<vmem>>, vector<1x256x1xf32>
    %get3A_411 = vector.shape_cast %get3A_410 : vector<1x256x1xf32> to vector<256x1xf32>
    %convert_element_type3A_412 = arith.truncf %get3A_411 : vector<256x1xf32> to vector<256x1xbf16>
    %convert_element_type3A_413 = arith.extf %convert_element_type3A_412 : vector<256x1xbf16> to vector<256x1xf32>
    %mul3A_414 = arith.mulf %convert_element_type3A_388, %convert_element_type3A_413 : vector<256x1xf32>
    %add3A_415 = arith.addf %add3A_313, %mul3A_414 : vector<256x1xf32>
    %get3A_416 = arith.constant 0 : index
    %get3A_417 = arith.constant 0 : index
    %get3A_418 = arith.constant 512 : index
    %get3A_419 = vector.load %arg4[%get3A_416, %get3A_417, %get3A_418] : memref<1x256x1024xf32, #tpu.memory_space<vmem>>, vector<1x256x128xf32>
    %get3A_420 = vector.shape_cast %get3A_419 : vector<1x256x128xf32> to vector<256x128xf32>
    %get3A_421 = arith.constant 0 : index
    %get3A_422 = arith.constant 0 : index
    %get3A_423 = arith.constant 4 : index
    %get3A_424 = vector.load %arg5[%get3A_421, %get3A_422, %get3A_423] : memref<1x256x8xf32, #tpu.memory_space<vmem>>, vector<1x256x1xf32>
    %get3A_425 = vector.shape_cast %get3A_424 : vector<1x256x1xf32> to vector<256x1xf32>
    %concatenate3A_426 = tpu.concatenate %get3A_3, %get3A_420, %get3A_425 in 1 : vector<256x128xf32>, vector<256x128xf32>, vector<256x1xf32> -> vector<256x257xf32>
    %dot_general3A_427 = arith.constant dense<0.000000e+00> : vector<256x514xf32>
    %dot_general3A_428 = tpu.matmul %concatenate3A_426, %get3A_6, %dot_general3A_427 {dimension_numbers = #tpu.dot_dimension_numbers<[1], [0], [0], [1], [0, 0, 1, 1], [], []>, transpose_lhs_hint = false} : vector<256x257xf32>, vector<257x514xf32>, vector<256x514xf32> -> vector<256x514xf32>
    %add3A_429 = vector.broadcast %get3A_9 : vector<1x514xf32> to vector<256x514xf32>
    %add3A_430 = arith.addf %dot_general3A_428, %add3A_429 : vector<256x514xf32>
    %logistic3A_431 = arith.negf %add3A_430 : vector<256x514xf32>
    %logistic3A_432 = math.exp %logistic3A_431 : vector<256x514xf32>
    %logistic3A_433 = arith.constant 1.000000e+00 : f32
    %logistic3A_434 = vector.broadcast %logistic3A_433 : f32 to vector<256x514xf32>
    %logistic3A_435 = arith.addf %logistic3A_434, %logistic3A_432 : vector<256x514xf32>
    %logistic3A_436 = arith.divf %logistic3A_434, %logistic3A_435 : vector<256x514xf32>
    %mul3A_437 = arith.mulf %add3A_430, %logistic3A_436 : vector<256x514xf32>
    %get3A_438 = arith.constant 0 : index
    %get3A_439 = arith.constant 0 : index
    %get3A_440 = vector.load %arg11[%get3A_438, %get3A_439] : memref<514x16xf32, #tpu.memory_space<vmem>>, vector<514x16xf32>
    %dot_general3A_441 = arith.constant dense<0.000000e+00> : vector<256x16xf32>
    %dot_general3A_442 = tpu.matmul %mul3A_437, %get3A_440, %dot_general3A_441 {dimension_numbers = #tpu.dot_dimension_numbers<[1], [0], [0], [1], [0, 0, 1, 1], [], []>, transpose_lhs_hint = false} : vector<256x514xf32>, vector<514x16xf32>, vector<256x16xf32> -> vector<256x16xf32>
    %get3A_443 = arith.constant 0 : index
    %get3A_444 = arith.constant 0 : index
    %get3A_445 = vector.load %arg12[%get3A_443, %get3A_444] : memref<1x16xf32, #tpu.memory_space<vmem>>, vector<1x16xf32>
    %add3A_446 = vector.broadcast %get3A_445 : vector<1x16xf32> to vector<256x16xf32>
    %add3A_447 = arith.addf %dot_general3A_442, %add3A_446 : vector<256x16xf32>
    %logistic3A_448 = arith.negf %add3A_447 : vector<256x16xf32>
    %logistic3A_449 = math.exp %logistic3A_448 : vector<256x16xf32>
    %logistic3A_450 = arith.constant 1.000000e+00 : f32
    %logistic3A_451 = vector.broadcast %logistic3A_450 : f32 to vector<256x16xf32>
    %logistic3A_452 = arith.addf %logistic3A_451, %logistic3A_449 : vector<256x16xf32>
    %logistic3A_453 = arith.divf %logistic3A_451, %logistic3A_452 : vector<256x16xf32>
    %mul3A_454 = arith.mulf %add3A_447, %logistic3A_453 : vector<256x16xf32>
    %add3A_455 = arith.addf %add3A_353, %mul3A_454 : vector<256x16xf32>
    %get3A_456 = arith.constant 0 : index
    %get3A_457 = arith.constant 0 : index
    %get3A_458 = vector.load %arg19[%get3A_456, %get3A_457] : memref<16x64xf32, #tpu.memory_space<vmem>>, vector<16x64xf32>
    %dot_general3A_459 = arith.constant dense<0.000000e+00> : vector<256x64xf32>
    %dot_general3A_460 = tpu.matmul %mul3A_454, %get3A_458, %dot_general3A_459 {dimension_numbers = #tpu.dot_dimension_numbers<[1], [0], [0], [1], [0, 0, 1, 1], [], []>, transpose_lhs_hint = false} : vector<256x16xf32>, vector<16x64xf32>, vector<256x64xf32> -> vector<256x64xf32>
    %get3A_461 = arith.constant 0 : index
    %get3A_462 = arith.constant 0 : index
    %get3A_463 = vector.load %arg20[%get3A_461, %get3A_462] : memref<1x64xf32, #tpu.memory_space<vmem>>, vector<1x64xf32>
    %add3A_464 = vector.broadcast %get3A_463 : vector<1x64xf32> to vector<256x64xf32>
    %add3A_465 = arith.addf %dot_general3A_460, %add3A_464 : vector<256x64xf32>
    %logistic3A_466 = arith.negf %add3A_465 : vector<256x64xf32>
    %logistic3A_467 = math.exp %logistic3A_466 : vector<256x64xf32>
    %logistic3A_468 = arith.constant 1.000000e+00 : f32
    %logistic3A_469 = vector.broadcast %logistic3A_468 : f32 to vector<256x64xf32>
    %logistic3A_470 = arith.addf %logistic3A_469, %logistic3A_467 : vector<256x64xf32>
    %logistic3A_471 = arith.divf %logistic3A_469, %logistic3A_470 : vector<256x64xf32>
    %mul3A_472 = arith.mulf %add3A_465, %logistic3A_471 : vector<256x64xf32>
    %get3A_473 = arith.constant 0 : index
    %get3A_474 = arith.constant 0 : index
    %get3A_475 = vector.load %arg21[%get3A_473, %get3A_474] : memref<64x1xf32, #tpu.memory_space<vmem>>, vector<64x1xf32>
    %dot_general3A_476 = arith.constant dense<0.000000e+00> : vector<256x1xf32>
    %dot_general3A_477 = tpu.matmul %mul3A_472, %get3A_475, %dot_general3A_476 {dimension_numbers = #tpu.dot_dimension_numbers<[1], [0], [0], [1], [0, 0, 1, 1], [], []>, transpose_lhs_hint = false} : vector<256x64xf32>, vector<64x1xf32>, vector<256x1xf32> -> vector<256x1xf32>
    %get3A_478 = arith.constant 0 : index
    %get3A_479 = arith.constant 0 : index
    %get3A_480 = vector.load %arg22[%get3A_478, %get3A_479] : memref<1x1xf32, #tpu.memory_space<vmem>>, vector<1x1xf32>
    %add3A_481 = vector.broadcast %get3A_480 : vector<1x1xf32> to vector<256x1xf32>
    %add3A_482 = arith.addf %dot_general3A_477, %add3A_481 : vector<256x1xf32>
    %jit3A_483 = arith.constant -2.000000e+00 : f32
    %jit3A_484 = arith.constant 2.000000e+00 : f32
    %max3A_485 = vector.broadcast %jit3A_483 : f32 to vector<256x1xf32>
    %max3A_486 = arith.maximumf %max3A_485, %add3A_482 : vector<256x1xf32>
    %min3A_487 = vector.broadcast %jit3A_484 : f32 to vector<256x1xf32>
    %min3A_488 = arith.minimumf %min3A_487, %max3A_486 : vector<256x1xf32>
    %convert_element_type3A_489 = arith.truncf %min3A_488 : vector<256x1xf32> to vector<256x1xbf16>
    %convert_element_type3A_490 = arith.extf %convert_element_type3A_489 : vector<256x1xbf16> to vector<256x1xf32>
    %get3A_491 = arith.constant 0 : index
    %get3A_492 = arith.constant 0 : index
    %get3A_493 = arith.constant 4 : index
    %get3A_494 = vector.load %arg6[%get3A_491, %get3A_492, %get3A_493] : memref<1x256x8xf32, #tpu.memory_space<vmem>>, vector<1x256x1xf32>
    %get3A_495 = vector.shape_cast %get3A_494 : vector<1x256x1xf32> to vector<256x1xf32>
    %convert_element_type3A_496 = arith.truncf %get3A_495 : vector<256x1xf32> to vector<256x1xbf16>
    %convert_element_type3A_497 = arith.extf %convert_element_type3A_496 : vector<256x1xbf16> to vector<256x1xf32>
    %mul3A_498 = arith.mulf %convert_element_type3A_490, %convert_element_type3A_497 : vector<256x1xf32>
    %add3A_499 = arith.addf %add3A_397, %mul3A_498 : vector<256x1xf32>
    %get3A_500 = arith.constant 0 : index
    %get3A_501 = arith.constant 0 : index
    %get3A_502 = arith.constant 4 : index
    %get3A_503 = vector.load %arg7[%get3A_500, %get3A_501, %get3A_502] : memref<1x256x8xf32, #tpu.memory_space<vmem>>, vector<1x256x1xf32>
    %get3A_504 = vector.shape_cast %get3A_503 : vector<1x256x1xf32> to vector<256x1xf32>
    %convert_element_type3A_505 = arith.truncf %get3A_504 : vector<256x1xf32> to vector<256x1xbf16>
    %convert_element_type3A_506 = arith.extf %convert_element_type3A_505 : vector<256x1xbf16> to vector<256x1xf32>
    %mul3A_507 = arith.mulf %convert_element_type3A_490, %convert_element_type3A_506 : vector<256x1xf32>
    %add3A_508 = arith.addf %add3A_406, %mul3A_507 : vector<256x1xf32>
    %get3A_509 = arith.constant 0 : index
    %get3A_510 = arith.constant 0 : index
    %get3A_511 = arith.constant 4 : index
    %get3A_512 = vector.load %arg8[%get3A_509, %get3A_510, %get3A_511] : memref<1x256x8xf32, #tpu.memory_space<vmem>>, vector<1x256x1xf32>
    %get3A_513 = vector.shape_cast %get3A_512 : vector<1x256x1xf32> to vector<256x1xf32>
    %convert_element_type3A_514 = arith.truncf %get3A_513 : vector<256x1xf32> to vector<256x1xbf16>
    %convert_element_type3A_515 = arith.extf %convert_element_type3A_514 : vector<256x1xbf16> to vector<256x1xf32>
    %mul3A_516 = arith.mulf %convert_element_type3A_490, %convert_element_type3A_515 : vector<256x1xf32>
    %add3A_517 = arith.addf %add3A_415, %mul3A_516 : vector<256x1xf32>
    %get3A_518 = arith.constant 0 : index
    %get3A_519 = arith.constant 0 : index
    %get3A_520 = arith.constant 640 : index
    %get3A_521 = vector.load %arg4[%get3A_518, %get3A_519, %get3A_520] : memref<1x256x1024xf32, #tpu.memory_space<vmem>>, vector<1x256x128xf32>
    %get3A_522 = vector.shape_cast %get3A_521 : vector<1x256x128xf32> to vector<256x128xf32>
    %get3A_523 = arith.constant 0 : index
    %get3A_524 = arith.constant 0 : index
    %get3A_525 = arith.constant 5 : index
    %get3A_526 = vector.load %arg5[%get3A_523, %get3A_524, %get3A_525] : memref<1x256x8xf32, #tpu.memory_space<vmem>>, vector<1x256x1xf32>
    %get3A_527 = vector.shape_cast %get3A_526 : vector<1x256x1xf32> to vector<256x1xf32>
    %concatenate3A_528 = tpu.concatenate %get3A_3, %get3A_522, %get3A_527 in 1 : vector<256x128xf32>, vector<256x128xf32>, vector<256x1xf32> -> vector<256x257xf32>
    %dot_general3A_529 = arith.constant dense<0.000000e+00> : vector<256x514xf32>
    %dot_general3A_530 = tpu.matmul %concatenate3A_528, %get3A_6, %dot_general3A_529 {dimension_numbers = #tpu.dot_dimension_numbers<[1], [0], [0], [1], [0, 0, 1, 1], [], []>, transpose_lhs_hint = false} : vector<256x257xf32>, vector<257x514xf32>, vector<256x514xf32> -> vector<256x514xf32>
    %add3A_531 = vector.broadcast %get3A_9 : vector<1x514xf32> to vector<256x514xf32>
    %add3A_532 = arith.addf %dot_general3A_530, %add3A_531 : vector<256x514xf32>
    %logistic3A_533 = arith.negf %add3A_532 : vector<256x514xf32>
    %logistic3A_534 = math.exp %logistic3A_533 : vector<256x514xf32>
    %logistic3A_535 = arith.constant 1.000000e+00 : f32
    %logistic3A_536 = vector.broadcast %logistic3A_535 : f32 to vector<256x514xf32>
    %logistic3A_537 = arith.addf %logistic3A_536, %logistic3A_534 : vector<256x514xf32>
    %logistic3A_538 = arith.divf %logistic3A_536, %logistic3A_537 : vector<256x514xf32>
    %mul3A_539 = arith.mulf %add3A_532, %logistic3A_538 : vector<256x514xf32>
    %get3A_540 = arith.constant 0 : index
    %get3A_541 = arith.constant 0 : index
    %get3A_542 = vector.load %arg11[%get3A_540, %get3A_541] : memref<514x16xf32, #tpu.memory_space<vmem>>, vector<514x16xf32>
    %dot_general3A_543 = arith.constant dense<0.000000e+00> : vector<256x16xf32>
    %dot_general3A_544 = tpu.matmul %mul3A_539, %get3A_542, %dot_general3A_543 {dimension_numbers = #tpu.dot_dimension_numbers<[1], [0], [0], [1], [0, 0, 1, 1], [], []>, transpose_lhs_hint = false} : vector<256x514xf32>, vector<514x16xf32>, vector<256x16xf32> -> vector<256x16xf32>
    %get3A_545 = arith.constant 0 : index
    %get3A_546 = arith.constant 0 : index
    %get3A_547 = vector.load %arg12[%get3A_545, %get3A_546] : memref<1x16xf32, #tpu.memory_space<vmem>>, vector<1x16xf32>
    %add3A_548 = vector.broadcast %get3A_547 : vector<1x16xf32> to vector<256x16xf32>
    %add3A_549 = arith.addf %dot_general3A_544, %add3A_548 : vector<256x16xf32>
    %logistic3A_550 = arith.negf %add3A_549 : vector<256x16xf32>
    %logistic3A_551 = math.exp %logistic3A_550 : vector<256x16xf32>
    %logistic3A_552 = arith.constant 1.000000e+00 : f32
    %logistic3A_553 = vector.broadcast %logistic3A_552 : f32 to vector<256x16xf32>
    %logistic3A_554 = arith.addf %logistic3A_553, %logistic3A_551 : vector<256x16xf32>
    %logistic3A_555 = arith.divf %logistic3A_553, %logistic3A_554 : vector<256x16xf32>
    %mul3A_556 = arith.mulf %add3A_549, %logistic3A_555 : vector<256x16xf32>
    %add3A_557 = arith.addf %add3A_455, %mul3A_556 : vector<256x16xf32>
    %get3A_558 = arith.constant 0 : index
    %get3A_559 = arith.constant 0 : index
    %get3A_560 = vector.load %arg19[%get3A_558, %get3A_559] : memref<16x64xf32, #tpu.memory_space<vmem>>, vector<16x64xf32>
    %dot_general3A_561 = arith.constant dense<0.000000e+00> : vector<256x64xf32>
    %dot_general3A_562 = tpu.matmul %mul3A_556, %get3A_560, %dot_general3A_561 {dimension_numbers = #tpu.dot_dimension_numbers<[1], [0], [0], [1], [0, 0, 1, 1], [], []>, transpose_lhs_hint = false} : vector<256x16xf32>, vector<16x64xf32>, vector<256x64xf32> -> vector<256x64xf32>
    %get3A_563 = arith.constant 0 : index
    %get3A_564 = arith.constant 0 : index
    %get3A_565 = vector.load %arg20[%get3A_563, %get3A_564] : memref<1x64xf32, #tpu.memory_space<vmem>>, vector<1x64xf32>
    %add3A_566 = vector.broadcast %get3A_565 : vector<1x64xf32> to vector<256x64xf32>
    %add3A_567 = arith.addf %dot_general3A_562, %add3A_566 : vector<256x64xf32>
    %logistic3A_568 = arith.negf %add3A_567 : vector<256x64xf32>
    %logistic3A_569 = math.exp %logistic3A_568 : vector<256x64xf32>
    %logistic3A_570 = arith.constant 1.000000e+00 : f32
    %logistic3A_571 = vector.broadcast %logistic3A_570 : f32 to vector<256x64xf32>
    %logistic3A_572 = arith.addf %logistic3A_571, %logistic3A_569 : vector<256x64xf32>
    %logistic3A_573 = arith.divf %logistic3A_571, %logistic3A_572 : vector<256x64xf32>
    %mul3A_574 = arith.mulf %add3A_567, %logistic3A_573 : vector<256x64xf32>
    %get3A_575 = arith.constant 0 : index
    %get3A_576 = arith.constant 0 : index
    %get3A_577 = vector.load %arg21[%get3A_575, %get3A_576] : memref<64x1xf32, #tpu.memory_space<vmem>>, vector<64x1xf32>
    %dot_general3A_578 = arith.constant dense<0.000000e+00> : vector<256x1xf32>
    %dot_general3A_579 = tpu.matmul %mul3A_574, %get3A_577, %dot_general3A_578 {dimension_numbers = #tpu.dot_dimension_numbers<[1], [0], [0], [1], [0, 0, 1, 1], [], []>, transpose_lhs_hint = false} : vector<256x64xf32>, vector<64x1xf32>, vector<256x1xf32> -> vector<256x1xf32>
    %get3A_580 = arith.constant 0 : index
    %get3A_581 = arith.constant 0 : index
    %get3A_582 = vector.load %arg22[%get3A_580, %get3A_581] : memref<1x1xf32, #tpu.memory_space<vmem>>, vector<1x1xf32>
    %add3A_583 = vector.broadcast %get3A_582 : vector<1x1xf32> to vector<256x1xf32>
    %add3A_584 = arith.addf %dot_general3A_579, %add3A_583 : vector<256x1xf32>
    %jit3A_585 = arith.constant -2.000000e+00 : f32
    %jit3A_586 = arith.constant 2.000000e+00 : f32
    %max3A_587 = vector.broadcast %jit3A_585 : f32 to vector<256x1xf32>
    %max3A_588 = arith.maximumf %max3A_587, %add3A_584 : vector<256x1xf32>
    %min3A_589 = vector.broadcast %jit3A_586 : f32 to vector<256x1xf32>
    %min3A_590 = arith.minimumf %min3A_589, %max3A_588 : vector<256x1xf32>
    %convert_element_type3A_591 = arith.truncf %min3A_590 : vector<256x1xf32> to vector<256x1xbf16>
    %convert_element_type3A_592 = arith.extf %convert_element_type3A_591 : vector<256x1xbf16> to vector<256x1xf32>
    %get3A_593 = arith.constant 0 : index
    %get3A_594 = arith.constant 0 : index
    %get3A_595 = arith.constant 5 : index
    %get3A_596 = vector.load %arg6[%get3A_593, %get3A_594, %get3A_595] : memref<1x256x8xf32, #tpu.memory_space<vmem>>, vector<1x256x1xf32>
    %get3A_597 = vector.shape_cast %get3A_596 : vector<1x256x1xf32> to vector<256x1xf32>
    %convert_element_type3A_598 = arith.truncf %get3A_597 : vector<256x1xf32> to vector<256x1xbf16>
    %convert_element_type3A_599 = arith.extf %convert_element_type3A_598 : vector<256x1xbf16> to vector<256x1xf32>
    %mul3A_600 = arith.mulf %convert_element_type3A_592, %convert_element_type3A_599 : vector<256x1xf32>
    %add3A_601 = arith.addf %add3A_499, %mul3A_600 : vector<256x1xf32>
    %get3A_602 = arith.constant 0 : index
    %get3A_603 = arith.constant 0 : index
    %get3A_604 = arith.constant 5 : index
    %get3A_605 = vector.load %arg7[%get3A_602, %get3A_603, %get3A_604] : memref<1x256x8xf32, #tpu.memory_space<vmem>>, vector<1x256x1xf32>
    %get3A_606 = vector.shape_cast %get3A_605 : vector<1x256x1xf32> to vector<256x1xf32>
    %convert_element_type3A_607 = arith.truncf %get3A_606 : vector<256x1xf32> to vector<256x1xbf16>
    %convert_element_type3A_608 = arith.extf %convert_element_type3A_607 : vector<256x1xbf16> to vector<256x1xf32>
    %mul3A_609 = arith.mulf %convert_element_type3A_592, %convert_element_type3A_608 : vector<256x1xf32>
    %add3A_610 = arith.addf %add3A_508, %mul3A_609 : vector<256x1xf32>
    %get3A_611 = arith.constant 0 : index
    %get3A_612 = arith.constant 0 : index
    %get3A_613 = arith.constant 5 : index
    %get3A_614 = vector.load %arg8[%get3A_611, %get3A_612, %get3A_613] : memref<1x256x8xf32, #tpu.memory_space<vmem>>, vector<1x256x1xf32>
    %get3A_615 = vector.shape_cast %get3A_614 : vector<1x256x1xf32> to vector<256x1xf32>
    %convert_element_type3A_616 = arith.truncf %get3A_615 : vector<256x1xf32> to vector<256x1xbf16>
    %convert_element_type3A_617 = arith.extf %convert_element_type3A_616 : vector<256x1xbf16> to vector<256x1xf32>
    %mul3A_618 = arith.mulf %convert_element_type3A_592, %convert_element_type3A_617 : vector<256x1xf32>
    %add3A_619 = arith.addf %add3A_517, %mul3A_618 : vector<256x1xf32>
    %get3A_620 = arith.constant 0 : index
    %get3A_621 = arith.constant 0 : index
    %get3A_622 = arith.constant 768 : index
    %get3A_623 = vector.load %arg4[%get3A_620, %get3A_621, %get3A_622] : memref<1x256x1024xf32, #tpu.memory_space<vmem>>, vector<1x256x128xf32>
    %get3A_624 = vector.shape_cast %get3A_623 : vector<1x256x128xf32> to vector<256x128xf32>
    %get3A_625 = arith.constant 0 : index
    %get3A_626 = arith.constant 0 : index
    %get3A_627 = arith.constant 6 : index
    %get3A_628 = vector.load %arg5[%get3A_625, %get3A_626, %get3A_627] : memref<1x256x8xf32, #tpu.memory_space<vmem>>, vector<1x256x1xf32>
    %get3A_629 = vector.shape_cast %get3A_628 : vector<1x256x1xf32> to vector<256x1xf32>
    %concatenate3A_630 = tpu.concatenate %get3A_3, %get3A_624, %get3A_629 in 1 : vector<256x128xf32>, vector<256x128xf32>, vector<256x1xf32> -> vector<256x257xf32>
    %dot_general3A_631 = arith.constant dense<0.000000e+00> : vector<256x514xf32>
    %dot_general3A_632 = tpu.matmul %concatenate3A_630, %get3A_6, %dot_general3A_631 {dimension_numbers = #tpu.dot_dimension_numbers<[1], [0], [0], [1], [0, 0, 1, 1], [], []>, transpose_lhs_hint = false} : vector<256x257xf32>, vector<257x514xf32>, vector<256x514xf32> -> vector<256x514xf32>
    %add3A_633 = vector.broadcast %get3A_9 : vector<1x514xf32> to vector<256x514xf32>
    %add3A_634 = arith.addf %dot_general3A_632, %add3A_633 : vector<256x514xf32>
    %logistic3A_635 = arith.negf %add3A_634 : vector<256x514xf32>
    %logistic3A_636 = math.exp %logistic3A_635 : vector<256x514xf32>
    %logistic3A_637 = arith.constant 1.000000e+00 : f32
    %logistic3A_638 = vector.broadcast %logistic3A_637 : f32 to vector<256x514xf32>
    %logistic3A_639 = arith.addf %logistic3A_638, %logistic3A_636 : vector<256x514xf32>
    %logistic3A_640 = arith.divf %logistic3A_638, %logistic3A_639 : vector<256x514xf32>
    %mul3A_641 = arith.mulf %add3A_634, %logistic3A_640 : vector<256x514xf32>
    %get3A_642 = arith.constant 0 : index
    %get3A_643 = arith.constant 0 : index
    %get3A_644 = vector.load %arg11[%get3A_642, %get3A_643] : memref<514x16xf32, #tpu.memory_space<vmem>>, vector<514x16xf32>
    %dot_general3A_645 = arith.constant dense<0.000000e+00> : vector<256x16xf32>
    %dot_general3A_646 = tpu.matmul %mul3A_641, %get3A_644, %dot_general3A_645 {dimension_numbers = #tpu.dot_dimension_numbers<[1], [0], [0], [1], [0, 0, 1, 1], [], []>, transpose_lhs_hint = false} : vector<256x514xf32>, vector<514x16xf32>, vector<256x16xf32> -> vector<256x16xf32>
    %get3A_647 = arith.constant 0 : index
    %get3A_648 = arith.constant 0 : index
    %get3A_649 = vector.load %arg12[%get3A_647, %get3A_648] : memref<1x16xf32, #tpu.memory_space<vmem>>, vector<1x16xf32>
    %add3A_650 = vector.broadcast %get3A_649 : vector<1x16xf32> to vector<256x16xf32>
    %add3A_651 = arith.addf %dot_general3A_646, %add3A_650 : vector<256x16xf32>
    %logistic3A_652 = arith.negf %add3A_651 : vector<256x16xf32>
    %logistic3A_653 = math.exp %logistic3A_652 : vector<256x16xf32>
    %logistic3A_654 = arith.constant 1.000000e+00 : f32
    %logistic3A_655 = vector.broadcast %logistic3A_654 : f32 to vector<256x16xf32>
    %logistic3A_656 = arith.addf %logistic3A_655, %logistic3A_653 : vector<256x16xf32>
    %logistic3A_657 = arith.divf %logistic3A_655, %logistic3A_656 : vector<256x16xf32>
    %mul3A_658 = arith.mulf %add3A_651, %logistic3A_657 : vector<256x16xf32>
    %add3A_659 = arith.addf %add3A_557, %mul3A_658 : vector<256x16xf32>
    %get3A_660 = arith.constant 0 : index
    %get3A_661 = arith.constant 0 : index
    %get3A_662 = vector.load %arg19[%get3A_660, %get3A_661] : memref<16x64xf32, #tpu.memory_space<vmem>>, vector<16x64xf32>
    %dot_general3A_663 = arith.constant dense<0.000000e+00> : vector<256x64xf32>
    %dot_general3A_664 = tpu.matmul %mul3A_658, %get3A_662, %dot_general3A_663 {dimension_numbers = #tpu.dot_dimension_numbers<[1], [0], [0], [1], [0, 0, 1, 1], [], []>, transpose_lhs_hint = false} : vector<256x16xf32>, vector<16x64xf32>, vector<256x64xf32> -> vector<256x64xf32>
    %get3A_665 = arith.constant 0 : index
    %get3A_666 = arith.constant 0 : index
    %get3A_667 = vector.load %arg20[%get3A_665, %get3A_666] : memref<1x64xf32, #tpu.memory_space<vmem>>, vector<1x64xf32>
    %add3A_668 = vector.broadcast %get3A_667 : vector<1x64xf32> to vector<256x64xf32>
    %add3A_669 = arith.addf %dot_general3A_664, %add3A_668 : vector<256x64xf32>
    %logistic3A_670 = arith.negf %add3A_669 : vector<256x64xf32>
    %logistic3A_671 = math.exp %logistic3A_670 : vector<256x64xf32>
    %logistic3A_672 = arith.constant 1.000000e+00 : f32
    %logistic3A_673 = vector.broadcast %logistic3A_672 : f32 to vector<256x64xf32>
    %logistic3A_674 = arith.addf %logistic3A_673, %logistic3A_671 : vector<256x64xf32>
    %logistic3A_675 = arith.divf %logistic3A_673, %logistic3A_674 : vector<256x64xf32>
    %mul3A_676 = arith.mulf %add3A_669, %logistic3A_675 : vector<256x64xf32>
    %get3A_677 = arith.constant 0 : index
    %get3A_678 = arith.constant 0 : index
    %get3A_679 = vector.load %arg21[%get3A_677, %get3A_678] : memref<64x1xf32, #tpu.memory_space<vmem>>, vector<64x1xf32>
    %dot_general3A_680 = arith.constant dense<0.000000e+00> : vector<256x1xf32>
    %dot_general3A_681 = tpu.matmul %mul3A_676, %get3A_679, %dot_general3A_680 {dimension_numbers = #tpu.dot_dimension_numbers<[1], [0], [0], [1], [0, 0, 1, 1], [], []>, transpose_lhs_hint = false} : vector<256x64xf32>, vector<64x1xf32>, vector<256x1xf32> -> vector<256x1xf32>
    %get3A_682 = arith.constant 0 : index
    %get3A_683 = arith.constant 0 : index
    %get3A_684 = vector.load %arg22[%get3A_682, %get3A_683] : memref<1x1xf32, #tpu.memory_space<vmem>>, vector<1x1xf32>
    %add3A_685 = vector.broadcast %get3A_684 : vector<1x1xf32> to vector<256x1xf32>
    %add3A_686 = arith.addf %dot_general3A_681, %add3A_685 : vector<256x1xf32>
    %jit3A_687 = arith.constant -2.000000e+00 : f32
    %jit3A_688 = arith.constant 2.000000e+00 : f32
    %max3A_689 = vector.broadcast %jit3A_687 : f32 to vector<256x1xf32>
    %max3A_690 = arith.maximumf %max3A_689, %add3A_686 : vector<256x1xf32>
    %min3A_691 = vector.broadcast %jit3A_688 : f32 to vector<256x1xf32>
    %min3A_692 = arith.minimumf %min3A_691, %max3A_690 : vector<256x1xf32>
    %convert_element_type3A_693 = arith.truncf %min3A_692 : vector<256x1xf32> to vector<256x1xbf16>
    %convert_element_type3A_694 = arith.extf %convert_element_type3A_693 : vector<256x1xbf16> to vector<256x1xf32>
    %get3A_695 = arith.constant 0 : index
    %get3A_696 = arith.constant 0 : index
    %get3A_697 = arith.constant 6 : index
    %get3A_698 = vector.load %arg6[%get3A_695, %get3A_696, %get3A_697] : memref<1x256x8xf32, #tpu.memory_space<vmem>>, vector<1x256x1xf32>
    %get3A_699 = vector.shape_cast %get3A_698 : vector<1x256x1xf32> to vector<256x1xf32>
    %convert_element_type3A_700 = arith.truncf %get3A_699 : vector<256x1xf32> to vector<256x1xbf16>
    %convert_element_type3A_701 = arith.extf %convert_element_type3A_700 : vector<256x1xbf16> to vector<256x1xf32>
    %mul3A_702 = arith.mulf %convert_element_type3A_694, %convert_element_type3A_701 : vector<256x1xf32>
    %add3A_703 = arith.addf %add3A_601, %mul3A_702 : vector<256x1xf32>
    %get3A_704 = arith.constant 0 : index
    %get3A_705 = arith.constant 0 : index
    %get3A_706 = arith.constant 6 : index
    %get3A_707 = vector.load %arg7[%get3A_704, %get3A_705, %get3A_706] : memref<1x256x8xf32, #tpu.memory_space<vmem>>, vector<1x256x1xf32>
    %get3A_708 = vector.shape_cast %get3A_707 : vector<1x256x1xf32> to vector<256x1xf32>
    %convert_element_type3A_709 = arith.truncf %get3A_708 : vector<256x1xf32> to vector<256x1xbf16>
    %convert_element_type3A_710 = arith.extf %convert_element_type3A_709 : vector<256x1xbf16> to vector<256x1xf32>
    %mul3A_711 = arith.mulf %convert_element_type3A_694, %convert_element_type3A_710 : vector<256x1xf32>
    %add3A_712 = arith.addf %add3A_610, %mul3A_711 : vector<256x1xf32>
    %get3A_713 = arith.constant 0 : index
    %get3A_714 = arith.constant 0 : index
    %get3A_715 = arith.constant 6 : index
    %get3A_716 = vector.load %arg8[%get3A_713, %get3A_714, %get3A_715] : memref<1x256x8xf32, #tpu.memory_space<vmem>>, vector<1x256x1xf32>
    %get3A_717 = vector.shape_cast %get3A_716 : vector<1x256x1xf32> to vector<256x1xf32>
    %convert_element_type3A_718 = arith.truncf %get3A_717 : vector<256x1xf32> to vector<256x1xbf16>
    %convert_element_type3A_719 = arith.extf %convert_element_type3A_718 : vector<256x1xbf16> to vector<256x1xf32>
    %mul3A_720 = arith.mulf %convert_element_type3A_694, %convert_element_type3A_719 : vector<256x1xf32>
    %add3A_721 = arith.addf %add3A_619, %mul3A_720 : vector<256x1xf32>
    %get3A_722 = arith.constant 0 : index
    %get3A_723 = arith.constant 0 : index
    %get3A_724 = arith.constant 896 : index
    %get3A_725 = vector.load %arg4[%get3A_722, %get3A_723, %get3A_724] : memref<1x256x1024xf32, #tpu.memory_space<vmem>>, vector<1x256x128xf32>
    %get3A_726 = vector.shape_cast %get3A_725 : vector<1x256x128xf32> to vector<256x128xf32>
    %get3A_727 = arith.constant 0 : index
    %get3A_728 = arith.constant 0 : index
    %get3A_729 = arith.constant 7 : index
    %get3A_730 = vector.load %arg5[%get3A_727, %get3A_728, %get3A_729] : memref<1x256x8xf32, #tpu.memory_space<vmem>>, vector<1x256x1xf32>
    %get3A_731 = vector.shape_cast %get3A_730 : vector<1x256x1xf32> to vector<256x1xf32>
    %concatenate3A_732 = tpu.concatenate %get3A_3, %get3A_726, %get3A_731 in 1 : vector<256x128xf32>, vector<256x128xf32>, vector<256x1xf32> -> vector<256x257xf32>
    %dot_general3A_733 = arith.constant dense<0.000000e+00> : vector<256x514xf32>
    %dot_general3A_734 = tpu.matmul %concatenate3A_732, %get3A_6, %dot_general3A_733 {dimension_numbers = #tpu.dot_dimension_numbers<[1], [0], [0], [1], [0, 0, 1, 1], [], []>, transpose_lhs_hint = false} : vector<256x257xf32>, vector<257x514xf32>, vector<256x514xf32> -> vector<256x514xf32>
    %add3A_735 = vector.broadcast %get3A_9 : vector<1x514xf32> to vector<256x514xf32>
    %add3A_736 = arith.addf %dot_general3A_734, %add3A_735 : vector<256x514xf32>
    %logistic3A_737 = arith.negf %add3A_736 : vector<256x514xf32>
    %logistic3A_738 = math.exp %logistic3A_737 : vector<256x514xf32>
    %logistic3A_739 = arith.constant 1.000000e+00 : f32
    %logistic3A_740 = vector.broadcast %logistic3A_739 : f32 to vector<256x514xf32>
    %logistic3A_741 = arith.addf %logistic3A_740, %logistic3A_738 : vector<256x514xf32>
    %logistic3A_742 = arith.divf %logistic3A_740, %logistic3A_741 : vector<256x514xf32>
    %mul3A_743 = arith.mulf %add3A_736, %logistic3A_742 : vector<256x514xf32>
    %get3A_744 = arith.constant 0 : index
    %get3A_745 = arith.constant 0 : index
    %get3A_746 = vector.load %arg11[%get3A_744, %get3A_745] : memref<514x16xf32, #tpu.memory_space<vmem>>, vector<514x16xf32>
    %dot_general3A_747 = arith.constant dense<0.000000e+00> : vector<256x16xf32>
    %dot_general3A_748 = tpu.matmul %mul3A_743, %get3A_746, %dot_general3A_747 {dimension_numbers = #tpu.dot_dimension_numbers<[1], [0], [0], [1], [0, 0, 1, 1], [], []>, transpose_lhs_hint = false} : vector<256x514xf32>, vector<514x16xf32>, vector<256x16xf32> -> vector<256x16xf32>
    %get3A_749 = arith.constant 0 : index
    %get3A_750 = arith.constant 0 : index
    %get3A_751 = vector.load %arg12[%get3A_749, %get3A_750] : memref<1x16xf32, #tpu.memory_space<vmem>>, vector<1x16xf32>
    %add3A_752 = vector.broadcast %get3A_751 : vector<1x16xf32> to vector<256x16xf32>
    %add3A_753 = arith.addf %dot_general3A_748, %add3A_752 : vector<256x16xf32>
    %logistic3A_754 = arith.negf %add3A_753 : vector<256x16xf32>
    %logistic3A_755 = math.exp %logistic3A_754 : vector<256x16xf32>
    %logistic3A_756 = arith.constant 1.000000e+00 : f32
    %logistic3A_757 = vector.broadcast %logistic3A_756 : f32 to vector<256x16xf32>
    %logistic3A_758 = arith.addf %logistic3A_757, %logistic3A_755 : vector<256x16xf32>
    %logistic3A_759 = arith.divf %logistic3A_757, %logistic3A_758 : vector<256x16xf32>
    %mul3A_760 = arith.mulf %add3A_753, %logistic3A_759 : vector<256x16xf32>
    %add3A_761 = arith.addf %add3A_659, %mul3A_760 : vector<256x16xf32>
    %get3A_762 = arith.constant 0 : index
    %get3A_763 = arith.constant 0 : index
    %get3A_764 = vector.load %arg19[%get3A_762, %get3A_763] : memref<16x64xf32, #tpu.memory_space<vmem>>, vector<16x64xf32>
    %dot_general3A_765 = arith.constant dense<0.000000e+00> : vector<256x64xf32>
    %dot_general3A_766 = tpu.matmul %mul3A_760, %get3A_764, %dot_general3A_765 {dimension_numbers = #tpu.dot_dimension_numbers<[1], [0], [0], [1], [0, 0, 1, 1], [], []>, transpose_lhs_hint = false} : vector<256x16xf32>, vector<16x64xf32>, vector<256x64xf32> -> vector<256x64xf32>
    %get3A_767 = arith.constant 0 : index
    %get3A_768 = arith.constant 0 : index
    %get3A_769 = vector.load %arg20[%get3A_767, %get3A_768] : memref<1x64xf32, #tpu.memory_space<vmem>>, vector<1x64xf32>
    %add3A_770 = vector.broadcast %get3A_769 : vector<1x64xf32> to vector<256x64xf32>
    %add3A_771 = arith.addf %dot_general3A_766, %add3A_770 : vector<256x64xf32>
    %logistic3A_772 = arith.negf %add3A_771 : vector<256x64xf32>
    %logistic3A_773 = math.exp %logistic3A_772 : vector<256x64xf32>
    %logistic3A_774 = arith.constant 1.000000e+00 : f32
    %logistic3A_775 = vector.broadcast %logistic3A_774 : f32 to vector<256x64xf32>
    %logistic3A_776 = arith.addf %logistic3A_775, %logistic3A_773 : vector<256x64xf32>
    %logistic3A_777 = arith.divf %logistic3A_775, %logistic3A_776 : vector<256x64xf32>
    %mul3A_778 = arith.mulf %add3A_771, %logistic3A_777 : vector<256x64xf32>
    %get3A_779 = arith.constant 0 : index
    %get3A_780 = arith.constant 0 : index
    %get3A_781 = vector.load %arg21[%get3A_779, %get3A_780] : memref<64x1xf32, #tpu.memory_space<vmem>>, vector<64x1xf32>
    %dot_general3A_782 = arith.constant dense<0.000000e+00> : vector<256x1xf32>
    %dot_general3A_783 = tpu.matmul %mul3A_778, %get3A_781, %dot_general3A_782 {dimension_numbers = #tpu.dot_dimension_numbers<[1], [0], [0], [1], [0, 0, 1, 1], [], []>, transpose_lhs_hint = false} : vector<256x64xf32>, vector<64x1xf32>, vector<256x1xf32> -> vector<256x1xf32>
    %get3A_784 = arith.constant 0 : index
    %get3A_785 = arith.constant 0 : index
    %get3A_786 = vector.load %arg22[%get3A_784, %get3A_785] : memref<1x1xf32, #tpu.memory_space<vmem>>, vector<1x1xf32>
    %add3A_787 = vector.broadcast %get3A_786 : vector<1x1xf32> to vector<256x1xf32>
    %add3A_788 = arith.addf %dot_general3A_783, %add3A_787 : vector<256x1xf32>
    %jit3A_789 = arith.constant -2.000000e+00 : f32
    %jit3A_790 = arith.constant 2.000000e+00 : f32
    %max3A_791 = vector.broadcast %jit3A_789 : f32 to vector<256x1xf32>
    %max3A_792 = arith.maximumf %max3A_791, %add3A_788 : vector<256x1xf32>
    %min3A_793 = vector.broadcast %jit3A_790 : f32 to vector<256x1xf32>
    %min3A_794 = arith.minimumf %min3A_793, %max3A_792 : vector<256x1xf32>
    %convert_element_type3A_795 = arith.truncf %min3A_794 : vector<256x1xf32> to vector<256x1xbf16>
    %convert_element_type3A_796 = arith.extf %convert_element_type3A_795 : vector<256x1xbf16> to vector<256x1xf32>
    %get3A_797 = arith.constant 0 : index
    %get3A_798 = arith.constant 0 : index
    %get3A_799 = arith.constant 7 : index
    %get3A_800 = vector.load %arg6[%get3A_797, %get3A_798, %get3A_799] : memref<1x256x8xf32, #tpu.memory_space<vmem>>, vector<1x256x1xf32>
    %get3A_801 = vector.shape_cast %get3A_800 : vector<1x256x1xf32> to vector<256x1xf32>
    %convert_element_type3A_802 = arith.truncf %get3A_801 : vector<256x1xf32> to vector<256x1xbf16>
    %convert_element_type3A_803 = arith.extf %convert_element_type3A_802 : vector<256x1xbf16> to vector<256x1xf32>
    %mul3A_804 = arith.mulf %convert_element_type3A_796, %convert_element_type3A_803 : vector<256x1xf32>
    %add3A_805 = arith.addf %add3A_703, %mul3A_804 : vector<256x1xf32>
    %get3A_806 = arith.constant 0 : index
    %get3A_807 = arith.constant 0 : index
    %get3A_808 = arith.constant 7 : index
    %get3A_809 = vector.load %arg7[%get3A_806, %get3A_807, %get3A_808] : memref<1x256x8xf32, #tpu.memory_space<vmem>>, vector<1x256x1xf32>
    %get3A_810 = vector.shape_cast %get3A_809 : vector<1x256x1xf32> to vector<256x1xf32>
    %convert_element_type3A_811 = arith.truncf %get3A_810 : vector<256x1xf32> to vector<256x1xbf16>
    %convert_element_type3A_812 = arith.extf %convert_element_type3A_811 : vector<256x1xbf16> to vector<256x1xf32>
    %mul3A_813 = arith.mulf %convert_element_type3A_796, %convert_element_type3A_812 : vector<256x1xf32>
    %add3A_814 = arith.addf %add3A_712, %mul3A_813 : vector<256x1xf32>
    %get3A_815 = arith.constant 0 : index
    %get3A_816 = arith.constant 0 : index
    %get3A_817 = arith.constant 7 : index
    %get3A_818 = vector.load %arg8[%get3A_815, %get3A_816, %get3A_817] : memref<1x256x8xf32, #tpu.memory_space<vmem>>, vector<1x256x1xf32>
    %get3A_819 = vector.shape_cast %get3A_818 : vector<1x256x1xf32> to vector<256x1xf32>
    %convert_element_type3A_820 = arith.truncf %get3A_819 : vector<256x1xf32> to vector<256x1xbf16>
    %convert_element_type3A_821 = arith.extf %convert_element_type3A_820 : vector<256x1xbf16> to vector<256x1xf32>
    %mul3A_822 = arith.mulf %convert_element_type3A_796, %convert_element_type3A_821 : vector<256x1xf32>
    %add3A_823 = arith.addf %add3A_721, %mul3A_822 : vector<256x1xf32>
    %reduce_sum3A = arith.constant dense<0.000000e+00> : vector<256xf32>
    %reduce_sum3A_824 = vector.multi_reduction <add>, %get3A_3, %reduce_sum3A [1] : vector<256x128xf32> to vector<256xf32>
    %broadcast_in_dim3A_825 = vector.shape_cast %reduce_sum3A_824 : vector<256xf32> to vector<256x1xf32>
    %div3A = arith.constant 1.280000e+02 : f32
    %div3A_826 = vector.broadcast %div3A : f32 to vector<256x1xf32>
    %div3A_827 = arith.divf %broadcast_in_dim3A_825, %div3A_826 : vector<256x1xf32>
    %sub3A = vector.broadcast %div3A_827 : vector<256x1xf32> to vector<256x128xf32>
    %sub3A_828 = arith.subf %get3A_3, %sub3A : vector<256x128xf32>
    %integer_pow3A = arith.mulf %sub3A_828, %sub3A_828 : vector<256x128xf32>
    %reduce_sum3A_829 = arith.constant dense<0.000000e+00> : vector<256xf32>
    %reduce_sum3A_830 = vector.multi_reduction <add>, %integer_pow3A, %reduce_sum3A_829 [1] : vector<256x128xf32> to vector<256xf32>
    %broadcast_in_dim3A_831 = vector.shape_cast %reduce_sum3A_830 : vector<256xf32> to vector<256x1xf32>
    %div3A_832 = arith.constant 1.280000e+02 : f32
    %div3A_833 = vector.broadcast %div3A_832 : f32 to vector<256x1xf32>
    %div3A_834 = arith.divf %broadcast_in_dim3A_831, %div3A_833 : vector<256x1xf32>
    %sub3A_835 = vector.broadcast %div3A_827 : vector<256x1xf32> to vector<256x128xf32>
    %sub3A_836 = arith.subf %get3A_3, %sub3A_835 : vector<256x128xf32>
    %add3A_837 = arith.constant 9.99999974E-6 : f32
    %add3A_838 = vector.broadcast %add3A_837 : f32 to vector<256x1xf32>
    %add3A_839 = arith.addf %div3A_834, %add3A_838 : vector<256x1xf32>
    %sqrt3A = math.sqrt %add3A_839 : vector<256x1xf32>
    %div3A_840 = vector.broadcast %sqrt3A : vector<256x1xf32> to vector<256x128xf32>
    %div3A_841 = arith.divf %sub3A_836, %div3A_840 : vector<256x128xf32>
    %get3A_842 = arith.constant 0 : index
    %get3A_843 = arith.constant 0 : index
    %get3A_844 = vector.load %arg13[%get3A_842, %get3A_843] : memref<1x128xf32, #tpu.memory_space<vmem>>, vector<1x128xf32>
    %mul3A_845 = vector.broadcast %get3A_844 : vector<1x128xf32> to vector<256x128xf32>
    %mul3A_846 = arith.mulf %div3A_841, %mul3A_845 : vector<256x128xf32>
    %get3A_847 = arith.constant 0 : index
    %get3A_848 = arith.constant 0 : index
    %get3A_849 = vector.load %arg14[%get3A_847, %get3A_848] : memref<1x128xf32, #tpu.memory_space<vmem>>, vector<1x128xf32>
    %add3A_850 = vector.broadcast %get3A_849 : vector<1x128xf32> to vector<256x128xf32>
    %add3A_851 = arith.addf %mul3A_846, %add3A_850 : vector<256x128xf32>
    %concatenate3A_852 = tpu.concatenate %add3A_851, %add3A_761 in 1 : vector<256x128xf32>, vector<256x16xf32> -> vector<256x144xf32>
    %get3A_853 = arith.constant 0 : index
    %get3A_854 = arith.constant 0 : index
    %get3A_855 = vector.load %arg15[%get3A_853, %get3A_854] : memref<144x256xf32, #tpu.memory_space<vmem>>, vector<144x256xf32>
    %dot_general3A_856 = arith.constant dense<0.000000e+00> : vector<256x256xf32>
    %dot_general3A_857 = tpu.matmul %concatenate3A_852, %get3A_855, %dot_general3A_856 {dimension_numbers = #tpu.dot_dimension_numbers<[1], [0], [0], [1], [0, 0, 1, 1], [], []>, transpose_lhs_hint = false} : vector<256x144xf32>, vector<144x256xf32>, vector<256x256xf32> -> vector<256x256xf32>
    %get3A_858 = arith.constant 0 : index
    %get3A_859 = arith.constant 0 : index
    %get3A_860 = vector.load %arg16[%get3A_858, %get3A_859] : memref<1x256xf32, #tpu.memory_space<vmem>>, vector<1x256xf32>
    %add3A_861 = vector.broadcast %get3A_860 : vector<1x256xf32> to vector<256x256xf32>
    %add3A_862 = arith.addf %dot_general3A_857, %add3A_861 : vector<256x256xf32>
    %logistic3A_863 = arith.negf %add3A_862 : vector<256x256xf32>
    %logistic3A_864 = math.exp %logistic3A_863 : vector<256x256xf32>
    %logistic3A_865 = arith.constant 1.000000e+00 : f32
    %logistic3A_866 = vector.broadcast %logistic3A_865 : f32 to vector<256x256xf32>
    %logistic3A_867 = arith.addf %logistic3A_866, %logistic3A_864 : vector<256x256xf32>
    %logistic3A_868 = arith.divf %logistic3A_866, %logistic3A_867 : vector<256x256xf32>
    %mul3A_869 = arith.mulf %add3A_862, %logistic3A_868 : vector<256x256xf32>
    %get3A_870 = arith.constant 0 : index
    %get3A_871 = arith.constant 0 : index
    %get3A_872 = vector.load %arg17[%get3A_870, %get3A_871] : memref<256x128xf32, #tpu.memory_space<vmem>>, vector<256x128xf32>
    %dot_general3A_873 = arith.constant dense<0.000000e+00> : vector<256x128xf32>
    %dot_general3A_874 = tpu.matmul %mul3A_869, %get3A_872, %dot_general3A_873 {dimension_numbers = #tpu.dot_dimension_numbers<[1], [0], [0], [1], [0, 0, 1, 1], [], []>, transpose_lhs_hint = false} : vector<256x256xf32>, vector<256x128xf32>, vector<256x128xf32> -> vector<256x128xf32>
    %get3A_875 = arith.constant 0 : index
    %get3A_876 = arith.constant 0 : index
    %get3A_877 = vector.load %arg18[%get3A_875, %get3A_876] : memref<1x128xf32, #tpu.memory_space<vmem>>, vector<1x128xf32>
    %add3A_878 = vector.broadcast %get3A_877 : vector<1x128xf32> to vector<256x128xf32>
    %add3A_879 = arith.addf %dot_general3A_874, %add3A_878 : vector<256x128xf32>
    %add3A_880 = arith.addf %add3A_879, %get3A_3 : vector<256x128xf32>
    %swap3A = arith.constant 0 : index
    %swap3A_881 = arith.constant 0 : index
    %swap3A_882 = arith.constant 0 : index
    %swap3A_883 = vector.load %arg23[%swap3A, %swap3A_881, %swap3A_882] : memref<1x256x128xf32, #tpu.memory_space<vmem>>, vector<1x256x128xf32>
    %swap3A_884 = vector.shape_cast %swap3A_883 : vector<1x256x128xf32> to vector<256x128xf32>
    %swap3A_885 = vector.shape_cast %add3A_880 : vector<256x128xf32> to vector<1x256x128xf32>
    tpu.vector_store %arg23[%swap3A, %swap3A_881, %swap3A_882], %swap3A_885 {strides = array<i32>} : memref<1x256x128xf32, #tpu.memory_space<vmem>>, vector<1x256x128xf32>,
    %get3A_886 = arith.constant 0 : index
    %get3A_887 = arith.constant 0 : index
    %get3A_888 = arith.constant 0 : index
    %get3A_889 = vector.load %arg3[%get3A_886, %get3A_887, %get3A_888] : memref<1x256x3xf32, #tpu.memory_space<vmem>>, vector<1x256x3xf32>
    %get3A_890 = vector.shape_cast %get3A_889 : vector<1x256x3xf32> to vector<256x3xf32>
    %slice3A = vector.extract_strided_slice %get3A_890 {offsets = [0, 0], sizes = [256, 1], strides = [1, 1]} : vector<256x3xf32> to vector<256x1xf32>
    %add3A_891 = arith.addf %slice3A, %add3A_805 : vector<256x1xf32>
    %slice3A_892 = vector.extract_strided_slice %get3A_890 {offsets = [0, 1], sizes = [256, 1], strides = [1, 1]} : vector<256x3xf32> to vector<256x1xf32>
    %add3A_893 = arith.addf %slice3A_892, %add3A_814 : vector<256x1xf32>
    %slice3A_894 = vector.extract_strided_slice %get3A_890 {offsets = [0, 2], sizes = [256, 1], strides = [1, 1]} : vector<256x3xf32> to vector<256x1xf32>
    %add3A_895 = arith.addf %slice3A_894, %add3A_823 : vector<256x1xf32>
    %concatenate3A_896 = tpu.concatenate %add3A_891, %add3A_893, %add3A_895 in 1 : vector<256x1xf32>, vector<256x1xf32>, vector<256x1xf32> -> vector<256x3xf32>
    %swap3A_897 = arith.constant 0 : index
    %swap3A_898 = arith.constant 0 : index
    %swap3A_899 = arith.constant 0 : index
    %swap3A_900 = vector.load %arg24[%swap3A_897, %swap3A_898, %swap3A_899] : memref<1x256x3xf32, #tpu.memory_space<vmem>>, vector<1x256x3xf32>
    %swap3A_901 = vector.shape_cast %swap3A_900 : vector<1x256x3xf32> to vector<256x3xf32>
    %swap3A_902 = vector.shape_cast %concatenate3A_896 : vector<256x3xf32> to vector<1x256x3xf32>
    tpu.vector_store %arg24[%swap3A_897, %swap3A_898, %swap3A_899], %swap3A_902 {strides = array<i32>} : memref<1x256x3xf32, #tpu.memory_space<vmem>>, vector<1x256x3xf32>,
    return
  }
  func.func @transform_0(%arg0: i32, %arg1: i32) -> (i32, i32, i32) {
    %c0_i32 = arith.constant 0 : i32
    %c0_i32_0 = arith.constant 0 : i32
    return %arg0, %arg1, %c0_i32 : i32, i32, i32
  }
  func.func @transform_1(%arg0: i32, %arg1: i32) -> (i32, i32, i32) {
    %c0_i32 = arith.constant 0 : i32
    %c0_i32_0 = arith.constant 0 : i32
    return %arg0, %arg1, %c0_i32 : i32, i32, i32
  }
  func.func @transform_2(%arg0: i32, %arg1: i32) -> (i32, i32, i32) {
    %c0_i32 = arith.constant 0 : i32
    %c0_i32_0 = arith.constant 0 : i32
    return %arg0, %arg1, %c0_i32 : i32, i32, i32
  }
  func.func @transform_3(%arg0: i32, %arg1: i32) -> (i32, i32, i32) {
    %c0_i32 = arith.constant 0 : i32
    %c0_i32_0 = arith.constant 0 : i32
    return %arg0, %arg1, %c0_i32 : i32, i32, i32
  }
  func.func @transform_4(%arg0: i32, %arg1: i32) -> (i32, i32, i32) {
    %c0_i32 = arith.constant 0 : i32
    %c0_i32_0 = arith.constant 0 : i32
    return %arg0, %arg1, %c0_i32 : i32, i32, i32
  }
  func.func @transform_5(%arg0: i32, %arg1: i32) -> (i32, i32, i32) {
    %c0_i32 = arith.constant 0 : i32
    %c0_i32_0 = arith.constant 0 : i32
    return %arg0, %arg1, %c0_i32 : i32, i32, i32
  }
  func.func @transform_6(%arg0: i32, %arg1: i32) -> (i32, i32, i32) {
    %c0_i32 = arith.constant 0 : i32
    %c0_i32_0 = arith.constant 0 : i32
    return %arg0, %arg1, %c0_i32 : i32, i32, i32
  }
  func.func @transform_7(%arg0: i32, %arg1: i32) -> (i32, i32) {
    %c0_i32 = arith.constant 0 : i32
    %c0_i32_0 = arith.constant 0 : i32
    %c0_i32_1 = arith.constant 0 : i32
    return %c0_i32, %c0_i32_0 : i32, i32
  }
  func.func @transform_8(%arg0: i32, %arg1: i32) -> (i32, i32) {
    %c0_i32 = arith.constant 0 : i32
    %c0_i32_0 = arith.constant 0 : i32
    %c0_i32_1 = arith.constant 0 : i32
    return %c0_i32, %c0_i32_0 : i32, i32
  }
  func.func @transform_9(%arg0: i32, %arg1: i32) -> (i32, i32) {
    %c0_i32 = arith.constant 0 : i32
    %c0_i32_0 = arith.constant 0 : i32
    %c0_i32_1 = arith.constant 0 : i32
    return %c0_i32, %c0_i32_0 : i32, i32
  }
  func.func @transform_10(%arg0: i32, %arg1: i32) -> (i32, i32) {
    %c0_i32 = arith.constant 0 : i32
    %c0_i32_0 = arith.constant 0 : i32
    %c0_i32_1 = arith.constant 0 : i32
    return %c0_i32, %c0_i32_0 : i32, i32
  }
  func.func @transform_11(%arg0: i32, %arg1: i32) -> (i32, i32) {
    %c0_i32 = arith.constant 0 : i32
    %c0_i32_0 = arith.constant 0 : i32
    %c0_i32_1 = arith.constant 0 : i32
    return %c0_i32, %c0_i32_0 : i32, i32
  }
  func.func @transform_12(%arg0: i32, %arg1: i32) -> (i32, i32) {
    %c0_i32 = arith.constant 0 : i32
    %c0_i32_0 = arith.constant 0 : i32
    %c0_i32_1 = arith.constant 0 : i32
    return %c0_i32, %c0_i32_0 : i32, i32
  }
  func.func @transform_13(%arg0: i32, %arg1: i32) -> (i32, i32) {
    %c0_i32 = arith.constant 0 : i32
    %c0_i32_0 = arith.constant 0 : i32
    %c0_i32_1 = arith.constant 0 : i32
    return %c0_i32, %c0_i32_0 : i32, i32
  }
  func.func @transform_14(%arg0: i32, %arg1: i32) -> (i32, i32) {
    %c0_i32 = arith.constant 0 : i32
    %c0_i32_0 = arith.constant 0 : i32
    %c0_i32_1 = arith.constant 0 : i32
    return %c0_i32, %c0_i32_0 : i32, i32
  }
  func.func @transform_15(%arg0: i32, %arg1: i32) -> (i32, i32) {
    %c0_i32 = arith.constant 0 : i32
    %c0_i32_0 = arith.constant 0 : i32
    %c0_i32_1 = arith.constant 0 : i32
    return %c0_i32, %c0_i32_0 : i32, i32
  }
  func.func @transform_16(%arg0: i32, %arg1: i32) -> (i32, i32) {
    %c0_i32 = arith.constant 0 : i32
    %c0_i32_0 = arith.constant 0 : i32
    %c0_i32_1 = arith.constant 0 : i32
    return %c0_i32, %c0_i32_0 : i32, i32
  }
  func.func @transform_17(%arg0: i32, %arg1: i32) -> (i32, i32) {
    %c0_i32 = arith.constant 0 : i32
    %c0_i32_0 = arith.constant 0 : i32
    %c0_i32_1 = arith.constant 0 : i32
    return %c0_i32, %c0_i32_0 : i32, i32
  }
  func.func @transform_18(%arg0: i32, %arg1: i32) -> (i32, i32) {
    %c0_i32 = arith.constant 0 : i32
    %c0_i32_0 = arith.constant 0 : i32
    %c0_i32_1 = arith.constant 0 : i32
    return %c0_i32, %c0_i32_0 : i32, i32
  }
  func.func @transform_19(%arg0: i32, %arg1: i32) -> (i32, i32) {
    %c0_i32 = arith.constant 0 : i32
    %c0_i32_0 = arith.constant 0 : i32
    %c0_i32_1 = arith.constant 0 : i32
    return %c0_i32, %c0_i32_0 : i32, i32
  }
  func.func @transform_20(%arg0: i32, %arg1: i32) -> (i32, i32) {
    %c0_i32 = arith.constant 0 : i32
    %c0_i32_0 = arith.constant 0 : i32
    %c0_i32_1 = arith.constant 0 : i32
    return %c0_i32, %c0_i32_0 : i32, i32
  }
  func.func @transform_21(%arg0: i32, %arg1: i32) -> (i32, i32, i32) {
    %c0_i32 = arith.constant 0 : i32
    %c0_i32_0 = arith.constant 0 : i32
    return %arg0, %arg1, %c0_i32 : i32, i32, i32
  }
  func.func @transform_22(%arg0: i32, %arg1: i32) -> (i32, i32, i32) {
    %c0_i32 = arith.constant 0 : i32
    %c0_i32_0 = arith.constant 0 : i32
    return %arg0, %arg1, %c0_i32 : i32, i32, i32
  }
}

</mosaic_0001>

<sc_bundles>
// kernel: kernel.15.cloned.1.call-start
scs
__scs_entry_jumppad:
0x0: {  	(pc) =	sbr.rel $0x88, $3  }
0x1: {  	(tag) =	ssettag $0x0;
	lr =	simm.s32 $0x1  }
0x2: {  	[smem:$0x3F90] =	sst lr;
	_ =	strace $0xD0000000  }
0x3: {  	_ = 	snop  }
0x4: {  	_ = 	snop  }
0x5: {  	_ = 	snop  }
0x6: {  	_ = 	snop  }
0x7: {  	_ = 	snop  }
__scs_overlays_trampoline_lowered:
0x8: {  	[smem:$0x3F9F] =	sst s0  }
0x9: {  	[smem:$0x3FA0] =	sst s1  }
0xa: {  	[smem:$0x3FA1] =	sst s2  }
0xb: {  	[smem:$0x3FA2] =	sst s3  }
0xc: {  	[smem:$0x3FA3] =	sst s4  }
0xd: {  	[smem:$0x3FA4] =	sst s5  }
0xe: {  	[smem:$0x3FA5] =	sst s6  }
0xf: {  	[smem:$0x3FA6] =	sst s7  }
0x10: {  	[smem:$0x3FA7] =	sst s8  }
0x11: {  	[smem:$0x3FA8] =	sst s9;
	s0 =	simm.s32 @!p0 $0x0  }
0x12: {  	s1 =	sld [smem:$0x3F8E];
	s0 =	simm.s32 @p0 $0x1  }
0x13: {  	[smem:$0x3FA9] =	sst s0;
	s0 =	simm.s32 @!p1 $0x0  }
0x14: {  	s2 =	sld [smem:$0x3F8D];
	s0 =	simm.s32 @p1 $0x1  }
0x15: {  	[smem:$0x3FAA] =	sst s0;
	s0 =	simm.s32 @!p2 $0x0  }
0x16: {  	s3 =	sld [smem:$0x3FDB];
	s0 =	simm.s32 @p2 $0x1  }
0x17: {  	s4 =	simm.s32 $0x1BF5;
	[smem:$0x3FAC] =	sst s0  }
0x18: {  	s0 =	sld [smem:$0x3F8F];
	_ =	swait.ge [sflag:s4], $0x0  }
0x19: {  	s7 =	sld [smem:$0x3F90]  }
0x1a: {  	s8 =	sadd.s32 $0xFFFFE003, lr  }
0x1b: {  	s9 =	sadd.s32 $0xFFFFFEF7, lr;
	s5 =	simm.s32 $0xFFFFFFFF;
	p2 =	slt.u32 s8, $0xFFFFF086  }
0x1c: {  	p1 =	slt.u32 s9, $0xF7A;
	s5 =	simm.s32 @!p2 $0x0  }
0x1d: {  	s5 =	simm.s32 @p1 $0x1;
	p0 =	seq.s32 s7, s2  }
0x1e: {  	s7 =	smul.u32 @!p0 $0xF7A, s2;
	p2 =	seq.s32 @!p0 s5, $0x0  }
0x1f: {  	s9 =	smul.u32 $0xF7A, s1;
	s8 =	simm.s32 @!p0 $0x1BF5;
	p2 =	por !p2, p0  }
0x20: {  	[sflag:s8] =	ssyncset.s32 @!p0 $0xFFFFF086;
	s6 =	sadd.s32 @!p0 s3, s7;
	s7 =	simm.s32 @!p0 $0x108  }
0x21: {  	s3 =	sadd.s32 s3, s9;
	s6 =	sadd.s32 @!p0 $0x88, s6;
	s7 =	simm.s32 @p2 $0x1082  }
0x22: {  	[simem:s7], [sflag:s8] =	dma.local @!p0 [hbm:s6], $0xF7A  }
0x23: {  	s9 =	sor.u32 $0xD0000000, s2;
	s6 =	simm.s32 $0x108;
	_ =	swait.ge @!p0 [sflag:s8], $0x0  }
0x24: {  	s3 =	sadd.s32 $0x88, s3;
	s6 =	simm.s32 @!p1 $0x1082;
	[sflag:s4] =	ssyncset.s32 $0xFFFFF086  }
0x25: {  	[simem:s6], [sflag:s4] =	dma.local [hbm:s3], $0xF7A  }
0x26: {  	[smem:$0x3F90] =	sst s1;
	(tag) =	ssettag s2;
	_ =	strace s9  }
0x27: {  	s1 =	sld [smem:$0x3FA0]  }
0x28: {  	s2 =	sld [smem:$0x3FA1]  }
0x29: {  	s4 =	sld [smem:$0x3FA3]  }
0x2a: {  	p0 =	seq.s32 s5, $0x0;
	s5 =	sld [smem:$0x3FA4]  }
0x2b: {  	s6 =	sld [smem:$0x3FA5]  }
0x2c: {  	s7 =	sld [smem:$0x3FA6]  }
0x2d: {  	s3 =	simm.s32 $0x108;
	s8 =	sld [smem:$0x3FA7]  }
0x2e: {  	s3 =	simm.s32 @!p0 $0x1082;
	s9 =	sld [smem:$0x3FA8]  }
0x2f: {  	lr =	sadd.s32 s0, s3;
	s0 =	sld [smem:$0x3F9F]  }
0x30: {  	s3 =	sld [smem:$0x3FA2]  }
0x31: {  	[smem:$0x3FAB] =	sst s10  }
0x32: {  	s10 =	sld [smem:$0x3FA9];
	_ =	sdelay $0x3  }
0x33: {  	p0 =	seq.s32 s10, $0x1;
	s10 =	sld [smem:$0x3FAB];
	_ =	sdelay $0x3  }
0x34: {  	[smem:$0x3FAB] =	sst s10  }
0x35: {  	s10 =	sld [smem:$0x3FAA];
	_ =	sdelay $0x3  }
0x36: {  	p1 =	seq.s32 s10, $0x1;
	s10 =	sld [smem:$0x3FAB];
	_ =	sdelay $0x3  }
0x37: {  	[smem:$0x3FAB] =	sst s10  }
0x38: {  	s10 =	sld [smem:$0x3FAC]  }
0x39: {  	_ = 	snop;
	(pc) =	sbr.ind lr, $3  }
0x3a: {  	_ = 	snop  }
0x3b: {  	_ = 	snop  }
0x3c: {  	p2 =	seq.s32 s10, $0x1;
	s10 =	sld [smem:$0x3FAB]  }
0x3d: {  	_ =	shalt  }
0x3e: {  	_ =	shalt  }
0x3f: {  	_ =	shalt  }
0x40: {  	_ =	shalt  }
0x41: {  	_ =	shalt  }
0x42: {  	_ =	shalt  }
0x43: {  	_ =	shalt  }
0x44: {  	_ =	shalt  }
0x45: {  	_ =	shalt  }
0x46: {  	_ =	shalt  }
0x47: {  	_ =	shalt  }
0x48: {  	_ =	shalt  }
0x49: {  	_ =	shalt  }
0x4a: {  	_ =	shalt  }
0x4b: {  	_ =	shalt  }
0x4c: {  	_ =	shalt  }
0x4d: {  	_ =	shalt  }
0x4e: {  	_ =	shalt  }
0x4f: {  	_ =	shalt  }
0x50: {  	_ =	shalt  }
0x51: {  	_ =	shalt  }
0x52: {  	_ =	shalt  }
0x53: {  	_ =	shalt  }
0x54: {  	_ =	shalt  }
0x55: {  	_ =	shalt  }
0x56: {  	_ =	shalt  }
0x57: {  	_ =	shalt  }
0x58: {  	_ =	shalt  }
0x59: {  	_ =	shalt  }
0x5a: {  	_ =	shalt  }
0x5b: {  	_ =	shalt  }
0x5c: {  	_ =	shalt  }
0x5d: {  	_ =	shalt  }
0x5e: {  	_ =	shalt  }
0x5f: {  	_ =	shalt  }
0x60: {  	_ =	shalt  }
0x61: {  	_ =	shalt  }
0x62: {  	_ =	shalt  }
0x63: {  	_ =	shalt  }
0x64: {  	_ =	shalt  }
0x65: {  	_ =	shalt  }
0x66: {  	_ =	shalt  }
0x67: {  	_ =	shalt  }
0x68: {  	_ =	shalt  }
0x69: {  	_ =	shalt  }
0x6a: {  	_ =	shalt  }
0x6b: {  	_ =	shalt  }
0x6c: {  	_ =	shalt  }
0x6d: {  	_ =	shalt  }
0x6e: {  	_ =	shalt  }
0x6f: {  	_ =	shalt  }
0x70: {  	_ =	shalt  }
0x71: {  	_ =	shalt  }
0x72: {  	_ =	shalt  }
0x73: {  	_ =	shalt  }
0x74: {  	_ =	shalt  }
0x75: {  	_ =	shalt  }
0x76: {  	_ =	shalt  }
0x77: {  	_ =	shalt  }
0x78: {  	_ =	shalt  }
0x79: {  	_ =	shalt  }
0x7a: {  	_ =	shalt  }
0x7b: {  	_ =	shalt  }
0x7c: {  	_ =	shalt  }
0x7d: {  	_ =	shalt  }
0x7e: {  	_ =	shalt  }
0x7f: {  	_ =	shalt  }
0x80: {  	_ =	shalt  }
0x81: {  	_ =	shalt  }
0x82: {  	_ =	shalt  }
0x83: {  	_ =	shalt  }
0x84: {  	_ =	shalt  }
0x85: {  	_ =	shalt  }
0x86: {  	_ =	shalt  }
0x87: {  	_ =	shalt  }
.Lfunc_end0:
.L_simem_size_0:
called_computation_lowered:
.L_overlay_start_0:
0x88: {  	s2 =	sld [smem:$0x3FD9]  }
0x89: {  	s3 =	sld [smem:$0x3FFE];
	_ =	sdelay $0x1  }
0x8a: {  	s1 =	srdreg.scid  }
0x8b: {  	s0 =	sand.u32 $0x1, s1  }
0x8c: {  	s14 =	sshll.u32 s0, $0xA;
	s2 =	sadd.s32 s3, s2  }
0x8d: {  	s2 =	sadd.s32 s2, s14  }
0x8e: {  	[smem:$0x3FB7] =	sst s2  }
0x8f: {  	_ = 	snop  }
0x90: {  	s2 =	sld [smem:$0x3FD0];
	_ =	sdelay $0x2  }
0x91: {  	s15 =	simm.s32 $0xA;
	s4 =	simm.s32 $0x10  }
0x92: {  	[smem:s4], [sflag:s15] =	dma.local [hbm:s2], $0x1  }
0x93: {  	_ =	swait.eq [sflag:s15], $0x1  }
0x94: {  	[sflag:s15] =	ssyncset.done $0x0  }
0x95: {  	[sflag:s15] =	ssyncadd.s32 $0xFFFFFFFF  }
0x96: {  	s16 =	sld [smem:$0x10];
	(tm) =	ssettm $0x1  }
0x97: {  	s17 =	sld [smem:$0x3FFB];
	_ =	sdelay $0x3  }
0x98: {  	_ =	strace s17  }
0x99: {  	s3 =	sld [smem:$0x3FFC];
	_ =	sdelay $0x3  }
0x9a: {  	_ =	strace s3  }
0x9b: {  	s3 =	sld [smem:$0x3FFD];
	_ =	sdelay $0x3  }
0x9c: {  	_ =	strace s3  }
0x9d: {  	_ =	strace $0x8FFFFFFF  }
0x9e: {  	s18 =	sld [smem:$0x3FDB];
	_ =	sdelay $0x1  }
0x9f: {  	s19 =	simm.s32 $_scs_section_size  }
0xa0: {  	s5 =	simm.s32 $_size__tile_overlayer_lowered;
	s6 =	simm.s32 $_tile_overlayer_lowered  }
0xa1: {  	s22 =	simm.s32 $0x1BFF;
	s21 =	sshll.u32 s6, $0x1;
	s3 =	sadd.s32 s19, s18  }
0xa2: {  	s7 =	simm.s32 $0x0;
	s20 =	sshll.u32 s5, $0x1;
	s5 =	sadd.s32 s21, s3  }
0xa3: {  	[timem:s7], [sflag:s22] =	dma.local [hbm:s5], s20  }
0xa4: {  	_ =	swait.ge [sflag:s22], s20  }
0xa5: {  	s4 =	ssub.s32 $0x0, s20;
	[sflag:s22] =	ssyncset.done $0x0  }
0xa6: {  	[sflag:s22] =	ssyncadd.s32 s4;
	_ =	sdelay $0x1  }
0xa7: {  	s23 =	simm.s32 $0x1B8B  }
0xa8: {  	_ =	swait.ge [sflag:s23], $0x1  }
0xa9: {  	[sflag:s23] =	ssyncset.done $0x0  }
0xaa: {  	s25 =	simm.s32 $0x1B8E;
	s24 =	sld [smem:$0x3FFE];
	[sflag:s23] =	ssyncadd.s32 $0xFFFFFFFF  }
0xab: {  	s26 =	simm.s32 $execute0_lowered;
	[smem:$0x3FD2] =	sst s25  }
0xac: {  	s5 =	sshll.u32 s26, $0x1;
	_ =	strace $0x80000046;
	[dreg:$0x1] =	wrdreg $0xFFFFFFFF  }
0xad: {  	s28 =	simm.s32 $_size_execute0_lowered;
	s3 =	sadd.s32 s3, s5;
	[dreg:$0x0] =	wrdreg $0x0  }
0xae: {  	s5 =	sshll.u32 s28, $0x1;
	[dreg:$0x2] =	wrdreg s3  }
0xaf: {  	[dreg:$0x3] =	wrdreg s5  }
0xb0: {  	[dreg:$0x4] =	wrdreg $0xC0  }
0xb1: {  	_ =	task [dreg:s7], $0x5FFFF  }
0xb2: {  	[dreg:$0x1] =	wrdreg $0xFFFFFFFF  }
0xb3: {  	[dreg:$0x0] =	wrdreg $0x60  }
0xb4: {  	[dreg:$0x2] =	wrdreg s16  }
0xb5: {  	[dreg:$0x3] =	wrdreg s24  }
0xb6: {  	[dreg:$0x4] =	wrdreg $0x9  }
0xb7: {  	_ =	task.clear_ibuf [dreg:s7], $0x5FFFF;
	_ =	strace $0x90000046  }
0xb8: {  	s29 =	simm.s32 $0x9;
	_ =	strace $0x80000048  }
0xb9: {  	_ =	swait.ge [sflag:s29], $0x1  }
0xba: {  	[sflag:s29] =	ssyncadd.s32 $0xFFFFFFFF  }
0xbb: {  	_ =	strace $0x90000048  }
0xbc: {  	_ =	sfence  }
0xbd: {  	s30 =	sld [smem:$0x0];
	_ =	sdelay $0x2  }
0xbe: {  	s31 =	sshll.u32 s1, $0xD;
	s1 =	sshrl.u32 s1, $0x2  }
0xbf: {  	s3 =	sand.u32 $0x4000, s31;
	s1 =	sadd.s32 s1, s30  }
0xc0: {  	s0 =	sor.u32 s3, s0;
	s1 =	sshll.u32 s1, $0x11  }
0xc1: {  	s0 =	sor.u32 s1, s0  }
0xc2: {  	s0 =	sadd.s32 $0x8F2B, s0  }
0xc3: {  	[sflag:s0] =	ssyncadd.remote.s32 $0x1  }
0xc4: {  	_ =	sfence.sel $0xFFFF  }
0xc5: {  	[dreg:$0x0] =	wrdreg $0xFFFFFFFF;
	(pc) =	sbr.abs _section_cstart, $3  }
0xc6: {  	[dreg:$0x1] =	wrdreg $0xFFFFFFFF  }
0xc7: {  	_ =	task.clear_ibuf [dreg:s7], $0x2FFFF;
	_ =	strace $0x9FFFFFFF  }
0xc8: {  	(tm) =	ssettm $0x7FFFFFFF  }
0xc9: {  	_ =	shalt  }
tec
execute0_lowered:
.L_overlay_start_1:
0x0: {  	(tag) =	ssettag $0x1  }
0x1: {  	s1 =	srdreg.scid  }
0x2: {  	s2 =	rddreg [dreg:$0x0];
	s0 =	stileid.u32;
	s22 =	sand.u32 $0x1, s1  }
0x3: {  	s8 =	rddreg [dreg:$0x1];
	s4 =	sshll.u32 s0, $0xB;
	s5 =	sshll.u32 s22, $0xA  }
0x4: {  	s3 =	simm.s32 $0x0;
	s1 =	rddreg [dreg:$0x2];
	s24 =	sor.u32 s5, s4  }
0x5: {  	[smem:$0x7FF] =	sst s3;
	s21 =	sadd.s32 $0x7000, s8;
	s4 =	sshrl.u32 s24, $0x3  }
0x6: {  	_ =	strace $0x80000047;
	s5 =	sadd.s32 s21, s4;
	s4 =	simm.s32 $0x2  }
0x7: {  	[tilespmem:s3], [sflag:$0x2] =	stream.linear.gather [hbm4b:s5+s3], $0x80, $0x38;
	[tilespmem:$0x4080] =	vst v63  }
0x8: {  	_ =	swait.ge [sflag:s4], $0x80  }
0x9: {  	[sflag:s4] =	ssyncset.done $0x0  }
0xa: {  	s6 =	simm.s32 $0x80;
	s7 =	simm.s32 $0x1;
	[sflag:s4] =	ssyncadd.s32 $0xFFFFFF80  }
0xb: {  	[tilespmem:s6], [sflag:$0x1] =	stream.indirect.gather [hbm4b:s2+s6], $0x80, s3, s6, $0xb8;
	[tilespmem:$0x4080] =	vst v63  }
0xc: {  	_ =	swait.ge [sflag:s7], $0x4000  }
0xd: {  	s23 =	sadd.s32 $0x8000, s8;
	s28 =	sshll.u32 s24, $0x4;
	[sflag:s7] =	ssyncset.done $0x0  }
0xe: {  	s8 =	sadd.s32 s23, s28;
	[sflag:s7] =	ssyncadd.s32 $0xFFFFC000  }
0xf: {  	[hbm4b:s8+s3] =	stream.linear.scatter [tilespmem:s6], [sflag:$0x2], $0x4000, $0x38;
	[tilespmem:$0x4080] =	vst v63  }
0x10: {  	s10 =	sor.u32 $0x80, s24;
	_ =	swait.ge [sflag:s4], $0x4000  }
0x11: {  	s9 =	sshrl.u32 s10, $0x3;
	[sflag:s4] =	ssyncset.done $0x0  }
0x12: {  	s9 =	sadd.s32 s21, s9;
	[sflag:s4] =	ssyncadd.s32 $0xFFFFC000  }
0x13: {  	[tilespmem:s3], [sflag:$0x2] =	stream.linear.gather [hbm4b:s9+s3], $0x80, $0x38;
	[tilespmem:$0x4080] =	vst v63  }
0x14: {  	_ =	swait.ge [sflag:s4], $0x80  }
0x15: {  	[sflag:s4] =	ssyncset.done $0x0  }
0x16: {  	[sflag:s4] =	ssyncadd.s32 $0xFFFFFF80  }
0x17: {  	[tilespmem:s6], [sflag:$0x1] =	stream.indirect.gather [hbm4b:s2+s6], $0x80, s3, s6, $0xb8;
	[tilespmem:$0x4080] =	vst v63  }
0x18: {  	_ =	swait.ge [sflag:s7], $0x4000  }
0x19: {  	s10 =	sshll.u32 s10, $0x4;
	[sflag:s7] =	ssyncset.done $0x0  }
0x1a: {  	s10 =	sadd.s32 s23, s10;
	[sflag:s7] =	ssyncadd.s32 $0xFFFFC000  }
0x1b: {  	[hbm4b:s10+s3] =	stream.linear.scatter [tilespmem:s6], [sflag:$0x2], $0x4000, $0x38;
	[tilespmem:$0x4080] =	vst v63  }
0x1c: {  	s12 =	sor.u32 $0x100, s24;
	_ =	swait.ge [sflag:s4], $0x4000  }
0x1d: {  	s11 =	sshrl.u32 s12, $0x3;
	[sflag:s4] =	ssyncset.done $0x0  }
0x1e: {  	s11 =	sadd.s32 s21, s11;
	[sflag:s4] =	ssyncadd.s32 $0xFFFFC000  }
0x1f: {  	[tilespmem:s3], [sflag:$0x2] =	stream.linear.gather [hbm4b:s11+s3], $0x80, $0x38;
	[tilespmem:$0x4080] =	vst v63  }
0x20: {  	_ =	swait.ge [sflag:s4], $0x80  }
0x21: {  	[sflag:s4] =	ssyncset.done $0x0  }
0x22: {  	[sflag:s4] =	ssyncadd.s32 $0xFFFFFF80  }
0x23: {  	[tilespmem:s6], [sflag:$0x1] =	stream.indirect.gather [hbm4b:s2+s6], $0x80, s3, s6, $0xb8;
	[tilespmem:$0x4080] =	vst v63  }
0x24: {  	_ =	swait.ge [sflag:s7], $0x4000  }
0x25: {  	s12 =	sshll.u32 s12, $0x4;
	[sflag:s7] =	ssyncset.done $0x0  }
0x26: {  	s12 =	sadd.s32 s23, s12;
	[sflag:s7] =	ssyncadd.s32 $0xFFFFC000  }
0x27: {  	[hbm4b:s12+s3] =	stream.linear.scatter [tilespmem:s6], [sflag:$0x2], $0x4000, $0x38;
	[tilespmem:$0x4080] =	vst v63  }
0x28: {  	s14 =	sor.u32 $0x180, s24;
	_ =	swait.ge [sflag:s4], $0x4000  }
0x29: {  	s13 =	sshrl.u32 s14, $0x3;
	[sflag:s4] =	ssyncset.done $0x0  }
0x2a: {  	s13 =	sadd.s32 s21, s13;
	[sflag:s4] =	ssyncadd.s32 $0xFFFFC000  }
0x2b: {  	[tilespmem:s3], [sflag:$0x2] =	stream.linear.gather [hbm4b:s13+s3], $0x80, $0x38;
	[tilespmem:$0x4080] =	vst v63  }
0x2c: {  	_ =	swait.ge [sflag:s4], $0x80  }
0x2d: {  	[sflag:s4] =	ssyncset.done $0x0  }
0x2e: {  	[sflag:s4] =	ssyncadd.s32 $0xFFFFFF80  }
0x2f: {  	[tilespmem:s6], [sflag:$0x1] =	stream.indirect.gather [hbm4b:s2+s6], $0x80, s3, s6, $0xb8;
	[tilespmem:$0x4080] =	vst v63  }
0x30: {  	_ =	swait.ge [sflag:s7], $0x4000  }
0x31: {  	s14 =	sshll.u32 s14, $0x4;
	[sflag:s7] =	ssyncset.done $0x0  }
0x32: {  	s14 =	sadd.s32 s23, s14;
	[sflag:s7] =	ssyncadd.s32 $0xFFFFC000  }
0x33: {  	[hbm4b:s14+s3] =	stream.linear.scatter [tilespmem:s6], [sflag:$0x2], $0x4000, $0x38;
	[tilespmem:$0x4080] =	vst v63  }
0x34: {  	s16 =	sor.u32 $0x200, s24;
	_ =	swait.ge [sflag:s4], $0x4000  }
0x35: {  	s15 =	sshrl.u32 s16, $0x3;
	[sflag:s4] =	ssyncset.done $0x0  }
0x36: {  	s15 =	sadd.s32 s21, s15;
	[sflag:s4] =	ssyncadd.s32 $0xFFFFC000  }
0x37: {  	[tilespmem:s3], [sflag:$0x2] =	stream.linear.gather [hbm4b:s15+s3], $0x80, $0x38;
	[tilespmem:$0x4080] =	vst v63  }
0x38: {  	_ =	swait.ge [sflag:s4], $0x80  }
0x39: {  	[sflag:s4] =	ssyncset.done $0x0  }
0x3a: {  	[sflag:s4] =	ssyncadd.s32 $0xFFFFFF80  }
0x3b: {  	[tilespmem:s6], [sflag:$0x1] =	stream.indirect.gather [hbm4b:s2+s6], $0x80, s3, s6, $0xb8;
	[tilespmem:$0x4080] =	vst v63  }
0x3c: {  	_ =	swait.ge [sflag:s7], $0x4000  }
0x3d: {  	s16 =	sshll.u32 s16, $0x4;
	[sflag:s7] =	ssyncset.done $0x0  }
0x3e: {  	s16 =	sadd.s32 s23, s16;
	[sflag:s7] =	ssyncadd.s32 $0xFFFFC000  }
0x3f: {  	[hbm4b:s16+s3] =	stream.linear.scatter [tilespmem:s6], [sflag:$0x2], $0x4000, $0x38;
	[tilespmem:$0x4080] =	vst v63  }
0x40: {  	s18 =	sor.u32 $0x280, s24;
	_ =	swait.ge [sflag:s4], $0x4000  }
0x41: {  	s17 =	sshrl.u32 s18, $0x3;
	[sflag:s4] =	ssyncset.done $0x0  }
0x42: {  	s17 =	sadd.s32 s21, s17;
	[sflag:s4] =	ssyncadd.s32 $0xFFFFC000  }
0x43: {  	[tilespmem:s3], [sflag:$0x2] =	stream.linear.gather [hbm4b:s17+s3], $0x80, $0x38;
	[tilespmem:$0x4080] =	vst v63  }
0x44: {  	_ =	swait.ge [sflag:s4], $0x80  }
0x45: {  	[sflag:s4] =	ssyncset.done $0x0  }
0x46: {  	[sflag:s4] =	ssyncadd.s32 $0xFFFFFF80  }
0x47: {  	[tilespmem:s6], [sflag:$0x1] =	stream.indirect.gather [hbm4b:s2+s6], $0x80, s3, s6, $0xb8;
	[tilespmem:$0x4080] =	vst v63  }
0x48: {  	_ =	swait.ge [sflag:s7], $0x4000  }
0x49: {  	s18 =	sshll.u32 s18, $0x4;
	[sflag:s7] =	ssyncset.done $0x0  }
0x4a: {  	s18 =	sadd.s32 s23, s18;
	[sflag:s7] =	ssyncadd.s32 $0xFFFFC000  }
0x4b: {  	[hbm4b:s18+s3] =	stream.linear.scatter [tilespmem:s6], [sflag:$0x2], $0x4000, $0x38;
	[tilespmem:$0x4080] =	vst v63  }
0x4c: {  	s20 =	sor.u32 $0x300, s24;
	_ =	swait.ge [sflag:s4], $0x4000  }
0x4d: {  	s19 =	sshrl.u32 s20, $0x3;
	[sflag:s4] =	ssyncset.done $0x0  }
0x4e: {  	s19 =	sadd.s32 s21, s19;
	[sflag:s4] =	ssyncadd.s32 $0xFFFFC000  }
0x4f: {  	[tilespmem:s3], [sflag:$0x2] =	stream.linear.gather [hbm4b:s19+s3], $0x80, $0x38;
	[tilespmem:$0x4080] =	vst v63  }
0x50: {  	_ =	swait.ge [sflag:s4], $0x80  }
0x51: {  	[sflag:s4] =	ssyncset.done $0x0  }
0x52: {  	[sflag:s4] =	ssyncadd.s32 $0xFFFFFF80  }
0x53: {  	[tilespmem:s6], [sflag:$0x1] =	stream.indirect.gather [hbm4b:s2+s6], $0x80, s3, s6, $0xb8;
	[tilespmem:$0x4080] =	vst v63  }
0x54: {  	_ =	swait.ge [sflag:s7], $0x4000  }
0x55: {  	s20 =	sshll.u32 s20, $0x4;
	[sflag:s7] =	ssyncset.done $0x0  }
0x56: {  	s20 =	sadd.s32 s23, s20;
	[sflag:s7] =	ssyncadd.s32 $0xFFFFC000  }
0x57: {  	[hbm4b:s20+s3] =	stream.linear.scatter [tilespmem:s6], [sflag:$0x2], $0x4000, $0x38;
	[tilespmem:$0x4080] =	vst v63  }
0x58: {  	s24 =	sor.u32 $0x380, s24;
	_ =	swait.ge [sflag:s4], $0x4000  }
0x59: {  	s25 =	sshrl.u32 s24, $0x3;
	[sflag:s4] =	ssyncset.done $0x0  }
0x5a: {  	s22 =	ssub.s32 $0x2, s22;
	s21 =	sadd.s32 s21, s25;
	[sflag:s4] =	ssyncadd.s32 $0xFFFFC000  }
0x5b: {  	[tilespmem:s3], [sflag:$0x2] =	stream.linear.gather [hbm4b:s21+s3], $0x80, $0x38;
	[tilespmem:$0x4080] =	vst v63  }
0x5c: {  	s29 =	sshrl.u32 s22, $0x1;
	_ =	swait.ge [sflag:s4], $0x80  }
0x5d: {  	s25 =	ssub.s32 s22, s29;
	[sflag:s4] =	ssyncset.done $0x0  }
0x5e: {  	s31 =	smax.u32 s25, $0x1;
	[sflag:s4] =	ssyncadd.s32 $0xFFFFFF80  }
0x5f: {  	[tilespmem:s6], [sflag:$0x1] =	stream.indirect.gather [hbm4b:s2+s6], $0x80, s3, s6, $0xb8;
	[tilespmem:$0x4080] =	vst v63  }
0x60: {  	p0 =	sne.s32 s31, $0x1;
	_ =	swait.ge [sflag:s7], $0x4000  }
.Ltmp0:
0x61: {  	s30 =	sshll.u32 s24, $0x4;
	[sflag:s7] =	ssyncset.done $0x0;
	(pc) =	sbr.rel @!p0 .LBB2_2-.Ltmp0, $4  }
0x62: {  	s22 =	sadd.s32 s23, s30;
	[sflag:s7] =	ssyncadd.s32 $0xFFFFC000  }
0x63: {  	[hbm4b:s22+s3] =	stream.linear.scatter [tilespmem:s6], [sflag:$0x2], $0x4000, $0x38;
	[tilespmem:$0x4080] =	vst v63  }
0x64: {  	_ =	swait.ge [sflag:s4], $0x4000  }
0x65: {  	s23 =	sadd.s32 $0xFFFFFFFF, s31;
	[sflag:s4] =	ssyncset.done $0x0  }
.LBB2_1:
0x66: {  	p0 =	sne.s32 s23, $0x1;
	s23 =	sadd.s32 $0xFFFFFFFF, s23;
	[sflag:s4] =	ssyncadd.s32 $0xFFFFC000  }
0x67: {  	[tilespmem:s3], [sflag:$0x2] =	stream.linear.gather [hbm4b:s5+s3], $0x80, $0x38;
	[tilespmem:$0x4080] =	vst v63  }
0x68: {  	_ =	swait.ge [sflag:s4], $0x80  }
0x69: {  	[sflag:s4] =	ssyncset.done $0x0  }
0x6a: {  	[sflag:s4] =	ssyncadd.s32 $0xFFFFFF80  }
0x6b: {  	[tilespmem:s6], [sflag:$0x1] =	stream.indirect.gather [hbm4b:s2+s6], $0x80, s3, s6, $0xb8;
	[tilespmem:$0x4080] =	vst v63  }
0x6c: {  	_ =	swait.ge [sflag:s7], $0x4000  }
0x6d: {  	[sflag:s7] =	ssyncset.done $0x0  }
0x6e: {  	[sflag:s7] =	ssyncadd.s32 $0xFFFFC000  }
0x6f: {  	[hbm4b:s8+s3] =	stream.linear.scatter [tilespmem:s6], [sflag:$0x2], $0x4000, $0x38;
	[tilespmem:$0x4080] =	vst v63  }
0x70: {  	_ =	swait.ge [sflag:s4], $0x4000  }
0x71: {  	[sflag:s4] =	ssyncset.done $0x0  }
0x72: {  	[sflag:s4] =	ssyncadd.s32 $0xFFFFC000  }
0x73: {  	[tilespmem:s3], [sflag:$0x2] =	stream.linear.gather [hbm4b:s9+s3], $0x80, $0x38;
	[tilespmem:$0x4080] =	vst v63  }
0x74: {  	_ =	swait.ge [sflag:s4], $0x80  }
0x75: {  	[sflag:s4] =	ssyncset.done $0x0  }
0x76: {  	[sflag:s4] =	ssyncadd.s32 $0xFFFFFF80  }
0x77: {  	[tilespmem:s6], [sflag:$0x1] =	stream.indirect.gather [hbm4b:s2+s6], $0x80, s3, s6, $0xb8;
	[tilespmem:$0x4080] =	vst v63  }
0x78: {  	_ =	swait.ge [sflag:s7], $0x4000  }
0x79: {  	[sflag:s7] =	ssyncset.done $0x0  }
0x7a: {  	[sflag:s7] =	ssyncadd.s32 $0xFFFFC000  }
0x7b: {  	[hbm4b:s10+s3] =	stream.linear.scatter [tilespmem:s6], [sflag:$0x2], $0x4000, $0x38;
	[tilespmem:$0x4080] =	vst v63  }
0x7c: {  	_ =	swait.ge [sflag:s4], $0x4000  }
0x7d: {  	[sflag:s4] =	ssyncset.done $0x0  }
0x7e: {  	[sflag:s4] =	ssyncadd.s32 $0xFFFFC000  }
0x7f: {  	[tilespmem:s3], [sflag:$0x2] =	stream.linear.gather [hbm4b:s11+s3], $0x80, $0x38;
	[tilespmem:$0x4080] =	vst v63  }
0x80: {  	_ =	swait.ge [sflag:s4], $0x80  }
0x81: {  	[sflag:s4] =	ssyncset.done $0x0  }
0x82: {  	[sflag:s4] =	ssyncadd.s32 $0xFFFFFF80  }
0x83: {  	[tilespmem:s6], [sflag:$0x1] =	stream.indirect.gather [hbm4b:s2+s6], $0x80, s3, s6, $0xb8;
	[tilespmem:$0x4080] =	vst v63  }
0x84: {  	_ =	swait.ge [sflag:s7], $0x4000  }
0x85: {  	[sflag:s7] =	ssyncset.done $0x0  }
0x86: {  	[sflag:s7] =	ssyncadd.s32 $0xFFFFC000  }
0x87: {  	[hbm4b:s12+s3] =	stream.linear.scatter [tilespmem:s6], [sflag:$0x2], $0x4000, $0x38;
	[tilespmem:$0x4080] =	vst v63  }
0x88: {  	_ =	swait.ge [sflag:s4], $0x4000  }
0x89: {  	[sflag:s4] =	ssyncset.done $0x0  }
0x8a: {  	[sflag:s4] =	ssyncadd.s32 $0xFFFFC000  }
0x8b: {  	[tilespmem:s3], [sflag:$0x2] =	stream.linear.gather [hbm4b:s13+s3], $0x80, $0x38;
	[tilespmem:$0x4080] =	vst v63  }
0x8c: {  	_ =	swait.ge [sflag:s4], $0x80  }
0x8d: {  	[sflag:s4] =	ssyncset.done $0x0  }
0x8e: {  	[sflag:s4] =	ssyncadd.s32 $0xFFFFFF80  }
0x8f: {  	[tilespmem:s6], [sflag:$0x1] =	stream.indirect.gather [hbm4b:s2+s6], $0x80, s3, s6, $0xb8;
	[tilespmem:$0x4080] =	vst v63  }
0x90: {  	_ =	swait.ge [sflag:s7], $0x4000  }
0x91: {  	[sflag:s7] =	ssyncset.done $0x0  }
0x92: {  	[sflag:s7] =	ssyncadd.s32 $0xFFFFC000  }
0x93: {  	[hbm4b:s14+s3] =	stream.linear.scatter [tilespmem:s6], [sflag:$0x2], $0x4000, $0x38;
	[tilespmem:$0x4080] =	vst v63  }
0x94: {  	_ =	swait.ge [sflag:s4], $0x4000  }
0x95: {  	[sflag:s4] =	ssyncset.done $0x0  }
0x96: {  	[sflag:s4] =	ssyncadd.s32 $0xFFFFC000  }
0x97: {  	[tilespmem:s3], [sflag:$0x2] =	stream.linear.gather [hbm4b:s15+s3], $0x80, $0x38;
	[tilespmem:$0x4080] =	vst v63  }
0x98: {  	_ =	swait.ge [sflag:s4], $0x80  }
0x99: {  	[sflag:s4] =	ssyncset.done $0x0  }
0x9a: {  	[sflag:s4] =	ssyncadd.s32 $0xFFFFFF80  }
0x9b: {  	[tilespmem:s6], [sflag:$0x1] =	stream.indirect.gather [hbm4b:s2+s6], $0x80, s3, s6, $0xb8;
	[tilespmem:$0x4080] =	vst v63  }
0x9c: {  	_ =	swait.ge [sflag:s7], $0x4000  }
0x9d: {  	[sflag:s7] =	ssyncset.done $0x0  }
0x9e: {  	[sflag:s7] =	ssyncadd.s32 $0xFFFFC000  }
0x9f: {  	[hbm4b:s16+s3] =	stream.linear.scatter [tilespmem:s6], [sflag:$0x2], $0x4000, $0x38;
	[tilespmem:$0x4080] =	vst v63  }
0xa0: {  	_ =	swait.ge [sflag:s4], $0x4000  }
0xa1: {  	[sflag:s4] =	ssyncset.done $0x0  }
0xa2: {  	[sflag:s4] =	ssyncadd.s32 $0xFFFFC000  }
0xa3: {  	[tilespmem:s3], [sflag:$0x2] =	stream.linear.gather [hbm4b:s17+s3], $0x80, $0x38;
	[tilespmem:$0x4080] =	vst v63  }
0xa4: {  	_ =	swait.ge [sflag:s4], $0x80  }
0xa5: {  	[sflag:s4] =	ssyncset.done $0x0  }
0xa6: {  	[sflag:s4] =	ssyncadd.s32 $0xFFFFFF80  }
0xa7: {  	[tilespmem:s6], [sflag:$0x1] =	stream.indirect.gather [hbm4b:s2+s6], $0x80, s3, s6, $0xb8;
	[tilespmem:$0x4080] =	vst v63  }
0xa8: {  	_ =	swait.ge [sflag:s7], $0x4000  }
0xa9: {  	[sflag:s7] =	ssyncset.done $0x0  }
0xaa: {  	[sflag:s7] =	ssyncadd.s32 $0xFFFFC000  }
0xab: {  	[hbm4b:s18+s3] =	stream.linear.scatter [tilespmem:s6], [sflag:$0x2], $0x4000, $0x38;
	[tilespmem:$0x4080] =	vst v63  }
0xac: {  	_ =	swait.ge [sflag:s4], $0x4000  }
0xad: {  	[sflag:s4] =	ssyncset.done $0x0  }
0xae: {  	[sflag:s4] =	ssyncadd.s32 $0xFFFFC000  }
0xaf: {  	[tilespmem:s3], [sflag:$0x2] =	stream.linear.gather [hbm4b:s19+s3], $0x80, $0x38;
	[tilespmem:$0x4080] =	vst v63  }
0xb0: {  	_ =	swait.ge [sflag:s4], $0x80  }
0xb1: {  	[sflag:s4] =	ssyncset.done $0x0  }
0xb2: {  	[sflag:s4] =	ssyncadd.s32 $0xFFFFFF80  }
0xb3: {  	[tilespmem:s6], [sflag:$0x1] =	stream.indirect.gather [hbm4b:s2+s6], $0x80, s3, s6, $0xb8;
	[tilespmem:$0x4080] =	vst v63  }
0xb4: {  	_ =	swait.ge [sflag:s7], $0x4000  }
0xb5: {  	[sflag:s7] =	ssyncset.done $0x0  }
0xb6: {  	[sflag:s7] =	ssyncadd.s32 $0xFFFFC000  }
0xb7: {  	[hbm4b:s20+s3] =	stream.linear.scatter [tilespmem:s6], [sflag:$0x2], $0x4000, $0x38;
	[tilespmem:$0x4080] =	vst v63  }
0xb8: {  	_ =	swait.ge [sflag:s4], $0x4000  }
0xb9: {  	[sflag:s4] =	ssyncset.done $0x0  }
0xba: {  	[sflag:s4] =	ssyncadd.s32 $0xFFFFC000  }
0xbb: {  	[tilespmem:s3], [sflag:$0x2] =	stream.linear.gather [hbm4b:s21+s3], $0x80, $0x38;
	[tilespmem:$0x4080] =	vst v63  }
0xbc: {  	_ =	swait.ge [sflag:s4], $0x80  }
0xbd: {  	[sflag:s4] =	ssyncset.done $0x0  }
0xbe: {  	[sflag:s4] =	ssyncadd.s32 $0xFFFFFF80  }
0xbf: {  	[tilespmem:s6], [sflag:$0x1] =	stream.indirect.gather [hbm4b:s2+s6], $0x80, s3, s6, $0xb8;
	[tilespmem:$0x4080] =	vst v63  }
0xc0: {  	_ =	swait.ge [sflag:s7], $0x4000  }
.Ltmp1:
0xc1: {  	[sflag:s7] =	ssyncset.done $0x0;
	(pc) =	sbr.rel @p0 .LBB2_1-.Ltmp1, $4  }
0xc2: {  	[sflag:s7] =	ssyncadd.s32 $0xFFFFC000  }
0xc3: {  	[hbm4b:s22+s3] =	stream.linear.scatter [tilespmem:s6], [sflag:$0x2], $0x4000, $0x38;
	[tilespmem:$0x4080] =	vst v63  }
0xc4: {  	_ =	swait.ge [sflag:s4], $0x4000  }
0xc5: {  	[sflag:s4] =	ssyncset.done $0x0  }
.LBB2_2:
0xc6: {  	[sflag:s4] =	ssyncadd.s32 $0xFFFFC000  }
0xc7: {  	_ =	sfence.sel $0x180000  }
0xc8: {  	[bflag:$0x0] =	sbarrier.arrive $0xFFFF  }
0xc9: {  	p0 =	sne.s32 s0, $0x0;
	_ =	strace $0x90000047  }
0xca: {  	s0 =	sadd.s32 @!p0 $0x100000, s1;
	[bflag:$0x2] =	sbarrier.arrive $0xFFFF  }
0xcb: {  	[sflag:s0] =	ssyncadd.tile.s32 @!p0 $0x1;
	_ =	shalt  }
.Lfunc_end2:
_tile_overlayer_lowered:
.L_overlay_start_2:
0xcc: {  	(tag) =	ssettag $0x2  }
0xcd: {  	s0 =	rddreg [dreg:$0x0];
	s2 =	stileid.u32  }
0xce: {  	s1 =	rddreg [dreg:$0x1];
	p0 =	sne.s32 s2, $0x0  }
0xcf: {  	s3 =	rddreg [dreg:$0x2];
	[bflag:$0x3] =	sbarrier.arrive $0xFFFF;
	s2 =	simm.s32 @!p0 $0x1C02  }
0xd0: {  	[timem:s3], [sflag:s2] =	dma.local @!p0 [hbm:s0], s1  }
0xd1: {  	s0 =	simm.s32 @!p0 $0x2  }
0xd2: {  	_ =	swait.ge @!p0 [sflag:s0], s1  }
0xd3: {  	s1 =	ssub.s32 @!p0 $0x0, s1;
	[sflag:s0] =	ssyncset.done @!p0 $0x0  }
0xd4: {  	[sflag:s0] =	ssyncadd.s32 @!p0 s1  }
0xd5: {  	[bflag:$0x3] =	sbarrier.arrive $0xFFFF  }
0xd6: {  	_ =	shalt  }

// kernel: kernel.18.cloned.1.call-start
scs
__scs_entry_jumppad:
0x0: {  	(pc) =	sbr.rel $0x88, $3  }
0x1: {  	(tag) =	ssettag $0x0;
	lr =	simm.s32 $0x1  }
0x2: {  	[smem:$0x3F90] =	sst lr;
	_ =	strace $0xD0000000  }
0x3: {  	_ = 	snop  }
0x4: {  	_ = 	snop  }
0x5: {  	_ = 	snop  }
0x6: {  	_ = 	snop  }
0x7: {  	_ = 	snop  }
__scs_overlays_trampoline_lowered:
0x8: {  	[smem:$0x3F9F] =	sst s0  }
0x9: {  	[smem:$0x3FA0] =	sst s1  }
0xa: {  	[smem:$0x3FA1] =	sst s2  }
0xb: {  	[smem:$0x3FA2] =	sst s3  }
0xc: {  	[smem:$0x3FA3] =	sst s4  }
0xd: {  	[smem:$0x3FA4] =	sst s5  }
0xe: {  	[smem:$0x3FA5] =	sst s6  }
0xf: {  	[smem:$0x3FA6] =	sst s7  }
0x10: {  	[smem:$0x3FA7] =	sst s8  }
0x11: {  	[smem:$0x3FA8] =	sst s9;
	s0 =	simm.s32 @!p0 $0x0  }
0x12: {  	s1 =	sld [smem:$0x3F8E];
	s0 =	simm.s32 @p0 $0x1  }
0x13: {  	[smem:$0x3FA9] =	sst s0;
	s0 =	simm.s32 @!p1 $0x0  }
0x14: {  	s2 =	sld [smem:$0x3F8D];
	s0 =	simm.s32 @p1 $0x1  }
0x15: {  	[smem:$0x3FAA] =	sst s0;
	s0 =	simm.s32 @!p2 $0x0  }
0x16: {  	s3 =	sld [smem:$0x3FDB];
	s0 =	simm.s32 @p2 $0x1  }
0x17: {  	s4 =	simm.s32 $0x1BF5;
	[smem:$0x3FAC] =	sst s0  }
0x18: {  	s0 =	sld [smem:$0x3F8F];
	_ =	swait.ge [sflag:s4], $0x0  }
0x19: {  	s7 =	sld [smem:$0x3F90]  }
0x1a: {  	s8 =	sadd.s32 $0xFFFFE003, lr  }
0x1b: {  	s9 =	sadd.s32 $0xFFFFFEF7, lr;
	s5 =	simm.s32 $0xFFFFFFFF;
	p2 =	slt.u32 s8, $0xFFFFF086  }
0x1c: {  	p1 =	slt.u32 s9, $0xF7A;
	s5 =	simm.s32 @!p2 $0x0  }
0x1d: {  	s5 =	simm.s32 @p1 $0x1;
	p0 =	seq.s32 s7, s2  }
0x1e: {  	s7 =	smul.u32 @!p0 $0xF7A, s2;
	p2 =	seq.s32 @!p0 s5, $0x0  }
0x1f: {  	s9 =	smul.u32 $0xF7A, s1;
	s8 =	simm.s32 @!p0 $0x1BF5;
	p2 =	por !p2, p0  }
0x20: {  	[sflag:s8] =	ssyncset.s32 @!p0 $0xFFFFF086;
	s6 =	sadd.s32 @!p0 s3, s7;
	s7 =	simm.s32 @!p0 $0x108  }
0x21: {  	s3 =	sadd.s32 s3, s9;
	s6 =	sadd.s32 @!p0 $0x88, s6;
	s7 =	simm.s32 @p2 $0x1082  }
0x22: {  	[simem:s7], [sflag:s8] =	dma.local @!p0 [hbm:s6], $0xF7A  }
0x23: {  	s9 =	sor.u32 $0xD0000000, s2;
	s6 =	simm.s32 $0x108;
	_ =	swait.ge @!p0 [sflag:s8], $0x0  }
0x24: {  	s3 =	sadd.s32 $0x88, s3;
	s6 =	simm.s32 @!p1 $0x1082;
	[sflag:s4] =	ssyncset.s32 $0xFFFFF086  }
0x25: {  	[simem:s6], [sflag:s4] =	dma.local [hbm:s3], $0xF7A  }
0x26: {  	[smem:$0x3F90] =	sst s1;
	(tag) =	ssettag s2;
	_ =	strace s9  }
0x27: {  	s1 =	sld [smem:$0x3FA0]  }
0x28: {  	s2 =	sld [smem:$0x3FA1]  }
0x29: {  	s4 =	sld [smem:$0x3FA3]  }
0x2a: {  	p0 =	seq.s32 s5, $0x0;
	s5 =	sld [smem:$0x3FA4]  }
0x2b: {  	s6 =	sld [smem:$0x3FA5]  }
0x2c: {  	s7 =	sld [smem:$0x3FA6]  }
0x2d: {  	s3 =	simm.s32 $0x108;
	s8 =	sld [smem:$0x3FA7]  }
0x2e: {  	s3 =	simm.s32 @!p0 $0x1082;
	s9 =	sld [smem:$0x3FA8]  }
0x2f: {  	lr =	sadd.s32 s0, s3;
	s0 =	sld [smem:$0x3F9F]  }
0x30: {  	s3 =	sld [smem:$0x3FA2]  }
0x31: {  	[smem:$0x3FAB] =	sst s10  }
0x32: {  	s10 =	sld [smem:$0x3FA9];
	_ =	sdelay $0x3  }
0x33: {  	p0 =	seq.s32 s10, $0x1;
	s10 =	sld [smem:$0x3FAB];
	_ =	sdelay $0x3  }
0x34: {  	[smem:$0x3FAB] =	sst s10  }
0x35: {  	s10 =	sld [smem:$0x3FAA];
	_ =	sdelay $0x3  }
0x36: {  	p1 =	seq.s32 s10, $0x1;
	s10 =	sld [smem:$0x3FAB];
	_ =	sdelay $0x3  }
0x37: {  	[smem:$0x3FAB] =	sst s10  }
0x38: {  	s10 =	sld [smem:$0x3FAC]  }
0x39: {  	_ = 	snop;
	(pc) =	sbr.ind lr, $3  }
0x3a: {  	_ = 	snop  }
0x3b: {  	_ = 	snop  }
0x3c: {  	p2 =	seq.s32 s10, $0x1;
	s10 =	sld [smem:$0x3FAB]  }
0x3d: {  	_ =	shalt  }
0x3e: {  	_ =	shalt  }
0x3f: {  	_ =	shalt  }
0x40: {  	_ =	shalt  }
0x41: {  	_ =	shalt  }
0x42: {  	_ =	shalt  }
0x43: {  	_ =	shalt  }
0x44: {  	_ =	shalt  }
0x45: {  	_ =	shalt  }
0x46: {  	_ =	shalt  }
0x47: {  	_ =	shalt  }
0x48: {  	_ =	shalt  }
0x49: {  	_ =	shalt  }
0x4a: {  	_ =	shalt  }
0x4b: {  	_ =	shalt  }
0x4c: {  	_ =	shalt  }
0x4d: {  	_ =	shalt  }
0x4e: {  	_ =	shalt  }
0x4f: {  	_ =	shalt  }
0x50: {  	_ =	shalt  }
0x51: {  	_ =	shalt  }
0x52: {  	_ =	shalt  }
0x53: {  	_ =	shalt  }
0x54: {  	_ =	shalt  }
0x55: {  	_ =	shalt  }
0x56: {  	_ =	shalt  }
0x57: {  	_ =	shalt  }
0x58: {  	_ =	shalt  }
0x59: {  	_ =	shalt  }
0x5a: {  	_ =	shalt  }
0x5b: {  	_ =	shalt  }
0x5c: {  	_ =	shalt  }
0x5d: {  	_ =	shalt  }
0x5e: {  	_ =	shalt  }
0x5f: {  	_ =	shalt  }
0x60: {  	_ =	shalt  }
0x61: {  	_ =	shalt  }
0x62: {  	_ =	shalt  }
0x63: {  	_ =	shalt  }
0x64: {  	_ =	shalt  }
0x65: {  	_ =	shalt  }
0x66: {  	_ =	shalt  }
0x67: {  	_ =	shalt  }
0x68: {  	_ =	shalt  }
0x69: {  	_ =	shalt  }
0x6a: {  	_ =	shalt  }
0x6b: {  	_ =	shalt  }
0x6c: {  	_ =	shalt  }
0x6d: {  	_ =	shalt  }
0x6e: {  	_ =	shalt  }
0x6f: {  	_ =	shalt  }
0x70: {  	_ =	shalt  }
0x71: {  	_ =	shalt  }
0x72: {  	_ =	shalt  }
0x73: {  	_ =	shalt  }
0x74: {  	_ =	shalt  }
0x75: {  	_ =	shalt  }
0x76: {  	_ =	shalt  }
0x77: {  	_ =	shalt  }
0x78: {  	_ =	shalt  }
0x79: {  	_ =	shalt  }
0x7a: {  	_ =	shalt  }
0x7b: {  	_ =	shalt  }
0x7c: {  	_ =	shalt  }
0x7d: {  	_ =	shalt  }
0x7e: {  	_ =	shalt  }
0x7f: {  	_ =	shalt  }
0x80: {  	_ =	shalt  }
0x81: {  	_ =	shalt  }
0x82: {  	_ =	shalt  }
0x83: {  	_ =	shalt  }
0x84: {  	_ =	shalt  }
0x85: {  	_ =	shalt  }
0x86: {  	_ =	shalt  }
0x87: {  	_ =	shalt  }
.Lfunc_end0:
.L_simem_size_0:
called_computation.1_lowered:
.L_overlay_start_0:
0x88: {  	s2 =	sld [smem:$0x3FD9]  }
0x89: {  	s3 =	sld [smem:$0x3FFE];
	_ =	sdelay $0x1  }
0x8a: {  	s1 =	srdreg.scid  }
0x8b: {  	s0 =	sand.u32 $0x1, s1  }
0x8c: {  	s14 =	sshll.u32 s0, $0xA;
	s2 =	sadd.s32 s3, s2  }
0x8d: {  	s2 =	sadd.s32 s2, s14  }
0x8e: {  	[smem:$0x3FB7] =	sst s2  }
0x8f: {  	_ = 	snop  }
0x90: {  	s2 =	sld [smem:$0x3FD0];
	_ =	sdelay $0x2  }
0x91: {  	s15 =	simm.s32 $0xA;
	s4 =	simm.s32 $0x10  }
0x92: {  	[smem:s4], [sflag:s15] =	dma.local [hbm:s2], $0x1  }
0x93: {  	_ =	swait.eq [sflag:s15], $0x1  }
0x94: {  	[sflag:s15] =	ssyncset.done $0x0  }
0x95: {  	[sflag:s15] =	ssyncadd.s32 $0xFFFFFFFF  }
0x96: {  	s16 =	sld [smem:$0x10];
	(tm) =	ssettm $0x1  }
0x97: {  	s17 =	sld [smem:$0x3FFB];
	_ =	sdelay $0x3  }
0x98: {  	_ =	strace s17  }
0x99: {  	s3 =	sld [smem:$0x3FFC];
	_ =	sdelay $0x3  }
0x9a: {  	_ =	strace s3  }
0x9b: {  	s3 =	sld [smem:$0x3FFD];
	_ =	sdelay $0x3  }
0x9c: {  	_ =	strace s3  }
0x9d: {  	_ =	strace $0x8FFFFFFF  }
0x9e: {  	s18 =	sld [smem:$0x3FDB];
	_ =	sdelay $0x1  }
0x9f: {  	s19 =	simm.s32 $_scs_section_size  }
0xa0: {  	s5 =	simm.s32 $_size__tile_overlayer_lowered;
	s6 =	simm.s32 $_tile_overlayer_lowered  }
0xa1: {  	s22 =	simm.s32 $0x1BFF;
	s21 =	sshll.u32 s6, $0x1;
	s3 =	sadd.s32 s19, s18  }
0xa2: {  	s7 =	simm.s32 $0x0;
	s20 =	sshll.u32 s5, $0x1;
	s5 =	sadd.s32 s21, s3  }
0xa3: {  	[timem:s7], [sflag:s22] =	dma.local [hbm:s5], s20  }
0xa4: {  	_ =	swait.ge [sflag:s22], s20  }
0xa5: {  	s4 =	ssub.s32 $0x0, s20;
	[sflag:s22] =	ssyncset.done $0x0  }
0xa6: {  	[sflag:s22] =	ssyncadd.s32 s4;
	_ =	sdelay $0x1  }
0xa7: {  	s23 =	simm.s32 $0x1B8B  }
0xa8: {  	_ =	swait.ge [sflag:s23], $0x1  }
0xa9: {  	[sflag:s23] =	ssyncset.done $0x0  }
0xaa: {  	s25 =	simm.s32 $0x1B8E;
	s24 =	sld [smem:$0x3FFE];
	[sflag:s23] =	ssyncadd.s32 $0xFFFFFFFF  }
0xab: {  	s26 =	simm.s32 $execute0_lowered;
	[smem:$0x3FD2] =	sst s25  }
0xac: {  	s5 =	sshll.u32 s26, $0x1;
	_ =	strace $0x80000049;
	[dreg:$0x1] =	wrdreg $0xFFFFFFFF  }
0xad: {  	s28 =	simm.s32 $_size_execute0_lowered;
	s3 =	sadd.s32 s3, s5;
	[dreg:$0x0] =	wrdreg $0x0  }
0xae: {  	s5 =	sshll.u32 s28, $0x1;
	[dreg:$0x2] =	wrdreg s3  }
0xaf: {  	[dreg:$0x3] =	wrdreg s5  }
0xb0: {  	[dreg:$0x4] =	wrdreg $0xC0  }
0xb1: {  	_ =	task [dreg:s7], $0x5FFFF  }
0xb2: {  	[dreg:$0x1] =	wrdreg $0xFFFFFFFF  }
0xb3: {  	[dreg:$0x0] =	wrdreg $0x60  }
0xb4: {  	[dreg:$0x2] =	wrdreg s16  }
0xb5: {  	[dreg:$0x3] =	wrdreg s24  }
0xb6: {  	[dreg:$0x4] =	wrdreg $0x9  }
0xb7: {  	_ =	task.clear_ibuf [dreg:s7], $0x5FFFF;
	_ =	strace $0x90000049  }
0xb8: {  	s29 =	simm.s32 $0x9;
	_ =	strace $0x8000004B  }
0xb9: {  	_ =	swait.ge [sflag:s29], $0x1  }
0xba: {  	[sflag:s29] =	ssyncadd.s32 $0xFFFFFFFF  }
0xbb: {  	_ =	strace $0x9000004B  }
0xbc: {  	_ =	sfence  }
0xbd: {  	s30 =	sld [smem:$0x0];
	_ =	sdelay $0x2  }
0xbe: {  	s31 =	sshll.u32 s1, $0xD;
	s1 =	sshrl.u32 s1, $0x2  }
0xbf: {  	s3 =	sand.u32 $0x4000, s31;
	s1 =	sadd.s32 s1, s30  }
0xc0: {  	s0 =	sor.u32 s3, s0;
	s1 =	sshll.u32 s1, $0x11  }
0xc1: {  	s0 =	sor.u32 s1, s0  }
0xc2: {  	s0 =	sadd.s32 $0x8F2B, s0  }
0xc3: {  	[sflag:s0] =	ssyncadd.remote.s32 $0x1  }
0xc4: {  	_ =	sfence.sel $0xFFFF  }
0xc5: {  	[dreg:$0x0] =	wrdreg $0xFFFFFFFF;
	(pc) =	sbr.abs _section_cstart, $3  }
0xc6: {  	[dreg:$0x1] =	wrdreg $0xFFFFFFFF  }
0xc7: {  	_ =	task.clear_ibuf [dreg:s7], $0x2FFFF;
	_ =	strace $0x9FFFFFFF  }
0xc8: {  	(tm) =	ssettm $0x7FFFFFFF  }
0xc9: {  	_ =	shalt  }
tec
execute0_lowered:
.L_overlay_start_1:
0x0: {  	(tag) =	ssettag $0x1  }
0x1: {  	s1 =	srdreg.scid  }
0x2: {  	s2 =	rddreg [dreg:$0x0];
	s0 =	stileid.u32;
	s22 =	sand.u32 $0x1, s1  }
0x3: {  	s8 =	rddreg [dreg:$0x1];
	s4 =	sshll.u32 s0, $0xB;
	s5 =	sshll.u32 s22, $0xA  }
0x4: {  	s3 =	simm.s32 $0x0;
	s1 =	rddreg [dreg:$0x2];
	s24 =	sor.u32 s5, s4  }
0x5: {  	[smem:$0x7FF] =	sst s3;
	s21 =	sadd.s32 $0x7000, s8;
	s4 =	sshrl.u32 s24, $0x3  }
0x6: {  	_ =	strace $0x8000004A;
	s5 =	sadd.s32 s21, s4;
	s4 =	simm.s32 $0x2  }
0x7: {  	[tilespmem:s3], [sflag:$0x2] =	stream.linear.gather [hbm4b:s5+s3], $0x80, $0x38;
	[tilespmem:$0x4080] =	vst v63  }
0x8: {  	_ =	swait.ge [sflag:s4], $0x80  }
0x9: {  	[sflag:s4] =	ssyncset.done $0x0  }
0xa: {  	s6 =	simm.s32 $0x80;
	s7 =	simm.s32 $0x1;
	[sflag:s4] =	ssyncadd.s32 $0xFFFFFF80  }
0xb: {  	[tilespmem:s6], [sflag:$0x1] =	stream.indirect.gather [hbm4b:s2+s6], $0x80, s3, s6, $0xb8;
	[tilespmem:$0x4080] =	vst v63  }
0xc: {  	_ =	swait.ge [sflag:s7], $0x4000  }
0xd: {  	s23 =	sadd.s32 $0x8000, s8;
	s28 =	sshll.u32 s24, $0x4;
	[sflag:s7] =	ssyncset.done $0x0  }
0xe: {  	s8 =	sadd.s32 s23, s28;
	[sflag:s7] =	ssyncadd.s32 $0xFFFFC000  }
0xf: {  	[hbm4b:s8+s3] =	stream.linear.scatter [tilespmem:s6], [sflag:$0x2], $0x4000, $0x38;
	[tilespmem:$0x4080] =	vst v63  }
0x10: {  	s10 =	sor.u32 $0x80, s24;
	_ =	swait.ge [sflag:s4], $0x4000  }
0x11: {  	s9 =	sshrl.u32 s10, $0x3;
	[sflag:s4] =	ssyncset.done $0x0  }
0x12: {  	s9 =	sadd.s32 s21, s9;
	[sflag:s4] =	ssyncadd.s32 $0xFFFFC000  }
0x13: {  	[tilespmem:s3], [sflag:$0x2] =	stream.linear.gather [hbm4b:s9+s3], $0x80, $0x38;
	[tilespmem:$0x4080] =	vst v63  }
0x14: {  	_ =	swait.ge [sflag:s4], $0x80  }
0x15: {  	[sflag:s4] =	ssyncset.done $0x0  }
0x16: {  	[sflag:s4] =	ssyncadd.s32 $0xFFFFFF80  }
0x17: {  	[tilespmem:s6], [sflag:$0x1] =	stream.indirect.gather [hbm4b:s2+s6], $0x80, s3, s6, $0xb8;
	[tilespmem:$0x4080] =	vst v63  }
0x18: {  	_ =	swait.ge [sflag:s7], $0x4000  }
0x19: {  	s10 =	sshll.u32 s10, $0x4;
	[sflag:s7] =	ssyncset.done $0x0  }
0x1a: {  	s10 =	sadd.s32 s23, s10;
	[sflag:s7] =	ssyncadd.s32 $0xFFFFC000  }
0x1b: {  	[hbm4b:s10+s3] =	stream.linear.scatter [tilespmem:s6], [sflag:$0x2], $0x4000, $0x38;
	[tilespmem:$0x4080] =	vst v63  }
0x1c: {  	s12 =	sor.u32 $0x100, s24;
	_ =	swait.ge [sflag:s4], $0x4000  }
0x1d: {  	s11 =	sshrl.u32 s12, $0x3;
	[sflag:s4] =	ssyncset.done $0x0  }
0x1e: {  	s11 =	sadd.s32 s21, s11;
	[sflag:s4] =	ssyncadd.s32 $0xFFFFC000  }
0x1f: {  	[tilespmem:s3], [sflag:$0x2] =	stream.linear.gather [hbm4b:s11+s3], $0x80, $0x38;
	[tilespmem:$0x4080] =	vst v63  }
0x20: {  	_ =	swait.ge [sflag:s4], $0x80  }
0x21: {  	[sflag:s4] =	ssyncset.done $0x0  }
0x22: {  	[sflag:s4] =	ssyncadd.s32 $0xFFFFFF80  }
0x23: {  	[tilespmem:s6], [sflag:$0x1] =	stream.indirect.gather [hbm4b:s2+s6], $0x80, s3, s6, $0xb8;
	[tilespmem:$0x4080] =	vst v63  }
0x24: {  	_ =	swait.ge [sflag:s7], $0x4000  }
0x25: {  	s12 =	sshll.u32 s12, $0x4;
	[sflag:s7] =	ssyncset.done $0x0  }
0x26: {  	s12 =	sadd.s32 s23, s12;
	[sflag:s7] =	ssyncadd.s32 $0xFFFFC000  }
0x27: {  	[hbm4b:s12+s3] =	stream.linear.scatter [tilespmem:s6], [sflag:$0x2], $0x4000, $0x38;
	[tilespmem:$0x4080] =	vst v63  }
0x28: {  	s14 =	sor.u32 $0x180, s24;
	_ =	swait.ge [sflag:s4], $0x4000  }
0x29: {  	s13 =	sshrl.u32 s14, $0x3;
	[sflag:s4] =	ssyncset.done $0x0  }
0x2a: {  	s13 =	sadd.s32 s21, s13;
	[sflag:s4] =	ssyncadd.s32 $0xFFFFC000  }
0x2b: {  	[tilespmem:s3], [sflag:$0x2] =	stream.linear.gather [hbm4b:s13+s3], $0x80, $0x38;
	[tilespmem:$0x4080] =	vst v63  }
0x2c: {  	_ =	swait.ge [sflag:s4], $0x80  }
0x2d: {  	[sflag:s4] =	ssyncset.done $0x0  }
0x2e: {  	[sflag:s4] =	ssyncadd.s32 $0xFFFFFF80  }
0x2f: {  	[tilespmem:s6], [sflag:$0x1] =	stream.indirect.gather [hbm4b:s2+s6], $0x80, s3, s6, $0xb8;
	[tilespmem:$0x4080] =	vst v63  }
0x30: {  	_ =	swait.ge [sflag:s7], $0x4000  }
0x31: {  	s14 =	sshll.u32 s14, $0x4;
	[sflag:s7] =	ssyncset.done $0x0  }
0x32: {  	s14 =	sadd.s32 s23, s14;
	[sflag:s7] =	ssyncadd.s32 $0xFFFFC000  }
0x33: {  	[hbm4b:s14+s3] =	stream.linear.scatter [tilespmem:s6], [sflag:$0x2], $0x4000, $0x38;
	[tilespmem:$0x4080] =	vst v63  }
0x34: {  	s16 =	sor.u32 $0x200, s24;
	_ =	swait.ge [sflag:s4], $0x4000  }
0x35: {  	s15 =	sshrl.u32 s16, $0x3;
	[sflag:s4] =	ssyncset.done $0x0  }
0x36: {  	s15 =	sadd.s32 s21, s15;
	[sflag:s4] =	ssyncadd.s32 $0xFFFFC000  }
0x37: {  	[tilespmem:s3], [sflag:$0x2] =	stream.linear.gather [hbm4b:s15+s3], $0x80, $0x38;
	[tilespmem:$0x4080] =	vst v63  }
0x38: {  	_ =	swait.ge [sflag:s4], $0x80  }
0x39: {  	[sflag:s4] =	ssyncset.done $0x0  }
0x3a: {  	[sflag:s4] =	ssyncadd.s32 $0xFFFFFF80  }
0x3b: {  	[tilespmem:s6], [sflag:$0x1] =	stream.indirect.gather [hbm4b:s2+s6], $0x80, s3, s6, $0xb8;
	[tilespmem:$0x4080] =	vst v63  }
0x3c: {  	_ =	swait.ge [sflag:s7], $0x4000  }
0x3d: {  	s16 =	sshll.u32 s16, $0x4;
	[sflag:s7] =	ssyncset.done $0x0  }
0x3e: {  	s16 =	sadd.s32 s23, s16;
	[sflag:s7] =	ssyncadd.s32 $0xFFFFC000  }
0x3f: {  	[hbm4b:s16+s3] =	stream.linear.scatter [tilespmem:s6], [sflag:$0x2], $0x4000, $0x38;
	[tilespmem:$0x4080] =	vst v63  }
0x40: {  	s18 =	sor.u32 $0x280, s24;
	_ =	swait.ge [sflag:s4], $0x4000  }
0x41: {  	s17 =	sshrl.u32 s18, $0x3;
	[sflag:s4] =	ssyncset.done $0x0  }
0x42: {  	s17 =	sadd.s32 s21, s17;
	[sflag:s4] =	ssyncadd.s32 $0xFFFFC000  }
0x43: {  	[tilespmem:s3], [sflag:$0x2] =	stream.linear.gather [hbm4b:s17+s3], $0x80, $0x38;
	[tilespmem:$0x4080] =	vst v63  }
0x44: {  	_ =	swait.ge [sflag:s4], $0x80  }
0x45: {  	[sflag:s4] =	ssyncset.done $0x0  }
0x46: {  	[sflag:s4] =	ssyncadd.s32 $0xFFFFFF80  }
0x47: {  	[tilespmem:s6], [sflag:$0x1] =	stream.indirect.gather [hbm4b:s2+s6], $0x80, s3, s6, $0xb8;
	[tilespmem:$0x4080] =	vst v63  }
0x48: {  	_ =	swait.ge [sflag:s7], $0x4000  }
0x49: {  	s18 =	sshll.u32 s18, $0x4;
	[sflag:s7] =	ssyncset.done $0x0  }
0x4a: {  	s18 =	sadd.s32 s23, s18;
	[sflag:s7] =	ssyncadd.s32 $0xFFFFC000  }
0x4b: {  	[hbm4b:s18+s3] =	stream.linear.scatter [tilespmem:s6], [sflag:$0x2], $0x4000, $0x38;
	[tilespmem:$0x4080] =	vst v63  }
0x4c: {  	s20 =	sor.u32 $0x300, s24;
	_ =	swait.ge [sflag:s4], $0x4000  }
0x4d: {  	s19 =	sshrl.u32 s20, $0x3;
	[sflag:s4] =	ssyncset.done $0x0  }
0x4e: {  	s19 =	sadd.s32 s21, s19;
	[sflag:s4] =	ssyncadd.s32 $0xFFFFC000  }
0x4f: {  	[tilespmem:s3], [sflag:$0x2] =	stream.linear.gather [hbm4b:s19+s3], $0x80, $0x38;
	[tilespmem:$0x4080] =	vst v63  }
0x50: {  	_ =	swait.ge [sflag:s4], $0x80  }
0x51: {  	[sflag:s4] =	ssyncset.done $0x0  }
0x52: {  	[sflag:s4] =	ssyncadd.s32 $0xFFFFFF80  }
0x53: {  	[tilespmem:s6], [sflag:$0x1] =	stream.indirect.gather [hbm4b:s2+s6], $0x80, s3, s6, $0xb8;
	[tilespmem:$0x4080] =	vst v63  }
0x54: {  	_ =	swait.ge [sflag:s7], $0x4000  }
0x55: {  	s20 =	sshll.u32 s20, $0x4;
	[sflag:s7] =	ssyncset.done $0x0  }
0x56: {  	s20 =	sadd.s32 s23, s20;
	[sflag:s7] =	ssyncadd.s32 $0xFFFFC000  }
0x57: {  	[hbm4b:s20+s3] =	stream.linear.scatter [tilespmem:s6], [sflag:$0x2], $0x4000, $0x38;
	[tilespmem:$0x4080] =	vst v63  }
0x58: {  	s24 =	sor.u32 $0x380, s24;
	_ =	swait.ge [sflag:s4], $0x4000  }
0x59: {  	s25 =	sshrl.u32 s24, $0x3;
	[sflag:s4] =	ssyncset.done $0x0  }
0x5a: {  	s22 =	ssub.s32 $0x2, s22;
	s21 =	sadd.s32 s21, s25;
	[sflag:s4] =	ssyncadd.s32 $0xFFFFC000  }
0x5b: {  	[tilespmem:s3], [sflag:$0x2] =	stream.linear.gather [hbm4b:s21+s3], $0x80, $0x38;
	[tilespmem:$0x4080] =	vst v63  }
0x5c: {  	s29 =	sshrl.u32 s22, $0x1;
	_ =	swait.ge [sflag:s4], $0x80  }
0x5d: {  	s25 =	ssub.s32 s22, s29;
	[sflag:s4] =	ssyncset.done $0x0  }
0x5e: {  	s31 =	smax.u32 s25, $0x1;
	[sflag:s4] =	ssyncadd.s32 $0xFFFFFF80  }
0x5f: {  	[tilespmem:s6], [sflag:$0x1] =	stream.indirect.gather [hbm4b:s2+s6], $0x80, s3, s6, $0xb8;
	[tilespmem:$0x4080] =	vst v63  }
0x60: {  	p0 =	sne.s32 s31, $0x1;
	_ =	swait.ge [sflag:s7], $0x4000  }
.Ltmp0:
0x61: {  	s30 =	sshll.u32 s24, $0x4;
	[sflag:s7] =	ssyncset.done $0x0;
	(pc) =	sbr.rel @!p0 .LBB2_2-.Ltmp0, $4  }
0x62: {  	s22 =	sadd.s32 s23, s30;
	[sflag:s7] =	ssyncadd.s32 $0xFFFFC000  }
0x63: {  	[hbm4b:s22+s3] =	stream.linear.scatter [tilespmem:s6], [sflag:$0x2], $0x4000, $0x38;
	[tilespmem:$0x4080] =	vst v63  }
0x64: {  	_ =	swait.ge [sflag:s4], $0x4000  }
0x65: {  	s23 =	sadd.s32 $0xFFFFFFFF, s31;
	[sflag:s4] =	ssyncset.done $0x0  }
.LBB2_1:
0x66: {  	p0 =	sne.s32 s23, $0x1;
	s23 =	sadd.s32 $0xFFFFFFFF, s23;
	[sflag:s4] =	ssyncadd.s32 $0xFFFFC000  }
0x67: {  	[tilespmem:s3], [sflag:$0x2] =	stream.linear.gather [hbm4b:s5+s3], $0x80, $0x38;
	[tilespmem:$0x4080] =	vst v63  }
0x68: {  	_ =	swait.ge [sflag:s4], $0x80  }
0x69: {  	[sflag:s4] =	ssyncset.done $0x0  }
0x6a: {  	[sflag:s4] =	ssyncadd.s32 $0xFFFFFF80  }
0x6b: {  	[tilespmem:s6], [sflag:$0x1] =	stream.indirect.gather [hbm4b:s2+s6], $0x80, s3, s6, $0xb8;
	[tilespmem:$0x4080] =	vst v63  }
0x6c: {  	_ =	swait.ge [sflag:s7], $0x4000  }
0x6d: {  	[sflag:s7] =	ssyncset.done $0x0  }
0x6e: {  	[sflag:s7] =	ssyncadd.s32 $0xFFFFC000  }
0x6f: {  	[hbm4b:s8+s3] =	stream.linear.scatter [tilespmem:s6], [sflag:$0x2], $0x4000, $0x38;
	[tilespmem:$0x4080] =	vst v63  }
0x70: {  	_ =	swait.ge [sflag:s4], $0x4000  }
0x71: {  	[sflag:s4] =	ssyncset.done $0x0  }
0x72: {  	[sflag:s4] =	ssyncadd.s32 $0xFFFFC000  }
0x73: {  	[tilespmem:s3], [sflag:$0x2] =	stream.linear.gather [hbm4b:s9+s3], $0x80, $0x38;
	[tilespmem:$0x4080] =	vst v63  }
0x74: {  	_ =	swait.ge [sflag:s4], $0x80  }
0x75: {  	[sflag:s4] =	ssyncset.done $0x0  }
0x76: {  	[sflag:s4] =	ssyncadd.s32 $0xFFFFFF80  }
0x77: {  	[tilespmem:s6], [sflag:$0x1] =	stream.indirect.gather [hbm4b:s2+s6], $0x80, s3, s6, $0xb8;
	[tilespmem:$0x4080] =	vst v63  }
0x78: {  	_ =	swait.ge [sflag:s7], $0x4000  }
0x79: {  	[sflag:s7] =	ssyncset.done $0x0  }
0x7a: {  	[sflag:s7] =	ssyncadd.s32 $0xFFFFC000  }
0x7b: {  	[hbm4b:s10+s3] =	stream.linear.scatter [tilespmem:s6], [sflag:$0x2], $0x4000, $0x38;
	[tilespmem:$0x4080] =	vst v63  }
0x7c: {  	_ =	swait.ge [sflag:s4], $0x4000  }
0x7d: {  	[sflag:s4] =	ssyncset.done $0x0  }
0x7e: {  	[sflag:s4] =	ssyncadd.s32 $0xFFFFC000  }
0x7f: {  	[tilespmem:s3], [sflag:$0x2] =	stream.linear.gather [hbm4b:s11+s3], $0x80, $0x38;
	[tilespmem:$0x4080] =	vst v63  }
0x80: {  	_ =	swait.ge [sflag:s4], $0x80  }
0x81: {  	[sflag:s4] =	ssyncset.done $0x0  }
0x82: {  	[sflag:s4] =	ssyncadd.s32 $0xFFFFFF80  }
0x83: {  	[tilespmem:s6], [sflag:$0x1] =	stream.indirect.gather [hbm4b:s2+s6], $0x80, s3, s6, $0xb8;
	[tilespmem:$0x4080] =	vst v63  }
0x84: {  	_ =	swait.ge [sflag:s7], $0x4000  }
0x85: {  	[sflag:s7] =	ssyncset.done $0x0  }
0x86: {  	[sflag:s7] =	ssyncadd.s32 $0xFFFFC000  }
0x87: {  	[hbm4b:s12+s3] =	stream.linear.scatter [tilespmem:s6], [sflag:$0x2], $0x4000, $0x38;
	[tilespmem:$0x4080] =	vst v63  }
0x88: {  	_ =	swait.ge [sflag:s4], $0x4000  }
0x89: {  	[sflag:s4] =	ssyncset.done $0x0  }
0x8a: {  	[sflag:s4] =	ssyncadd.s32 $0xFFFFC000  }
0x8b: {  	[tilespmem:s3], [sflag:$0x2] =	stream.linear.gather [hbm4b:s13+s3], $0x80, $0x38;
	[tilespmem:$0x4080] =	vst v63  }
0x8c: {  	_ =	swait.ge [sflag:s4], $0x80  }
0x8d: {  	[sflag:s4] =	ssyncset.done $0x0  }
0x8e: {  	[sflag:s4] =	ssyncadd.s32 $0xFFFFFF80  }
0x8f: {  	[tilespmem:s6], [sflag:$0x1] =	stream.indirect.gather [hbm4b:s2+s6], $0x80, s3, s6, $0xb8;
	[tilespmem:$0x4080] =	vst v63  }
0x90: {  	_ =	swait.ge [sflag:s7], $0x4000  }
0x91: {  	[sflag:s7] =	ssyncset.done $0x0  }
0x92: {  	[sflag:s7] =	ssyncadd.s32 $0xFFFFC000  }
0x93: {  	[hbm4b:s14+s3] =	stream.linear.scatter [tilespmem:s6], [sflag:$0x2], $0x4000, $0x38;
	[tilespmem:$0x4080] =	vst v63  }
0x94: {  	_ =	swait.ge [sflag:s4], $0x4000  }
0x95: {  	[sflag:s4] =	ssyncset.done $0x0  }
0x96: {  	[sflag:s4] =	ssyncadd.s32 $0xFFFFC000  }
0x97: {  	[tilespmem:s3], [sflag:$0x2] =	stream.linear.gather [hbm4b:s15+s3], $0x80, $0x38;
	[tilespmem:$0x4080] =	vst v63  }
0x98: {  	_ =	swait.ge [sflag:s4], $0x80  }
0x99: {  	[sflag:s4] =	ssyncset.done $0x0  }
0x9a: {  	[sflag:s4] =	ssyncadd.s32 $0xFFFFFF80  }
0x9b: {  	[tilespmem:s6], [sflag:$0x1] =	stream.indirect.gather [hbm4b:s2+s6], $0x80, s3, s6, $0xb8;
	[tilespmem:$0x4080] =	vst v63  }
0x9c: {  	_ =	swait.ge [sflag:s7], $0x4000  }
0x9d: {  	[sflag:s7] =	ssyncset.done $0x0  }
0x9e: {  	[sflag:s7] =	ssyncadd.s32 $0xFFFFC000  }
0x9f: {  	[hbm4b:s16+s3] =	stream.linear.scatter [tilespmem:s6], [sflag:$0x2], $0x4000, $0x38;
	[tilespmem:$0x4080] =	vst v63  }
0xa0: {  	_ =	swait.ge [sflag:s4], $0x4000  }
0xa1: {  	[sflag:s4] =	ssyncset.done $0x0  }
0xa2: {  	[sflag:s4] =	ssyncadd.s32 $0xFFFFC000  }
0xa3: {  	[tilespmem:s3], [sflag:$0x2] =	stream.linear.gather [hbm4b:s17+s3], $0x80, $0x38;
	[tilespmem:$0x4080] =	vst v63  }
0xa4: {  	_ =	swait.ge [sflag:s4], $0x80  }
0xa5: {  	[sflag:s4] =	ssyncset.done $0x0  }
0xa6: {  	[sflag:s4] =	ssyncadd.s32 $0xFFFFFF80  }
0xa7: {  	[tilespmem:s6], [sflag:$0x1] =	stream.indirect.gather [hbm4b:s2+s6], $0x80, s3, s6, $0xb8;
	[tilespmem:$0x4080] =	vst v63  }
0xa8: {  	_ =	swait.ge [sflag:s7], $0x4000  }
0xa9: {  	[sflag:s7] =	ssyncset.done $0x0  }
0xaa: {  	[sflag:s7] =	ssyncadd.s32 $0xFFFFC000  }
0xab: {  	[hbm4b:s18+s3] =	stream.linear.scatter [tilespmem:s6], [sflag:$0x2], $0x4000, $0x38;
	[tilespmem:$0x4080] =	vst v63  }
0xac: {  	_ =	swait.ge [sflag:s4], $0x4000  }
0xad: {  	[sflag:s4] =	ssyncset.done $0x0  }
0xae: {  	[sflag:s4] =	ssyncadd.s32 $0xFFFFC000  }
0xaf: {  	[tilespmem:s3], [sflag:$0x2] =	stream.linear.gather [hbm4b:s19+s3], $0x80, $0x38;
	[tilespmem:$0x4080] =	vst v63  }
0xb0: {  	_ =	swait.ge [sflag:s4], $0x80  }
0xb1: {  	[sflag:s4] =	ssyncset.done $0x0  }
0xb2: {  	[sflag:s4] =	ssyncadd.s32 $0xFFFFFF80  }
0xb3: {  	[tilespmem:s6], [sflag:$0x1] =	stream.indirect.gather [hbm4b:s2+s6], $0x80, s3, s6, $0xb8;
	[tilespmem:$0x4080] =	vst v63  }
0xb4: {  	_ =	swait.ge [sflag:s7], $0x4000  }
0xb5: {  	[sflag:s7] =	ssyncset.done $0x0  }
0xb6: {  	[sflag:s7] =	ssyncadd.s32 $0xFFFFC000  }
0xb7: {  	[hbm4b:s20+s3] =	stream.linear.scatter [tilespmem:s6], [sflag:$0x2], $0x4000, $0x38;
	[tilespmem:$0x4080] =	vst v63  }
0xb8: {  	_ =	swait.ge [sflag:s4], $0x4000  }
0xb9: {  	[sflag:s4] =	ssyncset.done $0x0  }
0xba: {  	[sflag:s4] =	ssyncadd.s32 $0xFFFFC000  }
0xbb: {  	[tilespmem:s3], [sflag:$0x2] =	stream.linear.gather [hbm4b:s21+s3], $0x80, $0x38;
	[tilespmem:$0x4080] =	vst v63  }
0xbc: {  	_ =	swait.ge [sflag:s4], $0x80  }
0xbd: {  	[sflag:s4] =	ssyncset.done $0x0  }
0xbe: {  	[sflag:s4] =	ssyncadd.s32 $0xFFFFFF80  }
0xbf: {  	[tilespmem:s6], [sflag:$0x1] =	stream.indirect.gather [hbm4b:s2+s6], $0x80, s3, s6, $0xb8;
	[tilespmem:$0x4080] =	vst v63  }
0xc0: {  	_ =	swait.ge [sflag:s7], $0x4000  }
.Ltmp1:
0xc1: {  	[sflag:s7] =	ssyncset.done $0x0;
	(pc) =	sbr.rel @p0 .LBB2_1-.Ltmp1, $4  }
0xc2: {  	[sflag:s7] =	ssyncadd.s32 $0xFFFFC000  }
0xc3: {  	[hbm4b:s22+s3] =	stream.linear.scatter [tilespmem:s6], [sflag:$0x2], $0x4000, $0x38;
	[tilespmem:$0x4080] =	vst v63  }
0xc4: {  	_ =	swait.ge [sflag:s4], $0x4000  }
0xc5: {  	[sflag:s4] =	ssyncset.done $0x0  }
.LBB2_2:
0xc6: {  	[sflag:s4] =	ssyncadd.s32 $0xFFFFC000  }
0xc7: {  	_ =	sfence.sel $0x180000  }
0xc8: {  	[bflag:$0x0] =	sbarrier.arrive $0xFFFF  }
0xc9: {  	p0 =	sne.s32 s0, $0x0;
	_ =	strace $0x9000004A  }
0xca: {  	s0 =	sadd.s32 @!p0 $0x100000, s1;
	[bflag:$0x2] =	sbarrier.arrive $0xFFFF  }
0xcb: {  	[sflag:s0] =	ssyncadd.tile.s32 @!p0 $0x1;
	_ =	shalt  }
.Lfunc_end2:
_tile_overlayer_lowered:
.L_overlay_start_2:
0xcc: {  	(tag) =	ssettag $0x2  }
0xcd: {  	s0 =	rddreg [dreg:$0x0];
	s2 =	stileid.u32  }
0xce: {  	s1 =	rddreg [dreg:$0x1];
	p0 =	sne.s32 s2, $0x0  }
0xcf: {  	s3 =	rddreg [dreg:$0x2];
	[bflag:$0x3] =	sbarrier.arrive $0xFFFF;
	s2 =	simm.s32 @!p0 $0x1C02  }
0xd0: {  	[timem:s3], [sflag:s2] =	dma.local @!p0 [hbm:s0], s1  }
0xd1: {  	s0 =	simm.s32 @!p0 $0x2  }
0xd2: {  	_ =	swait.ge @!p0 [sflag:s0], s1  }
0xd3: {  	s1 =	ssub.s32 @!p0 $0x0, s1;
	[sflag:s0] =	ssyncset.done @!p0 $0x0  }
0xd4: {  	[sflag:s0] =	ssyncadd.s32 @!p0 s1  }
0xd5: {  	[bflag:$0x3] =	sbarrier.arrive $0xFFFF  }
0xd6: {  	_ =	shalt  }

// kernel: kernel.21.cloned.1.call-start
scs
__scs_entry_jumppad:
0x0: {  	(pc) =	sbr.rel $0x88, $3  }
0x1: {  	(tag) =	ssettag $0x0;
	lr =	simm.s32 $0x1  }
0x2: {  	[smem:$0x3F90] =	sst lr;
	_ =	strace $0xD0000000  }
0x3: {  	_ = 	snop  }
0x4: {  	_ = 	snop  }
0x5: {  	_ = 	snop  }
0x6: {  	_ = 	snop  }
0x7: {  	_ = 	snop  }
__scs_overlays_trampoline_lowered:
0x8: {  	[smem:$0x3F9F] =	sst s0  }
0x9: {  	[smem:$0x3FA0] =	sst s1  }
0xa: {  	[smem:$0x3FA1] =	sst s2  }
0xb: {  	[smem:$0x3FA2] =	sst s3  }
0xc: {  	[smem:$0x3FA3] =	sst s4  }
0xd: {  	[smem:$0x3FA4] =	sst s5  }
0xe: {  	[smem:$0x3FA5] =	sst s6  }
0xf: {  	[smem:$0x3FA6] =	sst s7  }
0x10: {  	[smem:$0x3FA7] =	sst s8  }
0x11: {  	[smem:$0x3FA8] =	sst s9;
	s0 =	simm.s32 @!p0 $0x0  }
0x12: {  	s1 =	sld [smem:$0x3F8E];
	s0 =	simm.s32 @p0 $0x1  }
0x13: {  	[smem:$0x3FA9] =	sst s0;
	s0 =	simm.s32 @!p1 $0x0  }
0x14: {  	s2 =	sld [smem:$0x3F8D];
	s0 =	simm.s32 @p1 $0x1  }
0x15: {  	[smem:$0x3FAA] =	sst s0;
	s0 =	simm.s32 @!p2 $0x0  }
0x16: {  	s3 =	sld [smem:$0x3FDB];
	s0 =	simm.s32 @p2 $0x1  }
0x17: {  	s4 =	simm.s32 $0x1BF5;
	[smem:$0x3FAC] =	sst s0  }
0x18: {  	s0 =	sld [smem:$0x3F8F];
	_ =	swait.ge [sflag:s4], $0x0  }
0x19: {  	s7 =	sld [smem:$0x3F90]  }
0x1a: {  	s8 =	sadd.s32 $0xFFFFE003, lr  }
0x1b: {  	s9 =	sadd.s32 $0xFFFFFEF7, lr;
	s5 =	simm.s32 $0xFFFFFFFF;
	p2 =	slt.u32 s8, $0xFFFFF086  }
0x1c: {  	p1 =	slt.u32 s9, $0xF7A;
	s5 =	simm.s32 @!p2 $0x0  }
0x1d: {  	s5 =	simm.s32 @p1 $0x1;
	p0 =	seq.s32 s7, s2  }
0x1e: {  	s7 =	smul.u32 @!p0 $0xF7A, s2;
	p2 =	seq.s32 @!p0 s5, $0x0  }
0x1f: {  	s9 =	smul.u32 $0xF7A, s1;
	s8 =	simm.s32 @!p0 $0x1BF5;
	p2 =	por !p2, p0  }
0x20: {  	[sflag:s8] =	ssyncset.s32 @!p0 $0xFFFFF086;
	s6 =	sadd.s32 @!p0 s3, s7;
	s7 =	simm.s32 @!p0 $0x108  }
0x21: {  	s3 =	sadd.s32 s3, s9;
	s6 =	sadd.s32 @!p0 $0x88, s6;
	s7 =	simm.s32 @p2 $0x1082  }
0x22: {  	[simem:s7], [sflag:s8] =	dma.local @!p0 [hbm:s6], $0xF7A  }
0x23: {  	s9 =	sor.u32 $0xD0000000, s2;
	s6 =	simm.s32 $0x108;
	_ =	swait.ge @!p0 [sflag:s8], $0x0  }
0x24: {  	s3 =	sadd.s32 $0x88, s3;
	s6 =	simm.s32 @!p1 $0x1082;
	[sflag:s4] =	ssyncset.s32 $0xFFFFF086  }
0x25: {  	[simem:s6], [sflag:s4] =	dma.local [hbm:s3], $0xF7A  }
0x26: {  	[smem:$0x3F90] =	sst s1;
	(tag) =	ssettag s2;
	_ =	strace s9  }
0x27: {  	s1 =	sld [smem:$0x3FA0]  }
0x28: {  	s2 =	sld [smem:$0x3FA1]  }
0x29: {  	s4 =	sld [smem:$0x3FA3]  }
0x2a: {  	p0 =	seq.s32 s5, $0x0;
	s5 =	sld [smem:$0x3FA4]  }
0x2b: {  	s6 =	sld [smem:$0x3FA5]  }
0x2c: {  	s7 =	sld [smem:$0x3FA6]  }
0x2d: {  	s3 =	simm.s32 $0x108;
	s8 =	sld [smem:$0x3FA7]  }
0x2e: {  	s3 =	simm.s32 @!p0 $0x1082;
	s9 =	sld [smem:$0x3FA8]  }
0x2f: {  	lr =	sadd.s32 s0, s3;
	s0 =	sld [smem:$0x3F9F]  }
0x30: {  	s3 =	sld [smem:$0x3FA2]  }
0x31: {  	[smem:$0x3FAB] =	sst s10  }
0x32: {  	s10 =	sld [smem:$0x3FA9];
	_ =	sdelay $0x3  }
0x33: {  	p0 =	seq.s32 s10, $0x1;
	s10 =	sld [smem:$0x3FAB];
	_ =	sdelay $0x3  }
0x34: {  	[smem:$0x3FAB] =	sst s10  }
0x35: {  	s10 =	sld [smem:$0x3FAA];
	_ =	sdelay $0x3  }
0x36: {  	p1 =	seq.s32 s10, $0x1;
	s10 =	sld [smem:$0x3FAB];
	_ =	sdelay $0x3  }
0x37: {  	[smem:$0x3FAB] =	sst s10  }
0x38: {  	s10 =	sld [smem:$0x3FAC]  }
0x39: {  	_ = 	snop;
	(pc) =	sbr.ind lr, $3  }
0x3a: {  	_ = 	snop  }
0x3b: {  	_ = 	snop  }
0x3c: {  	p2 =	seq.s32 s10, $0x1;
	s10 =	sld [smem:$0x3FAB]  }
0x3d: {  	_ =	shalt  }
0x3e: {  	_ =	shalt  }
0x3f: {  	_ =	shalt  }
0x40: {  	_ =	shalt  }
0x41: {  	_ =	shalt  }
0x42: {  	_ =	shalt  }
0x43: {  	_ =	shalt  }
0x44: {  	_ =	shalt  }
0x45: {  	_ =	shalt  }
0x46: {  	_ =	shalt  }
0x47: {  	_ =	shalt  }
0x48: {  	_ =	shalt  }
0x49: {  	_ =	shalt  }
0x4a: {  	_ =	shalt  }
0x4b: {  	_ =	shalt  }
0x4c: {  	_ =	shalt  }
0x4d: {  	_ =	shalt  }
0x4e: {  	_ =	shalt  }
0x4f: {  	_ =	shalt  }
0x50: {  	_ =	shalt  }
0x51: {  	_ =	shalt  }
0x52: {  	_ =	shalt  }
0x53: {  	_ =	shalt  }
0x54: {  	_ =	shalt  }
0x55: {  	_ =	shalt  }
0x56: {  	_ =	shalt  }
0x57: {  	_ =	shalt  }
0x58: {  	_ =	shalt  }
0x59: {  	_ =	shalt  }
0x5a: {  	_ =	shalt  }
0x5b: {  	_ =	shalt  }
0x5c: {  	_ =	shalt  }
0x5d: {  	_ =	shalt  }
0x5e: {  	_ =	shalt  }
0x5f: {  	_ =	shalt  }
0x60: {  	_ =	shalt  }
0x61: {  	_ =	shalt  }
0x62: {  	_ =	shalt  }
0x63: {  	_ =	shalt  }
0x64: {  	_ =	shalt  }
0x65: {  	_ =	shalt  }
0x66: {  	_ =	shalt  }
0x67: {  	_ =	shalt  }
0x68: {  	_ =	shalt  }
0x69: {  	_ =	shalt  }
0x6a: {  	_ =	shalt  }
0x6b: {  	_ =	shalt  }
0x6c: {  	_ =	shalt  }
0x6d: {  	_ =	shalt  }
0x6e: {  	_ =	shalt  }
0x6f: {  	_ =	shalt  }
0x70: {  	_ =	shalt  }
0x71: {  	_ =	shalt  }
0x72: {  	_ =	shalt  }
0x73: {  	_ =	shalt  }
0x74: {  	_ =	shalt  }
0x75: {  	_ =	shalt  }
0x76: {  	_ =	shalt  }
0x77: {  	_ =	shalt  }
0x78: {  	_ =	shalt  }
0x79: {  	_ =	shalt  }
0x7a: {  	_ =	shalt  }
0x7b: {  	_ =	shalt  }
0x7c: {  	_ =	shalt  }
0x7d: {  	_ =	shalt  }
0x7e: {  	_ =	shalt  }
0x7f: {  	_ =	shalt  }
0x80: {  	_ =	shalt  }
0x81: {  	_ =	shalt  }
0x82: {  	_ =	shalt  }
0x83: {  	_ =	shalt  }
0x84: {  	_ =	shalt  }
0x85: {  	_ =	shalt  }
0x86: {  	_ =	shalt  }
0x87: {  	_ =	shalt  }
.Lfunc_end0:
.L_simem_size_0:
called_computation.2_lowered:
.L_overlay_start_0:
0x88: {  	s2 =	sld [smem:$0x3FD9]  }
0x89: {  	s3 =	sld [smem:$0x3FFE];
	_ =	sdelay $0x1  }
0x8a: {  	s1 =	srdreg.scid  }
0x8b: {  	s0 =	sand.u32 $0x1, s1  }
0x8c: {  	s14 =	sshll.u32 s0, $0xA;
	s2 =	sadd.s32 s3, s2  }
0x8d: {  	s2 =	sadd.s32 s2, s14  }
0x8e: {  	[smem:$0x3FB7] =	sst s2  }
0x8f: {  	_ = 	snop  }
0x90: {  	s2 =	sld [smem:$0x3FD0];
	_ =	sdelay $0x2  }
0x91: {  	s15 =	simm.s32 $0xA;
	s4 =	simm.s32 $0x10  }
0x92: {  	[smem:s4], [sflag:s15] =	dma.local [hbm:s2], $0x1  }
0x93: {  	_ =	swait.eq [sflag:s15], $0x1  }
0x94: {  	[sflag:s15] =	ssyncset.done $0x0  }
0x95: {  	[sflag:s15] =	ssyncadd.s32 $0xFFFFFFFF  }
0x96: {  	s16 =	sld [smem:$0x10];
	(tm) =	ssettm $0x1  }
0x97: {  	s17 =	sld [smem:$0x3FFB];
	_ =	sdelay $0x3  }
0x98: {  	_ =	strace s17  }
0x99: {  	s3 =	sld [smem:$0x3FFC];
	_ =	sdelay $0x3  }
0x9a: {  	_ =	strace s3  }
0x9b: {  	s3 =	sld [smem:$0x3FFD];
	_ =	sdelay $0x3  }
0x9c: {  	_ =	strace s3  }
0x9d: {  	_ =	strace $0x8FFFFFFF  }
0x9e: {  	s18 =	sld [smem:$0x3FDB];
	_ =	sdelay $0x1  }
0x9f: {  	s19 =	simm.s32 $_scs_section_size  }
0xa0: {  	s5 =	simm.s32 $_size__tile_overlayer_lowered;
	s6 =	simm.s32 $_tile_overlayer_lowered  }
0xa1: {  	s22 =	simm.s32 $0x1BFF;
	s21 =	sshll.u32 s6, $0x1;
	s3 =	sadd.s32 s19, s18  }
0xa2: {  	s7 =	simm.s32 $0x0;
	s20 =	sshll.u32 s5, $0x1;
	s5 =	sadd.s32 s21, s3  }
0xa3: {  	[timem:s7], [sflag:s22] =	dma.local [hbm:s5], s20  }
0xa4: {  	_ =	swait.ge [sflag:s22], s20  }
0xa5: {  	s4 =	ssub.s32 $0x0, s20;
	[sflag:s22] =	ssyncset.done $0x0  }
0xa6: {  	[sflag:s22] =	ssyncadd.s32 s4;
	_ =	sdelay $0x1  }
0xa7: {  	s23 =	simm.s32 $0x1B8B  }
0xa8: {  	_ =	swait.ge [sflag:s23], $0x1  }
0xa9: {  	[sflag:s23] =	ssyncset.done $0x0  }
0xaa: {  	s25 =	simm.s32 $0x1B8E;
	s24 =	sld [smem:$0x3FFE];
	[sflag:s23] =	ssyncadd.s32 $0xFFFFFFFF  }
0xab: {  	s26 =	simm.s32 $execute0_lowered;
	[smem:$0x3FD2] =	sst s25  }
0xac: {  	s5 =	sshll.u32 s26, $0x1;
	_ =	strace $0x8000004C;
	[dreg:$0x1] =	wrdreg $0xFFFFFFFF  }
0xad: {  	s28 =	simm.s32 $_size_execute0_lowered;
	s3 =	sadd.s32 s3, s5;
	[dreg:$0x0] =	wrdreg $0x0  }
0xae: {  	s5 =	sshll.u32 s28, $0x1;
	[dreg:$0x2] =	wrdreg s3  }
0xaf: {  	[dreg:$0x3] =	wrdreg s5  }
0xb0: {  	[dreg:$0x4] =	wrdreg $0xC0  }
0xb1: {  	_ =	task [dreg:s7], $0x5FFFF  }
0xb2: {  	[dreg:$0x1] =	wrdreg $0xFFFFFFFF  }
0xb3: {  	[dreg:$0x0] =	wrdreg $0x60  }
0xb4: {  	[dreg:$0x2] =	wrdreg s16  }
0xb5: {  	[dreg:$0x3] =	wrdreg s24  }
0xb6: {  	[dreg:$0x4] =	wrdreg $0x9  }
0xb7: {  	_ =	task.clear_ibuf [dreg:s7], $0x5FFFF;
	_ =	strace $0x9000004C  }
0xb8: {  	s29 =	simm.s32 $0x9;
	_ =	strace $0x8000004E  }
0xb9: {  	_ =	swait.ge [sflag:s29], $0x1  }
0xba: {  	[sflag:s29] =	ssyncadd.s32 $0xFFFFFFFF  }
0xbb: {  	_ =	strace $0x9000004E  }
0xbc: {  	_ =	sfence  }
0xbd: {  	s30 =	sld [smem:$0x0];
	_ =	sdelay $0x2  }
0xbe: {  	s31 =	sshll.u32 s1, $0xD;
	s1 =	sshrl.u32 s1, $0x2  }
0xbf: {  	s3 =	sand.u32 $0x4000, s31;
	s1 =	sadd.s32 s1, s30  }
0xc0: {  	s0 =	sor.u32 s3, s0;
	s1 =	sshll.u32 s1, $0x11  }
0xc1: {  	s0 =	sor.u32 s1, s0  }
0xc2: {  	s0 =	sadd.s32 $0x8F2B, s0  }
0xc3: {  	[sflag:s0] =	ssyncadd.remote.s32 $0x1  }
0xc4: {  	_ =	sfence.sel $0xFFFF  }
0xc5: {  	[dreg:$0x0] =	wrdreg $0xFFFFFFFF;
	(pc) =	sbr.abs _section_cstart, $3  }
0xc6: {  	[dreg:$0x1] =	wrdreg $0xFFFFFFFF  }
0xc7: {  	_ =	task.clear_ibuf [dreg:s7], $0x2FFFF;
	_ =	strace $0x9FFFFFFF  }
0xc8: {  	(tm) =	ssettm $0x7FFFFFFF  }
0xc9: {  	_ =	shalt  }
tec
execute0_lowered:
.L_overlay_start_1:
0x0: {  	(tag) =	ssettag $0x1  }
0x1: {  	s1 =	srdreg.scid  }
0x2: {  	s2 =	rddreg [dreg:$0x0];
	s0 =	stileid.u32;
	s22 =	sand.u32 $0x1, s1  }
0x3: {  	s8 =	rddreg [dreg:$0x1];
	s4 =	sshll.u32 s0, $0xB;
	s5 =	sshll.u32 s22, $0xA  }
0x4: {  	s3 =	simm.s32 $0x0;
	s1 =	rddreg [dreg:$0x2];
	s24 =	sor.u32 s5, s4  }
0x5: {  	[smem:$0x7FF] =	sst s3;
	s21 =	sadd.s32 $0x7000, s8;
	s4 =	sshrl.u32 s24, $0x3  }
0x6: {  	_ =	strace $0x8000004D;
	s5 =	sadd.s32 s21, s4;
	s4 =	simm.s32 $0x2  }
0x7: {  	[tilespmem:s3], [sflag:$0x2] =	stream.linear.gather [hbm4b:s5+s3], $0x80, $0x38;
	[tilespmem:$0x4080] =	vst v63  }
0x8: {  	_ =	swait.ge [sflag:s4], $0x80  }
0x9: {  	[sflag:s4] =	ssyncset.done $0x0  }
0xa: {  	s6 =	simm.s32 $0x80;
	s7 =	simm.s32 $0x1;
	[sflag:s4] =	ssyncadd.s32 $0xFFFFFF80  }
0xb: {  	[tilespmem:s6], [sflag:$0x1] =	stream.indirect.gather [hbm4b:s2+s6], $0x80, s3, s6, $0xb8;
	[tilespmem:$0x4080] =	vst v63  }
0xc: {  	_ =	swait.ge [sflag:s7], $0x4000  }
0xd: {  	s23 =	sadd.s32 $0x8000, s8;
	s28 =	sshll.u32 s24, $0x4;
	[sflag:s7] =	ssyncset.done $0x0  }
0xe: {  	s8 =	sadd.s32 s23, s28;
	[sflag:s7] =	ssyncadd.s32 $0xFFFFC000  }
0xf: {  	[hbm4b:s8+s3] =	stream.linear.scatter [tilespmem:s6], [sflag:$0x2], $0x4000, $0x38;
	[tilespmem:$0x4080] =	vst v63  }
0x10: {  	s10 =	sor.u32 $0x80, s24;
	_ =	swait.ge [sflag:s4], $0x4000  }
0x11: {  	s9 =	sshrl.u32 s10, $0x3;
	[sflag:s4] =	ssyncset.done $0x0  }
0x12: {  	s9 =	sadd.s32 s21, s9;
	[sflag:s4] =	ssyncadd.s32 $0xFFFFC000  }
0x13: {  	[tilespmem:s3], [sflag:$0x2] =	stream.linear.gather [hbm4b:s9+s3], $0x80, $0x38;
	[tilespmem:$0x4080] =	vst v63  }
0x14: {  	_ =	swait.ge [sflag:s4], $0x80  }
0x15: {  	[sflag:s4] =	ssyncset.done $0x0  }
0x16: {  	[sflag:s4] =	ssyncadd.s32 $0xFFFFFF80  }
0x17: {  	[tilespmem:s6], [sflag:$0x1] =	stream.indirect.gather [hbm4b:s2+s6], $0x80, s3, s6, $0xb8;
	[tilespmem:$0x4080] =	vst v63  }
0x18: {  	_ =	swait.ge [sflag:s7], $0x4000  }
0x19: {  	s10 =	sshll.u32 s10, $0x4;
	[sflag:s7] =	ssyncset.done $0x0  }
0x1a: {  	s10 =	sadd.s32 s23, s10;
	[sflag:s7] =	ssyncadd.s32 $0xFFFFC000  }
0x1b: {  	[hbm4b:s10+s3] =	stream.linear.scatter [tilespmem:s6], [sflag:$0x2], $0x4000, $0x38;
	[tilespmem:$0x4080] =	vst v63  }
0x1c: {  	s12 =	sor.u32 $0x100, s24;
	_ =	swait.ge [sflag:s4], $0x4000  }
0x1d: {  	s11 =	sshrl.u32 s12, $0x3;
	[sflag:s4] =	ssyncset.done $0x0  }
0x1e: {  	s11 =	sadd.s32 s21, s11;
	[sflag:s4] =	ssyncadd.s32 $0xFFFFC000  }
0x1f: {  	[tilespmem:s3], [sflag:$0x2] =	stream.linear.gather [hbm4b:s11+s3], $0x80, $0x38;
	[tilespmem:$0x4080] =	vst v63  }
0x20: {  	_ =	swait.ge [sflag:s4], $0x80  }
0x21: {  	[sflag:s4] =	ssyncset.done $0x0  }
0x22: {  	[sflag:s4] =	ssyncadd.s32 $0xFFFFFF80  }
0x23: {  	[tilespmem:s6], [sflag:$0x1] =	stream.indirect.gather [hbm4b:s2+s6], $0x80, s3, s6, $0xb8;
	[tilespmem:$0x4080] =	vst v63  }
0x24: {  	_ =	swait.ge [sflag:s7], $0x4000  }
0x25: {  	s12 =	sshll.u32 s12, $0x4;
	[sflag:s7] =	ssyncset.done $0x0  }
0x26: {  	s12 =	sadd.s32 s23, s12;
	[sflag:s7] =	ssyncadd.s32 $0xFFFFC000  }
0x27: {  	[hbm4b:s12+s3] =	stream.linear.scatter [tilespmem:s6], [sflag:$0x2], $0x4000, $0x38;
	[tilespmem:$0x4080] =	vst v63  }
0x28: {  	s14 =	sor.u32 $0x180, s24;
	_ =	swait.ge [sflag:s4], $0x4000  }
0x29: {  	s13 =	sshrl.u32 s14, $0x3;
	[sflag:s4] =	ssyncset.done $0x0  }
0x2a: {  	s13 =	sadd.s32 s21, s13;
	[sflag:s4] =	ssyncadd.s32 $0xFFFFC000  }
0x2b: {  	[tilespmem:s3], [sflag:$0x2] =	stream.linear.gather [hbm4b:s13+s3], $0x80, $0x38;
	[tilespmem:$0x4080] =	vst v63  }
0x2c: {  	_ =	swait.ge [sflag:s4], $0x80  }
0x2d: {  	[sflag:s4] =	ssyncset.done $0x0  }
0x2e: {  	[sflag:s4] =	ssyncadd.s32 $0xFFFFFF80  }
0x2f: {  	[tilespmem:s6], [sflag:$0x1] =	stream.indirect.gather [hbm4b:s2+s6], $0x80, s3, s6, $0xb8;
	[tilespmem:$0x4080] =	vst v63  }
0x30: {  	_ =	swait.ge [sflag:s7], $0x4000  }
0x31: {  	s14 =	sshll.u32 s14, $0x4;
	[sflag:s7] =	ssyncset.done $0x0  }
0x32: {  	s14 =	sadd.s32 s23, s14;
	[sflag:s7] =	ssyncadd.s32 $0xFFFFC000  }
0x33: {  	[hbm4b:s14+s3] =	stream.linear.scatter [tilespmem:s6], [sflag:$0x2], $0x4000, $0x38;
	[tilespmem:$0x4080] =	vst v63  }
0x34: {  	s16 =	sor.u32 $0x200, s24;
	_ =	swait.ge [sflag:s4], $0x4000  }
0x35: {  	s15 =	sshrl.u32 s16, $0x3;
	[sflag:s4] =	ssyncset.done $0x0  }
0x36: {  	s15 =	sadd.s32 s21, s15;
	[sflag:s4] =	ssyncadd.s32 $0xFFFFC000  }
0x37: {  	[tilespmem:s3], [sflag:$0x2] =	stream.linear.gather [hbm4b:s15+s3], $0x80, $0x38;
	[tilespmem:$0x4080] =	vst v63  }
0x38: {  	_ =	swait.ge [sflag:s4], $0x80  }
0x39: {  	[sflag:s4] =	ssyncset.done $0x0  }
0x3a: {  	[sflag:s4] =	ssyncadd.s32 $0xFFFFFF80  }
0x3b: {  	[tilespmem:s6], [sflag:$0x1] =	stream.indirect.gather [hbm4b:s2+s6], $0x80, s3, s6, $0xb8;
	[tilespmem:$0x4080] =	vst v63  }
0x3c: {  	_ =	swait.ge [sflag:s7], $0x4000  }
0x3d: {  	s16 =	sshll.u32 s16, $0x4;
	[sflag:s7] =	ssyncset.done $0x0  }
0x3e: {  	s16 =	sadd.s32 s23, s16;
	[sflag:s7] =	ssyncadd.s32 $0xFFFFC000  }
0x3f: {  	[hbm4b:s16+s3] =	stream.linear.scatter [tilespmem:s6], [sflag:$0x2], $0x4000, $0x38;
	[tilespmem:$0x4080] =	vst v63  }
0x40: {  	s18 =	sor.u32 $0x280, s24;
	_ =	swait.ge [sflag:s4], $0x4000  }
0x41: {  	s17 =	sshrl.u32 s18, $0x3;
	[sflag:s4] =	ssyncset.done $0x0  }
0x42: {  	s17 =	sadd.s32 s21, s17;
	[sflag:s4] =	ssyncadd.s32 $0xFFFFC000  }
0x43: {  	[tilespmem:s3], [sflag:$0x2] =	stream.linear.gather [hbm4b:s17+s3], $0x80, $0x38;
	[tilespmem:$0x4080] =	vst v63  }
0x44: {  	_ =	swait.ge [sflag:s4], $0x80  }
0x45: {  	[sflag:s4] =	ssyncset.done $0x0  }
0x46: {  	[sflag:s4] =	ssyncadd.s32 $0xFFFFFF80  }
0x47: {  	[tilespmem:s6], [sflag:$0x1] =	stream.indirect.gather [hbm4b:s2+s6], $0x80, s3, s6, $0xb8;
	[tilespmem:$0x4080] =	vst v63  }
0x48: {  	_ =	swait.ge [sflag:s7], $0x4000  }
0x49: {  	s18 =	sshll.u32 s18, $0x4;
	[sflag:s7] =	ssyncset.done $0x0  }
0x4a: {  	s18 =	sadd.s32 s23, s18;
	[sflag:s7] =	ssyncadd.s32 $0xFFFFC000  }
0x4b: {  	[hbm4b:s18+s3] =	stream.linear.scatter [tilespmem:s6], [sflag:$0x2], $0x4000, $0x38;
	[tilespmem:$0x4080] =	vst v63  }
0x4c: {  	s20 =	sor.u32 $0x300, s24;
	_ =	swait.ge [sflag:s4], $0x4000  }
0x4d: {  	s19 =	sshrl.u32 s20, $0x3;
	[sflag:s4] =	ssyncset.done $0x0  }
0x4e: {  	s19 =	sadd.s32 s21, s19;
	[sflag:s4] =	ssyncadd.s32 $0xFFFFC000  }
0x4f: {  	[tilespmem:s3], [sflag:$0x2] =	stream.linear.gather [hbm4b:s19+s3], $0x80, $0x38;
	[tilespmem:$0x4080] =	vst v63  }
0x50: {  	_ =	swait.ge [sflag:s4], $0x80  }
0x51: {  	[sflag:s4] =	ssyncset.done $0x0  }
0x52: {  	[sflag:s4] =	ssyncadd.s32 $0xFFFFFF80  }
0x53: {  	[tilespmem:s6], [sflag:$0x1] =	stream.indirect.gather [hbm4b:s2+s6], $0x80, s3, s6, $0xb8;
	[tilespmem:$0x4080] =	vst v63  }
0x54: {  	_ =	swait.ge [sflag:s7], $0x4000  }
0x55: {  	s20 =	sshll.u32 s20, $0x4;
	[sflag:s7] =	ssyncset.done $0x0  }
0x56: {  	s20 =	sadd.s32 s23, s20;
	[sflag:s7] =	ssyncadd.s32 $0xFFFFC000  }
0x57: {  	[hbm4b:s20+s3] =	stream.linear.scatter [tilespmem:s6], [sflag:$0x2], $0x4000, $0x38;
	[tilespmem:$0x4080] =	vst v63  }
0x58: {  	s24 =	sor.u32 $0x380, s24;
	_ =	swait.ge [sflag:s4], $0x4000  }
0x59: {  	s25 =	sshrl.u32 s24, $0x3;
	[sflag:s4] =	ssyncset.done $0x0  }
0x5a: {  	s22 =	ssub.s32 $0x2, s22;
	s21 =	sadd.s32 s21, s25;
	[sflag:s4] =	ssyncadd.s32 $0xFFFFC000  }
0x5b: {  	[tilespmem:s3], [sflag:$0x2] =	stream.linear.gather [hbm4b:s21+s3], $0x80, $0x38;
	[tilespmem:$0x4080] =	vst v63  }
0x5c: {  	s29 =	sshrl.u32 s22, $0x1;
	_ =	swait.ge [sflag:s4], $0x80  }
0x5d: {  	s25 =	ssub.s32 s22, s29;
	[sflag:s4] =	ssyncset.done $0x0  }
0x5e: {  	s31 =	smax.u32 s25, $0x1;
	[sflag:s4] =	ssyncadd.s32 $0xFFFFFF80  }
0x5f: {  	[tilespmem:s6], [sflag:$0x1] =	stream.indirect.gather [hbm4b:s2+s6], $0x80, s3, s6, $0xb8;
	[tilespmem:$0x4080] =	vst v63  }
0x60: {  	p0 =	sne.s32 s31, $0x1;
	_ =	swait.ge [sflag:s7], $0x4000  }
.Ltmp0:
0x61: {  	s30 =	sshll.u32 s24, $0x4;
	[sflag:s7] =	ssyncset.done $0x0;
	(pc) =	sbr.rel @!p0 .LBB2_2-.Ltmp0, $4  }
0x62: {  	s22 =	sadd.s32 s23, s30;
	[sflag:s7] =	ssyncadd.s32 $0xFFFFC000  }
0x63: {  	[hbm4b:s22+s3] =	stream.linear.scatter [tilespmem:s6], [sflag:$0x2], $0x4000, $0x38;
	[tilespmem:$0x4080] =	vst v63  }
0x64: {  	_ =	swait.ge [sflag:s4], $0x4000  }
0x65: {  	s23 =	sadd.s32 $0xFFFFFFFF, s31;
	[sflag:s4] =	ssyncset.done $0x0  }
.LBB2_1:
0x66: {  	p0 =	sne.s32 s23, $0x1;
	s23 =	sadd.s32 $0xFFFFFFFF, s23;
	[sflag:s4] =	ssyncadd.s32 $0xFFFFC000  }
0x67: {  	[tilespmem:s3], [sflag:$0x2] =	stream.linear.gather [hbm4b:s5+s3], $0x80, $0x38;
	[tilespmem:$0x4080] =	vst v63  }
0x68: {  	_ =	swait.ge [sflag:s4], $0x80  }
0x69: {  	[sflag:s4] =	ssyncset.done $0x0  }
0x6a: {  	[sflag:s4] =	ssyncadd.s32 $0xFFFFFF80  }
0x6b: {  	[tilespmem:s6], [sflag:$0x1] =	stream.indirect.gather [hbm4b:s2+s6], $0x80, s3, s6, $0xb8;
	[tilespmem:$0x4080] =	vst v63  }
0x6c: {  	_ =	swait.ge [sflag:s7], $0x4000  }
0x6d: {  	[sflag:s7] =	ssyncset.done $0x0  }
0x6e: {  	[sflag:s7] =	ssyncadd.s32 $0xFFFFC000  }
0x6f: {  	[hbm4b:s8+s3] =	stream.linear.scatter [tilespmem:s6], [sflag:$0x2], $0x4000, $0x38;
	[tilespmem:$0x4080] =	vst v63  }
0x70: {  	_ =	swait.ge [sflag:s4], $0x4000  }
0x71: {  	[sflag:s4] =	ssyncset.done $0x0  }
0x72: {  	[sflag:s4] =	ssyncadd.s32 $0xFFFFC000  }
0x73: {  	[tilespmem:s3], [sflag:$0x2] =	stream.linear.gather [hbm4b:s9+s3], $0x80, $0x38;
	[tilespmem:$0x4080] =	vst v63  }
0x74: {  	_ =	swait.ge [sflag:s4], $0x80  }
0x75: {  	[sflag:s4] =	ssyncset.done $0x0  }
0x76: {  	[sflag:s4] =	ssyncadd.s32 $0xFFFFFF80  }
0x77: {  	[tilespmem:s6], [sflag:$0x1] =	stream.indirect.gather [hbm4b:s2+s6], $0x80, s3, s6, $0xb8;
	[tilespmem:$0x4080] =	vst v63  }
0x78: {  	_ =	swait.ge [sflag:s7], $0x4000  }
0x79: {  	[sflag:s7] =	ssyncset.done $0x0  }
0x7a: {  	[sflag:s7] =	ssyncadd.s32 $0xFFFFC000  }
0x7b: {  	[hbm4b:s10+s3] =	stream.linear.scatter [tilespmem:s6], [sflag:$0x2], $0x4000, $0x38;
	[tilespmem:$0x4080] =	vst v63  }
0x7c: {  	_ =	swait.ge [sflag:s4], $0x4000  }
0x7d: {  	[sflag:s4] =	ssyncset.done $0x0  }
0x7e: {  	[sflag:s4] =	ssyncadd.s32 $0xFFFFC000  }
0x7f: {  	[tilespmem:s3], [sflag:$0x2] =	stream.linear.gather [hbm4b:s11+s3], $0x80, $0x38;
	[tilespmem:$0x4080] =	vst v63  }
0x80: {  	_ =	swait.ge [sflag:s4], $0x80  }
0x81: {  	[sflag:s4] =	ssyncset.done $0x0  }
0x82: {  	[sflag:s4] =	ssyncadd.s32 $0xFFFFFF80  }
0x83: {  	[tilespmem:s6], [sflag:$0x1] =	stream.indirect.gather [hbm4b:s2+s6], $0x80, s3, s6, $0xb8;
	[tilespmem:$0x4080] =	vst v63  }
0x84: {  	_ =	swait.ge [sflag:s7], $0x4000  }
0x85: {  	[sflag:s7] =	ssyncset.done $0x0  }
0x86: {  	[sflag:s7] =	ssyncadd.s32 $0xFFFFC000  }
0x87: {  	[hbm4b:s12+s3] =	stream.linear.scatter [tilespmem:s6], [sflag:$0x2], $0x4000, $0x38;
	[tilespmem:$0x4080] =	vst v63  }
0x88: {  	_ =	swait.ge [sflag:s4], $0x4000  }
0x89: {  	[sflag:s4] =	ssyncset.done $0x0  }
0x8a: {  	[sflag:s4] =	ssyncadd.s32 $0xFFFFC000  }
0x8b: {  	[tilespmem:s3], [sflag:$0x2] =	stream.linear.gather [hbm4b:s13+s3], $0x80, $0x38;
	[tilespmem:$0x4080] =	vst v63  }
0x8c: {  	_ =	swait.ge [sflag:s4], $0x80  }
0x8d: {  	[sflag:s4] =	ssyncset.done $0x0  }
0x8e: {  	[sflag:s4] =	ssyncadd.s32 $0xFFFFFF80  }
0x8f: {  	[tilespmem:s6], [sflag:$0x1] =	stream.indirect.gather [hbm4b:s2+s6], $0x80, s3, s6, $0xb8;
	[tilespmem:$0x4080] =	vst v63  }
0x90: {  	_ =	swait.ge [sflag:s7], $0x4000  }
0x91: {  	[sflag:s7] =	ssyncset.done $0x0  }
0x92: {  	[sflag:s7] =	ssyncadd.s32 $0xFFFFC000  }
0x93: {  	[hbm4b:s14+s3] =	stream.linear.scatter [tilespmem:s6], [sflag:$0x2], $0x4000, $0x38;
	[tilespmem:$0x4080] =	vst v63  }
0x94: {  	_ =	swait.ge [sflag:s4], $0x4000  }
0x95: {  	[sflag:s4] =	ssyncset.done $0x0  }
0x96: {  	[sflag:s4] =	ssyncadd.s32 $0xFFFFC000  }
0x97: {  	[tilespmem:s3], [sflag:$0x2] =	stream.linear.gather [hbm4b:s15+s3], $0x80, $0x38;
	[tilespmem:$0x4080] =	vst v63  }
0x98: {  	_ =	swait.ge [sflag:s4], $0x80  }
0x99: {  	[sflag:s4] =	ssyncset.done $0x0  }
0x9a: {  	[sflag:s4] =	ssyncadd.s32 $0xFFFFFF80  }
0x9b: {  	[tilespmem:s6], [sflag:$0x1] =	stream.indirect.gather [hbm4b:s2+s6], $0x80, s3, s6, $0xb8;
	[tilespmem:$0x4080] =	vst v63  }
0x9c: {  	_ =	swait.ge [sflag:s7], $0x4000  }
0x9d: {  	[sflag:s7] =	ssyncset.done $0x0  }
0x9e: {  	[sflag:s7] =	ssyncadd.s32 $0xFFFFC000  }
0x9f: {  	[hbm4b:s16+s3] =	stream.linear.scatter [tilespmem:s6], [sflag:$0x2], $0x4000, $0x38;
	[tilespmem:$0x4080] =	vst v63  }
0xa0: {  	_ =	swait.ge [sflag:s4], $0x4000  }
0xa1: {  	[sflag:s4] =	ssyncset.done $0x0  }
0xa2: {  	[sflag:s4] =	ssyncadd.s32 $0xFFFFC000  }
0xa3: {  	[tilespmem:s3], [sflag:$0x2] =	stream.linear.gather [hbm4b:s17+s3], $0x80, $0x38;
	[tilespmem:$0x4080] =	vst v63  }
0xa4: {  	_ =	swait.ge [sflag:s4], $0x80  }
0xa5: {  	[sflag:s4] =	ssyncset.done $0x0  }
0xa6: {  	[sflag:s4] =	ssyncadd.s32 $0xFFFFFF80  }
0xa7: {  	[tilespmem:s6], [sflag:$0x1] =	stream.indirect.gather [hbm4b:s2+s6], $0x80, s3, s6, $0xb8;
	[tilespmem:$0x4080] =	vst v63  }
0xa8: {  	_ =	swait.ge [sflag:s7], $0x4000  }
0xa9: {  	[sflag:s7] =	ssyncset.done $0x0  }
0xaa: {  	[sflag:s7] =	ssyncadd.s32 $0xFFFFC000  }
0xab: {  	[hbm4b:s18+s3] =	stream.linear.scatter [tilespmem:s6], [sflag:$0x2], $0x4000, $0x38;
	[tilespmem:$0x4080] =	vst v63  }
0xac: {  	_ =	swait.ge [sflag:s4], $0x4000  }
0xad: {  	[sflag:s4] =	ssyncset.done $0x0  }
0xae: {  	[sflag:s4] =	ssyncadd.s32 $0xFFFFC000  }
0xaf: {  	[tilespmem:s3], [sflag:$0x2] =	stream.linear.gather [hbm4b:s19+s3], $0x80, $0x38;
	[tilespmem:$0x4080] =	vst v63  }
0xb0: {  	_ =	swait.ge [sflag:s4], $0x80  }
0xb1: {  	[sflag:s4] =	ssyncset.done $0x0  }
0xb2: {  	[sflag:s4] =	ssyncadd.s32 $0xFFFFFF80  }
0xb3: {  	[tilespmem:s6], [sflag:$0x1] =	stream.indirect.gather [hbm4b:s2+s6], $0x80, s3, s6, $0xb8;
	[tilespmem:$0x4080] =	vst v63  }
0xb4: {  	_ =	swait.ge [sflag:s7], $0x4000  }
0xb5: {  	[sflag:s7] =	ssyncset.done $0x0  }
0xb6: {  	[sflag:s7] =	ssyncadd.s32 $0xFFFFC000  }
0xb7: {  	[hbm4b:s20+s3] =	stream.linear.scatter [tilespmem:s6], [sflag:$0x2], $0x4000, $0x38;
	[tilespmem:$0x4080] =	vst v63  }
0xb8: {  	_ =	swait.ge [sflag:s4], $0x4000  }
0xb9: {  	[sflag:s4] =	ssyncset.done $0x0  }
0xba: {  	[sflag:s4] =	ssyncadd.s32 $0xFFFFC000  }
0xbb: {  	[tilespmem:s3], [sflag:$0x2] =	stream.linear.gather [hbm4b:s21+s3], $0x80, $0x38;
	[tilespmem:$0x4080] =	vst v63  }
0xbc: {  	_ =	swait.ge [sflag:s4], $0x80  }
0xbd: {  	[sflag:s4] =	ssyncset.done $0x0  }
0xbe: {  	[sflag:s4] =	ssyncadd.s32 $0xFFFFFF80  }
0xbf: {  	[tilespmem:s6], [sflag:$0x1] =	stream.indirect.gather [hbm4b:s2+s6], $0x80, s3, s6, $0xb8;
	[tilespmem:$0x4080] =	vst v63  }
0xc0: {  	_ =	swait.ge [sflag:s7], $0x4000  }
.Ltmp1:
0xc1: {  	[sflag:s7] =	ssyncset.done $0x0;
	(pc) =	sbr.rel @p0 .LBB2_1-.Ltmp1, $4  }
0xc2: {  	[sflag:s7] =	ssyncadd.s32 $0xFFFFC000  }
0xc3: {  	[hbm4b:s22+s3] =	stream.linear.scatter [tilespmem:s6], [sflag:$0x2], $0x4000, $0x38;
	[tilespmem:$0x4080] =	vst v63  }
0xc4: {  	_ =	swait.ge [sflag:s4], $0x4000  }
0xc5: {  	[sflag:s4] =	ssyncset.done $0x0  }
.LBB2_2:
0xc6: {  	[sflag:s4] =	ssyncadd.s32 $0xFFFFC000  }
0xc7: {  	_ =	sfence.sel $0x180000  }
0xc8: {  	[bflag:$0x0] =	sbarrier.arrive $0xFFFF  }
0xc9: {  	p0 =	sne.s32 s0, $0x0;
	_ =	strace $0x9000004D  }
0xca: {  	s0 =	sadd.s32 @!p0 $0x100000, s1;
	[bflag:$0x2] =	sbarrier.arrive $0xFFFF  }
0xcb: {  	[sflag:s0] =	ssyncadd.tile.s32 @!p0 $0x1;
	_ =	shalt  }
.Lfunc_end2:
_tile_overlayer_lowered:
.L_overlay_start_2:
0xcc: {  	(tag) =	ssettag $0x2  }
0xcd: {  	s0 =	rddreg [dreg:$0x0];
	s2 =	stileid.u32  }
0xce: {  	s1 =	rddreg [dreg:$0x1];
	p0 =	sne.s32 s2, $0x0  }
0xcf: {  	s3 =	rddreg [dreg:$0x2];
	[bflag:$0x3] =	sbarrier.arrive $0xFFFF;
	s2 =	simm.s32 @!p0 $0x1C02  }
0xd0: {  	[timem:s3], [sflag:s2] =	dma.local @!p0 [hbm:s0], s1  }
0xd1: {  	s0 =	simm.s32 @!p0 $0x2  }
0xd2: {  	_ =	swait.ge @!p0 [sflag:s0], s1  }
0xd3: {  	s1 =	ssub.s32 @!p0 $0x0, s1;
	[sflag:s0] =	ssyncset.done @!p0 $0x0  }
0xd4: {  	[sflag:s0] =	ssyncadd.s32 @!p0 s1  }
0xd5: {  	[bflag:$0x3] =	sbarrier.arrive $0xFFFF  }
0xd6: {  	_ =	shalt  }

// kernel: kernel.24.cloned.1.call-start
scs
__scs_entry_jumppad:
0x0: {  	(pc) =	sbr.rel $0x88, $3  }
0x1: {  	(tag) =	ssettag $0x0;
	lr =	simm.s32 $0x1  }
0x2: {  	[smem:$0x3F90] =	sst lr;
	_ =	strace $0xD0000000  }
0x3: {  	_ = 	snop  }
0x4: {  	_ = 	snop  }
0x5: {  	_ = 	snop  }
0x6: {  	_ = 	snop  }
0x7: {  	_ = 	snop  }
__scs_overlays_trampoline_lowered:
0x8: {  	[smem:$0x3F9F] =	sst s0  }
0x9: {  	[smem:$0x3FA0] =	sst s1  }
0xa: {  	[smem:$0x3FA1] =	sst s2  }
0xb: {  	[smem:$0x3FA2] =	sst s3  }
0xc: {  	[smem:$0x3FA3] =	sst s4  }
0xd: {  	[smem:$0x3FA4] =	sst s5  }
0xe: {  	[smem:$0x3FA5] =	sst s6  }
0xf: {  	[smem:$0x3FA6] =	sst s7  }
0x10: {  	[smem:$0x3FA7] =	sst s8  }
0x11: {  	[smem:$0x3FA8] =	sst s9;
	s0 =	simm.s32 @!p0 $0x0  }
0x12: {  	s1 =	sld [smem:$0x3F8E];
	s0 =	simm.s32 @p0 $0x1  }
0x13: {  	[smem:$0x3FA9] =	sst s0;
	s0 =	simm.s32 @!p1 $0x0  }
0x14: {  	s2 =	sld [smem:$0x3F8D];
	s0 =	simm.s32 @p1 $0x1  }
0x15: {  	[smem:$0x3FAA] =	sst s0;
	s0 =	simm.s32 @!p2 $0x0  }
0x16: {  	s3 =	sld [smem:$0x3FDB];
	s0 =	simm.s32 @p2 $0x1  }
0x17: {  	s4 =	simm.s32 $0x1BF5;
	[smem:$0x3FAC] =	sst s0  }
0x18: {  	s0 =	sld [smem:$0x3F8F];
	_ =	swait.ge [sflag:s4], $0x0  }
0x19: {  	s7 =	sld [smem:$0x3F90]  }
0x1a: {  	s8 =	sadd.s32 $0xFFFFE003, lr  }
0x1b: {  	s9 =	sadd.s32 $0xFFFFFEF7, lr;
	s5 =	simm.s32 $0xFFFFFFFF;
	p2 =	slt.u32 s8, $0xFFFFF086  }
0x1c: {  	p1 =	slt.u32 s9, $0xF7A;
	s5 =	simm.s32 @!p2 $0x0  }
0x1d: {  	s5 =	simm.s32 @p1 $0x1;
	p0 =	seq.s32 s7, s2  }
0x1e: {  	s7 =	smul.u32 @!p0 $0xF7A, s2;
	p2 =	seq.s32 @!p0 s5, $0x0  }
0x1f: {  	s9 =	smul.u32 $0xF7A, s1;
	s8 =	simm.s32 @!p0 $0x1BF5;
	p2 =	por !p2, p0  }
0x20: {  	[sflag:s8] =	ssyncset.s32 @!p0 $0xFFFFF086;
	s6 =	sadd.s32 @!p0 s3, s7;
	s7 =	simm.s32 @!p0 $0x108  }
0x21: {  	s3 =	sadd.s32 s3, s9;
	s6 =	sadd.s32 @!p0 $0x88, s6;
	s7 =	simm.s32 @p2 $0x1082  }
0x22: {  	[simem:s7], [sflag:s8] =	dma.local @!p0 [hbm:s6], $0xF7A  }
0x23: {  	s9 =	sor.u32 $0xD0000000, s2;
	s6 =	simm.s32 $0x108;
	_ =	swait.ge @!p0 [sflag:s8], $0x0  }
0x24: {  	s3 =	sadd.s32 $0x88, s3;
	s6 =	simm.s32 @!p1 $0x1082;
	[sflag:s4] =	ssyncset.s32 $0xFFFFF086  }
0x25: {  	[simem:s6], [sflag:s4] =	dma.local [hbm:s3], $0xF7A  }
0x26: {  	[smem:$0x3F90] =	sst s1;
	(tag) =	ssettag s2;
	_ =	strace s9  }
0x27: {  	s1 =	sld [smem:$0x3FA0]  }
0x28: {  	s2 =	sld [smem:$0x3FA1]  }
0x29: {  	s4 =	sld [smem:$0x3FA3]  }
0x2a: {  	p0 =	seq.s32 s5, $0x0;
	s5 =	sld [smem:$0x3FA4]  }
0x2b: {  	s6 =	sld [smem:$0x3FA5]  }
0x2c: {  	s7 =	sld [smem:$0x3FA6]  }
0x2d: {  	s3 =	simm.s32 $0x108;
	s8 =	sld [smem:$0x3FA7]  }
0x2e: {  	s3 =	simm.s32 @!p0 $0x1082;
	s9 =	sld [smem:$0x3FA8]  }
0x2f: {  	lr =	sadd.s32 s0, s3;
	s0 =	sld [smem:$0x3F9F]  }
0x30: {  	s3 =	sld [smem:$0x3FA2]  }
0x31: {  	[smem:$0x3FAB] =	sst s10  }
0x32: {  	s10 =	sld [smem:$0x3FA9];
	_ =	sdelay $0x3  }
0x33: {  	p0 =	seq.s32 s10, $0x1;
	s10 =	sld [smem:$0x3FAB];
	_ =	sdelay $0x3  }
0x34: {  	[smem:$0x3FAB] =	sst s10  }
0x35: {  	s10 =	sld [smem:$0x3FAA];
	_ =	sdelay $0x3  }
0x36: {  	p1 =	seq.s32 s10, $0x1;
	s10 =	sld [smem:$0x3FAB];
	_ =	sdelay $0x3  }
0x37: {  	[smem:$0x3FAB] =	sst s10  }
0x38: {  	s10 =	sld [smem:$0x3FAC]  }
0x39: {  	_ = 	snop;
	(pc) =	sbr.ind lr, $3  }
0x3a: {  	_ = 	snop  }
0x3b: {  	_ = 	snop  }
0x3c: {  	p2 =	seq.s32 s10, $0x1;
	s10 =	sld [smem:$0x3FAB]  }
0x3d: {  	_ =	shalt  }
0x3e: {  	_ =	shalt  }
0x3f: {  	_ =	shalt  }
0x40: {  	_ =	shalt  }
0x41: {  	_ =	shalt  }
0x42: {  	_ =	shalt  }
0x43: {  	_ =	shalt  }
0x44: {  	_ =	shalt  }
0x45: {  	_ =	shalt  }
0x46: {  	_ =	shalt  }
0x47: {  	_ =	shalt  }
0x48: {  	_ =	shalt  }
0x49: {  	_ =	shalt  }
0x4a: {  	_ =	shalt  }
0x4b: {  	_ =	shalt  }
0x4c: {  	_ =	shalt  }
0x4d: {  	_ =	shalt  }
0x4e: {  	_ =	shalt  }
0x4f: {  	_ =	shalt  }
0x50: {  	_ =	shalt  }
0x51: {  	_ =	shalt  }
0x52: {  	_ =	shalt  }
0x53: {  	_ =	shalt  }
0x54: {  	_ =	shalt  }
0x55: {  	_ =	shalt  }
0x56: {  	_ =	shalt  }
0x57: {  	_ =	shalt  }
0x58: {  	_ =	shalt  }
0x59: {  	_ =	shalt  }
0x5a: {  	_ =	shalt  }
0x5b: {  	_ =	shalt  }
0x5c: {  	_ =	shalt  }
0x5d: {  	_ =	shalt  }
0x5e: {  	_ =	shalt  }
0x5f: {  	_ =	shalt  }
0x60: {  	_ =	shalt  }
0x61: {  	_ =	shalt  }
0x62: {  	_ =	shalt  }
0x63: {  	_ =	shalt  }
0x64: {  	_ =	shalt  }
0x65: {  	_ =	shalt  }
0x66: {  	_ =	shalt  }
0x67: {  	_ =	shalt  }
0x68: {  	_ =	shalt  }
0x69: {  	_ =	shalt  }
0x6a: {  	_ =	shalt  }
0x6b: {  	_ =	shalt  }
0x6c: {  	_ =	shalt  }
0x6d: {  	_ =	shalt  }
0x6e: {  	_ =	shalt  }
0x6f: {  	_ =	shalt  }
0x70: {  	_ =	shalt  }
0x71: {  	_ =	shalt  }
0x72: {  	_ =	shalt  }
0x73: {  	_ =	shalt  }
0x74: {  	_ =	shalt  }
0x75: {  	_ =	shalt  }
0x76: {  	_ =	shalt  }
0x77: {  	_ =	shalt  }
0x78: {  	_ =	shalt  }
0x79: {  	_ =	shalt  }
0x7a: {  	_ =	shalt  }
0x7b: {  	_ =	shalt  }
0x7c: {  	_ =	shalt  }
0x7d: {  	_ =	shalt  }
0x7e: {  	_ =	shalt  }
0x7f: {  	_ =	shalt  }
0x80: {  	_ =	shalt  }
0x81: {  	_ =	shalt  }
0x82: {  	_ =	shalt  }
0x83: {  	_ =	shalt  }
0x84: {  	_ =	shalt  }
0x85: {  	_ =	shalt  }
0x86: {  	_ =	shalt  }
0x87: {  	_ =	shalt  }
.Lfunc_end0:
.L_simem_size_0:
called_computation.3_lowered:
.L_overlay_start_0:
0x88: {  	s2 =	sld [smem:$0x3FD9]  }
0x89: {  	s3 =	sld [smem:$0x3FFE];
	_ =	sdelay $0x1  }
0x8a: {  	s1 =	srdreg.scid  }
0x8b: {  	s0 =	sand.u32 $0x1, s1  }
0x8c: {  	s14 =	sshll.u32 s0, $0xA;
	s2 =	sadd.s32 s3, s2  }
0x8d: {  	s2 =	sadd.s32 s2, s14  }
0x8e: {  	[smem:$0x3FB7] =	sst s2  }
0x8f: {  	_ = 	snop  }
0x90: {  	s2 =	sld [smem:$0x3FD0];
	_ =	sdelay $0x2  }
0x91: {  	s15 =	simm.s32 $0xA;
	s4 =	simm.s32 $0x10  }
0x92: {  	[smem:s4], [sflag:s15] =	dma.local [hbm:s2], $0x1  }
0x93: {  	_ =	swait.eq [sflag:s15], $0x1  }
0x94: {  	[sflag:s15] =	ssyncset.done $0x0  }
0x95: {  	[sflag:s15] =	ssyncadd.s32 $0xFFFFFFFF  }
0x96: {  	s16 =	sld [smem:$0x10];
	(tm) =	ssettm $0x1  }
0x97: {  	s17 =	sld [smem:$0x3FFB];
	_ =	sdelay $0x3  }
0x98: {  	_ =	strace s17  }
0x99: {  	s3 =	sld [smem:$0x3FFC];
	_ =	sdelay $0x3  }
0x9a: {  	_ =	strace s3  }
0x9b: {  	s3 =	sld [smem:$0x3FFD];
	_ =	sdelay $0x3  }
0x9c: {  	_ =	strace s3  }
0x9d: {  	_ =	strace $0x8FFFFFFF  }
0x9e: {  	s18 =	sld [smem:$0x3FDB];
	_ =	sdelay $0x1  }
0x9f: {  	s19 =	simm.s32 $_scs_section_size  }
0xa0: {  	s5 =	simm.s32 $_size__tile_overlayer_lowered;
	s6 =	simm.s32 $_tile_overlayer_lowered  }
0xa1: {  	s22 =	simm.s32 $0x1BFF;
	s21 =	sshll.u32 s6, $0x1;
	s3 =	sadd.s32 s19, s18  }
0xa2: {  	s7 =	simm.s32 $0x0;
	s20 =	sshll.u32 s5, $0x1;
	s5 =	sadd.s32 s21, s3  }
0xa3: {  	[timem:s7], [sflag:s22] =	dma.local [hbm:s5], s20  }
0xa4: {  	_ =	swait.ge [sflag:s22], s20  }
0xa5: {  	s4 =	ssub.s32 $0x0, s20;
	[sflag:s22] =	ssyncset.done $0x0  }
0xa6: {  	[sflag:s22] =	ssyncadd.s32 s4;
	_ =	sdelay $0x1  }
0xa7: {  	s23 =	simm.s32 $0x1B8B  }
0xa8: {  	_ =	swait.ge [sflag:s23], $0x1  }
0xa9: {  	[sflag:s23] =	ssyncset.done $0x0  }
0xaa: {  	s25 =	simm.s32 $0x1B8E;
	s24 =	sld [smem:$0x3FFE];
	[sflag:s23] =	ssyncadd.s32 $0xFFFFFFFF  }
0xab: {  	s26 =	simm.s32 $execute0_lowered;
	[smem:$0x3FD2] =	sst s25  }
0xac: {  	s5 =	sshll.u32 s26, $0x1;
	_ =	strace $0x8000004F;
	[dreg:$0x1] =	wrdreg $0xFFFFFFFF  }
0xad: {  	s28 =	simm.s32 $_size_execute0_lowered;
	s3 =	sadd.s32 s3, s5;
	[dreg:$0x0] =	wrdreg $0x0  }
0xae: {  	s5 =	sshll.u32 s28, $0x1;
	[dreg:$0x2] =	wrdreg s3  }
0xaf: {  	[dreg:$0x3] =	wrdreg s5  }
0xb0: {  	[dreg:$0x4] =	wrdreg $0xC0  }
0xb1: {  	_ =	task [dreg:s7], $0x5FFFF  }
0xb2: {  	[dreg:$0x1] =	wrdreg $0xFFFFFFFF  }
0xb3: {  	[dreg:$0x0] =	wrdreg $0x60  }
0xb4: {  	[dreg:$0x2] =	wrdreg s16  }
0xb5: {  	[dreg:$0x3] =	wrdreg s24  }
0xb6: {  	[dreg:$0x4] =	wrdreg $0x9  }
0xb7: {  	_ =	task.clear_ibuf [dreg:s7], $0x5FFFF;
	_ =	strace $0x9000004F  }
0xb8: {  	s29 =	simm.s32 $0x9;
	_ =	strace $0x80000051  }
0xb9: {  	_ =	swait.ge [sflag:s29], $0x1  }
0xba: {  	[sflag:s29] =	ssyncadd.s32 $0xFFFFFFFF  }
0xbb: {  	_ =	strace $0x90000051  }
0xbc: {  	_ =	sfence  }
0xbd: {  	s30 =	sld [smem:$0x0];
	_ =	sdelay $0x2  }
0xbe: {  	s31 =	sshll.u32 s1, $0xD;
	s1 =	sshrl.u32 s1, $0x2  }
0xbf: {  	s3 =	sand.u32 $0x4000, s31;
	s1 =	sadd.s32 s1, s30  }
0xc0: {  	s0 =	sor.u32 s3, s0;
	s1 =	sshll.u32 s1, $0x11  }
0xc1: {  	s0 =	sor.u32 s1, s0  }
0xc2: {  	s0 =	sadd.s32 $0x8F2B, s0  }
0xc3: {  	[sflag:s0] =	ssyncadd.remote.s32 $0x1  }
0xc4: {  	_ =	sfence.sel $0xFFFF  }
0xc5: {  	[dreg:$0x0] =	wrdreg $0xFFFFFFFF;
	(pc) =	sbr.abs _section_cstart, $3  }
0xc6: {  	[dreg:$0x1] =	wrdreg $0xFFFFFFFF  }
0xc7: {  	_ =	task.clear_ibuf [dreg:s7], $0x2FFFF;
	_ =	strace $0x9FFFFFFF  }
0xc8: {  	(tm) =	ssettm $0x7FFFFFFF  }
0xc9: {  	_ =	shalt  }
tec
execute0_lowered:
.L_overlay_start_1:
0x0: {  	(tag) =	ssettag $0x1  }
0x1: {  	s1 =	srdreg.scid  }
0x2: {  	s2 =	rddreg [dreg:$0x0];
	s0 =	stileid.u32;
	s22 =	sand.u32 $0x1, s1  }
0x3: {  	s8 =	rddreg [dreg:$0x1];
	s4 =	sshll.u32 s0, $0xB;
	s5 =	sshll.u32 s22, $0xA  }
0x4: {  	s3 =	simm.s32 $0x0;
	s1 =	rddreg [dreg:$0x2];
	s24 =	sor.u32 s5, s4  }
0x5: {  	[smem:$0x7FF] =	sst s3;
	s21 =	sadd.s32 $0x7000, s8;
	s4 =	sshrl.u32 s24, $0x3  }
0x6: {  	_ =	strace $0x80000050;
	s5 =	sadd.s32 s21, s4;
	s4 =	simm.s32 $0x2  }
0x7: {  	[tilespmem:s3], [sflag:$0x2] =	stream.linear.gather [hbm4b:s5+s3], $0x80, $0x38;
	[tilespmem:$0x4080] =	vst v63  }
0x8: {  	_ =	swait.ge [sflag:s4], $0x80  }
0x9: {  	[sflag:s4] =	ssyncset.done $0x0  }
0xa: {  	s6 =	simm.s32 $0x80;
	s7 =	simm.s32 $0x1;
	[sflag:s4] =	ssyncadd.s32 $0xFFFFFF80  }
0xb: {  	[tilespmem:s6], [sflag:$0x1] =	stream.indirect.gather [hbm4b:s2+s6], $0x80, s3, s6, $0xb8;
	[tilespmem:$0x4080] =	vst v63  }
0xc: {  	_ =	swait.ge [sflag:s7], $0x4000  }
0xd: {  	s23 =	sadd.s32 $0x8000, s8;
	s28 =	sshll.u32 s24, $0x4;
	[sflag:s7] =	ssyncset.done $0x0  }
0xe: {  	s8 =	sadd.s32 s23, s28;
	[sflag:s7] =	ssyncadd.s32 $0xFFFFC000  }
0xf: {  	[hbm4b:s8+s3] =	stream.linear.scatter [tilespmem:s6], [sflag:$0x2], $0x4000, $0x38;
	[tilespmem:$0x4080] =	vst v63  }
0x10: {  	s10 =	sor.u32 $0x80, s24;
	_ =	swait.ge [sflag:s4], $0x4000  }
0x11: {  	s9 =	sshrl.u32 s10, $0x3;
	[sflag:s4] =	ssyncset.done $0x0  }
0x12: {  	s9 =	sadd.s32 s21, s9;
	[sflag:s4] =	ssyncadd.s32 $0xFFFFC000  }
0x13: {  	[tilespmem:s3], [sflag:$0x2] =	stream.linear.gather [hbm4b:s9+s3], $0x80, $0x38;
	[tilespmem:$0x4080] =	vst v63  }
0x14: {  	_ =	swait.ge [sflag:s4], $0x80  }
0x15: {  	[sflag:s4] =	ssyncset.done $0x0  }
0x16: {  	[sflag:s4] =	ssyncadd.s32 $0xFFFFFF80  }
0x17: {  	[tilespmem:s6], [sflag:$0x1] =	stream.indirect.gather [hbm4b:s2+s6], $0x80, s3, s6, $0xb8;
	[tilespmem:$0x4080] =	vst v63  }
0x18: {  	_ =	swait.ge [sflag:s7], $0x4000  }
0x19: {  	s10 =	sshll.u32 s10, $0x4;
	[sflag:s7] =	ssyncset.done $0x0  }
0x1a: {  	s10 =	sadd.s32 s23, s10;
	[sflag:s7] =	ssyncadd.s32 $0xFFFFC000  }
0x1b: {  	[hbm4b:s10+s3] =	stream.linear.scatter [tilespmem:s6], [sflag:$0x2], $0x4000, $0x38;
	[tilespmem:$0x4080] =	vst v63  }
0x1c: {  	s12 =	sor.u32 $0x100, s24;
	_ =	swait.ge [sflag:s4], $0x4000  }
0x1d: {  	s11 =	sshrl.u32 s12, $0x3;
	[sflag:s4] =	ssyncset.done $0x0  }
0x1e: {  	s11 =	sadd.s32 s21, s11;
	[sflag:s4] =	ssyncadd.s32 $0xFFFFC000  }
0x1f: {  	[tilespmem:s3], [sflag:$0x2] =	stream.linear.gather [hbm4b:s11+s3], $0x80, $0x38;
	[tilespmem:$0x4080] =	vst v63  }
0x20: {  	_ =	swait.ge [sflag:s4], $0x80  }
0x21: {  	[sflag:s4] =	ssyncset.done $0x0  }
0x22: {  	[sflag:s4] =	ssyncadd.s32 $0xFFFFFF80  }
0x23: {  	[tilespmem:s6], [sflag:$0x1] =	stream.indirect.gather [hbm4b:s2+s6], $0x80, s3, s6, $0xb8;
	[tilespmem:$0x4080] =	vst v63  }
0x24: {  	_ =	swait.ge [sflag:s7], $0x4000  }
0x25: {  	s12 =	sshll.u32 s12, $0x4;
	[sflag:s7] =	ssyncset.done $0x0  }
0x26: {  	s12 =	sadd.s32 s23, s12;
	[sflag:s7] =	ssyncadd.s32 $0xFFFFC000  }
0x27: {  	[hbm4b:s12+s3] =	stream.linear.scatter [tilespmem:s6], [sflag:$0x2], $0x4000, $0x38;
	[tilespmem:$0x4080] =	vst v63  }
0x28: {  	s14 =	sor.u32 $0x180, s24;
	_ =	swait.ge [sflag:s4], $0x4000  }
0x29: {  	s13 =	sshrl.u32 s14, $0x3;
	[sflag:s4] =	ssyncset.done $0x0  }
0x2a: {  	s13 =	sadd.s32 s21, s13;
	[sflag:s4] =	ssyncadd.s32 $0xFFFFC000  }
0x2b: {  	[tilespmem:s3], [sflag:$0x2] =	stream.linear.gather [hbm4b:s13+s3], $0x80, $0x38;
	[tilespmem:$0x4080] =	vst v63  }
0x2c: {  	_ =	swait.ge [sflag:s4], $0x80  }
0x2d: {  	[sflag:s4] =	ssyncset.done $0x0  }
0x2e: {  	[sflag:s4] =	ssyncadd.s32 $0xFFFFFF80  }
0x2f: {  	[tilespmem:s6], [sflag:$0x1] =	stream.indirect.gather [hbm4b:s2+s6], $0x80, s3, s6, $0xb8;
	[tilespmem:$0x4080] =	vst v63  }
0x30: {  	_ =	swait.ge [sflag:s7], $0x4000  }
0x31: {  	s14 =	sshll.u32 s14, $0x4;
	[sflag:s7] =	ssyncset.done $0x0  }
0x32: {  	s14 =	sadd.s32 s23, s14;
	[sflag:s7] =	ssyncadd.s32 $0xFFFFC000  }
0x33: {  	[hbm4b:s14+s3] =	stream.linear.scatter [tilespmem:s6], [sflag:$0x2], $0x4000, $0x38;
	[tilespmem:$0x4080] =	vst v63  }
0x34: {  	s16 =	sor.u32 $0x200, s24;
	_ =	swait.ge [sflag:s4], $0x4000  }
0x35: {  	s15 =	sshrl.u32 s16, $0x3;
	[sflag:s4] =	ssyncset.done $0x0  }
0x36: {  	s15 =	sadd.s32 s21, s15;
	[sflag:s4] =	ssyncadd.s32 $0xFFFFC000  }
0x37: {  	[tilespmem:s3], [sflag:$0x2] =	stream.linear.gather [hbm4b:s15+s3], $0x80, $0x38;
	[tilespmem:$0x4080] =	vst v63  }
0x38: {  	_ =	swait.ge [sflag:s4], $0x80  }
0x39: {  	[sflag:s4] =	ssyncset.done $0x0  }
0x3a: {  	[sflag:s4] =	ssyncadd.s32 $0xFFFFFF80  }
0x3b: {  	[tilespmem:s6], [sflag:$0x1] =	stream.indirect.gather [hbm4b:s2+s6], $0x80, s3, s6, $0xb8;
	[tilespmem:$0x4080] =	vst v63  }
0x3c: {  	_ =	swait.ge [sflag:s7], $0x4000  }
0x3d: {  	s16 =	sshll.u32 s16, $0x4;
	[sflag:s7] =	ssyncset.done $0x0  }
0x3e: {  	s16 =	sadd.s32 s23, s16;
	[sflag:s7] =	ssyncadd.s32 $0xFFFFC000  }
0x3f: {  	[hbm4b:s16+s3] =	stream.linear.scatter [tilespmem:s6], [sflag:$0x2], $0x4000, $0x38;
	[tilespmem:$0x4080] =	vst v63  }
0x40: {  	s18 =	sor.u32 $0x280, s24;
	_ =	swait.ge [sflag:s4], $0x4000  }
0x41: {  	s17 =	sshrl.u32 s18, $0x3;
	[sflag:s4] =	ssyncset.done $0x0  }
0x42: {  	s17 =	sadd.s32 s21, s17;
	[sflag:s4] =	ssyncadd.s32 $0xFFFFC000  }
0x43: {  	[tilespmem:s3], [sflag:$0x2] =	stream.linear.gather [hbm4b:s17+s3], $0x80, $0x38;
	[tilespmem:$0x4080] =	vst v63  }
0x44: {  	_ =	swait.ge [sflag:s4], $0x80  }
0x45: {  	[sflag:s4] =	ssyncset.done $0x0  }
0x46: {  	[sflag:s4] =	ssyncadd.s32 $0xFFFFFF80  }
0x47: {  	[tilespmem:s6], [sflag:$0x1] =	stream.indirect.gather [hbm4b:s2+s6], $0x80, s3, s6, $0xb8;
	[tilespmem:$0x4080] =	vst v63  }
0x48: {  	_ =	swait.ge [sflag:s7], $0x4000  }
0x49: {  	s18 =	sshll.u32 s18, $0x4;
	[sflag:s7] =	ssyncset.done $0x0  }
0x4a: {  	s18 =	sadd.s32 s23, s18;
	[sflag:s7] =	ssyncadd.s32 $0xFFFFC000  }
0x4b: {  	[hbm4b:s18+s3] =	stream.linear.scatter [tilespmem:s6], [sflag:$0x2], $0x4000, $0x38;
	[tilespmem:$0x4080] =	vst v63  }
0x4c: {  	s20 =	sor.u32 $0x300, s24;
	_ =	swait.ge [sflag:s4], $0x4000  }
0x4d: {  	s19 =	sshrl.u32 s20, $0x3;
	[sflag:s4] =	ssyncset.done $0x0  }
0x4e: {  	s19 =	sadd.s32 s21, s19;
	[sflag:s4] =	ssyncadd.s32 $0xFFFFC000  }
0x4f: {  	[tilespmem:s3], [sflag:$0x2] =	stream.linear.gather [hbm4b:s19+s3], $0x80, $0x38;
	[tilespmem:$0x4080] =	vst v63  }
0x50: {  	_ =	swait.ge [sflag:s4], $0x80  }
0x51: {  	[sflag:s4] =	ssyncset.done $0x0  }
0x52: {  	[sflag:s4] =	ssyncadd.s32 $0xFFFFFF80  }
0x53: {  	[tilespmem:s6], [sflag:$0x1] =	stream.indirect.gather [hbm4b:s2+s6], $0x80, s3, s6, $0xb8;
	[tilespmem:$0x4080] =	vst v63  }
0x54: {  	_ =	swait.ge [sflag:s7], $0x4000  }
0x55: {  	s20 =	sshll.u32 s20, $0x4;
	[sflag:s7] =	ssyncset.done $0x0  }
0x56: {  	s20 =	sadd.s32 s23, s20;
	[sflag:s7] =	ssyncadd.s32 $0xFFFFC000  }
0x57: {  	[hbm4b:s20+s3] =	stream.linear.scatter [tilespmem:s6], [sflag:$0x2], $0x4000, $0x38;
	[tilespmem:$0x4080] =	vst v63  }
0x58: {  	s24 =	sor.u32 $0x380, s24;
	_ =	swait.ge [sflag:s4], $0x4000  }
0x59: {  	s25 =	sshrl.u32 s24, $0x3;
	[sflag:s4] =	ssyncset.done $0x0  }
0x5a: {  	s22 =	ssub.s32 $0x2, s22;
	s21 =	sadd.s32 s21, s25;
	[sflag:s4] =	ssyncadd.s32 $0xFFFFC000  }
0x5b: {  	[tilespmem:s3], [sflag:$0x2] =	stream.linear.gather [hbm4b:s21+s3], $0x80, $0x38;
	[tilespmem:$0x4080] =	vst v63  }
0x5c: {  	s29 =	sshrl.u32 s22, $0x1;
	_ =	swait.ge [sflag:s4], $0x80  }
0x5d: {  	s25 =	ssub.s32 s22, s29;
	[sflag:s4] =	ssyncset.done $0x0  }
0x5e: {  	s31 =	smax.u32 s25, $0x1;
	[sflag:s4] =	ssyncadd.s32 $0xFFFFFF80  }
0x5f: {  	[tilespmem:s6], [sflag:$0x1] =	stream.indirect.gather [hbm4b:s2+s6], $0x80, s3, s6, $0xb8;
	[tilespmem:$0x4080] =	vst v63  }
0x60: {  	p0 =	sne.s32 s31, $0x1;
	_ =	swait.ge [sflag:s7], $0x4000  }
.Ltmp0:
0x61: {  	s30 =	sshll.u32 s24, $0x4;
	[sflag:s7] =	ssyncset.done $0x0;
	(pc) =	sbr.rel @!p0 .LBB2_2-.Ltmp0, $4  }
0x62: {  	s22 =	sadd.s32 s23, s30;
	[sflag:s7] =	ssyncadd.s32 $0xFFFFC000  }
0x63: {  	[hbm4b:s22+s3] =	stream.linear.scatter [tilespmem:s6], [sflag:$0x2], $0x4000, $0x38;
	[tilespmem:$0x4080] =	vst v63  }
0x64: {  	_ =	swait.ge [sflag:s4], $0x4000  }
0x65: {  	s23 =	sadd.s32 $0xFFFFFFFF, s31;
	[sflag:s4] =	ssyncset.done $0x0  }
.LBB2_1:
0x66: {  	p0 =	sne.s32 s23, $0x1;
	s23 =	sadd.s32 $0xFFFFFFFF, s23;
	[sflag:s4] =	ssyncadd.s32 $0xFFFFC000  }
0x67: {  	[tilespmem:s3], [sflag:$0x2] =	stream.linear.gather [hbm4b:s5+s3], $0x80, $0x38;
	[tilespmem:$0x4080] =	vst v63  }
0x68: {  	_ =	swait.ge [sflag:s4], $0x80  }
0x69: {  	[sflag:s4] =	ssyncset.done $0x0  }
0x6a: {  	[sflag:s4] =	ssyncadd.s32 $0xFFFFFF80  }
0x6b: {  	[tilespmem:s6], [sflag:$0x1] =	stream.indirect.gather [hbm4b:s2+s6], $0x80, s3, s6, $0xb8;
	[tilespmem:$0x4080] =	vst v63  }
0x6c: {  	_ =	swait.ge [sflag:s7], $0x4000  }
0x6d: {  	[sflag:s7] =	ssyncset.done $0x0  }
0x6e: {  	[sflag:s7] =	ssyncadd.s32 $0xFFFFC000  }
0x6f: {  	[hbm4b:s8+s3] =	stream.linear.scatter [tilespmem:s6], [sflag:$0x2], $0x4000, $0x38;
	[tilespmem:$0x4080] =	vst v63  }
0x70: {  	_ =	swait.ge [sflag:s4], $0x4000  }
0x71: {  	[sflag:s4] =	ssyncset.done $0x0  }
0x72: {  	[sflag:s4] =	ssyncadd.s32 $0xFFFFC000  }
0x73: {  	[tilespmem:s3], [sflag:$0x2] =	stream.linear.gather [hbm4b:s9+s3], $0x80, $0x38;
	[tilespmem:$0x4080] =	vst v63  }
0x74: {  	_ =	swait.ge [sflag:s4], $0x80  }
0x75: {  	[sflag:s4] =	ssyncset.done $0x0  }
0x76: {  	[sflag:s4] =	ssyncadd.s32 $0xFFFFFF80  }
0x77: {  	[tilespmem:s6], [sflag:$0x1] =	stream.indirect.gather [hbm4b:s2+s6], $0x80, s3, s6, $0xb8;
	[tilespmem:$0x4080] =	vst v63  }
0x78: {  	_ =	swait.ge [sflag:s7], $0x4000  }
0x79: {  	[sflag:s7] =	ssyncset.done $0x0  }
0x7a: {  	[sflag:s7] =	ssyncadd.s32 $0xFFFFC000  }
0x7b: {  	[hbm4b:s10+s3] =	stream.linear.scatter [tilespmem:s6], [sflag:$0x2], $0x4000, $0x38;
	[tilespmem:$0x4080] =	vst v63  }
0x7c: {  	_ =	swait.ge [sflag:s4], $0x4000  }
0x7d: {  	[sflag:s4] =	ssyncset.done $0x0  }
0x7e: {  	[sflag:s4] =	ssyncadd.s32 $0xFFFFC000  }
0x7f: {  	[tilespmem:s3], [sflag:$0x2] =	stream.linear.gather [hbm4b:s11+s3], $0x80, $0x38;
	[tilespmem:$0x4080] =	vst v63  }
0x80: {  	_ =	swait.ge [sflag:s4], $0x80  }
0x81: {  	[sflag:s4] =	ssyncset.done $0x0  }
0x82: {  	[sflag:s4] =	ssyncadd.s32 $0xFFFFFF80  }
0x83: {  	[tilespmem:s6], [sflag:$0x1] =	stream.indirect.gather [hbm4b:s2+s6], $0x80, s3, s6, $0xb8;
	[tilespmem:$0x4080] =	vst v63  }
0x84: {  	_ =	swait.ge [sflag:s7], $0x4000  }
0x85: {  	[sflag:s7] =	ssyncset.done $0x0  }
0x86: {  	[sflag:s7] =	ssyncadd.s32 $0xFFFFC000  }
0x87: {  	[hbm4b:s12+s3] =	stream.linear.scatter [tilespmem:s6], [sflag:$0x2], $0x4000, $0x38;
	[tilespmem:$0x4080] =	vst v63  }
0x88: {  	_ =	swait.ge [sflag:s4], $0x4000  }
0x89: {  	[sflag:s4] =	ssyncset.done $0x0  }
0x8a: {  	[sflag:s4] =	ssyncadd.s32 $0xFFFFC000  }
0x8b: {  	[tilespmem:s3], [sflag:$0x2] =	stream.linear.gather [hbm4b:s13+s3], $0x80, $0x38;
	[tilespmem:$0x4080] =	vst v63  }
0x8c: {  	_ =	swait.ge [sflag:s4], $0x80  }
0x8d: {  	[sflag:s4] =	ssyncset.done $0x0  }
0x8e: {  	[sflag:s4] =	ssyncadd.s32 $0xFFFFFF80  }
0x8f: {  	[tilespmem:s6], [sflag:$0x1] =	stream.indirect.gather [hbm4b:s2+s6], $0x80, s3, s6, $0xb8;
	[tilespmem:$0x4080] =	vst v63  }
0x90: {  	_ =	swait.ge [sflag:s7], $0x4000  }
0x91: {  	[sflag:s7] =	ssyncset.done $0x0  }
0x92: {  	[sflag:s7] =	ssyncadd.s32 $0xFFFFC000  }
0x93: {  	[hbm4b:s14+s3] =	stream.linear.scatter [tilespmem:s6], [sflag:$0x2], $0x4000, $0x38;
	[tilespmem:$0x4080] =	vst v63  }
0x94: {  	_ =	swait.ge [sflag:s4], $0x4000  }
0x95: {  	[sflag:s4] =	ssyncset.done $0x0  }
0x96: {  	[sflag:s4] =	ssyncadd.s32 $0xFFFFC000  }
0x97: {  	[tilespmem:s3], [sflag:$0x2] =	stream.linear.gather [hbm4b:s15+s3], $0x80, $0x38;
	[tilespmem:$0x4080] =	vst v63  }
0x98: {  	_ =	swait.ge [sflag:s4], $0x80  }
0x99: {  	[sflag:s4] =	ssyncset.done $0x0  }
0x9a: {  	[sflag:s4] =	ssyncadd.s32 $0xFFFFFF80  }
0x9b: {  	[tilespmem:s6], [sflag:$0x1] =	stream.indirect.gather [hbm4b:s2+s6], $0x80, s3, s6, $0xb8;
	[tilespmem:$0x4080] =	vst v63  }
0x9c: {  	_ =	swait.ge [sflag:s7], $0x4000  }
0x9d: {  	[sflag:s7] =	ssyncset.done $0x0  }
0x9e: {  	[sflag:s7] =	ssyncadd.s32 $0xFFFFC000  }
0x9f: {  	[hbm4b:s16+s3] =	stream.linear.scatter [tilespmem:s6], [sflag:$0x2], $0x4000, $0x38;
	[tilespmem:$0x4080] =	vst v63  }
0xa0: {  	_ =	swait.ge [sflag:s4], $0x4000  }
0xa1: {  	[sflag:s4] =	ssyncset.done $0x0  }
0xa2: {  	[sflag:s4] =	ssyncadd.s32 $0xFFFFC000  }
0xa3: {  	[tilespmem:s3], [sflag:$0x2] =	stream.linear.gather [hbm4b:s17+s3], $0x80, $0x38;
	[tilespmem:$0x4080] =	vst v63  }
0xa4: {  	_ =	swait.ge [sflag:s4], $0x80  }
0xa5: {  	[sflag:s4] =	ssyncset.done $0x0  }
0xa6: {  	[sflag:s4] =	ssyncadd.s32 $0xFFFFFF80  }
0xa7: {  	[tilespmem:s6], [sflag:$0x1] =	stream.indirect.gather [hbm4b:s2+s6], $0x80, s3, s6, $0xb8;
	[tilespmem:$0x4080] =	vst v63  }
0xa8: {  	_ =	swait.ge [sflag:s7], $0x4000  }
0xa9: {  	[sflag:s7] =	ssyncset.done $0x0  }
0xaa: {  	[sflag:s7] =	ssyncadd.s32 $0xFFFFC000  }
0xab: {  	[hbm4b:s18+s3] =	stream.linear.scatter [tilespmem:s6], [sflag:$0x2], $0x4000, $0x38;
	[tilespmem:$0x4080] =	vst v63  }
0xac: {  	_ =	swait.ge [sflag:s4], $0x4000  }
0xad: {  	[sflag:s4] =	ssyncset.done $0x0  }
0xae: {  	[sflag:s4] =	ssyncadd.s32 $0xFFFFC000  }
0xaf: {  	[tilespmem:s3], [sflag:$0x2] =	stream.linear.gather [hbm4b:s19+s3], $0x80, $0x38;
	[tilespmem:$0x4080] =	vst v63  }
0xb0: {  	_ =	swait.ge [sflag:s4], $0x80  }
0xb1: {  	[sflag:s4] =	ssyncset.done $0x0  }
0xb2: {  	[sflag:s4] =	ssyncadd.s32 $0xFFFFFF80  }
0xb3: {  	[tilespmem:s6], [sflag:$0x1] =	stream.indirect.gather [hbm4b:s2+s6], $0x80, s3, s6, $0xb8;
	[tilespmem:$0x4080] =	vst v63  }
0xb4: {  	_ =	swait.ge [sflag:s7], $0x4000  }
0xb5: {  	[sflag:s7] =	ssyncset.done $0x0  }
0xb6: {  	[sflag:s7] =	ssyncadd.s32 $0xFFFFC000  }
0xb7: {  	[hbm4b:s20+s3] =	stream.linear.scatter [tilespmem:s6], [sflag:$0x2], $0x4000, $0x38;
	[tilespmem:$0x4080] =	vst v63  }
0xb8: {  	_ =	swait.ge [sflag:s4], $0x4000  }
0xb9: {  	[sflag:s4] =	ssyncset.done $0x0  }
0xba: {  	[sflag:s4] =	ssyncadd.s32 $0xFFFFC000  }
0xbb: {  	[tilespmem:s3], [sflag:$0x2] =	stream.linear.gather [hbm4b:s21+s3], $0x80, $0x38;
	[tilespmem:$0x4080] =	vst v63  }
0xbc: {  	_ =	swait.ge [sflag:s4], $0x80  }
0xbd: {  	[sflag:s4] =	ssyncset.done $0x0  }
0xbe: {  	[sflag:s4] =	ssyncadd.s32 $0xFFFFFF80  }
0xbf: {  	[tilespmem:s6], [sflag:$0x1] =	stream.indirect.gather [hbm4b:s2+s6], $0x80, s3, s6, $0xb8;
	[tilespmem:$0x4080] =	vst v63  }
0xc0: {  	_ =	swait.ge [sflag:s7], $0x4000  }
.Ltmp1:
0xc1: {  	[sflag:s7] =	ssyncset.done $0x0;
	(pc) =	sbr.rel @p0 .LBB2_1-.Ltmp1, $4  }
0xc2: {  	[sflag:s7] =	ssyncadd.s32 $0xFFFFC000  }
0xc3: {  	[hbm4b:s22+s3] =	stream.linear.scatter [tilespmem:s6], [sflag:$0x2], $0x4000, $0x38;
	[tilespmem:$0x4080] =	vst v63  }
0xc4: {  	_ =	swait.ge [sflag:s4], $0x4000  }
0xc5: {  	[sflag:s4] =	ssyncset.done $0x0  }
.LBB2_2:
0xc6: {  	[sflag:s4] =	ssyncadd.s32 $0xFFFFC000  }
0xc7: {  	_ =	sfence.sel $0x180000  }
0xc8: {  	[bflag:$0x0] =	sbarrier.arrive $0xFFFF  }
0xc9: {  	p0 =	sne.s32 s0, $0x0;
	_ =	strace $0x90000050  }
0xca: {  	s0 =	sadd.s32 @!p0 $0x100000, s1;
	[bflag:$0x2] =	sbarrier.arrive $0xFFFF  }
0xcb: {  	[sflag:s0] =	ssyncadd.tile.s32 @!p0 $0x1;
	_ =	shalt  }
.Lfunc_end2:
_tile_overlayer_lowered:
.L_overlay_start_2:
0xcc: {  	(tag) =	ssettag $0x2  }
0xcd: {  	s0 =	rddreg [dreg:$0x0];
	s2 =	stileid.u32  }
0xce: {  	s1 =	rddreg [dreg:$0x1];
	p0 =	sne.s32 s2, $0x0  }
0xcf: {  	s3 =	rddreg [dreg:$0x2];
	[bflag:$0x3] =	sbarrier.arrive $0xFFFF;
	s2 =	simm.s32 @!p0 $0x1C02  }
0xd0: {  	[timem:s3], [sflag:s2] =	dma.local @!p0 [hbm:s0], s1  }
0xd1: {  	s0 =	simm.s32 @!p0 $0x2  }
0xd2: {  	_ =	swait.ge @!p0 [sflag:s0], s1  }
0xd3: {  	s1 =	ssub.s32 @!p0 $0x0, s1;
	[sflag:s0] =	ssyncset.done @!p0 $0x0  }
0xd4: {  	[sflag:s0] =	ssyncadd.s32 @!p0 s1  }
0xd5: {  	[bflag:$0x3] =	sbarrier.arrive $0xFFFF  }
0xd6: {  	_ =	shalt  }

</sc_bundles>
